<compile_context>
chip_gen: v7x
topology: tpu7x:2x2x1
jax: 0.10.2.dev20260603
libtpu: 0.0.44.dev20260713+nightly
codegen_flags: <defaults>
</compile_context>

<pallas_src>
import functools

import jax
import jax.numpy as jnp
from jax import lax
from jax.experimental import pallas as pl
from jax.experimental.pallas import tpu as pltpu
from jax.experimental.pallas import tpu_sc as plsc

N = 10000
E = 160000
D = 256
G = 64
F1 = 16

NC = 2
NS = 16
CHUNK = 128
NCHUNK = 80
E_TILE = NCHUNK * CHUNK
E_PAD = E_TILE * NS
N_PAD = 10240
RPT = N_PAD // NS
NB = 10
BLK = N_PAD // NB
NRING = 8


def _rsqrt_newton(x):
    i = plsc.bitcast(x, jnp.int32)
    y = plsc.bitcast(jnp.int32(0x5F3759DF) - (i >> 1), jnp.float32)
    for _ in range(3):
        y = y * (1.5 - 0.5 * x * y * y)
    return y


def _deg_body(dst_hbm, zeros1_hbm, dinv_hbm,
              deg_sh, dst_v, ones_v, dinv_v, dsem):
    cid = lax.axis_index("c")
    sid = lax.axis_index("s")
    base = sid * RPT
    pltpu.sync_copy(zeros1_hbm.at[pl.ds(base, RPT)],
                    deg_sh.at[pl.ds(base, RPT)])
    pltpu.sync_copy(dst_hbm.at[cid, sid], dst_v)
    for i in range(CHUNK // 16):
        ones_v[pl.ds(i * 16, 16)] = jnp.ones((16,), jnp.float32)
    plsc.subcore_barrier()

    def deg_wave(w, carry):
        def fire(j, c):
            pltpu.async_copy(ones_v, deg_sh.at[dst_v.at[w * 40 + j]], dsem,
                             add=True)
            return c
        lax.fori_loop(0, 40, fire, 0)

        def drain(j, c):
            pltpu.make_async_copy(
                ones_v, deg_sh.at[dst_v.at[w * 40 + j]], dsem).wait()
            return c
        lax.fori_loop(0, 40, drain, 0)
        return carry

    lax.fori_loop(0, NCHUNK // 40, deg_wave, 0)
    plsc.subcore_barrier()
    pltpu.sync_copy(deg_sh.at[pl.ds(base, RPT)], dinv_v)

    def newton(k, carry):
        x = dinv_v[pl.ds(k * 16, 16)] + 1.0
        dinv_v[pl.ds(k * 16, 16)] = _rsqrt_newton(x)
        return carry

    lax.fori_loop(0, RPT // 16, newton, 0)
    pltpu.sync_copy(dinv_v, dinv_hbm.at[cid, pl.ds(base, RPT)])


def _sc_body(h_hbm, src_hbm, dst_hbm, batch_hbm, b1_hbm, dinv_hbm,
             zeros2_hbm,
             sum_hbm, cnt_hbm,
             tab_sh, acc_sh, pool_sh, pcnt_sh,
             src_v, dst_v, batch_v, ones_v, b1_v, dinv_v, row_v, acc_v,
             pool_v, pcnt_v, idx_v,
             rows, gsems, ssems, dsem):
    cid = lax.axis_index("c")
    sid = lax.axis_index("s")
    base = sid * RPT

    ld_dinv = pltpu.async_copy(dinv_hbm.at[cid, pl.ds(base, RPT)], dinv_v,
                               gsems[0])
    ld_zero = pltpu.async_copy(zeros2_hbm.at[pl.ds(base, RPT)],
                               acc_sh.at[pl.ds(base, RPT)], gsems[1])
    ld_h = pltpu.async_copy(h_hbm.at[cid, pl.ds(base, RPT)], row_v, gsems[2])
    ld_src = pltpu.async_copy(src_hbm.at[cid, sid], src_v, gsems[3])
    ld_dst = pltpu.async_copy(dst_hbm.at[cid, sid], dst_v, gsems[4])
    ld_bat = pltpu.async_copy(batch_hbm.at[cid, pl.ds(base, RPT)], batch_v,
                              gsems[5])
    ld_b1 = pltpu.async_copy(b1_hbm.at[cid], b1_v, gsems[6])

    @pl.when(sid == 0)
    def _():
        pltpu.async_copy(zeros2_hbm.at[pl.ds(0, CHUNK)], pool_sh,
                         ssems[0]).wait()
        pltpu.async_copy(zeros2_hbm.at[pl.ds(0, CHUNK)], pcnt_sh,
                         ssems[1]).wait()

    for i in range(CHUNK // 16):
        ones_v[pl.ds(i * 16, 16)] = jnp.ones((16,), jnp.float32)
        idx_v[pl.ds(i * 16, 16)] = (
            lax.iota(jnp.int32, 16) + jnp.int32(i * 16))
    zero16 = jnp.zeros((16,), jnp.float32)

    def zero_pools(i, carry):
        pool_v[i, :] = zero16
        pcnt_v[i, :] = zero16
        return carry

    lax.fori_loop(0, CHUNK, zero_pools, 0)
    ld_dinv.wait()
    ld_zero.wait()
    ld_h.wait()
    ld_src.wait()
    ld_dst.wait()
    ld_bat.wait()
    ld_b1.wait()

    def premul(k, carry):
        dv16 = dinv_v[pl.ds(k * 16, 16)]
        for t in range(16):
            i = k * 16 + t
            row_v[i, :] = row_v[i, :] * dv16[t]
        return carry

    lax.fori_loop(0, RPT // 16, premul, 0)
    pltpu.sync_copy(row_v, tab_sh.at[pl.ds(base, RPT)])
    plsc.subcore_barrier()

    def edge_pass():
        for b in range(NRING):
            pltpu.async_copy(tab_sh.at[src_v.at[b]], rows[b], gsems[b])

        def rnd(jj, carry):
            for b in range(NRING):
                j = jj * NRING + b
                pltpu.make_async_copy(tab_sh.at[src_v.at[j]], rows[b],
                                      gsems[b]).wait()
                pltpu.async_copy(rows[b], acc_sh.at[dst_v.at[j]], ssems[b],
                                 add=True)
            for b in range(NRING):
                j2 = (jj + 1) * NRING + b
                pltpu.make_async_copy(rows[b], acc_sh.at[dst_v.at[j2]],
                                      ssems[b]).wait()
                pltpu.async_copy(tab_sh.at[src_v.at[j2]], rows[b], gsems[b])
            return carry

        lax.fori_loop(0, NCHUNK // NRING - 1, rnd, 0)
        jl = NCHUNK - NRING
        for b in range(NRING):
            pltpu.make_async_copy(tab_sh.at[src_v.at[jl + b]], rows[b],
                                  gsems[b]).wait()
            pltpu.sync_copy(rows[b], acc_sh.at[dst_v.at[jl + b]], add=True)

    edge_pass()
    plsc.subcore_barrier()

    pltpu.sync_copy(acc_sh.at[pl.ds(base, RPT)], acc_v)
    pltpu.sync_copy(zeros2_hbm.at[pl.ds(base, RPT)],
                    acc_sh.at[pl.ds(base, RPT)])

    b1vec = b1_v[...]

    def combine1(k, carry):
        dv16 = dinv_v[pl.ds(k * 16, 16)]
        for t in range(16):
            i = k * 16 + t
            r = jnp.maximum((acc_v[i, :] + row_v[i, :]) * dv16[t] + b1vec,
                            0.0)
            row_v[i, :] = r * dv16[t]
        return carry

    lax.fori_loop(0, RPT // 16, combine1, 0)
    pltpu.sync_copy(row_v, tab_sh.at[pl.ds(base, RPT)])
    plsc.subcore_barrier()

    edge_pass()
    plsc.subcore_barrier()

    pltpu.sync_copy(acc_sh.at[pl.ds(base, RPT)], acc_v)
    one16 = jnp.ones((16,), jnp.float32)

    def combine2(k, carry):
        dv16 = dinv_v[pl.ds(k * 16, 16)]
        b16 = batch_v[pl.ds(k * 16, 16)]
        for t in range(16):
            i = k * 16 + t
            bi = b16[t]
            pre = (acc_v[i, :] + row_v[i, :]) * dv16[t]
            pool_v[bi, :] = pool_v[bi, :] + pre
            pcnt_v[bi, :] = pcnt_v[bi, :] + one16
        return carry

    lax.fori_loop(0, RPT // 16, combine2, 0)

    pltpu.sync_copy(pool_v, pool_sh.at[idx_v], add=True)
    pltpu.sync_copy(pcnt_v, pcnt_sh.at[idx_v], add=True)
    plsc.subcore_barrier()

    @pl.when(sid == 0)
    def _():
        pltpu.sync_copy(pool_sh.at[pl.ds(0, G)], sum_hbm.at[cid])
        pltpu.sync_copy(pcnt_sh.at[pl.ds(0, G)], cnt_hbm.at[cid])


@functools.cache
def _sc_kernels():
    mesh = plsc.VectorSubcoreMesh(core_axis_name="c", subcore_axis_name="s",
                                  num_cores=NC, num_subcores=NS)
    deg_kernel = pl.kernel(
        _deg_body,
        out_type=jax.ShapeDtypeStruct((NC, N_PAD), jnp.float32),
        mesh=mesh,
        compiler_params=pltpu.CompilerParams(use_tc_tiling_on_sc=False,
                                             needs_layout_passes=False),
        scratch_types=[
            pltpu.VMEM_SHARED((N_PAD,), jnp.float32),
            pltpu.VMEM((NCHUNK, CHUNK), jnp.int32),
            pltpu.VMEM((CHUNK,), jnp.float32),
            pltpu.VMEM((RPT,), jnp.float32),
            pltpu.SemaphoreType.DMA,
        ],
    )
    main_kernel = pl.kernel(
        _sc_body,
        out_type=[
            jax.ShapeDtypeStruct((NC, G, F1), jnp.float32),
            jax.ShapeDtypeStruct((NC, G, F1), jnp.float32),
        ],
        mesh=mesh,
        compiler_params=pltpu.CompilerParams(use_tc_tiling_on_sc=False,
                                             needs_layout_passes=False),
        scratch_types=[
            pltpu.VMEM_SHARED((N_PAD, F1), jnp.float32),
            pltpu.VMEM_SHARED((N_PAD, F1), jnp.float32),
            pltpu.VMEM_SHARED((CHUNK, F1), jnp.float32),
            pltpu.VMEM_SHARED((CHUNK, F1), jnp.float32),
            pltpu.VMEM((NCHUNK, CHUNK), jnp.int32),
            pltpu.VMEM((NCHUNK, CHUNK), jnp.int32),
            pltpu.VMEM((RPT,), jnp.int32),
            pltpu.VMEM((CHUNK,), jnp.float32),
            pltpu.VMEM((F1,), jnp.float32),
            pltpu.VMEM((RPT,), jnp.float32),
            pltpu.VMEM((RPT, F1), jnp.float32),
            pltpu.VMEM((RPT, F1), jnp.float32),
            pltpu.VMEM((CHUNK, F1), jnp.float32),
            pltpu.VMEM((CHUNK, F1), jnp.float32),
            pltpu.VMEM((CHUNK,), jnp.int32),
            [pltpu.VMEM((CHUNK, F1), jnp.float32)] * NRING,
            [pltpu.SemaphoreType.DMA] * NRING,
            [pltpu.SemaphoreType.DMA] * NRING,
            pltpu.SemaphoreType.DMA,
        ],
    )
    return deg_kernel, main_kernel


BLKA = 2048
NBA = N_PAD // BLKA


def _tca_body(xp_ref, xl_ref, w_ref, h_ref):
    b = pl.program_id(0)
    row = b * BLKA + lax.broadcasted_iota(jnp.int32, (BLKA, 1), 0)
    mask = row < N
    hp = jnp.dot(xp_ref[...], w_ref[0], preferred_element_type=jnp.float32)
    hl = jnp.dot(xl_ref[...], w_ref[1], preferred_element_type=jnp.float32)
    h_ref[0] = jnp.where(mask, hp, 0.0)
    h_ref[1] = jnp.where(mask, hl, 0.0)


def _tc_a(xp, xl, w1s):
    return pl.pallas_call(
        _tca_body,
        grid=(NBA,),
        in_specs=[
            pl.BlockSpec((BLKA, D), lambda b: (b, 0)),
            pl.BlockSpec((BLKA, D), lambda b: (b, 0)),
            pl.BlockSpec((2, D, F1), lambda b: (0, 0, 0)),
        ],
        out_specs=pl.BlockSpec((2, BLKA, F1), lambda b: (0, b, 0)),
        out_shape=jax.ShapeDtypeStruct((2, N_PAD, F1), jnp.float32),
    )(xp, xl, w1s)


def _tcc_body(sum_ref, cnt_ref, w2_ref, b2_ref,
              wa_ref, ba_ref, wo_ref, bo_ref, out_ref):
    def pool(k):
        mean = sum_ref[k] / jnp.maximum(cnt_ref[k], 1.0)
        return jnp.dot(mean, w2_ref[k],
                       preferred_element_type=jnp.float32) + b2_ref[k]

    m = jnp.concatenate([pool(0), pool(1)], axis=1)
    a = jnp.maximum(jnp.dot(m, wa_ref[...],
                            preferred_element_type=jnp.float32)
                    + ba_ref[...], 0.0)
    o = jnp.dot(a, wo_ref[...],
                preferred_element_type=jnp.float32) + bo_ref[...]
    out_ref[...] = jnp.tanh(o)


def _tc_c(sums, cnts, w2s, b2s, wa, ba, wo, bo):
    return pl.pallas_call(
        _tcc_body,
        out_shape=jax.ShapeDtypeStruct((G, 40), jnp.float32),
    )(sums, cnts, w2s, b2s, wa, ba, wo, bo)


def _pad_edges(ei):
    pad = jnp.full((2, E_PAD - E), N, jnp.int32)
    e = jnp.concatenate([ei.astype(jnp.int32), pad], axis=1)
    return e.reshape(2, NS, NCHUNK, CHUNK)


def kernel(protein_x, protein_edge_index, protein_batch,
           ligand_x, ligand_edge_index, ligand_batch,
           W_p_in, b_p_in, W_p_out, b_p_out,
           W_l_in, b_l_in, W_l_out, b_l_out,
           W_a_in, b_a_in, W_a_out, b_a_out):
    ep = _pad_edges(protein_edge_index)
    el = _pad_edges(ligand_edge_index)
    src4 = jnp.stack([ep[0], el[0]])
    dst4 = jnp.stack([ep[1], el[1]])
    batch2 = jnp.stack([
        jnp.pad(protein_batch.astype(jnp.int32), (0, N_PAD - N),
                constant_values=G),
        jnp.pad(ligand_batch.astype(jnp.int32), (0, N_PAD - N),
                constant_values=G),
    ])

    w1s = jnp.stack([W_p_in, W_l_in])
    b1s = jnp.stack([b_p_in, b_l_in])
    w2s = jnp.stack([W_p_out, W_l_out])
    b2s = jnp.stack([b_p_out, b_l_out]).reshape(2, 1, 50)

    zeros1 = jnp.zeros((N_PAD,), jnp.float32)
    zeros2 = jnp.zeros((N_PAD, F1), jnp.float32)

    deg_kernel, main_kernel = _sc_kernels()
    dinv = deg_kernel(dst4, zeros1)
    hs = _tc_a(protein_x, ligand_x, w1s)
    sums, cnts = main_kernel(hs, src4, dst4, batch2, b1s, dinv, zeros2)
    return _tc_c(sums, cnts, w2s, b2s,
                 W_a_in, b_a_in.reshape(1, 60), W_a_out, b_a_out.reshape(1, 40))

# --- scband reference (transcript-rebuilt; emitter-appended) ---
"""Pipeline reference for scband-actor-gnn-44152263802949 (READ-ONLY COPY).

The authoritative reference and input builder live on the scoring server;
editing this copy changes nothing except your own understanding.
"""

import jax, jax.numpy as jnp
import numpy as np

N = 10000
E = 160000
D = 256
G = 64
A = 40


def _gcn(x, src, dst, W, b):
    n = x.shape[0]
    loop = jnp.arange(n, dtype=src.dtype)
    s = jnp.concatenate([src, loop])
    d = jnp.concatenate([dst, loop])
    deg = jnp.zeros((n,), jnp.float32).at[d].add(1.0)
    dinv = jax.lax.rsqrt(jnp.maximum(deg, 1.0))
    norm = dinv[s] * dinv[d]
    h = x @ W
    msg = h[s] * norm[:, None]
    out = jnp.zeros((n, W.shape[1]), jnp.float32).at[d].add(msg)
    return out + b


def _mean_pool(x, batch, g):
    s = jax.ops.segment_sum(x, batch, num_segments=g)
    c = jax.ops.segment_sum(jnp.ones((x.shape[0],), jnp.float32), batch, num_segments=g)
    return s / jnp.maximum(c, 1.0)[:, None]


def setup_inputs(seed: int = 0):
    key = jax.random.key(seed)
    ks = jax.random.split(key, 16)

    def u(k, shape, fan):
        v = 1.0 / np.sqrt(fan)
        return jax.random.uniform(k, shape, jnp.float32, -v, v)

    inp = {}
    inp["protein_x"] = jax.random.normal(ks[0], (N, D), jnp.float32)
    inp["protein_edge_index"] = jax.random.randint(ks[1], (2, E), 0, N, jnp.int32)
    inp["protein_batch"] = jnp.sort(jax.random.randint(ks[2], (N,), 0, G, jnp.int32))
    inp["ligand_x"] = jax.random.normal(ks[3], (N, D), jnp.float32)
    inp["ligand_edge_index"] = jax.random.randint(ks[4], (2, E), 0, N, jnp.int32)
    inp["ligand_batch"] = jnp.sort(jax.random.randint(ks[5], (N,), 0, G, jnp.int32))
    inp["W_p_in"] = u(ks[6], (D, 16), D)
    inp["b_p_in"] = jnp.zeros((16,), jnp.float32)
    inp["W_p_out"] = u(ks[7], (16, 50), 16)
    inp["b_p_out"] = jnp.zeros((50,), jnp.float32)
    inp["W_l_in"] = u(ks[8], (D, 16), D)
    inp["b_l_in"] = jnp.zeros((16,), jnp.float32)
    inp["W_l_out"] = u(ks[9], (16, 50), 16)
    inp["b_l_out"] = jnp.zeros((50,), jnp.float32)
    inp["W_a_in"] = u(ks[10], (100, 60), 100)
    inp["b_a_in"] = jnp.zeros((60,), jnp.float32)
    inp["W_a_out"] = u(ks[11], (60, A), 60)
    inp["b_a_out"] = jnp.zeros((A,), jnp.float32)
    return inp


def reference(protein_x, protein_edge_index, protein_batch, ligand_x, ligand_edge_index, ligand_batch, W_p_in, b_p_in, W_p_out, b_p_out, W_l_in, b_l_in, W_l_out, b_l_out, W_a_in, b_a_in, W_a_out, b_a_out):
    p = _gcn(protein_x, protein_edge_index[0], protein_edge_index[1], W_p_in, b_p_in)
    p = jax.nn.relu(p)
    # dropout is identity in eval mode
    p = _gcn(p, protein_edge_index[0], protein_edge_index[1], W_p_out, b_p_out)
    p = _mean_pool(p, protein_batch, G)
    l = _gcn(ligand_x, ligand_edge_index[0], ligand_edge_index[1], W_l_in, b_l_in)
    l = jax.nn.relu(l)
    l = _gcn(l, ligand_edge_index[0], ligand_edge_index[1], W_l_out, b_l_out)
    l = _mean_pool(l, ligand_batch, G)
    m = jnp.concatenate([p, l], axis=1)
    a = jax.nn.relu(m @ W_a_in + b_a_in)
    a = a @ W_a_out + b_a_out
    return jnp.tanh(a)

if __name__ == "__main__":
    import jax
    _d = setup_inputs()
    print(jax.jit(kernel)(*tuple(_d.values())))

</pallas_src>

<mosaic_0001>
#map = affine_map<(d0, d1) -> (0, 0, 0, 0)>
#map1 = affine_map<(d0, d1) -> (0)>
#map2 = affine_map<(d0, d1) -> (0, 0)>
module attributes {stable_mosaic.version = 14 : i64} {
  func.func @_deg_body(%arg0: i32, %arg1: i32, %arg2: memref<2x16x80x128xi32, #tpu.memory_space<hbm>>, %arg3: memref<10240xf32, #tpu.memory_space<hbm>>, %arg4: memref<2x10240xf32, #tpu.memory_space<hbm>>, %arg5: memref<10240xf32, #tpu.memory_space<vmem_shared>>, %arg6: memref<80x128xi32, #tpu.memory_space<vmem>>, %arg7: memref<128xf32, #tpu.memory_space<vmem>>, %arg8: memref<640xf32, #tpu.memory_space<vmem>>, %arg9: memref<!tpu.dma_semaphore, #tpu.memory_space<semaphore_mem>>) attributes {dimension_semantics = [#tpu.dimension_semantics<core_parallel>, #tpu.dimension_semantics<subcore_parallel>], iteration_bounds = array<i64: 2, 16>, scalar_prefetch = 0 : i64, scratch_operands = 5 : i64, tpu.core_type = #tpu.core_type<sc_vector_subcore>, window_params = [{transform_indices = #map}, {transform_indices = #map1}, {transform_indices = #map2}]} {
    %mul3A = arith.constant 640 : i32
    %mul3A_0 = arith.muli %arg1, %mul3A : i32
    "tpu.region"() ({
      %run_scoped3A = tpu.sem_alloc : memref<!tpu.dma_semaphore, #tpu.memory_space<semaphore_mem>>
      %dma_start3A = tpu.memref_slice %arg5[%mul3A_0] : memref<10240xf32, #tpu.memory_space<vmem_shared>> -> memref<640xf32, #tpu.memory_space<vmem_shared>>
      %dma_start3A_43 = tpu.memref_slice %arg3[%mul3A_0] : memref<10240xf32, #tpu.memory_space<hbm>> -> memref<640xf32, #tpu.memory_space<hbm>>
      tpu.enqueue_dma source(%dma_start3A_43 : memref<640xf32, #tpu.memory_space<hbm>>) target(%dma_start3A : memref<640xf32, #tpu.memory_space<vmem_shared>>) target_semaphore(%run_scoped3A : memref<!tpu.dma_semaphore, #tpu.memory_space<semaphore_mem>>)
      %dma_wait3A = tpu.memref_slice %arg5[%mul3A_0] : memref<10240xf32, #tpu.memory_space<vmem_shared>> -> memref<640xf32, #tpu.memory_space<vmem_shared>>
      %dma_wait3A_44 = tpu.memref_slice %arg3[%mul3A_0] : memref<10240xf32, #tpu.memory_space<hbm>> -> memref<640xf32, #tpu.memory_space<hbm>>
      tpu.wait_dma2 semaphore(%run_scoped3A : memref<!tpu.dma_semaphore, #tpu.memory_space<semaphore_mem>>) src(%dma_wait3A_44 : memref<640xf32, #tpu.memory_space<hbm>>) dst(%dma_wait3A : memref<640xf32, #tpu.memory_space<vmem_shared>>)
      tpu.yield
    }) : () -> ()
    "tpu.region"() ({
      %run_scoped3A = tpu.sem_alloc : memref<!tpu.dma_semaphore, #tpu.memory_space<semaphore_mem>>
      %dma_start3A = arith.constant 0 : i32
      %dma_start3A_43 = arith.constant 0 : i32
      %dma_start3A_44 = tpu.memref_slice %arg2[%arg0, %arg1, %dma_start3A, %dma_start3A_43] : memref<2x16x80x128xi32, #tpu.memory_space<hbm>> -> memref<1x1x80x128xi32, #tpu.memory_space<hbm>>
      %dma_start3A_45 = tpu.memref_squeeze %dma_start3A_44 : memref<1x1x80x128xi32, #tpu.memory_space<hbm>> -> memref<80x128xi32, #tpu.memory_space<hbm>>
      %dma_start3A_46 = arith.constant 0 : i32
      %dma_start3A_47 = arith.constant 0 : i32
      %dma_start3A_48 = tpu.memref_slice %arg2[%arg0, %arg1, %dma_start3A_46, %dma_start3A_47] : memref<2x16x80x128xi32, #tpu.memory_space<hbm>> -> memref<1x1x80x128xi32, #tpu.memory_space<hbm>>
      %dma_start3A_49 = tpu.memref_squeeze %dma_start3A_48 : memref<1x1x80x128xi32, #tpu.memory_space<hbm>> -> memref<80x128xi32, #tpu.memory_space<hbm>>
      tpu.enqueue_dma source(%dma_start3A_49 : memref<80x128xi32, #tpu.memory_space<hbm>>) target(%arg6 : memref<80x128xi32, #tpu.memory_space<vmem>>) target_semaphore(%run_scoped3A : memref<!tpu.dma_semaphore, #tpu.memory_space<semaphore_mem>>)
      %dma_wait3A = arith.constant 0 : i32
      %dma_wait3A_50 = arith.constant 0 : i32
      %dma_wait3A_51 = tpu.memref_slice %arg2[%arg0, %arg1, %dma_wait3A, %dma_wait3A_50] : memref<2x16x80x128xi32, #tpu.memory_space<hbm>> -> memref<1x1x80x128xi32, #tpu.memory_space<hbm>>
      %dma_wait3A_52 = tpu.memref_squeeze %dma_wait3A_51 : memref<1x1x80x128xi32, #tpu.memory_space<hbm>> -> memref<80x128xi32, #tpu.memory_space<hbm>>
      %dma_wait3A_53 = arith.constant 0 : i32
      %dma_wait3A_54 = arith.constant 0 : i32
      %dma_wait3A_55 = tpu.memref_slice %arg2[%arg0, %arg1, %dma_wait3A_53, %dma_wait3A_54] : memref<2x16x80x128xi32, #tpu.memory_space<hbm>> -> memref<1x1x80x128xi32, #tpu.memory_space<hbm>>
      %dma_wait3A_56 = tpu.memref_squeeze %dma_wait3A_55 : memref<1x1x80x128xi32, #tpu.memory_space<hbm>> -> memref<80x128xi32, #tpu.memory_space<hbm>>
      tpu.wait_dma2 semaphore(%run_scoped3A : memref<!tpu.dma_semaphore, #tpu.memory_space<semaphore_mem>>) src(%dma_wait3A_56 : memref<80x128xi32, #tpu.memory_space<hbm>>) dst(%arg6 : memref<80x128xi32, #tpu.memory_space<vmem>>)
      tpu.yield
    }) : () -> ()
    %broadcast_in_dim3A = arith.constant 1.000000e+00 : f32
    %broadcast_in_dim3A_1 = vector.broadcast %broadcast_in_dim3A : f32 to vector<16xf32>
    %swap3A = arith.constant 0 : index
    %swap3A_2 = tpu.vector_load %arg7[%swap3A] {strides = array<i32>} : memref<128xf32, #tpu.memory_space<vmem>>, vector<16xf32>,
    tpu.vector_store %arg7[%swap3A], %broadcast_in_dim3A_1 {strides = array<i32>} : memref<128xf32, #tpu.memory_space<vmem>>, vector<16xf32>,
    %broadcast_in_dim3A_3 = arith.constant 1.000000e+00 : f32
    %broadcast_in_dim3A_4 = vector.broadcast %broadcast_in_dim3A_3 : f32 to vector<16xf32>
    %swap3A_5 = arith.constant 16 : index
    %swap3A_6 = tpu.vector_load %arg7[%swap3A_5] {strides = array<i32>} : memref<128xf32, #tpu.memory_space<vmem>>, vector<16xf32>,
    tpu.vector_store %arg7[%swap3A_5], %broadcast_in_dim3A_4 {strides = array<i32>} : memref<128xf32, #tpu.memory_space<vmem>>, vector<16xf32>,
    %broadcast_in_dim3A_7 = arith.constant 1.000000e+00 : f32
    %broadcast_in_dim3A_8 = vector.broadcast %broadcast_in_dim3A_7 : f32 to vector<16xf32>
    %swap3A_9 = arith.constant 32 : index
    %swap3A_10 = tpu.vector_load %arg7[%swap3A_9] {strides = array<i32>} : memref<128xf32, #tpu.memory_space<vmem>>, vector<16xf32>,
    tpu.vector_store %arg7[%swap3A_9], %broadcast_in_dim3A_8 {strides = array<i32>} : memref<128xf32, #tpu.memory_space<vmem>>, vector<16xf32>,
    %broadcast_in_dim3A_11 = arith.constant 1.000000e+00 : f32
    %broadcast_in_dim3A_12 = vector.broadcast %broadcast_in_dim3A_11 : f32 to vector<16xf32>
    %swap3A_13 = arith.constant 48 : index
    %swap3A_14 = tpu.vector_load %arg7[%swap3A_13] {strides = array<i32>} : memref<128xf32, #tpu.memory_space<vmem>>, vector<16xf32>,
    tpu.vector_store %arg7[%swap3A_13], %broadcast_in_dim3A_12 {strides = array<i32>} : memref<128xf32, #tpu.memory_space<vmem>>, vector<16xf32>,
    %broadcast_in_dim3A_15 = arith.constant 1.000000e+00 : f32
    %broadcast_in_dim3A_16 = vector.broadcast %broadcast_in_dim3A_15 : f32 to vector<16xf32>
    %swap3A_17 = arith.constant 64 : index
    %swap3A_18 = tpu.vector_load %arg7[%swap3A_17] {strides = array<i32>} : memref<128xf32, #tpu.memory_space<vmem>>, vector<16xf32>,
    tpu.vector_store %arg7[%swap3A_17], %broadcast_in_dim3A_16 {strides = array<i32>} : memref<128xf32, #tpu.memory_space<vmem>>, vector<16xf32>,
    %broadcast_in_dim3A_19 = arith.constant 1.000000e+00 : f32
    %broadcast_in_dim3A_20 = vector.broadcast %broadcast_in_dim3A_19 : f32 to vector<16xf32>
    %swap3A_21 = arith.constant 80 : index
    %swap3A_22 = tpu.vector_load %arg7[%swap3A_21] {strides = array<i32>} : memref<128xf32, #tpu.memory_space<vmem>>, vector<16xf32>,
    tpu.vector_store %arg7[%swap3A_21], %broadcast_in_dim3A_20 {strides = array<i32>} : memref<128xf32, #tpu.memory_space<vmem>>, vector<16xf32>,
    %broadcast_in_dim3A_23 = arith.constant 1.000000e+00 : f32
    %broadcast_in_dim3A_24 = vector.broadcast %broadcast_in_dim3A_23 : f32 to vector<16xf32>
    %swap3A_25 = arith.constant 96 : index
    %swap3A_26 = tpu.vector_load %arg7[%swap3A_25] {strides = array<i32>} : memref<128xf32, #tpu.memory_space<vmem>>, vector<16xf32>,
    tpu.vector_store %arg7[%swap3A_25], %broadcast_in_dim3A_24 {strides = array<i32>} : memref<128xf32, #tpu.memory_space<vmem>>, vector<16xf32>,
    %broadcast_in_dim3A_27 = arith.constant 1.000000e+00 : f32
    %broadcast_in_dim3A_28 = vector.broadcast %broadcast_in_dim3A_27 : f32 to vector<16xf32>
    %swap3A_29 = arith.constant 112 : index
    %swap3A_30 = tpu.vector_load %arg7[%swap3A_29] {strides = array<i32>} : memref<128xf32, #tpu.memory_space<vmem>>, vector<16xf32>,
    tpu.vector_store %arg7[%swap3A_29], %broadcast_in_dim3A_28 {strides = array<i32>} : memref<128xf32, #tpu.memory_space<vmem>>, vector<16xf32>,
    %barrier3A = arith.constant 0 : index
    tpu.barrier barrier_id(%barrier3A)
    %scan3A = arith.constant 0 : i32
    %scan3A_31 = arith.constant 0 : i32
    %scan3A_32 = arith.constant 2 : i32
    %scan3A_33 = arith.addi %scan3A_31, %scan3A_32 : i32
    %scan3A_34 = arith.constant 1 : i32
    scf.for %scan3A_43 = %scan3A_31 to %scan3A_33 step %scan3A_34  : i32 {
      %scan3A_44 = arith.constant 0 : i32
      %scan3A_45 = arith.constant 0 : i32
      %scan3A_46 = arith.constant 40 : i32
      %scan3A_47 = arith.addi %scan3A_45, %scan3A_46 : i32
      %scan3A_48 = arith.constant 1 : i32
      scf.for %scan3A_56 = %scan3A_45 to %scan3A_47 step %scan3A_48  : i32 {
        %mul3A_57 = arith.constant 40 : i32
        %mul3A_58 = arith.muli %scan3A_43, %mul3A_57 : i32
        %add3A = arith.addi %mul3A_58, %scan3A_56 : i32
        %dma_start3A = arith.constant 0 : i32
        %dma_start3A_59 = tpu.memref_slice %arg6[%add3A, %dma_start3A] : memref<80x128xi32, #tpu.memory_space<vmem>> -> memref<1x128xi32, #tpu.memory_space<vmem>>
        %dma_start3A_60 = tpu.memref_squeeze %dma_start3A_59 : memref<1x128xi32, #tpu.memory_space<vmem>> -> memref<128xi32, #tpu.memory_space<vmem>>
        %dma_start3A_61 = arith.constant 0 : i32
        %dma_start3A_62 = tpu.memref_slice %arg5[%dma_start3A_61] : memref<10240xf32, #tpu.memory_space<vmem_shared>> -> memref<10240xf32, #tpu.memory_space<vmem_shared>>
        tpu.enqueue_indirect_dma source(%arg7 : memref<128xf32, #tpu.memory_space<vmem>>) target(%dma_start3A_62 : memref<10240xf32, #tpu.memory_space<vmem_shared>>) offsets(%dma_start3A_60 : memref<128xi32, #tpu.memory_space<vmem>>) semaphore(%arg9 : memref<!tpu.dma_semaphore, #tpu.memory_space<semaphore_mem>>) {add = true}
      }
      %scan3A_49 = arith.constant 40 : i32
      %scan3A_50 = arith.constant 0 : i32
      %scan3A_51 = arith.constant 0 : i32
      %scan3A_52 = arith.constant 40 : i32
      %scan3A_53 = arith.addi %scan3A_51, %scan3A_52 : i32
      %scan3A_54 = arith.constant 1 : i32
      scf.for %scan3A_56 = %scan3A_51 to %scan3A_53 step %scan3A_54  : i32 {
        %mul3A_57 = arith.constant 40 : i32
        %mul3A_58 = arith.muli %scan3A_43, %mul3A_57 : i32
        %add3A = arith.addi %mul3A_58, %scan3A_56 : i32
        %dma_wait3A = arith.constant 0 : i32
        %dma_wait3A_59 = tpu.memref_slice %arg6[%add3A, %dma_wait3A] : memref<80x128xi32, #tpu.memory_space<vmem>> -> memref<1x128xi32, #tpu.memory_space<vmem>>
        %dma_wait3A_60 = tpu.memref_squeeze %dma_wait3A_59 : memref<1x128xi32, #tpu.memory_space<vmem>> -> memref<128xi32, #tpu.memory_space<vmem>>
        %dma_wait3A_61 = arith.constant 0 : i32
        %dma_wait3A_62 = tpu.memref_slice %arg5[%dma_wait3A_61] : memref<10240xf32, #tpu.memory_space<vmem_shared>> -> memref<10240xf32, #tpu.memory_space<vmem_shared>>
        tpu.wait_indirect_dma semaphore(%arg9 : memref<!tpu.dma_semaphore, #tpu.memory_space<semaphore_mem>>) src(%arg7 : memref<128xf32, #tpu.memory_space<vmem>>) dst(%dma_wait3A_62 : memref<10240xf32, #tpu.memory_space<vmem_shared>>)
      }
      %scan3A_55 = arith.constant 40 : i32
    }
    %scan3A_35 = arith.constant 2 : i32
    %barrier3A_36 = arith.constant 0 : index
    tpu.barrier barrier_id(%barrier3A_36)
    "tpu.region"() ({
      %run_scoped3A = tpu.sem_alloc : memref<!tpu.dma_semaphore, #tpu.memory_space<semaphore_mem>>
      %dma_start3A = tpu.memref_slice %arg5[%mul3A_0] : memref<10240xf32, #tpu.memory_space<vmem_shared>> -> memref<640xf32, #tpu.memory_space<vmem_shared>>
      %dma_start3A_43 = tpu.memref_slice %arg5[%mul3A_0] : memref<10240xf32, #tpu.memory_space<vmem_shared>> -> memref<640xf32, #tpu.memory_space<vmem_shared>>
      tpu.enqueue_dma source(%dma_start3A_43 : memref<640xf32, #tpu.memory_space<vmem_shared>>) target(%arg8 : memref<640xf32, #tpu.memory_space<vmem>>) target_semaphore(%run_scoped3A : memref<!tpu.dma_semaphore, #tpu.memory_space<semaphore_mem>>)
      %dma_wait3A = tpu.memref_slice %arg5[%mul3A_0] : memref<10240xf32, #tpu.memory_space<vmem_shared>> -> memref<640xf32, #tpu.memory_space<vmem_shared>>
      %dma_wait3A_44 = tpu.memref_slice %arg5[%mul3A_0] : memref<10240xf32, #tpu.memory_space<vmem_shared>> -> memref<640xf32, #tpu.memory_space<vmem_shared>>
      tpu.wait_dma2 semaphore(%run_scoped3A : memref<!tpu.dma_semaphore, #tpu.memory_space<semaphore_mem>>) src(%dma_wait3A_44 : memref<640xf32, #tpu.memory_space<vmem_shared>>) dst(%arg8 : memref<640xf32, #tpu.memory_space<vmem>>)
      tpu.yield
    }) : () -> ()
    %scan3A_37 = arith.constant 0 : i32
    %scan3A_38 = arith.constant 0 : i32
    %scan3A_39 = arith.constant 40 : i32
    %scan3A_40 = arith.addi %scan3A_38, %scan3A_39 : i32
    %scan3A_41 = arith.constant 1 : i32
    scf.for %scan3A_43 = %scan3A_38 to %scan3A_40 step %scan3A_41  : i32 {
      %mul3A_44 = arith.constant 16 : i32
      %mul3A_45 = arith.muli %scan3A_43, %mul3A_44 : i32
      %get3A = arith.index_cast %mul3A_45 : i32 to index
      %get3A_46 = tpu.vector_load %arg8[%get3A] {strides = array<i32>} : memref<640xf32, #tpu.memory_space<vmem>>, vector<16xf32>,
      %add3A = arith.constant 1.000000e+00 : f32
      %add3A_47 = vector.broadcast %add3A : f32 to vector<16xf32>
      %add3A_48 = arith.addf %get3A_46, %add3A_47 : vector<16xf32>
      %bitcast3A = vector.bitcast %add3A_48 : vector<16xf32> to vector<16xi32>
      %shift_right_arithmetic3A = arith.constant 1 : i32
      %shift_right_arithmetic3A_49 = vector.broadcast %shift_right_arithmetic3A : i32 to vector<16xi32>
      %shift_right_arithmetic3A_50 = arith.shrsi %bitcast3A, %shift_right_arithmetic3A_49 : vector<16xi32>
      %sub3A = arith.constant 1597463007 : i32
      %sub3A_51 = vector.broadcast %sub3A : i32 to vector<16xi32>
      %sub3A_52 = arith.subi %sub3A_51, %shift_right_arithmetic3A_50 : vector<16xi32>
      %bitcast3A_53 = vector.bitcast %sub3A_52 : vector<16xi32> to vector<16xf32>
      %mul3A_54 = arith.constant 5.000000e-01 : f32
      %mul3A_55 = vector.broadcast %mul3A_54 : f32 to vector<16xf32>
      %mul3A_56 = arith.mulf %mul3A_55, %add3A_48 : vector<16xf32>
      %mul3A_57 = arith.mulf %mul3A_56, %bitcast3A_53 : vector<16xf32>
      %mul3A_58 = arith.mulf %mul3A_57, %bitcast3A_53 : vector<16xf32>
      %sub3A_59 = arith.constant 1.500000e+00 : f32
      %sub3A_60 = vector.broadcast %sub3A_59 : f32 to vector<16xf32>
      %sub3A_61 = arith.subf %sub3A_60, %mul3A_58 : vector<16xf32>
      %mul3A_62 = arith.mulf %bitcast3A_53, %sub3A_61 : vector<16xf32>
      %mul3A_63 = arith.constant 5.000000e-01 : f32
      %mul3A_64 = vector.broadcast %mul3A_63 : f32 to vector<16xf32>
      %mul3A_65 = arith.mulf %mul3A_64, %add3A_48 : vector<16xf32>
      %mul3A_66 = arith.mulf %mul3A_65, %mul3A_62 : vector<16xf32>
      %mul3A_67 = arith.mulf %mul3A_66, %mul3A_62 : vector<16xf32>
      %sub3A_68 = arith.constant 1.500000e+00 : f32
      %sub3A_69 = vector.broadcast %sub3A_68 : f32 to vector<16xf32>
      %sub3A_70 = arith.subf %sub3A_69, %mul3A_67 : vector<16xf32>
      %mul3A_71 = arith.mulf %mul3A_62, %sub3A_70 : vector<16xf32>
      %mul3A_72 = arith.constant 5.000000e-01 : f32
      %mul3A_73 = vector.broadcast %mul3A_72 : f32 to vector<16xf32>
      %mul3A_74 = arith.mulf %mul3A_73, %add3A_48 : vector<16xf32>
      %mul3A_75 = arith.mulf %mul3A_74, %mul3A_71 : vector<16xf32>
      %mul3A_76 = arith.mulf %mul3A_75, %mul3A_71 : vector<16xf32>
      %sub3A_77 = arith.constant 1.500000e+00 : f32
      %sub3A_78 = vector.broadcast %sub3A_77 : f32 to vector<16xf32>
      %sub3A_79 = arith.subf %sub3A_78, %mul3A_76 : vector<16xf32>
      %mul3A_80 = arith.mulf %mul3A_71, %sub3A_79 : vector<16xf32>
      %mul3A_81 = arith.constant 16 : i32
      %mul3A_82 = arith.muli %scan3A_43, %mul3A_81 : i32
      %swap3A_83 = arith.index_cast %mul3A_82 : i32 to index
      %swap3A_84 = tpu.vector_load %arg8[%swap3A_83] {strides = array<i32>} : memref<640xf32, #tpu.memory_space<vmem>>, vector<16xf32>,
      tpu.vector_store %arg8[%swap3A_83], %mul3A_80 {strides = array<i32>} : memref<640xf32, #tpu.memory_space<vmem>>, vector<16xf32>,
    }
    %scan3A_42 = arith.constant 40 : i32
    "tpu.region"() ({
      %run_scoped3A = tpu.sem_alloc : memref<!tpu.dma_semaphore, #tpu.memory_space<semaphore_mem>>
      %dma_start3A = tpu.memref_slice %arg4[%arg0, %mul3A_0] : memref<2x10240xf32, #tpu.memory_space<hbm>> -> memref<1x640xf32, #tpu.memory_space<hbm>>
      %dma_start3A_43 = tpu.memref_squeeze %dma_start3A : memref<1x640xf32, #tpu.memory_space<hbm>> -> memref<640xf32, #tpu.memory_space<hbm>>
      %dma_start3A_44 = tpu.memref_slice %arg4[%arg0, %mul3A_0] : memref<2x10240xf32, #tpu.memory_space<hbm>> -> memref<1x640xf32, #tpu.memory_space<hbm>>
      %dma_start3A_45 = tpu.memref_squeeze %dma_start3A_44 : memref<1x640xf32, #tpu.memory_space<hbm>> -> memref<640xf32, #tpu.memory_space<hbm>>
      tpu.enqueue_dma source(%arg8 : memref<640xf32, #tpu.memory_space<vmem>>) target(%dma_start3A_45 : memref<640xf32, #tpu.memory_space<hbm>>) target_semaphore(%run_scoped3A : memref<!tpu.dma_semaphore, #tpu.memory_space<semaphore_mem>>)
      %dma_wait3A = tpu.memref_slice %arg4[%arg0, %mul3A_0] : memref<2x10240xf32, #tpu.memory_space<hbm>> -> memref<1x640xf32, #tpu.memory_space<hbm>>
      %dma_wait3A_46 = tpu.memref_squeeze %dma_wait3A : memref<1x640xf32, #tpu.memory_space<hbm>> -> memref<640xf32, #tpu.memory_space<hbm>>
      %dma_wait3A_47 = tpu.memref_slice %arg4[%arg0, %mul3A_0] : memref<2x10240xf32, #tpu.memory_space<hbm>> -> memref<1x640xf32, #tpu.memory_space<hbm>>
      %dma_wait3A_48 = tpu.memref_squeeze %dma_wait3A_47 : memref<1x640xf32, #tpu.memory_space<hbm>> -> memref<640xf32, #tpu.memory_space<hbm>>
      tpu.wait_dma2 semaphore(%run_scoped3A : memref<!tpu.dma_semaphore, #tpu.memory_space<semaphore_mem>>) src(%arg8 : memref<640xf32, #tpu.memory_space<vmem>>) dst(%dma_wait3A_48 : memref<640xf32, #tpu.memory_space<hbm>>)
      tpu.yield
    }) : () -> ()
    return
  }
}

#map = affine_map<(d0, d1) -> (0, 0, 0)>
#map1 = affine_map<(d0, d1) -> (0, 0, 0, 0)>
#map2 = affine_map<(d0, d1) -> (0, 0)>
module attributes {stable_mosaic.version = 14 : i64} {
  func.func @_sc_body(%arg0: i32, %arg1: i32, %arg2: memref<2x10240x16xf32, #tpu.memory_space<hbm>>, %arg3: memref<2x16x80x128xi32, #tpu.memory_space<hbm>>, %arg4: memref<2x16x80x128xi32, #tpu.memory_space<hbm>>, %arg5: memref<2x10240xi32, #tpu.memory_space<hbm>>, %arg6: memref<2x16xf32, #tpu.memory_space<hbm>>, %arg7: memref<2x10240xf32, #tpu.memory_space<hbm>>, %arg8: memref<10240x16xf32, #tpu.memory_space<hbm>>, %arg9: memref<2x64x16xf32, #tpu.memory_space<hbm>>, %arg10: memref<2x64x16xf32, #tpu.memory_space<hbm>>, %arg11: memref<10240x16xf32, #tpu.memory_space<vmem_shared>>, %arg12: memref<10240x16xf32, #tpu.memory_space<vmem_shared>>, %arg13: memref<128x16xf32, #tpu.memory_space<vmem_shared>>, %arg14: memref<128x16xf32, #tpu.memory_space<vmem_shared>>, %arg15: memref<80x128xi32, #tpu.memory_space<vmem>>, %arg16: memref<80x128xi32, #tpu.memory_space<vmem>>, %arg17: memref<640xi32, #tpu.memory_space<vmem>>, %arg18: memref<128xf32, #tpu.memory_space<vmem>>, %arg19: memref<16xf32, #tpu.memory_space<vmem>>, %arg20: memref<640xf32, #tpu.memory_space<vmem>>, %arg21: memref<640x16xf32, #tpu.memory_space<vmem>>, %arg22: memref<640x16xf32, #tpu.memory_space<vmem>>, %arg23: memref<128x16xf32, #tpu.memory_space<vmem>>, %arg24: memref<128x16xf32, #tpu.memory_space<vmem>>, %arg25: memref<128xi32, #tpu.memory_space<vmem>>, %arg26: memref<128x16xf32, #tpu.memory_space<vmem>>, %arg27: memref<128x16xf32, #tpu.memory_space<vmem>>, %arg28: memref<128x16xf32, #tpu.memory_space<vmem>>, %arg29: memref<128x16xf32, #tpu.memory_space<vmem>>, %arg30: memref<128x16xf32, #tpu.memory_space<vmem>>, %arg31: memref<128x16xf32, #tpu.memory_space<vmem>>, %arg32: memref<128x16xf32, #tpu.memory_space<vmem>>, %arg33: memref<128x16xf32, #tpu.memory_space<vmem>>, %arg34: memref<!tpu.dma_semaphore, #tpu.memory_space<semaphore_mem>>, %arg35: memref<!tpu.dma_semaphore, #tpu.memory_space<semaphore_mem>>, %arg36: memref<!tpu.dma_semaphore, #tpu.memory_space<semaphore_mem>>, %arg37: memref<!tpu.dma_semaphore, #tpu.memory_space<semaphore_mem>>, %arg38: memref<!tpu.dma_semaphore, #tpu.memory_space<semaphore_mem>>, %arg39: memref<!tpu.dma_semaphore, #tpu.memory_space<semaphore_mem>>, %arg40: memref<!tpu.dma_semaphore, #tpu.memory_space<semaphore_mem>>, %arg41: memref<!tpu.dma_semaphore, #tpu.memory_space<semaphore_mem>>, %arg42: memref<!tpu.dma_semaphore, #tpu.memory_space<semaphore_mem>>, %arg43: memref<!tpu.dma_semaphore, #tpu.memory_space<semaphore_mem>>, %arg44: memref<!tpu.dma_semaphore, #tpu.memory_space<semaphore_mem>>, %arg45: memref<!tpu.dma_semaphore, #tpu.memory_space<semaphore_mem>>, %arg46: memref<!tpu.dma_semaphore, #tpu.memory_space<semaphore_mem>>, %arg47: memref<!tpu.dma_semaphore, #tpu.memory_space<semaphore_mem>>, %arg48: memref<!tpu.dma_semaphore, #tpu.memory_space<semaphore_mem>>, %arg49: memref<!tpu.dma_semaphore, #tpu.memory_space<semaphore_mem>>, %arg50: memref<!tpu.dma_semaphore, #tpu.memory_space<semaphore_mem>>) attributes {dimension_semantics = [#tpu.dimension_semantics<core_parallel>, #tpu.dimension_semantics<subcore_parallel>], iteration_bounds = array<i64: 2, 16>, scalar_prefetch = 0 : i64, scratch_operands = 40 : i64, tpu.core_type = #tpu.core_type<sc_vector_subcore>, window_params = [{transform_indices = #map}, {transform_indices = #map1}, {transform_indices = #map1}, {transform_indices = #map2}, {transform_indices = #map2}, {transform_indices = #map2}, {transform_indices = #map2}, {transform_indices = #map}, {transform_indices = #map}]} {
    %mul3A = arith.constant 640 : i32
    %mul3A_0 = arith.muli %arg1, %mul3A : i32
    %dma_start3A = tpu.memref_slice %arg7[%arg0, %mul3A_0] : memref<2x10240xf32, #tpu.memory_space<hbm>> -> memref<1x640xf32, #tpu.memory_space<hbm>>
    %dma_start3A_1 = tpu.memref_squeeze %dma_start3A : memref<1x640xf32, #tpu.memory_space<hbm>> -> memref<640xf32, #tpu.memory_space<hbm>>
    %dma_start3A_2 = tpu.memref_slice %arg7[%arg0, %mul3A_0] : memref<2x10240xf32, #tpu.memory_space<hbm>> -> memref<1x640xf32, #tpu.memory_space<hbm>>
    %dma_start3A_3 = tpu.memref_squeeze %dma_start3A_2 : memref<1x640xf32, #tpu.memory_space<hbm>> -> memref<640xf32, #tpu.memory_space<hbm>>
    tpu.enqueue_dma source(%dma_start3A_3 : memref<640xf32, #tpu.memory_space<hbm>>) target(%arg20 : memref<640xf32, #tpu.memory_space<vmem>>) target_semaphore(%arg34 : memref<!tpu.dma_semaphore, #tpu.memory_space<semaphore_mem>>)
    %dma_start3A_4 = arith.constant 0 : i32
    %dma_start3A_5 = tpu.memref_slice %arg12[%mul3A_0, %dma_start3A_4] : memref<10240x16xf32, #tpu.memory_space<vmem_shared>> -> memref<640x16xf32, #tpu.memory_space<vmem_shared>>
    %dma_start3A_6 = arith.constant 0 : i32
    %dma_start3A_7 = tpu.memref_slice %arg8[%mul3A_0, %dma_start3A_6] : memref<10240x16xf32, #tpu.memory_space<hbm>> -> memref<640x16xf32, #tpu.memory_space<hbm>>
    tpu.enqueue_dma source(%dma_start3A_7 : memref<640x16xf32, #tpu.memory_space<hbm>>) target(%dma_start3A_5 : memref<640x16xf32, #tpu.memory_space<vmem_shared>>) target_semaphore(%arg35 : memref<!tpu.dma_semaphore, #tpu.memory_space<semaphore_mem>>)
    %dma_start3A_8 = arith.constant 0 : i32
    %dma_start3A_9 = tpu.memref_slice %arg2[%arg0, %mul3A_0, %dma_start3A_8] : memref<2x10240x16xf32, #tpu.memory_space<hbm>> -> memref<1x640x16xf32, #tpu.memory_space<hbm>>
    %dma_start3A_10 = tpu.memref_squeeze %dma_start3A_9 : memref<1x640x16xf32, #tpu.memory_space<hbm>> -> memref<640x16xf32, #tpu.memory_space<hbm>>
    %dma_start3A_11 = arith.constant 0 : i32
    %dma_start3A_12 = tpu.memref_slice %arg2[%arg0, %mul3A_0, %dma_start3A_11] : memref<2x10240x16xf32, #tpu.memory_space<hbm>> -> memref<1x640x16xf32, #tpu.memory_space<hbm>>
    %dma_start3A_13 = tpu.memref_squeeze %dma_start3A_12 : memref<1x640x16xf32, #tpu.memory_space<hbm>> -> memref<640x16xf32, #tpu.memory_space<hbm>>
    tpu.enqueue_dma source(%dma_start3A_13 : memref<640x16xf32, #tpu.memory_space<hbm>>) target(%arg21 : memref<640x16xf32, #tpu.memory_space<vmem>>) target_semaphore(%arg36 : memref<!tpu.dma_semaphore, #tpu.memory_space<semaphore_mem>>)
    %dma_start3A_14 = arith.constant 0 : i32
    %dma_start3A_15 = arith.constant 0 : i32
    %dma_start3A_16 = tpu.memref_slice %arg3[%arg0, %arg1, %dma_start3A_14, %dma_start3A_15] : memref<2x16x80x128xi32, #tpu.memory_space<hbm>> -> memref<1x1x80x128xi32, #tpu.memory_space<hbm>>
    %dma_start3A_17 = tpu.memref_squeeze %dma_start3A_16 : memref<1x1x80x128xi32, #tpu.memory_space<hbm>> -> memref<80x128xi32, #tpu.memory_space<hbm>>
    %dma_start3A_18 = arith.constant 0 : i32
    %dma_start3A_19 = arith.constant 0 : i32
    %dma_start3A_20 = tpu.memref_slice %arg3[%arg0, %arg1, %dma_start3A_18, %dma_start3A_19] : memref<2x16x80x128xi32, #tpu.memory_space<hbm>> -> memref<1x1x80x128xi32, #tpu.memory_space<hbm>>
    %dma_start3A_21 = tpu.memref_squeeze %dma_start3A_20 : memref<1x1x80x128xi32, #tpu.memory_space<hbm>> -> memref<80x128xi32, #tpu.memory_space<hbm>>
    tpu.enqueue_dma source(%dma_start3A_21 : memref<80x128xi32, #tpu.memory_space<hbm>>) target(%arg15 : memref<80x128xi32, #tpu.memory_space<vmem>>) target_semaphore(%arg37 : memref<!tpu.dma_semaphore, #tpu.memory_space<semaphore_mem>>)
    %dma_start3A_22 = arith.constant 0 : i32
    %dma_start3A_23 = arith.constant 0 : i32
    %dma_start3A_24 = tpu.memref_slice %arg4[%arg0, %arg1, %dma_start3A_22, %dma_start3A_23] : memref<2x16x80x128xi32, #tpu.memory_space<hbm>> -> memref<1x1x80x128xi32, #tpu.memory_space<hbm>>
    %dma_start3A_25 = tpu.memref_squeeze %dma_start3A_24 : memref<1x1x80x128xi32, #tpu.memory_space<hbm>> -> memref<80x128xi32, #tpu.memory_space<hbm>>
    %dma_start3A_26 = arith.constant 0 : i32
    %dma_start3A_27 = arith.constant 0 : i32
    %dma_start3A_28 = tpu.memref_slice %arg4[%arg0, %arg1, %dma_start3A_26, %dma_start3A_27] : memref<2x16x80x128xi32, #tpu.memory_space<hbm>> -> memref<1x1x80x128xi32, #tpu.memory_space<hbm>>
    %dma_start3A_29 = tpu.memref_squeeze %dma_start3A_28 : memref<1x1x80x128xi32, #tpu.memory_space<hbm>> -> memref<80x128xi32, #tpu.memory_space<hbm>>
    tpu.enqueue_dma source(%dma_start3A_29 : memref<80x128xi32, #tpu.memory_space<hbm>>) target(%arg16 : memref<80x128xi32, #tpu.memory_space<vmem>>) target_semaphore(%arg38 : memref<!tpu.dma_semaphore, #tpu.memory_space<semaphore_mem>>)
    %dma_start3A_30 = tpu.memref_slice %arg5[%arg0, %mul3A_0] : memref<2x10240xi32, #tpu.memory_space<hbm>> -> memref<1x640xi32, #tpu.memory_space<hbm>>
    %dma_start3A_31 = tpu.memref_squeeze %dma_start3A_30 : memref<1x640xi32, #tpu.memory_space<hbm>> -> memref<640xi32, #tpu.memory_space<hbm>>
    %dma_start3A_32 = tpu.memref_slice %arg5[%arg0, %mul3A_0] : memref<2x10240xi32, #tpu.memory_space<hbm>> -> memref<1x640xi32, #tpu.memory_space<hbm>>
    %dma_start3A_33 = tpu.memref_squeeze %dma_start3A_32 : memref<1x640xi32, #tpu.memory_space<hbm>> -> memref<640xi32, #tpu.memory_space<hbm>>
    tpu.enqueue_dma source(%dma_start3A_33 : memref<640xi32, #tpu.memory_space<hbm>>) target(%arg17 : memref<640xi32, #tpu.memory_space<vmem>>) target_semaphore(%arg39 : memref<!tpu.dma_semaphore, #tpu.memory_space<semaphore_mem>>)
    %dma_start3A_34 = arith.constant 0 : i32
    %dma_start3A_35 = tpu.memref_slice %arg6[%arg0, %dma_start3A_34] : memref<2x16xf32, #tpu.memory_space<hbm>> -> memref<1x16xf32, #tpu.memory_space<hbm>>
    %dma_start3A_36 = tpu.memref_squeeze %dma_start3A_35 : memref<1x16xf32, #tpu.memory_space<hbm>> -> memref<16xf32, #tpu.memory_space<hbm>>
    %dma_start3A_37 = arith.constant 0 : i32
    %dma_start3A_38 = tpu.memref_slice %arg6[%arg0, %dma_start3A_37] : memref<2x16xf32, #tpu.memory_space<hbm>> -> memref<1x16xf32, #tpu.memory_space<hbm>>
    %dma_start3A_39 = tpu.memref_squeeze %dma_start3A_38 : memref<1x16xf32, #tpu.memory_space<hbm>> -> memref<16xf32, #tpu.memory_space<hbm>>
    tpu.enqueue_dma source(%dma_start3A_39 : memref<16xf32, #tpu.memory_space<hbm>>) target(%arg19 : memref<16xf32, #tpu.memory_space<vmem>>) target_semaphore(%arg40 : memref<!tpu.dma_semaphore, #tpu.memory_space<semaphore_mem>>)
    %eq3A = arith.constant 0 : i32
    %eq3A_40 = arith.cmpi eq, %arg1, %eq3A : i32
    %convert_element_type3A = arith.extui %eq3A_40 : i1 to i32
    %cond3A = arith.constant 0 : i32
    %cond3A_41 = arith.cmpi ne, %convert_element_type3A, %cond3A : i32
    scf.if %cond3A_41 {
      %dma_start3A_445 = arith.constant 0 : i32
      %dma_start3A_446 = arith.constant 0 : i32
      %dma_start3A_447 = tpu.memref_slice %arg8[%dma_start3A_445, %dma_start3A_446] : memref<10240x16xf32, #tpu.memory_space<hbm>> -> memref<128x16xf32, #tpu.memory_space<hbm>>
      tpu.enqueue_dma source(%dma_start3A_447 : memref<128x16xf32, #tpu.memory_space<hbm>>) target(%arg13 : memref<128x16xf32, #tpu.memory_space<vmem_shared>>) target_semaphore(%arg42 : memref<!tpu.dma_semaphore, #tpu.memory_space<semaphore_mem>>)
      %dma_wait3A_448 = arith.constant 0 : i32
      %dma_wait3A_449 = arith.constant 0 : i32
      %dma_wait3A_450 = tpu.memref_slice %arg8[%dma_wait3A_448, %dma_wait3A_449] : memref<10240x16xf32, #tpu.memory_space<hbm>> -> memref<128x16xf32, #tpu.memory_space<hbm>>
      tpu.wait_dma2 semaphore(%arg42 : memref<!tpu.dma_semaphore, #tpu.memory_space<semaphore_mem>>) src(%dma_wait3A_450 : memref<128x16xf32, #tpu.memory_space<hbm>>) dst(%arg13 : memref<128x16xf32, #tpu.memory_space<vmem_shared>>)
      %dma_start3A_451 = arith.constant 0 : i32
      %dma_start3A_452 = arith.constant 0 : i32
      %dma_start3A_453 = tpu.memref_slice %arg8[%dma_start3A_451, %dma_start3A_452] : memref<10240x16xf32, #tpu.memory_space<hbm>> -> memref<128x16xf32, #tpu.memory_space<hbm>>
      tpu.enqueue_dma source(%dma_start3A_453 : memref<128x16xf32, #tpu.memory_space<hbm>>) target(%arg14 : memref<128x16xf32, #tpu.memory_space<vmem_shared>>) target_semaphore(%arg43 : memref<!tpu.dma_semaphore, #tpu.memory_space<semaphore_mem>>)
      %dma_wait3A_454 = arith.constant 0 : i32
      %dma_wait3A_455 = arith.constant 0 : i32
      %dma_wait3A_456 = tpu.memref_slice %arg8[%dma_wait3A_454, %dma_wait3A_455] : memref<10240x16xf32, #tpu.memory_space<hbm>> -> memref<128x16xf32, #tpu.memory_space<hbm>>
      tpu.wait_dma2 semaphore(%arg43 : memref<!tpu.dma_semaphore, #tpu.memory_space<semaphore_mem>>) src(%dma_wait3A_456 : memref<128x16xf32, #tpu.memory_space<hbm>>) dst(%arg14 : memref<128x16xf32, #tpu.memory_space<vmem_shared>>)
    } else {
    }
    %broadcast_in_dim3A = arith.constant 1.000000e+00 : f32
    %broadcast_in_dim3A_42 = vector.broadcast %broadcast_in_dim3A : f32 to vector<16xf32>
    %swap3A = arith.constant 0 : index
    %swap3A_43 = tpu.vector_load %arg18[%swap3A] {strides = array<i32>} : memref<128xf32, #tpu.memory_space<vmem>>, vector<16xf32>,
    tpu.vector_store %arg18[%swap3A], %broadcast_in_dim3A_42 {strides = array<i32>} : memref<128xf32, #tpu.memory_space<vmem>>, vector<16xf32>,
    %iota3A = tpu.iota {dimensions = array<i32: 0>} : vector<16xi32>
    %add3A = arith.constant 0 : i32
    %add3A_44 = vector.broadcast %add3A : i32 to vector<16xi32>
    %add3A_45 = arith.addi %iota3A, %add3A_44 : vector<16xi32>
    %swap3A_46 = arith.constant 0 : index
    %swap3A_47 = tpu.vector_load %arg25[%swap3A_46] {strides = array<i32>} : memref<128xi32, #tpu.memory_space<vmem>>, vector<16xi32>,
    tpu.vector_store %arg25[%swap3A_46], %add3A_45 {strides = array<i32>} : memref<128xi32, #tpu.memory_space<vmem>>, vector<16xi32>,
    %broadcast_in_dim3A_48 = arith.constant 1.000000e+00 : f32
    %broadcast_in_dim3A_49 = vector.broadcast %broadcast_in_dim3A_48 : f32 to vector<16xf32>
    %swap3A_50 = arith.constant 16 : index
    %swap3A_51 = tpu.vector_load %arg18[%swap3A_50] {strides = array<i32>} : memref<128xf32, #tpu.memory_space<vmem>>, vector<16xf32>,
    tpu.vector_store %arg18[%swap3A_50], %broadcast_in_dim3A_49 {strides = array<i32>} : memref<128xf32, #tpu.memory_space<vmem>>, vector<16xf32>,
    %iota3A_52 = tpu.iota {dimensions = array<i32: 0>} : vector<16xi32>
    %add3A_53 = arith.constant 16 : i32
    %add3A_54 = vector.broadcast %add3A_53 : i32 to vector<16xi32>
    %add3A_55 = arith.addi %iota3A_52, %add3A_54 : vector<16xi32>
    %swap3A_56 = arith.constant 16 : index
    %swap3A_57 = tpu.vector_load %arg25[%swap3A_56] {strides = array<i32>} : memref<128xi32, #tpu.memory_space<vmem>>, vector<16xi32>,
    tpu.vector_store %arg25[%swap3A_56], %add3A_55 {strides = array<i32>} : memref<128xi32, #tpu.memory_space<vmem>>, vector<16xi32>,
    %broadcast_in_dim3A_58 = arith.constant 1.000000e+00 : f32
    %broadcast_in_dim3A_59 = vector.broadcast %broadcast_in_dim3A_58 : f32 to vector<16xf32>
    %swap3A_60 = arith.constant 32 : index
    %swap3A_61 = tpu.vector_load %arg18[%swap3A_60] {strides = array<i32>} : memref<128xf32, #tpu.memory_space<vmem>>, vector<16xf32>,
    tpu.vector_store %arg18[%swap3A_60], %broadcast_in_dim3A_59 {strides = array<i32>} : memref<128xf32, #tpu.memory_space<vmem>>, vector<16xf32>,
    %iota3A_62 = tpu.iota {dimensions = array<i32: 0>} : vector<16xi32>
    %add3A_63 = arith.constant 32 : i32
    %add3A_64 = vector.broadcast %add3A_63 : i32 to vector<16xi32>
    %add3A_65 = arith.addi %iota3A_62, %add3A_64 : vector<16xi32>
    %swap3A_66 = arith.constant 32 : index
    %swap3A_67 = tpu.vector_load %arg25[%swap3A_66] {strides = array<i32>} : memref<128xi32, #tpu.memory_space<vmem>>, vector<16xi32>,
    tpu.vector_store %arg25[%swap3A_66], %add3A_65 {strides = array<i32>} : memref<128xi32, #tpu.memory_space<vmem>>, vector<16xi32>,
    %broadcast_in_dim3A_68 = arith.constant 1.000000e+00 : f32
    %broadcast_in_dim3A_69 = vector.broadcast %broadcast_in_dim3A_68 : f32 to vector<16xf32>
    %swap3A_70 = arith.constant 48 : index
    %swap3A_71 = tpu.vector_load %arg18[%swap3A_70] {strides = array<i32>} : memref<128xf32, #tpu.memory_space<vmem>>, vector<16xf32>,
    tpu.vector_store %arg18[%swap3A_70], %broadcast_in_dim3A_69 {strides = array<i32>} : memref<128xf32, #tpu.memory_space<vmem>>, vector<16xf32>,
    %iota3A_72 = tpu.iota {dimensions = array<i32: 0>} : vector<16xi32>
    %add3A_73 = arith.constant 48 : i32
    %add3A_74 = vector.broadcast %add3A_73 : i32 to vector<16xi32>
    %add3A_75 = arith.addi %iota3A_72, %add3A_74 : vector<16xi32>
    %swap3A_76 = arith.constant 48 : index
    %swap3A_77 = tpu.vector_load %arg25[%swap3A_76] {strides = array<i32>} : memref<128xi32, #tpu.memory_space<vmem>>, vector<16xi32>,
    tpu.vector_store %arg25[%swap3A_76], %add3A_75 {strides = array<i32>} : memref<128xi32, #tpu.memory_space<vmem>>, vector<16xi32>,
    %broadcast_in_dim3A_78 = arith.constant 1.000000e+00 : f32
    %broadcast_in_dim3A_79 = vector.broadcast %broadcast_in_dim3A_78 : f32 to vector<16xf32>
    %swap3A_80 = arith.constant 64 : index
    %swap3A_81 = tpu.vector_load %arg18[%swap3A_80] {strides = array<i32>} : memref<128xf32, #tpu.memory_space<vmem>>, vector<16xf32>,
    tpu.vector_store %arg18[%swap3A_80], %broadcast_in_dim3A_79 {strides = array<i32>} : memref<128xf32, #tpu.memory_space<vmem>>, vector<16xf32>,
    %iota3A_82 = tpu.iota {dimensions = array<i32: 0>} : vector<16xi32>
    %add3A_83 = arith.constant 64 : i32
    %add3A_84 = vector.broadcast %add3A_83 : i32 to vector<16xi32>
    %add3A_85 = arith.addi %iota3A_82, %add3A_84 : vector<16xi32>
    %swap3A_86 = arith.constant 64 : index
    %swap3A_87 = tpu.vector_load %arg25[%swap3A_86] {strides = array<i32>} : memref<128xi32, #tpu.memory_space<vmem>>, vector<16xi32>,
    tpu.vector_store %arg25[%swap3A_86], %add3A_85 {strides = array<i32>} : memref<128xi32, #tpu.memory_space<vmem>>, vector<16xi32>,
    %broadcast_in_dim3A_88 = arith.constant 1.000000e+00 : f32
    %broadcast_in_dim3A_89 = vector.broadcast %broadcast_in_dim3A_88 : f32 to vector<16xf32>
    %swap3A_90 = arith.constant 80 : index
    %swap3A_91 = tpu.vector_load %arg18[%swap3A_90] {strides = array<i32>} : memref<128xf32, #tpu.memory_space<vmem>>, vector<16xf32>,
    tpu.vector_store %arg18[%swap3A_90], %broadcast_in_dim3A_89 {strides = array<i32>} : memref<128xf32, #tpu.memory_space<vmem>>, vector<16xf32>,
    %iota3A_92 = tpu.iota {dimensions = array<i32: 0>} : vector<16xi32>
    %add3A_93 = arith.constant 80 : i32
    %add3A_94 = vector.broadcast %add3A_93 : i32 to vector<16xi32>
    %add3A_95 = arith.addi %iota3A_92, %add3A_94 : vector<16xi32>
    %swap3A_96 = arith.constant 80 : index
    %swap3A_97 = tpu.vector_load %arg25[%swap3A_96] {strides = array<i32>} : memref<128xi32, #tpu.memory_space<vmem>>, vector<16xi32>,
    tpu.vector_store %arg25[%swap3A_96], %add3A_95 {strides = array<i32>} : memref<128xi32, #tpu.memory_space<vmem>>, vector<16xi32>,
    %broadcast_in_dim3A_98 = arith.constant 1.000000e+00 : f32
    %broadcast_in_dim3A_99 = vector.broadcast %broadcast_in_dim3A_98 : f32 to vector<16xf32>
    %swap3A_100 = arith.constant 96 : index
    %swap3A_101 = tpu.vector_load %arg18[%swap3A_100] {strides = array<i32>} : memref<128xf32, #tpu.memory_space<vmem>>, vector<16xf32>,
    tpu.vector_store %arg18[%swap3A_100], %broadcast_in_dim3A_99 {strides = array<i32>} : memref<128xf32, #tpu.memory_space<vmem>>, vector<16xf32>,
    %iota3A_102 = tpu.iota {dimensions = array<i32: 0>} : vector<16xi32>
    %add3A_103 = arith.constant 96 : i32
    %add3A_104 = vector.broadcast %add3A_103 : i32 to vector<16xi32>
    %add3A_105 = arith.addi %iota3A_102, %add3A_104 : vector<16xi32>
    %swap3A_106 = arith.constant 96 : index
    %swap3A_107 = tpu.vector_load %arg25[%swap3A_106] {strides = array<i32>} : memref<128xi32, #tpu.memory_space<vmem>>, vector<16xi32>,
    tpu.vector_store %arg25[%swap3A_106], %add3A_105 {strides = array<i32>} : memref<128xi32, #tpu.memory_space<vmem>>, vector<16xi32>,
    %broadcast_in_dim3A_108 = arith.constant 1.000000e+00 : f32
    %broadcast_in_dim3A_109 = vector.broadcast %broadcast_in_dim3A_108 : f32 to vector<16xf32>
    %swap3A_110 = arith.constant 112 : index
    %swap3A_111 = tpu.vector_load %arg18[%swap3A_110] {strides = array<i32>} : memref<128xf32, #tpu.memory_space<vmem>>, vector<16xf32>,
    tpu.vector_store %arg18[%swap3A_110], %broadcast_in_dim3A_109 {strides = array<i32>} : memref<128xf32, #tpu.memory_space<vmem>>, vector<16xf32>,
    %iota3A_112 = tpu.iota {dimensions = array<i32: 0>} : vector<16xi32>
    %add3A_113 = arith.constant 112 : i32
    %add3A_114 = vector.broadcast %add3A_113 : i32 to vector<16xi32>
    %add3A_115 = arith.addi %iota3A_112, %add3A_114 : vector<16xi32>
    %swap3A_116 = arith.constant 112 : index
    %swap3A_117 = tpu.vector_load %arg25[%swap3A_116] {strides = array<i32>} : memref<128xi32, #tpu.memory_space<vmem>>, vector<16xi32>,
    tpu.vector_store %arg25[%swap3A_116], %add3A_115 {strides = array<i32>} : memref<128xi32, #tpu.memory_space<vmem>>, vector<16xi32>,
    %broadcast_in_dim3A_118 = arith.constant 0.000000e+00 : f32
    %broadcast_in_dim3A_119 = vector.broadcast %broadcast_in_dim3A_118 : f32 to vector<16xf32>
    %scan3A = arith.constant 0 : i32
    %scan3A_120 = arith.constant 0 : i32
    %scan3A_121 = arith.constant 128 : i32
    %scan3A_122 = arith.addi %scan3A_120, %scan3A_121 : i32
    %scan3A_123 = arith.constant 1 : i32
    scf.for %scan3A_445 = %scan3A_120 to %scan3A_122 step %scan3A_123  : i32 {
      %swap3A_446 = arith.index_cast %scan3A_445 : i32 to index
      %swap3A_447 = arith.constant 0 : index
      %swap3A_448 = tpu.vector_load %arg23[%swap3A_446, %swap3A_447] {strides = array<i32>} : memref<128x16xf32, #tpu.memory_space<vmem>>, vector<16xf32>,
      tpu.vector_store %arg23[%swap3A_446, %swap3A_447], %broadcast_in_dim3A_119 {strides = array<i32>} : memref<128x16xf32, #tpu.memory_space<vmem>>, vector<16xf32>,
      %swap3A_449 = arith.index_cast %scan3A_445 : i32 to index
      %swap3A_450 = arith.constant 0 : index
      %swap3A_451 = tpu.vector_load %arg24[%swap3A_449, %swap3A_450] {strides = array<i32>} : memref<128x16xf32, #tpu.memory_space<vmem>>, vector<16xf32>,
      tpu.vector_store %arg24[%swap3A_449, %swap3A_450], %broadcast_in_dim3A_119 {strides = array<i32>} : memref<128x16xf32, #tpu.memory_space<vmem>>, vector<16xf32>,
    }
    %scan3A_124 = arith.constant 128 : i32
    %dma_wait3A = tpu.memref_slice %arg7[%arg0, %mul3A_0] : memref<2x10240xf32, #tpu.memory_space<hbm>> -> memref<1x640xf32, #tpu.memory_space<hbm>>
    %dma_wait3A_125 = tpu.memref_squeeze %dma_wait3A : memref<1x640xf32, #tpu.memory_space<hbm>> -> memref<640xf32, #tpu.memory_space<hbm>>
    %dma_wait3A_126 = tpu.memref_slice %arg7[%arg0, %mul3A_0] : memref<2x10240xf32, #tpu.memory_space<hbm>> -> memref<1x640xf32, #tpu.memory_space<hbm>>
    %dma_wait3A_127 = tpu.memref_squeeze %dma_wait3A_126 : memref<1x640xf32, #tpu.memory_space<hbm>> -> memref<640xf32, #tpu.memory_space<hbm>>
    tpu.wait_dma2 semaphore(%arg34 : memref<!tpu.dma_semaphore, #tpu.memory_space<semaphore_mem>>) src(%dma_wait3A_127 : memref<640xf32, #tpu.memory_space<hbm>>) dst(%arg20 : memref<640xf32, #tpu.memory_space<vmem>>)
    %dma_wait3A_128 = arith.constant 0 : i32
    %dma_wait3A_129 = tpu.memref_slice %arg12[%mul3A_0, %dma_wait3A_128] : memref<10240x16xf32, #tpu.memory_space<vmem_shared>> -> memref<640x16xf32, #tpu.memory_space<vmem_shared>>
    %dma_wait3A_130 = arith.constant 0 : i32
    %dma_wait3A_131 = tpu.memref_slice %arg8[%mul3A_0, %dma_wait3A_130] : memref<10240x16xf32, #tpu.memory_space<hbm>> -> memref<640x16xf32, #tpu.memory_space<hbm>>
    tpu.wait_dma2 semaphore(%arg35 : memref<!tpu.dma_semaphore, #tpu.memory_space<semaphore_mem>>) src(%dma_wait3A_131 : memref<640x16xf32, #tpu.memory_space<hbm>>) dst(%dma_wait3A_129 : memref<640x16xf32, #tpu.memory_space<vmem_shared>>)
    %dma_wait3A_132 = arith.constant 0 : i32
    %dma_wait3A_133 = tpu.memref_slice %arg2[%arg0, %mul3A_0, %dma_wait3A_132] : memref<2x10240x16xf32, #tpu.memory_space<hbm>> -> memref<1x640x16xf32, #tpu.memory_space<hbm>>
    %dma_wait3A_134 = tpu.memref_squeeze %dma_wait3A_133 : memref<1x640x16xf32, #tpu.memory_space<hbm>> -> memref<640x16xf32, #tpu.memory_space<hbm>>
    %dma_wait3A_135 = arith.constant 0 : i32
    %dma_wait3A_136 = tpu.memref_slice %arg2[%arg0, %mul3A_0, %dma_wait3A_135] : memref<2x10240x16xf32, #tpu.memory_space<hbm>> -> memref<1x640x16xf32, #tpu.memory_space<hbm>>
    %dma_wait3A_137 = tpu.memref_squeeze %dma_wait3A_136 : memref<1x640x16xf32, #tpu.memory_space<hbm>> -> memref<640x16xf32, #tpu.memory_space<hbm>>
    tpu.wait_dma2 semaphore(%arg36 : memref<!tpu.dma_semaphore, #tpu.memory_space<semaphore_mem>>) src(%dma_wait3A_137 : memref<640x16xf32, #tpu.memory_space<hbm>>) dst(%arg21 : memref<640x16xf32, #tpu.memory_space<vmem>>)
    %dma_wait3A_138 = arith.constant 0 : i32
    %dma_wait3A_139 = arith.constant 0 : i32
    %dma_wait3A_140 = tpu.memref_slice %arg3[%arg0, %arg1, %dma_wait3A_138, %dma_wait3A_139] : memref<2x16x80x128xi32, #tpu.memory_space<hbm>> -> memref<1x1x80x128xi32, #tpu.memory_space<hbm>>
    %dma_wait3A_141 = tpu.memref_squeeze %dma_wait3A_140 : memref<1x1x80x128xi32, #tpu.memory_space<hbm>> -> memref<80x128xi32, #tpu.memory_space<hbm>>
    %dma_wait3A_142 = arith.constant 0 : i32
    %dma_wait3A_143 = arith.constant 0 : i32
    %dma_wait3A_144 = tpu.memref_slice %arg3[%arg0, %arg1, %dma_wait3A_142, %dma_wait3A_143] : memref<2x16x80x128xi32, #tpu.memory_space<hbm>> -> memref<1x1x80x128xi32, #tpu.memory_space<hbm>>
    %dma_wait3A_145 = tpu.memref_squeeze %dma_wait3A_144 : memref<1x1x80x128xi32, #tpu.memory_space<hbm>> -> memref<80x128xi32, #tpu.memory_space<hbm>>
    tpu.wait_dma2 semaphore(%arg37 : memref<!tpu.dma_semaphore, #tpu.memory_space<semaphore_mem>>) src(%dma_wait3A_145 : memref<80x128xi32, #tpu.memory_space<hbm>>) dst(%arg15 : memref<80x128xi32, #tpu.memory_space<vmem>>)
    %dma_wait3A_146 = arith.constant 0 : i32
    %dma_wait3A_147 = arith.constant 0 : i32
    %dma_wait3A_148 = tpu.memref_slice %arg4[%arg0, %arg1, %dma_wait3A_146, %dma_wait3A_147] : memref<2x16x80x128xi32, #tpu.memory_space<hbm>> -> memref<1x1x80x128xi32, #tpu.memory_space<hbm>>
    %dma_wait3A_149 = tpu.memref_squeeze %dma_wait3A_148 : memref<1x1x80x128xi32, #tpu.memory_space<hbm>> -> memref<80x128xi32, #tpu.memory_space<hbm>>
    %dma_wait3A_150 = arith.constant 0 : i32
    %dma_wait3A_151 = arith.constant 0 : i32
    %dma_wait3A_152 = tpu.memref_slice %arg4[%arg0, %arg1, %dma_wait3A_150, %dma_wait3A_151] : memref<2x16x80x128xi32, #tpu.memory_space<hbm>> -> memref<1x1x80x128xi32, #tpu.memory_space<hbm>>
    %dma_wait3A_153 = tpu.memref_squeeze %dma_wait3A_152 : memref<1x1x80x128xi32, #tpu.memory_space<hbm>> -> memref<80x128xi32, #tpu.memory_space<hbm>>
    tpu.wait_dma2 semaphore(%arg38 : memref<!tpu.dma_semaphore, #tpu.memory_space<semaphore_mem>>) src(%dma_wait3A_153 : memref<80x128xi32, #tpu.memory_space<hbm>>) dst(%arg16 : memref<80x128xi32, #tpu.memory_space<vmem>>)
    %dma_wait3A_154 = tpu.memref_slice %arg5[%arg0, %mul3A_0] : memref<2x10240xi32, #tpu.memory_space<hbm>> -> memref<1x640xi32, #tpu.memory_space<hbm>>
    %dma_wait3A_155 = tpu.memref_squeeze %dma_wait3A_154 : memref<1x640xi32, #tpu.memory_space<hbm>> -> memref<640xi32, #tpu.memory_space<hbm>>
    %dma_wait3A_156 = tpu.memref_slice %arg5[%arg0, %mul3A_0] : memref<2x10240xi32, #tpu.memory_space<hbm>> -> memref<1x640xi32, #tpu.memory_space<hbm>>
    %dma_wait3A_157 = tpu.memref_squeeze %dma_wait3A_156 : memref<1x640xi32, #tpu.memory_space<hbm>> -> memref<640xi32, #tpu.memory_space<hbm>>
    tpu.wait_dma2 semaphore(%arg39 : memref<!tpu.dma_semaphore, #tpu.memory_space<semaphore_mem>>) src(%dma_wait3A_157 : memref<640xi32, #tpu.memory_space<hbm>>) dst(%arg17 : memref<640xi32, #tpu.memory_space<vmem>>)
    %dma_wait3A_158 = arith.constant 0 : i32
    %dma_wait3A_159 = tpu.memref_slice %arg6[%arg0, %dma_wait3A_158] : memref<2x16xf32, #tpu.memory_space<hbm>> -> memref<1x16xf32, #tpu.memory_space<hbm>>
    %dma_wait3A_160 = tpu.memref_squeeze %dma_wait3A_159 : memref<1x16xf32, #tpu.memory_space<hbm>> -> memref<16xf32, #tpu.memory_space<hbm>>
    %dma_wait3A_161 = arith.constant 0 : i32
    %dma_wait3A_162 = tpu.memref_slice %arg6[%arg0, %dma_wait3A_161] : memref<2x16xf32, #tpu.memory_space<hbm>> -> memref<1x16xf32, #tpu.memory_space<hbm>>
    %dma_wait3A_163 = tpu.memref_squeeze %dma_wait3A_162 : memref<1x16xf32, #tpu.memory_space<hbm>> -> memref<16xf32, #tpu.memory_space<hbm>>
    tpu.wait_dma2 semaphore(%arg40 : memref<!tpu.dma_semaphore, #tpu.memory_space<semaphore_mem>>) src(%dma_wait3A_163 : memref<16xf32, #tpu.memory_space<hbm>>) dst(%arg19 : memref<16xf32, #tpu.memory_space<vmem>>)
    %scan3A_164 = arith.constant 0 : i32
    %scan3A_165 = arith.constant 0 : i32
    %scan3A_166 = arith.constant 40 : i32
    %scan3A_167 = arith.addi %scan3A_165, %scan3A_166 : i32
    %scan3A_168 = arith.constant 1 : i32
    scf.for %scan3A_445 = %scan3A_165 to %scan3A_167 step %scan3A_168  : i32 {
      %mul3A_446 = arith.constant 16 : i32
      %mul3A_447 = arith.muli %scan3A_445, %mul3A_446 : i32
      %get3A_448 = arith.index_cast %mul3A_447 : i32 to index
      %get3A_449 = tpu.vector_load %arg20[%get3A_448] {strides = array<i32>} : memref<640xf32, #tpu.memory_space<vmem>>, vector<16xf32>,
      %mul3A_450 = arith.constant 16 : i32
      %mul3A_451 = arith.muli %scan3A_445, %mul3A_450 : i32
      %add3A_452 = arith.constant 0 : i32
      %add3A_453 = arith.addi %mul3A_451, %add3A_452 : i32
      %get3A_454 = arith.index_cast %add3A_453 : i32 to index
      %get3A_455 = arith.constant 0 : index
      %get3A_456 = tpu.vector_load %arg21[%get3A_454, %get3A_455] {strides = array<i32>} : memref<640x16xf32, #tpu.memory_space<vmem>>, vector<16xf32>,
      %slice3A = vector.extract_strided_slice %get3A_449 {offsets = [0], sizes = [1], strides = [1]} : vector<16xf32> to vector<1xf32>
      %squeeze3A = vector.extract %slice3A[0] : f32 from vector<1xf32>
      %mul3A_457 = vector.broadcast %squeeze3A : f32 to vector<16xf32>
      %mul3A_458 = arith.mulf %get3A_456, %mul3A_457 : vector<16xf32>
      %swap3A_459 = arith.index_cast %add3A_453 : i32 to index
      %swap3A_460 = arith.constant 0 : index
      %swap3A_461 = tpu.vector_load %arg21[%swap3A_459, %swap3A_460] {strides = array<i32>} : memref<640x16xf32, #tpu.memory_space<vmem>>, vector<16xf32>,
      tpu.vector_store %arg21[%swap3A_459, %swap3A_460], %mul3A_458 {strides = array<i32>} : memref<640x16xf32, #tpu.memory_space<vmem>>, vector<16xf32>,
      %mul3A_462 = arith.constant 16 : i32
      %mul3A_463 = arith.muli %scan3A_445, %mul3A_462 : i32
      %add3A_464 = arith.constant 1 : i32
      %add3A_465 = arith.addi %mul3A_463, %add3A_464 : i32
      %get3A_466 = arith.index_cast %add3A_465 : i32 to index
      %get3A_467 = arith.constant 0 : index
      %get3A_468 = tpu.vector_load %arg21[%get3A_466, %get3A_467] {strides = array<i32>} : memref<640x16xf32, #tpu.memory_space<vmem>>, vector<16xf32>,
      %slice3A_469 = vector.extract_strided_slice %get3A_449 {offsets = [1], sizes = [1], strides = [1]} : vector<16xf32> to vector<1xf32>
      %squeeze3A_470 = vector.extract %slice3A_469[0] : f32 from vector<1xf32>
      %mul3A_471 = vector.broadcast %squeeze3A_470 : f32 to vector<16xf32>
      %mul3A_472 = arith.mulf %get3A_468, %mul3A_471 : vector<16xf32>
      %swap3A_473 = arith.index_cast %add3A_465 : i32 to index
      %swap3A_474 = arith.constant 0 : index
      %swap3A_475 = tpu.vector_load %arg21[%swap3A_473, %swap3A_474] {strides = array<i32>} : memref<640x16xf32, #tpu.memory_space<vmem>>, vector<16xf32>,
      tpu.vector_store %arg21[%swap3A_473, %swap3A_474], %mul3A_472 {strides = array<i32>} : memref<640x16xf32, #tpu.memory_space<vmem>>, vector<16xf32>,
      %mul3A_476 = arith.constant 16 : i32
      %mul3A_477 = arith.muli %scan3A_445, %mul3A_476 : i32
      %add3A_478 = arith.constant 2 : i32
      %add3A_479 = arith.addi %mul3A_477, %add3A_478 : i32
      %get3A_480 = arith.index_cast %add3A_479 : i32 to index
      %get3A_481 = arith.constant 0 : index
      %get3A_482 = tpu.vector_load %arg21[%get3A_480, %get3A_481] {strides = array<i32>} : memref<640x16xf32, #tpu.memory_space<vmem>>, vector<16xf32>,
      %slice3A_483 = vector.extract_strided_slice %get3A_449 {offsets = [2], sizes = [1], strides = [1]} : vector<16xf32> to vector<1xf32>
      %squeeze3A_484 = vector.extract %slice3A_483[0] : f32 from vector<1xf32>
      %mul3A_485 = vector.broadcast %squeeze3A_484 : f32 to vector<16xf32>
      %mul3A_486 = arith.mulf %get3A_482, %mul3A_485 : vector<16xf32>
      %swap3A_487 = arith.index_cast %add3A_479 : i32 to index
      %swap3A_488 = arith.constant 0 : index
      %swap3A_489 = tpu.vector_load %arg21[%swap3A_487, %swap3A_488] {strides = array<i32>} : memref<640x16xf32, #tpu.memory_space<vmem>>, vector<16xf32>,
      tpu.vector_store %arg21[%swap3A_487, %swap3A_488], %mul3A_486 {strides = array<i32>} : memref<640x16xf32, #tpu.memory_space<vmem>>, vector<16xf32>,
      %mul3A_490 = arith.constant 16 : i32
      %mul3A_491 = arith.muli %scan3A_445, %mul3A_490 : i32
      %add3A_492 = arith.constant 3 : i32
      %add3A_493 = arith.addi %mul3A_491, %add3A_492 : i32
      %get3A_494 = arith.index_cast %add3A_493 : i32 to index
      %get3A_495 = arith.constant 0 : index
      %get3A_496 = tpu.vector_load %arg21[%get3A_494, %get3A_495] {strides = array<i32>} : memref<640x16xf32, #tpu.memory_space<vmem>>, vector<16xf32>,
      %slice3A_497 = vector.extract_strided_slice %get3A_449 {offsets = [3], sizes = [1], strides = [1]} : vector<16xf32> to vector<1xf32>
      %squeeze3A_498 = vector.extract %slice3A_497[0] : f32 from vector<1xf32>
      %mul3A_499 = vector.broadcast %squeeze3A_498 : f32 to vector<16xf32>
      %mul3A_500 = arith.mulf %get3A_496, %mul3A_499 : vector<16xf32>
      %swap3A_501 = arith.index_cast %add3A_493 : i32 to index
      %swap3A_502 = arith.constant 0 : index
      %swap3A_503 = tpu.vector_load %arg21[%swap3A_501, %swap3A_502] {strides = array<i32>} : memref<640x16xf32, #tpu.memory_space<vmem>>, vector<16xf32>,
      tpu.vector_store %arg21[%swap3A_501, %swap3A_502], %mul3A_500 {strides = array<i32>} : memref<640x16xf32, #tpu.memory_space<vmem>>, vector<16xf32>,
      %mul3A_504 = arith.constant 16 : i32
      %mul3A_505 = arith.muli %scan3A_445, %mul3A_504 : i32
      %add3A_506 = arith.constant 4 : i32
      %add3A_507 = arith.addi %mul3A_505, %add3A_506 : i32
      %get3A_508 = arith.index_cast %add3A_507 : i32 to index
      %get3A_509 = arith.constant 0 : index
      %get3A_510 = tpu.vector_load %arg21[%get3A_508, %get3A_509] {strides = array<i32>} : memref<640x16xf32, #tpu.memory_space<vmem>>, vector<16xf32>,
      %slice3A_511 = vector.extract_strided_slice %get3A_449 {offsets = [4], sizes = [1], strides = [1]} : vector<16xf32> to vector<1xf32>
      %squeeze3A_512 = vector.extract %slice3A_511[0] : f32 from vector<1xf32>
      %mul3A_513 = vector.broadcast %squeeze3A_512 : f32 to vector<16xf32>
      %mul3A_514 = arith.mulf %get3A_510, %mul3A_513 : vector<16xf32>
      %swap3A_515 = arith.index_cast %add3A_507 : i32 to index
      %swap3A_516 = arith.constant 0 : index
      %swap3A_517 = tpu.vector_load %arg21[%swap3A_515, %swap3A_516] {strides = array<i32>} : memref<640x16xf32, #tpu.memory_space<vmem>>, vector<16xf32>,
      tpu.vector_store %arg21[%swap3A_515, %swap3A_516], %mul3A_514 {strides = array<i32>} : memref<640x16xf32, #tpu.memory_space<vmem>>, vector<16xf32>,
      %mul3A_518 = arith.constant 16 : i32
      %mul3A_519 = arith.muli %scan3A_445, %mul3A_518 : i32
      %add3A_520 = arith.constant 5 : i32
      %add3A_521 = arith.addi %mul3A_519, %add3A_520 : i32
      %get3A_522 = arith.index_cast %add3A_521 : i32 to index
      %get3A_523 = arith.constant 0 : index
      %get3A_524 = tpu.vector_load %arg21[%get3A_522, %get3A_523] {strides = array<i32>} : memref<640x16xf32, #tpu.memory_space<vmem>>, vector<16xf32>,
      %slice3A_525 = vector.extract_strided_slice %get3A_449 {offsets = [5], sizes = [1], strides = [1]} : vector<16xf32> to vector<1xf32>
      %squeeze3A_526 = vector.extract %slice3A_525[0] : f32 from vector<1xf32>
      %mul3A_527 = vector.broadcast %squeeze3A_526 : f32 to vector<16xf32>
      %mul3A_528 = arith.mulf %get3A_524, %mul3A_527 : vector<16xf32>
      %swap3A_529 = arith.index_cast %add3A_521 : i32 to index
      %swap3A_530 = arith.constant 0 : index
      %swap3A_531 = tpu.vector_load %arg21[%swap3A_529, %swap3A_530] {strides = array<i32>} : memref<640x16xf32, #tpu.memory_space<vmem>>, vector<16xf32>,
      tpu.vector_store %arg21[%swap3A_529, %swap3A_530], %mul3A_528 {strides = array<i32>} : memref<640x16xf32, #tpu.memory_space<vmem>>, vector<16xf32>,
      %mul3A_532 = arith.constant 16 : i32
      %mul3A_533 = arith.muli %scan3A_445, %mul3A_532 : i32
      %add3A_534 = arith.constant 6 : i32
      %add3A_535 = arith.addi %mul3A_533, %add3A_534 : i32
      %get3A_536 = arith.index_cast %add3A_535 : i32 to index
      %get3A_537 = arith.constant 0 : index
      %get3A_538 = tpu.vector_load %arg21[%get3A_536, %get3A_537] {strides = array<i32>} : memref<640x16xf32, #tpu.memory_space<vmem>>, vector<16xf32>,
      %slice3A_539 = vector.extract_strided_slice %get3A_449 {offsets = [6], sizes = [1], strides = [1]} : vector<16xf32> to vector<1xf32>
      %squeeze3A_540 = vector.extract %slice3A_539[0] : f32 from vector<1xf32>
      %mul3A_541 = vector.broadcast %squeeze3A_540 : f32 to vector<16xf32>
      %mul3A_542 = arith.mulf %get3A_538, %mul3A_541 : vector<16xf32>
      %swap3A_543 = arith.index_cast %add3A_535 : i32 to index
      %swap3A_544 = arith.constant 0 : index
      %swap3A_545 = tpu.vector_load %arg21[%swap3A_543, %swap3A_544] {strides = array<i32>} : memref<640x16xf32, #tpu.memory_space<vmem>>, vector<16xf32>,
      tpu.vector_store %arg21[%swap3A_543, %swap3A_544], %mul3A_542 {strides = array<i32>} : memref<640x16xf32, #tpu.memory_space<vmem>>, vector<16xf32>,
      %mul3A_546 = arith.constant 16 : i32
      %mul3A_547 = arith.muli %scan3A_445, %mul3A_546 : i32
      %add3A_548 = arith.constant 7 : i32
      %add3A_549 = arith.addi %mul3A_547, %add3A_548 : i32
      %get3A_550 = arith.index_cast %add3A_549 : i32 to index
      %get3A_551 = arith.constant 0 : index
      %get3A_552 = tpu.vector_load %arg21[%get3A_550, %get3A_551] {strides = array<i32>} : memref<640x16xf32, #tpu.memory_space<vmem>>, vector<16xf32>,
      %slice3A_553 = vector.extract_strided_slice %get3A_449 {offsets = [7], sizes = [1], strides = [1]} : vector<16xf32> to vector<1xf32>
      %squeeze3A_554 = vector.extract %slice3A_553[0] : f32 from vector<1xf32>
      %mul3A_555 = vector.broadcast %squeeze3A_554 : f32 to vector<16xf32>
      %mul3A_556 = arith.mulf %get3A_552, %mul3A_555 : vector<16xf32>
      %swap3A_557 = arith.index_cast %add3A_549 : i32 to index
      %swap3A_558 = arith.constant 0 : index
      %swap3A_559 = tpu.vector_load %arg21[%swap3A_557, %swap3A_558] {strides = array<i32>} : memref<640x16xf32, #tpu.memory_space<vmem>>, vector<16xf32>,
      tpu.vector_store %arg21[%swap3A_557, %swap3A_558], %mul3A_556 {strides = array<i32>} : memref<640x16xf32, #tpu.memory_space<vmem>>, vector<16xf32>,
      %mul3A_560 = arith.constant 16 : i32
      %mul3A_561 = arith.muli %scan3A_445, %mul3A_560 : i32
      %add3A_562 = arith.constant 8 : i32
      %add3A_563 = arith.addi %mul3A_561, %add3A_562 : i32
      %get3A_564 = arith.index_cast %add3A_563 : i32 to index
      %get3A_565 = arith.constant 0 : index
      %get3A_566 = tpu.vector_load %arg21[%get3A_564, %get3A_565] {strides = array<i32>} : memref<640x16xf32, #tpu.memory_space<vmem>>, vector<16xf32>,
      %slice3A_567 = vector.extract_strided_slice %get3A_449 {offsets = [8], sizes = [1], strides = [1]} : vector<16xf32> to vector<1xf32>
      %squeeze3A_568 = vector.extract %slice3A_567[0] : f32 from vector<1xf32>
      %mul3A_569 = vector.broadcast %squeeze3A_568 : f32 to vector<16xf32>
      %mul3A_570 = arith.mulf %get3A_566, %mul3A_569 : vector<16xf32>
      %swap3A_571 = arith.index_cast %add3A_563 : i32 to index
      %swap3A_572 = arith.constant 0 : index
      %swap3A_573 = tpu.vector_load %arg21[%swap3A_571, %swap3A_572] {strides = array<i32>} : memref<640x16xf32, #tpu.memory_space<vmem>>, vector<16xf32>,
      tpu.vector_store %arg21[%swap3A_571, %swap3A_572], %mul3A_570 {strides = array<i32>} : memref<640x16xf32, #tpu.memory_space<vmem>>, vector<16xf32>,
      %mul3A_574 = arith.constant 16 : i32
      %mul3A_575 = arith.muli %scan3A_445, %mul3A_574 : i32
      %add3A_576 = arith.constant 9 : i32
      %add3A_577 = arith.addi %mul3A_575, %add3A_576 : i32
      %get3A_578 = arith.index_cast %add3A_577 : i32 to index
      %get3A_579 = arith.constant 0 : index
      %get3A_580 = tpu.vector_load %arg21[%get3A_578, %get3A_579] {strides = array<i32>} : memref<640x16xf32, #tpu.memory_space<vmem>>, vector<16xf32>,
      %slice3A_581 = vector.extract_strided_slice %get3A_449 {offsets = [9], sizes = [1], strides = [1]} : vector<16xf32> to vector<1xf32>
      %squeeze3A_582 = vector.extract %slice3A_581[0] : f32 from vector<1xf32>
      %mul3A_583 = vector.broadcast %squeeze3A_582 : f32 to vector<16xf32>
      %mul3A_584 = arith.mulf %get3A_580, %mul3A_583 : vector<16xf32>
      %swap3A_585 = arith.index_cast %add3A_577 : i32 to index
      %swap3A_586 = arith.constant 0 : index
      %swap3A_587 = tpu.vector_load %arg21[%swap3A_585, %swap3A_586] {strides = array<i32>} : memref<640x16xf32, #tpu.memory_space<vmem>>, vector<16xf32>,
      tpu.vector_store %arg21[%swap3A_585, %swap3A_586], %mul3A_584 {strides = array<i32>} : memref<640x16xf32, #tpu.memory_space<vmem>>, vector<16xf32>,
      %mul3A_588 = arith.constant 16 : i32
      %mul3A_589 = arith.muli %scan3A_445, %mul3A_588 : i32
      %add3A_590 = arith.constant 10 : i32
      %add3A_591 = arith.addi %mul3A_589, %add3A_590 : i32
      %get3A_592 = arith.index_cast %add3A_591 : i32 to index
      %get3A_593 = arith.constant 0 : index
      %get3A_594 = tpu.vector_load %arg21[%get3A_592, %get3A_593] {strides = array<i32>} : memref<640x16xf32, #tpu.memory_space<vmem>>, vector<16xf32>,
      %slice3A_595 = vector.extract_strided_slice %get3A_449 {offsets = [10], sizes = [1], strides = [1]} : vector<16xf32> to vector<1xf32>
      %squeeze3A_596 = vector.extract %slice3A_595[0] : f32 from vector<1xf32>
      %mul3A_597 = vector.broadcast %squeeze3A_596 : f32 to vector<16xf32>
      %mul3A_598 = arith.mulf %get3A_594, %mul3A_597 : vector<16xf32>
      %swap3A_599 = arith.index_cast %add3A_591 : i32 to index
      %swap3A_600 = arith.constant 0 : index
      %swap3A_601 = tpu.vector_load %arg21[%swap3A_599, %swap3A_600] {strides = array<i32>} : memref<640x16xf32, #tpu.memory_space<vmem>>, vector<16xf32>,
      tpu.vector_store %arg21[%swap3A_599, %swap3A_600], %mul3A_598 {strides = array<i32>} : memref<640x16xf32, #tpu.memory_space<vmem>>, vector<16xf32>,
      %mul3A_602 = arith.constant 16 : i32
      %mul3A_603 = arith.muli %scan3A_445, %mul3A_602 : i32
      %add3A_604 = arith.constant 11 : i32
      %add3A_605 = arith.addi %mul3A_603, %add3A_604 : i32
      %get3A_606 = arith.index_cast %add3A_605 : i32 to index
      %get3A_607 = arith.constant 0 : index
      %get3A_608 = tpu.vector_load %arg21[%get3A_606, %get3A_607] {strides = array<i32>} : memref<640x16xf32, #tpu.memory_space<vmem>>, vector<16xf32>,
      %slice3A_609 = vector.extract_strided_slice %get3A_449 {offsets = [11], sizes = [1], strides = [1]} : vector<16xf32> to vector<1xf32>
      %squeeze3A_610 = vector.extract %slice3A_609[0] : f32 from vector<1xf32>
      %mul3A_611 = vector.broadcast %squeeze3A_610 : f32 to vector<16xf32>
      %mul3A_612 = arith.mulf %get3A_608, %mul3A_611 : vector<16xf32>
      %swap3A_613 = arith.index_cast %add3A_605 : i32 to index
      %swap3A_614 = arith.constant 0 : index
      %swap3A_615 = tpu.vector_load %arg21[%swap3A_613, %swap3A_614] {strides = array<i32>} : memref<640x16xf32, #tpu.memory_space<vmem>>, vector<16xf32>,
      tpu.vector_store %arg21[%swap3A_613, %swap3A_614], %mul3A_612 {strides = array<i32>} : memref<640x16xf32, #tpu.memory_space<vmem>>, vector<16xf32>,
      %mul3A_616 = arith.constant 16 : i32
      %mul3A_617 = arith.muli %scan3A_445, %mul3A_616 : i32
      %add3A_618 = arith.constant 12 : i32
      %add3A_619 = arith.addi %mul3A_617, %add3A_618 : i32
      %get3A_620 = arith.index_cast %add3A_619 : i32 to index
      %get3A_621 = arith.constant 0 : index
      %get3A_622 = tpu.vector_load %arg21[%get3A_620, %get3A_621] {strides = array<i32>} : memref<640x16xf32, #tpu.memory_space<vmem>>, vector<16xf32>,
      %slice3A_623 = vector.extract_strided_slice %get3A_449 {offsets = [12], sizes = [1], strides = [1]} : vector<16xf32> to vector<1xf32>
      %squeeze3A_624 = vector.extract %slice3A_623[0] : f32 from vector<1xf32>
      %mul3A_625 = vector.broadcast %squeeze3A_624 : f32 to vector<16xf32>
      %mul3A_626 = arith.mulf %get3A_622, %mul3A_625 : vector<16xf32>
      %swap3A_627 = arith.index_cast %add3A_619 : i32 to index
      %swap3A_628 = arith.constant 0 : index
      %swap3A_629 = tpu.vector_load %arg21[%swap3A_627, %swap3A_628] {strides = array<i32>} : memref<640x16xf32, #tpu.memory_space<vmem>>, vector<16xf32>,
      tpu.vector_store %arg21[%swap3A_627, %swap3A_628], %mul3A_626 {strides = array<i32>} : memref<640x16xf32, #tpu.memory_space<vmem>>, vector<16xf32>,
      %mul3A_630 = arith.constant 16 : i32
      %mul3A_631 = arith.muli %scan3A_445, %mul3A_630 : i32
      %add3A_632 = arith.constant 13 : i32
      %add3A_633 = arith.addi %mul3A_631, %add3A_632 : i32
      %get3A_634 = arith.index_cast %add3A_633 : i32 to index
      %get3A_635 = arith.constant 0 : index
      %get3A_636 = tpu.vector_load %arg21[%get3A_634, %get3A_635] {strides = array<i32>} : memref<640x16xf32, #tpu.memory_space<vmem>>, vector<16xf32>,
      %slice3A_637 = vector.extract_strided_slice %get3A_449 {offsets = [13], sizes = [1], strides = [1]} : vector<16xf32> to vector<1xf32>
      %squeeze3A_638 = vector.extract %slice3A_637[0] : f32 from vector<1xf32>
      %mul3A_639 = vector.broadcast %squeeze3A_638 : f32 to vector<16xf32>
      %mul3A_640 = arith.mulf %get3A_636, %mul3A_639 : vector<16xf32>
      %swap3A_641 = arith.index_cast %add3A_633 : i32 to index
      %swap3A_642 = arith.constant 0 : index
      %swap3A_643 = tpu.vector_load %arg21[%swap3A_641, %swap3A_642] {strides = array<i32>} : memref<640x16xf32, #tpu.memory_space<vmem>>, vector<16xf32>,
      tpu.vector_store %arg21[%swap3A_641, %swap3A_642], %mul3A_640 {strides = array<i32>} : memref<640x16xf32, #tpu.memory_space<vmem>>, vector<16xf32>,
      %mul3A_644 = arith.constant 16 : i32
      %mul3A_645 = arith.muli %scan3A_445, %mul3A_644 : i32
      %add3A_646 = arith.constant 14 : i32
      %add3A_647 = arith.addi %mul3A_645, %add3A_646 : i32
      %get3A_648 = arith.index_cast %add3A_647 : i32 to index
      %get3A_649 = arith.constant 0 : index
      %get3A_650 = tpu.vector_load %arg21[%get3A_648, %get3A_649] {strides = array<i32>} : memref<640x16xf32, #tpu.memory_space<vmem>>, vector<16xf32>,
      %slice3A_651 = vector.extract_strided_slice %get3A_449 {offsets = [14], sizes = [1], strides = [1]} : vector<16xf32> to vector<1xf32>
      %squeeze3A_652 = vector.extract %slice3A_651[0] : f32 from vector<1xf32>
      %mul3A_653 = vector.broadcast %squeeze3A_652 : f32 to vector<16xf32>
      %mul3A_654 = arith.mulf %get3A_650, %mul3A_653 : vector<16xf32>
      %swap3A_655 = arith.index_cast %add3A_647 : i32 to index
      %swap3A_656 = arith.constant 0 : index
      %swap3A_657 = tpu.vector_load %arg21[%swap3A_655, %swap3A_656] {strides = array<i32>} : memref<640x16xf32, #tpu.memory_space<vmem>>, vector<16xf32>,
      tpu.vector_store %arg21[%swap3A_655, %swap3A_656], %mul3A_654 {strides = array<i32>} : memref<640x16xf32, #tpu.memory_space<vmem>>, vector<16xf32>,
      %mul3A_658 = arith.constant 16 : i32
      %mul3A_659 = arith.muli %scan3A_445, %mul3A_658 : i32
      %add3A_660 = arith.constant 15 : i32
      %add3A_661 = arith.addi %mul3A_659, %add3A_660 : i32
      %get3A_662 = arith.index_cast %add3A_661 : i32 to index
      %get3A_663 = arith.constant 0 : index
      %get3A_664 = tpu.vector_load %arg21[%get3A_662, %get3A_663] {strides = array<i32>} : memref<640x16xf32, #tpu.memory_space<vmem>>, vector<16xf32>,
      %slice3A_665 = vector.extract_strided_slice %get3A_449 {offsets = [15], sizes = [1], strides = [1]} : vector<16xf32> to vector<1xf32>
      %squeeze3A_666 = vector.extract %slice3A_665[0] : f32 from vector<1xf32>
      %mul3A_667 = vector.broadcast %squeeze3A_666 : f32 to vector<16xf32>
      %mul3A_668 = arith.mulf %get3A_664, %mul3A_667 : vector<16xf32>
      %swap3A_669 = arith.index_cast %add3A_661 : i32 to index
      %swap3A_670 = arith.constant 0 : index
      %swap3A_671 = tpu.vector_load %arg21[%swap3A_669, %swap3A_670] {strides = array<i32>} : memref<640x16xf32, #tpu.memory_space<vmem>>, vector<16xf32>,
      tpu.vector_store %arg21[%swap3A_669, %swap3A_670], %mul3A_668 {strides = array<i32>} : memref<640x16xf32, #tpu.memory_space<vmem>>, vector<16xf32>,
    }
    %scan3A_169 = arith.constant 40 : i32
    "tpu.region"() ({
      %run_scoped3A_445 = tpu.sem_alloc : memref<!tpu.dma_semaphore, #tpu.memory_space<semaphore_mem>>
      %dma_start3A_446 = arith.constant 0 : i32
      %dma_start3A_447 = tpu.memref_slice %arg11[%mul3A_0, %dma_start3A_446] : memref<10240x16xf32, #tpu.memory_space<vmem_shared>> -> memref<640x16xf32, #tpu.memory_space<vmem_shared>>
      %dma_start3A_448 = arith.constant 0 : i32
      %dma_start3A_449 = tpu.memref_slice %arg11[%mul3A_0, %dma_start3A_448] : memref<10240x16xf32, #tpu.memory_space<vmem_shared>> -> memref<640x16xf32, #tpu.memory_space<vmem_shared>>
      tpu.enqueue_dma source(%arg21 : memref<640x16xf32, #tpu.memory_space<vmem>>) target(%dma_start3A_449 : memref<640x16xf32, #tpu.memory_space<vmem_shared>>) target_semaphore(%run_scoped3A_445 : memref<!tpu.dma_semaphore, #tpu.memory_space<semaphore_mem>>)
      %dma_wait3A_450 = arith.constant 0 : i32
      %dma_wait3A_451 = tpu.memref_slice %arg11[%mul3A_0, %dma_wait3A_450] : memref<10240x16xf32, #tpu.memory_space<vmem_shared>> -> memref<640x16xf32, #tpu.memory_space<vmem_shared>>
      %dma_wait3A_452 = arith.constant 0 : i32
      %dma_wait3A_453 = tpu.memref_slice %arg11[%mul3A_0, %dma_wait3A_452] : memref<10240x16xf32, #tpu.memory_space<vmem_shared>> -> memref<640x16xf32, #tpu.memory_space<vmem_shared>>
      tpu.wait_dma2 semaphore(%run_scoped3A_445 : memref<!tpu.dma_semaphore, #tpu.memory_space<semaphore_mem>>) src(%arg21 : memref<640x16xf32, #tpu.memory_space<vmem>>) dst(%dma_wait3A_453 : memref<640x16xf32, #tpu.memory_space<vmem_shared>>)
      tpu.yield
    }) : () -> ()
    %barrier3A = arith.constant 0 : index
    tpu.barrier barrier_id(%barrier3A)
    %dma_start3A_170 = arith.constant 0 : i32
    %dma_start3A_171 = arith.constant 0 : i32
    %dma_start3A_172 = tpu.memref_slice %arg15[%dma_start3A_170, %dma_start3A_171] : memref<80x128xi32, #tpu.memory_space<vmem>> -> memref<1x128xi32, #tpu.memory_space<vmem>>
    %dma_start3A_173 = tpu.memref_squeeze %dma_start3A_172 : memref<1x128xi32, #tpu.memory_space<vmem>> -> memref<128xi32, #tpu.memory_space<vmem>>
    %dma_start3A_174 = arith.constant 0 : i32
    %dma_start3A_175 = arith.constant 0 : i32
    %dma_start3A_176 = tpu.memref_slice %arg11[%dma_start3A_174, %dma_start3A_175] : memref<10240x16xf32, #tpu.memory_space<vmem_shared>> -> memref<10240x16xf32, #tpu.memory_space<vmem_shared>>
    tpu.enqueue_indirect_dma source(%dma_start3A_176 : memref<10240x16xf32, #tpu.memory_space<vmem_shared>>) target(%arg26 : memref<128x16xf32, #tpu.memory_space<vmem>>) offsets(%dma_start3A_173 : memref<128xi32, #tpu.memory_space<vmem>>) semaphore(%arg34 : memref<!tpu.dma_semaphore, #tpu.memory_space<semaphore_mem>>)
    %dma_start3A_177 = arith.constant 1 : i32
    %dma_start3A_178 = arith.constant 0 : i32
    %dma_start3A_179 = tpu.memref_slice %arg15[%dma_start3A_177, %dma_start3A_178] : memref<80x128xi32, #tpu.memory_space<vmem>> -> memref<1x128xi32, #tpu.memory_space<vmem>>
    %dma_start3A_180 = tpu.memref_squeeze %dma_start3A_179 : memref<1x128xi32, #tpu.memory_space<vmem>> -> memref<128xi32, #tpu.memory_space<vmem>>
    %dma_start3A_181 = arith.constant 0 : i32
    %dma_start3A_182 = arith.constant 0 : i32
    %dma_start3A_183 = tpu.memref_slice %arg11[%dma_start3A_181, %dma_start3A_182] : memref<10240x16xf32, #tpu.memory_space<vmem_shared>> -> memref<10240x16xf32, #tpu.memory_space<vmem_shared>>
    tpu.enqueue_indirect_dma source(%dma_start3A_183 : memref<10240x16xf32, #tpu.memory_space<vmem_shared>>) target(%arg27 : memref<128x16xf32, #tpu.memory_space<vmem>>) offsets(%dma_start3A_180 : memref<128xi32, #tpu.memory_space<vmem>>) semaphore(%arg35 : memref<!tpu.dma_semaphore, #tpu.memory_space<semaphore_mem>>)
    %dma_start3A_184 = arith.constant 2 : i32
    %dma_start3A_185 = arith.constant 0 : i32
    %dma_start3A_186 = tpu.memref_slice %arg15[%dma_start3A_184, %dma_start3A_185] : memref<80x128xi32, #tpu.memory_space<vmem>> -> memref<1x128xi32, #tpu.memory_space<vmem>>
    %dma_start3A_187 = tpu.memref_squeeze %dma_start3A_186 : memref<1x128xi32, #tpu.memory_space<vmem>> -> memref<128xi32, #tpu.memory_space<vmem>>
    %dma_start3A_188 = arith.constant 0 : i32
    %dma_start3A_189 = arith.constant 0 : i32
    %dma_start3A_190 = tpu.memref_slice %arg11[%dma_start3A_188, %dma_start3A_189] : memref<10240x16xf32, #tpu.memory_space<vmem_shared>> -> memref<10240x16xf32, #tpu.memory_space<vmem_shared>>
    tpu.enqueue_indirect_dma source(%dma_start3A_190 : memref<10240x16xf32, #tpu.memory_space<vmem_shared>>) target(%arg28 : memref<128x16xf32, #tpu.memory_space<vmem>>) offsets(%dma_start3A_187 : memref<128xi32, #tpu.memory_space<vmem>>) semaphore(%arg36 : memref<!tpu.dma_semaphore, #tpu.memory_space<semaphore_mem>>)
    %dma_start3A_191 = arith.constant 3 : i32
    %dma_start3A_192 = arith.constant 0 : i32
    %dma_start3A_193 = tpu.memref_slice %arg15[%dma_start3A_191, %dma_start3A_192] : memref<80x128xi32, #tpu.memory_space<vmem>> -> memref<1x128xi32, #tpu.memory_space<vmem>>
    %dma_start3A_194 = tpu.memref_squeeze %dma_start3A_193 : memref<1x128xi32, #tpu.memory_space<vmem>> -> memref<128xi32, #tpu.memory_space<vmem>>
    %dma_start3A_195 = arith.constant 0 : i32
    %dma_start3A_196 = arith.constant 0 : i32
    %dma_start3A_197 = tpu.memref_slice %arg11[%dma_start3A_195, %dma_start3A_196] : memref<10240x16xf32, #tpu.memory_space<vmem_shared>> -> memref<10240x16xf32, #tpu.memory_space<vmem_shared>>
    tpu.enqueue_indirect_dma source(%dma_start3A_197 : memref<10240x16xf32, #tpu.memory_space<vmem_shared>>) target(%arg29 : memref<128x16xf32, #tpu.memory_space<vmem>>) offsets(%dma_start3A_194 : memref<128xi32, #tpu.memory_space<vmem>>) semaphore(%arg37 : memref<!tpu.dma_semaphore, #tpu.memory_space<semaphore_mem>>)
    %dma_start3A_198 = arith.constant 4 : i32
    %dma_start3A_199 = arith.constant 0 : i32
    %dma_start3A_200 = tpu.memref_slice %arg15[%dma_start3A_198, %dma_start3A_199] : memref<80x128xi32, #tpu.memory_space<vmem>> -> memref<1x128xi32, #tpu.memory_space<vmem>>
    %dma_start3A_201 = tpu.memref_squeeze %dma_start3A_200 : memref<1x128xi32, #tpu.memory_space<vmem>> -> memref<128xi32, #tpu.memory_space<vmem>>
    %dma_start3A_202 = arith.constant 0 : i32
    %dma_start3A_203 = arith.constant 0 : i32
    %dma_start3A_204 = tpu.memref_slice %arg11[%dma_start3A_202, %dma_start3A_203] : memref<10240x16xf32, #tpu.memory_space<vmem_shared>> -> memref<10240x16xf32, #tpu.memory_space<vmem_shared>>
    tpu.enqueue_indirect_dma source(%dma_start3A_204 : memref<10240x16xf32, #tpu.memory_space<vmem_shared>>) target(%arg30 : memref<128x16xf32, #tpu.memory_space<vmem>>) offsets(%dma_start3A_201 : memref<128xi32, #tpu.memory_space<vmem>>) semaphore(%arg38 : memref<!tpu.dma_semaphore, #tpu.memory_space<semaphore_mem>>)
    %dma_start3A_205 = arith.constant 5 : i32
    %dma_start3A_206 = arith.constant 0 : i32
    %dma_start3A_207 = tpu.memref_slice %arg15[%dma_start3A_205, %dma_start3A_206] : memref<80x128xi32, #tpu.memory_space<vmem>> -> memref<1x128xi32, #tpu.memory_space<vmem>>
    %dma_start3A_208 = tpu.memref_squeeze %dma_start3A_207 : memref<1x128xi32, #tpu.memory_space<vmem>> -> memref<128xi32, #tpu.memory_space<vmem>>
    %dma_start3A_209 = arith.constant 0 : i32
    %dma_start3A_210 = arith.constant 0 : i32
    %dma_start3A_211 = tpu.memref_slice %arg11[%dma_start3A_209, %dma_start3A_210] : memref<10240x16xf32, #tpu.memory_space<vmem_shared>> -> memref<10240x16xf32, #tpu.memory_space<vmem_shared>>
    tpu.enqueue_indirect_dma source(%dma_start3A_211 : memref<10240x16xf32, #tpu.memory_space<vmem_shared>>) target(%arg31 : memref<128x16xf32, #tpu.memory_space<vmem>>) offsets(%dma_start3A_208 : memref<128xi32, #tpu.memory_space<vmem>>) semaphore(%arg39 : memref<!tpu.dma_semaphore, #tpu.memory_space<semaphore_mem>>)
    %dma_start3A_212 = arith.constant 6 : i32
    %dma_start3A_213 = arith.constant 0 : i32
    %dma_start3A_214 = tpu.memref_slice %arg15[%dma_start3A_212, %dma_start3A_213] : memref<80x128xi32, #tpu.memory_space<vmem>> -> memref<1x128xi32, #tpu.memory_space<vmem>>
    %dma_start3A_215 = tpu.memref_squeeze %dma_start3A_214 : memref<1x128xi32, #tpu.memory_space<vmem>> -> memref<128xi32, #tpu.memory_space<vmem>>
    %dma_start3A_216 = arith.constant 0 : i32
    %dma_start3A_217 = arith.constant 0 : i32
    %dma_start3A_218 = tpu.memref_slice %arg11[%dma_start3A_216, %dma_start3A_217] : memref<10240x16xf32, #tpu.memory_space<vmem_shared>> -> memref<10240x16xf32, #tpu.memory_space<vmem_shared>>
    tpu.enqueue_indirect_dma source(%dma_start3A_218 : memref<10240x16xf32, #tpu.memory_space<vmem_shared>>) target(%arg32 : memref<128x16xf32, #tpu.memory_space<vmem>>) offsets(%dma_start3A_215 : memref<128xi32, #tpu.memory_space<vmem>>) semaphore(%arg40 : memref<!tpu.dma_semaphore, #tpu.memory_space<semaphore_mem>>)
    %dma_start3A_219 = arith.constant 7 : i32
    %dma_start3A_220 = arith.constant 0 : i32
    %dma_start3A_221 = tpu.memref_slice %arg15[%dma_start3A_219, %dma_start3A_220] : memref<80x128xi32, #tpu.memory_space<vmem>> -> memref<1x128xi32, #tpu.memory_space<vmem>>
    %dma_start3A_222 = tpu.memref_squeeze %dma_start3A_221 : memref<1x128xi32, #tpu.memory_space<vmem>> -> memref<128xi32, #tpu.memory_space<vmem>>
    %dma_start3A_223 = arith.constant 0 : i32
    %dma_start3A_224 = arith.constant 0 : i32
    %dma_start3A_225 = tpu.memref_slice %arg11[%dma_start3A_223, %dma_start3A_224] : memref<10240x16xf32, #tpu.memory_space<vmem_shared>> -> memref<10240x16xf32, #tpu.memory_space<vmem_shared>>
    tpu.enqueue_indirect_dma source(%dma_start3A_225 : memref<10240x16xf32, #tpu.memory_space<vmem_shared>>) target(%arg33 : memref<128x16xf32, #tpu.memory_space<vmem>>) offsets(%dma_start3A_222 : memref<128xi32, #tpu.memory_space<vmem>>) semaphore(%arg41 : memref<!tpu.dma_semaphore, #tpu.memory_space<semaphore_mem>>)
    %scan3A_226 = arith.constant 0 : i32
    %scan3A_227 = arith.constant 0 : i32
    %scan3A_228 = arith.constant 9 : i32
    %scan3A_229 = arith.addi %scan3A_227, %scan3A_228 : i32
    %scan3A_230 = arith.constant 1 : i32
    scf.for %scan3A_445 = %scan3A_227 to %scan3A_229 step %scan3A_230  : i32 {
      %mul3A_446 = arith.constant 8 : i32
      %mul3A_447 = arith.muli %scan3A_445, %mul3A_446 : i32
      %add3A_448 = arith.constant 0 : i32
      %add3A_449 = arith.addi %mul3A_447, %add3A_448 : i32
      %dma_wait3A_450 = arith.constant 0 : i32
      %dma_wait3A_451 = tpu.memref_slice %arg15[%add3A_449, %dma_wait3A_450] : memref<80x128xi32, #tpu.memory_space<vmem>> -> memref<1x128xi32, #tpu.memory_space<vmem>>
      %dma_wait3A_452 = tpu.memref_squeeze %dma_wait3A_451 : memref<1x128xi32, #tpu.memory_space<vmem>> -> memref<128xi32, #tpu.memory_space<vmem>>
      %dma_wait3A_453 = arith.constant 0 : i32
      %dma_wait3A_454 = arith.constant 0 : i32
      %dma_wait3A_455 = tpu.memref_slice %arg11[%dma_wait3A_453, %dma_wait3A_454] : memref<10240x16xf32, #tpu.memory_space<vmem_shared>> -> memref<10240x16xf32, #tpu.memory_space<vmem_shared>>
      tpu.wait_indirect_dma semaphore(%arg34 : memref<!tpu.dma_semaphore, #tpu.memory_space<semaphore_mem>>) src(%dma_wait3A_455 : memref<10240x16xf32, #tpu.memory_space<vmem_shared>>) dst(%arg26 : memref<128x16xf32, #tpu.memory_space<vmem>>)
      %dma_start3A_456 = arith.constant 0 : i32
      %dma_start3A_457 = tpu.memref_slice %arg16[%add3A_449, %dma_start3A_456] : memref<80x128xi32, #tpu.memory_space<vmem>> -> memref<1x128xi32, #tpu.memory_space<vmem>>
      %dma_start3A_458 = tpu.memref_squeeze %dma_start3A_457 : memref<1x128xi32, #tpu.memory_space<vmem>> -> memref<128xi32, #tpu.memory_space<vmem>>
      %dma_start3A_459 = arith.constant 0 : i32
      %dma_start3A_460 = arith.constant 0 : i32
      %dma_start3A_461 = tpu.memref_slice %arg12[%dma_start3A_459, %dma_start3A_460] : memref<10240x16xf32, #tpu.memory_space<vmem_shared>> -> memref<10240x16xf32, #tpu.memory_space<vmem_shared>>
      tpu.enqueue_indirect_dma source(%arg26 : memref<128x16xf32, #tpu.memory_space<vmem>>) target(%dma_start3A_461 : memref<10240x16xf32, #tpu.memory_space<vmem_shared>>) offsets(%dma_start3A_458 : memref<128xi32, #tpu.memory_space<vmem>>) semaphore(%arg42 : memref<!tpu.dma_semaphore, #tpu.memory_space<semaphore_mem>>) {add = true}
      %mul3A_462 = arith.constant 8 : i32
      %mul3A_463 = arith.muli %scan3A_445, %mul3A_462 : i32
      %add3A_464 = arith.constant 1 : i32
      %add3A_465 = arith.addi %mul3A_463, %add3A_464 : i32
      %dma_wait3A_466 = arith.constant 0 : i32
      %dma_wait3A_467 = tpu.memref_slice %arg15[%add3A_465, %dma_wait3A_466] : memref<80x128xi32, #tpu.memory_space<vmem>> -> memref<1x128xi32, #tpu.memory_space<vmem>>
      %dma_wait3A_468 = tpu.memref_squeeze %dma_wait3A_467 : memref<1x128xi32, #tpu.memory_space<vmem>> -> memref<128xi32, #tpu.memory_space<vmem>>
      %dma_wait3A_469 = arith.constant 0 : i32
      %dma_wait3A_470 = arith.constant 0 : i32
      %dma_wait3A_471 = tpu.memref_slice %arg11[%dma_wait3A_469, %dma_wait3A_470] : memref<10240x16xf32, #tpu.memory_space<vmem_shared>> -> memref<10240x16xf32, #tpu.memory_space<vmem_shared>>
      tpu.wait_indirect_dma semaphore(%arg35 : memref<!tpu.dma_semaphore, #tpu.memory_space<semaphore_mem>>) src(%dma_wait3A_471 : memref<10240x16xf32, #tpu.memory_space<vmem_shared>>) dst(%arg27 : memref<128x16xf32, #tpu.memory_space<vmem>>)
      %dma_start3A_472 = arith.constant 0 : i32
      %dma_start3A_473 = tpu.memref_slice %arg16[%add3A_465, %dma_start3A_472] : memref<80x128xi32, #tpu.memory_space<vmem>> -> memref<1x128xi32, #tpu.memory_space<vmem>>
      %dma_start3A_474 = tpu.memref_squeeze %dma_start3A_473 : memref<1x128xi32, #tpu.memory_space<vmem>> -> memref<128xi32, #tpu.memory_space<vmem>>
      %dma_start3A_475 = arith.constant 0 : i32
      %dma_start3A_476 = arith.constant 0 : i32
      %dma_start3A_477 = tpu.memref_slice %arg12[%dma_start3A_475, %dma_start3A_476] : memref<10240x16xf32, #tpu.memory_space<vmem_shared>> -> memref<10240x16xf32, #tpu.memory_space<vmem_shared>>
      tpu.enqueue_indirect_dma source(%arg27 : memref<128x16xf32, #tpu.memory_space<vmem>>) target(%dma_start3A_477 : memref<10240x16xf32, #tpu.memory_space<vmem_shared>>) offsets(%dma_start3A_474 : memref<128xi32, #tpu.memory_space<vmem>>) semaphore(%arg43 : memref<!tpu.dma_semaphore, #tpu.memory_space<semaphore_mem>>) {add = true}
      %mul3A_478 = arith.constant 8 : i32
      %mul3A_479 = arith.muli %scan3A_445, %mul3A_478 : i32
      %add3A_480 = arith.constant 2 : i32
      %add3A_481 = arith.addi %mul3A_479, %add3A_480 : i32
      %dma_wait3A_482 = arith.constant 0 : i32
      %dma_wait3A_483 = tpu.memref_slice %arg15[%add3A_481, %dma_wait3A_482] : memref<80x128xi32, #tpu.memory_space<vmem>> -> memref<1x128xi32, #tpu.memory_space<vmem>>
      %dma_wait3A_484 = tpu.memref_squeeze %dma_wait3A_483 : memref<1x128xi32, #tpu.memory_space<vmem>> -> memref<128xi32, #tpu.memory_space<vmem>>
      %dma_wait3A_485 = arith.constant 0 : i32
      %dma_wait3A_486 = arith.constant 0 : i32
      %dma_wait3A_487 = tpu.memref_slice %arg11[%dma_wait3A_485, %dma_wait3A_486] : memref<10240x16xf32, #tpu.memory_space<vmem_shared>> -> memref<10240x16xf32, #tpu.memory_space<vmem_shared>>
      tpu.wait_indirect_dma semaphore(%arg36 : memref<!tpu.dma_semaphore, #tpu.memory_space<semaphore_mem>>) src(%dma_wait3A_487 : memref<10240x16xf32, #tpu.memory_space<vmem_shared>>) dst(%arg28 : memref<128x16xf32, #tpu.memory_space<vmem>>)
      %dma_start3A_488 = arith.constant 0 : i32
      %dma_start3A_489 = tpu.memref_slice %arg16[%add3A_481, %dma_start3A_488] : memref<80x128xi32, #tpu.memory_space<vmem>> -> memref<1x128xi32, #tpu.memory_space<vmem>>
      %dma_start3A_490 = tpu.memref_squeeze %dma_start3A_489 : memref<1x128xi32, #tpu.memory_space<vmem>> -> memref<128xi32, #tpu.memory_space<vmem>>
      %dma_start3A_491 = arith.constant 0 : i32
      %dma_start3A_492 = arith.constant 0 : i32
      %dma_start3A_493 = tpu.memref_slice %arg12[%dma_start3A_491, %dma_start3A_492] : memref<10240x16xf32, #tpu.memory_space<vmem_shared>> -> memref<10240x16xf32, #tpu.memory_space<vmem_shared>>
      tpu.enqueue_indirect_dma source(%arg28 : memref<128x16xf32, #tpu.memory_space<vmem>>) target(%dma_start3A_493 : memref<10240x16xf32, #tpu.memory_space<vmem_shared>>) offsets(%dma_start3A_490 : memref<128xi32, #tpu.memory_space<vmem>>) semaphore(%arg44 : memref<!tpu.dma_semaphore, #tpu.memory_space<semaphore_mem>>) {add = true}
      %mul3A_494 = arith.constant 8 : i32
      %mul3A_495 = arith.muli %scan3A_445, %mul3A_494 : i32
      %add3A_496 = arith.constant 3 : i32
      %add3A_497 = arith.addi %mul3A_495, %add3A_496 : i32
      %dma_wait3A_498 = arith.constant 0 : i32
      %dma_wait3A_499 = tpu.memref_slice %arg15[%add3A_497, %dma_wait3A_498] : memref<80x128xi32, #tpu.memory_space<vmem>> -> memref<1x128xi32, #tpu.memory_space<vmem>>
      %dma_wait3A_500 = tpu.memref_squeeze %dma_wait3A_499 : memref<1x128xi32, #tpu.memory_space<vmem>> -> memref<128xi32, #tpu.memory_space<vmem>>
      %dma_wait3A_501 = arith.constant 0 : i32
      %dma_wait3A_502 = arith.constant 0 : i32
      %dma_wait3A_503 = tpu.memref_slice %arg11[%dma_wait3A_501, %dma_wait3A_502] : memref<10240x16xf32, #tpu.memory_space<vmem_shared>> -> memref<10240x16xf32, #tpu.memory_space<vmem_shared>>
      tpu.wait_indirect_dma semaphore(%arg37 : memref<!tpu.dma_semaphore, #tpu.memory_space<semaphore_mem>>) src(%dma_wait3A_503 : memref<10240x16xf32, #tpu.memory_space<vmem_shared>>) dst(%arg29 : memref<128x16xf32, #tpu.memory_space<vmem>>)
      %dma_start3A_504 = arith.constant 0 : i32
      %dma_start3A_505 = tpu.memref_slice %arg16[%add3A_497, %dma_start3A_504] : memref<80x128xi32, #tpu.memory_space<vmem>> -> memref<1x128xi32, #tpu.memory_space<vmem>>
      %dma_start3A_506 = tpu.memref_squeeze %dma_start3A_505 : memref<1x128xi32, #tpu.memory_space<vmem>> -> memref<128xi32, #tpu.memory_space<vmem>>
      %dma_start3A_507 = arith.constant 0 : i32
      %dma_start3A_508 = arith.constant 0 : i32
      %dma_start3A_509 = tpu.memref_slice %arg12[%dma_start3A_507, %dma_start3A_508] : memref<10240x16xf32, #tpu.memory_space<vmem_shared>> -> memref<10240x16xf32, #tpu.memory_space<vmem_shared>>
      tpu.enqueue_indirect_dma source(%arg29 : memref<128x16xf32, #tpu.memory_space<vmem>>) target(%dma_start3A_509 : memref<10240x16xf32, #tpu.memory_space<vmem_shared>>) offsets(%dma_start3A_506 : memref<128xi32, #tpu.memory_space<vmem>>) semaphore(%arg45 : memref<!tpu.dma_semaphore, #tpu.memory_space<semaphore_mem>>) {add = true}
      %mul3A_510 = arith.constant 8 : i32
      %mul3A_511 = arith.muli %scan3A_445, %mul3A_510 : i32
      %add3A_512 = arith.constant 4 : i32
      %add3A_513 = arith.addi %mul3A_511, %add3A_512 : i32
      %dma_wait3A_514 = arith.constant 0 : i32
      %dma_wait3A_515 = tpu.memref_slice %arg15[%add3A_513, %dma_wait3A_514] : memref<80x128xi32, #tpu.memory_space<vmem>> -> memref<1x128xi32, #tpu.memory_space<vmem>>
      %dma_wait3A_516 = tpu.memref_squeeze %dma_wait3A_515 : memref<1x128xi32, #tpu.memory_space<vmem>> -> memref<128xi32, #tpu.memory_space<vmem>>
      %dma_wait3A_517 = arith.constant 0 : i32
      %dma_wait3A_518 = arith.constant 0 : i32
      %dma_wait3A_519 = tpu.memref_slice %arg11[%dma_wait3A_517, %dma_wait3A_518] : memref<10240x16xf32, #tpu.memory_space<vmem_shared>> -> memref<10240x16xf32, #tpu.memory_space<vmem_shared>>
      tpu.wait_indirect_dma semaphore(%arg38 : memref<!tpu.dma_semaphore, #tpu.memory_space<semaphore_mem>>) src(%dma_wait3A_519 : memref<10240x16xf32, #tpu.memory_space<vmem_shared>>) dst(%arg30 : memref<128x16xf32, #tpu.memory_space<vmem>>)
      %dma_start3A_520 = arith.constant 0 : i32
      %dma_start3A_521 = tpu.memref_slice %arg16[%add3A_513, %dma_start3A_520] : memref<80x128xi32, #tpu.memory_space<vmem>> -> memref<1x128xi32, #tpu.memory_space<vmem>>
      %dma_start3A_522 = tpu.memref_squeeze %dma_start3A_521 : memref<1x128xi32, #tpu.memory_space<vmem>> -> memref<128xi32, #tpu.memory_space<vmem>>
      %dma_start3A_523 = arith.constant 0 : i32
      %dma_start3A_524 = arith.constant 0 : i32
      %dma_start3A_525 = tpu.memref_slice %arg12[%dma_start3A_523, %dma_start3A_524] : memref<10240x16xf32, #tpu.memory_space<vmem_shared>> -> memref<10240x16xf32, #tpu.memory_space<vmem_shared>>
      tpu.enqueue_indirect_dma source(%arg30 : memref<128x16xf32, #tpu.memory_space<vmem>>) target(%dma_start3A_525 : memref<10240x16xf32, #tpu.memory_space<vmem_shared>>) offsets(%dma_start3A_522 : memref<128xi32, #tpu.memory_space<vmem>>) semaphore(%arg46 : memref<!tpu.dma_semaphore, #tpu.memory_space<semaphore_mem>>) {add = true}
      %mul3A_526 = arith.constant 8 : i32
      %mul3A_527 = arith.muli %scan3A_445, %mul3A_526 : i32
      %add3A_528 = arith.constant 5 : i32
      %add3A_529 = arith.addi %mul3A_527, %add3A_528 : i32
      %dma_wait3A_530 = arith.constant 0 : i32
      %dma_wait3A_531 = tpu.memref_slice %arg15[%add3A_529, %dma_wait3A_530] : memref<80x128xi32, #tpu.memory_space<vmem>> -> memref<1x128xi32, #tpu.memory_space<vmem>>
      %dma_wait3A_532 = tpu.memref_squeeze %dma_wait3A_531 : memref<1x128xi32, #tpu.memory_space<vmem>> -> memref<128xi32, #tpu.memory_space<vmem>>
      %dma_wait3A_533 = arith.constant 0 : i32
      %dma_wait3A_534 = arith.constant 0 : i32
      %dma_wait3A_535 = tpu.memref_slice %arg11[%dma_wait3A_533, %dma_wait3A_534] : memref<10240x16xf32, #tpu.memory_space<vmem_shared>> -> memref<10240x16xf32, #tpu.memory_space<vmem_shared>>
      tpu.wait_indirect_dma semaphore(%arg39 : memref<!tpu.dma_semaphore, #tpu.memory_space<semaphore_mem>>) src(%dma_wait3A_535 : memref<10240x16xf32, #tpu.memory_space<vmem_shared>>) dst(%arg31 : memref<128x16xf32, #tpu.memory_space<vmem>>)
      %dma_start3A_536 = arith.constant 0 : i32
      %dma_start3A_537 = tpu.memref_slice %arg16[%add3A_529, %dma_start3A_536] : memref<80x128xi32, #tpu.memory_space<vmem>> -> memref<1x128xi32, #tpu.memory_space<vmem>>
      %dma_start3A_538 = tpu.memref_squeeze %dma_start3A_537 : memref<1x128xi32, #tpu.memory_space<vmem>> -> memref<128xi32, #tpu.memory_space<vmem>>
      %dma_start3A_539 = arith.constant 0 : i32
      %dma_start3A_540 = arith.constant 0 : i32
      %dma_start3A_541 = tpu.memref_slice %arg12[%dma_start3A_539, %dma_start3A_540] : memref<10240x16xf32, #tpu.memory_space<vmem_shared>> -> memref<10240x16xf32, #tpu.memory_space<vmem_shared>>
      tpu.enqueue_indirect_dma source(%arg31 : memref<128x16xf32, #tpu.memory_space<vmem>>) target(%dma_start3A_541 : memref<10240x16xf32, #tpu.memory_space<vmem_shared>>) offsets(%dma_start3A_538 : memref<128xi32, #tpu.memory_space<vmem>>) semaphore(%arg47 : memref<!tpu.dma_semaphore, #tpu.memory_space<semaphore_mem>>) {add = true}
      %mul3A_542 = arith.constant 8 : i32
      %mul3A_543 = arith.muli %scan3A_445, %mul3A_542 : i32
      %add3A_544 = arith.constant 6 : i32
      %add3A_545 = arith.addi %mul3A_543, %add3A_544 : i32
      %dma_wait3A_546 = arith.constant 0 : i32
      %dma_wait3A_547 = tpu.memref_slice %arg15[%add3A_545, %dma_wait3A_546] : memref<80x128xi32, #tpu.memory_space<vmem>> -> memref<1x128xi32, #tpu.memory_space<vmem>>
      %dma_wait3A_548 = tpu.memref_squeeze %dma_wait3A_547 : memref<1x128xi32, #tpu.memory_space<vmem>> -> memref<128xi32, #tpu.memory_space<vmem>>
      %dma_wait3A_549 = arith.constant 0 : i32
      %dma_wait3A_550 = arith.constant 0 : i32
      %dma_wait3A_551 = tpu.memref_slice %arg11[%dma_wait3A_549, %dma_wait3A_550] : memref<10240x16xf32, #tpu.memory_space<vmem_shared>> -> memref<10240x16xf32, #tpu.memory_space<vmem_shared>>
      tpu.wait_indirect_dma semaphore(%arg40 : memref<!tpu.dma_semaphore, #tpu.memory_space<semaphore_mem>>) src(%dma_wait3A_551 : memref<10240x16xf32, #tpu.memory_space<vmem_shared>>) dst(%arg32 : memref<128x16xf32, #tpu.memory_space<vmem>>)
      %dma_start3A_552 = arith.constant 0 : i32
      %dma_start3A_553 = tpu.memref_slice %arg16[%add3A_545, %dma_start3A_552] : memref<80x128xi32, #tpu.memory_space<vmem>> -> memref<1x128xi32, #tpu.memory_space<vmem>>
      %dma_start3A_554 = tpu.memref_squeeze %dma_start3A_553 : memref<1x128xi32, #tpu.memory_space<vmem>> -> memref<128xi32, #tpu.memory_space<vmem>>
      %dma_start3A_555 = arith.constant 0 : i32
      %dma_start3A_556 = arith.constant 0 : i32
      %dma_start3A_557 = tpu.memref_slice %arg12[%dma_start3A_555, %dma_start3A_556] : memref<10240x16xf32, #tpu.memory_space<vmem_shared>> -> memref<10240x16xf32, #tpu.memory_space<vmem_shared>>
      tpu.enqueue_indirect_dma source(%arg32 : memref<128x16xf32, #tpu.memory_space<vmem>>) target(%dma_start3A_557 : memref<10240x16xf32, #tpu.memory_space<vmem_shared>>) offsets(%dma_start3A_554 : memref<128xi32, #tpu.memory_space<vmem>>) semaphore(%arg48 : memref<!tpu.dma_semaphore, #tpu.memory_space<semaphore_mem>>) {add = true}
      %mul3A_558 = arith.constant 8 : i32
      %mul3A_559 = arith.muli %scan3A_445, %mul3A_558 : i32
      %add3A_560 = arith.constant 7 : i32
      %add3A_561 = arith.addi %mul3A_559, %add3A_560 : i32
      %dma_wait3A_562 = arith.constant 0 : i32
      %dma_wait3A_563 = tpu.memref_slice %arg15[%add3A_561, %dma_wait3A_562] : memref<80x128xi32, #tpu.memory_space<vmem>> -> memref<1x128xi32, #tpu.memory_space<vmem>>
      %dma_wait3A_564 = tpu.memref_squeeze %dma_wait3A_563 : memref<1x128xi32, #tpu.memory_space<vmem>> -> memref<128xi32, #tpu.memory_space<vmem>>
      %dma_wait3A_565 = arith.constant 0 : i32
      %dma_wait3A_566 = arith.constant 0 : i32
      %dma_wait3A_567 = tpu.memref_slice %arg11[%dma_wait3A_565, %dma_wait3A_566] : memref<10240x16xf32, #tpu.memory_space<vmem_shared>> -> memref<10240x16xf32, #tpu.memory_space<vmem_shared>>
      tpu.wait_indirect_dma semaphore(%arg41 : memref<!tpu.dma_semaphore, #tpu.memory_space<semaphore_mem>>) src(%dma_wait3A_567 : memref<10240x16xf32, #tpu.memory_space<vmem_shared>>) dst(%arg33 : memref<128x16xf32, #tpu.memory_space<vmem>>)
      %dma_start3A_568 = arith.constant 0 : i32
      %dma_start3A_569 = tpu.memref_slice %arg16[%add3A_561, %dma_start3A_568] : memref<80x128xi32, #tpu.memory_space<vmem>> -> memref<1x128xi32, #tpu.memory_space<vmem>>
      %dma_start3A_570 = tpu.memref_squeeze %dma_start3A_569 : memref<1x128xi32, #tpu.memory_space<vmem>> -> memref<128xi32, #tpu.memory_space<vmem>>
      %dma_start3A_571 = arith.constant 0 : i32
      %dma_start3A_572 = arith.constant 0 : i32
      %dma_start3A_573 = tpu.memref_slice %arg12[%dma_start3A_571, %dma_start3A_572] : memref<10240x16xf32, #tpu.memory_space<vmem_shared>> -> memref<10240x16xf32, #tpu.memory_space<vmem_shared>>
      tpu.enqueue_indirect_dma source(%arg33 : memref<128x16xf32, #tpu.memory_space<vmem>>) target(%dma_start3A_573 : memref<10240x16xf32, #tpu.memory_space<vmem_shared>>) offsets(%dma_start3A_570 : memref<128xi32, #tpu.memory_space<vmem>>) semaphore(%arg49 : memref<!tpu.dma_semaphore, #tpu.memory_space<semaphore_mem>>) {add = true}
      %add3A_574 = arith.constant 1 : i32
      %add3A_575 = arith.addi %scan3A_445, %add3A_574 : i32
      %mul3A_576 = arith.constant 8 : i32
      %mul3A_577 = arith.muli %add3A_575, %mul3A_576 : i32
      %add3A_578 = arith.constant 0 : i32
      %add3A_579 = arith.addi %mul3A_577, %add3A_578 : i32
      %dma_wait3A_580 = arith.constant 0 : i32
      %dma_wait3A_581 = tpu.memref_slice %arg16[%add3A_579, %dma_wait3A_580] : memref<80x128xi32, #tpu.memory_space<vmem>> -> memref<1x128xi32, #tpu.memory_space<vmem>>
      %dma_wait3A_582 = tpu.memref_squeeze %dma_wait3A_581 : memref<1x128xi32, #tpu.memory_space<vmem>> -> memref<128xi32, #tpu.memory_space<vmem>>
      %dma_wait3A_583 = arith.constant 0 : i32
      %dma_wait3A_584 = arith.constant 0 : i32
      %dma_wait3A_585 = tpu.memref_slice %arg12[%dma_wait3A_583, %dma_wait3A_584] : memref<10240x16xf32, #tpu.memory_space<vmem_shared>> -> memref<10240x16xf32, #tpu.memory_space<vmem_shared>>
      tpu.wait_indirect_dma semaphore(%arg42 : memref<!tpu.dma_semaphore, #tpu.memory_space<semaphore_mem>>) src(%arg26 : memref<128x16xf32, #tpu.memory_space<vmem>>) dst(%dma_wait3A_585 : memref<10240x16xf32, #tpu.memory_space<vmem_shared>>)
      %dma_start3A_586 = arith.constant 0 : i32
      %dma_start3A_587 = tpu.memref_slice %arg15[%add3A_579, %dma_start3A_586] : memref<80x128xi32, #tpu.memory_space<vmem>> -> memref<1x128xi32, #tpu.memory_space<vmem>>
      %dma_start3A_588 = tpu.memref_squeeze %dma_start3A_587 : memref<1x128xi32, #tpu.memory_space<vmem>> -> memref<128xi32, #tpu.memory_space<vmem>>
      %dma_start3A_589 = arith.constant 0 : i32
      %dma_start3A_590 = arith.constant 0 : i32
      %dma_start3A_591 = tpu.memref_slice %arg11[%dma_start3A_589, %dma_start3A_590] : memref<10240x16xf32, #tpu.memory_space<vmem_shared>> -> memref<10240x16xf32, #tpu.memory_space<vmem_shared>>
      tpu.enqueue_indirect_dma source(%dma_start3A_591 : memref<10240x16xf32, #tpu.memory_space<vmem_shared>>) target(%arg26 : memref<128x16xf32, #tpu.memory_space<vmem>>) offsets(%dma_start3A_588 : memref<128xi32, #tpu.memory_space<vmem>>) semaphore(%arg34 : memref<!tpu.dma_semaphore, #tpu.memory_space<semaphore_mem>>)
      %add3A_592 = arith.constant 1 : i32
      %add3A_593 = arith.addi %scan3A_445, %add3A_592 : i32
      %mul3A_594 = arith.constant 8 : i32
      %mul3A_595 = arith.muli %add3A_593, %mul3A_594 : i32
      %add3A_596 = arith.constant 1 : i32
      %add3A_597 = arith.addi %mul3A_595, %add3A_596 : i32
      %dma_wait3A_598 = arith.constant 0 : i32
      %dma_wait3A_599 = tpu.memref_slice %arg16[%add3A_597, %dma_wait3A_598] : memref<80x128xi32, #tpu.memory_space<vmem>> -> memref<1x128xi32, #tpu.memory_space<vmem>>
      %dma_wait3A_600 = tpu.memref_squeeze %dma_wait3A_599 : memref<1x128xi32, #tpu.memory_space<vmem>> -> memref<128xi32, #tpu.memory_space<vmem>>
      %dma_wait3A_601 = arith.constant 0 : i32
      %dma_wait3A_602 = arith.constant 0 : i32
      %dma_wait3A_603 = tpu.memref_slice %arg12[%dma_wait3A_601, %dma_wait3A_602] : memref<10240x16xf32, #tpu.memory_space<vmem_shared>> -> memref<10240x16xf32, #tpu.memory_space<vmem_shared>>
      tpu.wait_indirect_dma semaphore(%arg43 : memref<!tpu.dma_semaphore, #tpu.memory_space<semaphore_mem>>) src(%arg27 : memref<128x16xf32, #tpu.memory_space<vmem>>) dst(%dma_wait3A_603 : memref<10240x16xf32, #tpu.memory_space<vmem_shared>>)
      %dma_start3A_604 = arith.constant 0 : i32
      %dma_start3A_605 = tpu.memref_slice %arg15[%add3A_597, %dma_start3A_604] : memref<80x128xi32, #tpu.memory_space<vmem>> -> memref<1x128xi32, #tpu.memory_space<vmem>>
      %dma_start3A_606 = tpu.memref_squeeze %dma_start3A_605 : memref<1x128xi32, #tpu.memory_space<vmem>> -> memref<128xi32, #tpu.memory_space<vmem>>
      %dma_start3A_607 = arith.constant 0 : i32
      %dma_start3A_608 = arith.constant 0 : i32
      %dma_start3A_609 = tpu.memref_slice %arg11[%dma_start3A_607, %dma_start3A_608] : memref<10240x16xf32, #tpu.memory_space<vmem_shared>> -> memref<10240x16xf32, #tpu.memory_space<vmem_shared>>
      tpu.enqueue_indirect_dma source(%dma_start3A_609 : memref<10240x16xf32, #tpu.memory_space<vmem_shared>>) target(%arg27 : memref<128x16xf32, #tpu.memory_space<vmem>>) offsets(%dma_start3A_606 : memref<128xi32, #tpu.memory_space<vmem>>) semaphore(%arg35 : memref<!tpu.dma_semaphore, #tpu.memory_space<semaphore_mem>>)
      %add3A_610 = arith.constant 1 : i32
      %add3A_611 = arith.addi %scan3A_445, %add3A_610 : i32
      %mul3A_612 = arith.constant 8 : i32
      %mul3A_613 = arith.muli %add3A_611, %mul3A_612 : i32
      %add3A_614 = arith.constant 2 : i32
      %add3A_615 = arith.addi %mul3A_613, %add3A_614 : i32
      %dma_wait3A_616 = arith.constant 0 : i32
      %dma_wait3A_617 = tpu.memref_slice %arg16[%add3A_615, %dma_wait3A_616] : memref<80x128xi32, #tpu.memory_space<vmem>> -> memref<1x128xi32, #tpu.memory_space<vmem>>
      %dma_wait3A_618 = tpu.memref_squeeze %dma_wait3A_617 : memref<1x128xi32, #tpu.memory_space<vmem>> -> memref<128xi32, #tpu.memory_space<vmem>>
      %dma_wait3A_619 = arith.constant 0 : i32
      %dma_wait3A_620 = arith.constant 0 : i32
      %dma_wait3A_621 = tpu.memref_slice %arg12[%dma_wait3A_619, %dma_wait3A_620] : memref<10240x16xf32, #tpu.memory_space<vmem_shared>> -> memref<10240x16xf32, #tpu.memory_space<vmem_shared>>
      tpu.wait_indirect_dma semaphore(%arg44 : memref<!tpu.dma_semaphore, #tpu.memory_space<semaphore_mem>>) src(%arg28 : memref<128x16xf32, #tpu.memory_space<vmem>>) dst(%dma_wait3A_621 : memref<10240x16xf32, #tpu.memory_space<vmem_shared>>)
      %dma_start3A_622 = arith.constant 0 : i32
      %dma_start3A_623 = tpu.memref_slice %arg15[%add3A_615, %dma_start3A_622] : memref<80x128xi32, #tpu.memory_space<vmem>> -> memref<1x128xi32, #tpu.memory_space<vmem>>
      %dma_start3A_624 = tpu.memref_squeeze %dma_start3A_623 : memref<1x128xi32, #tpu.memory_space<vmem>> -> memref<128xi32, #tpu.memory_space<vmem>>
      %dma_start3A_625 = arith.constant 0 : i32
      %dma_start3A_626 = arith.constant 0 : i32
      %dma_start3A_627 = tpu.memref_slice %arg11[%dma_start3A_625, %dma_start3A_626] : memref<10240x16xf32, #tpu.memory_space<vmem_shared>> -> memref<10240x16xf32, #tpu.memory_space<vmem_shared>>
      tpu.enqueue_indirect_dma source(%dma_start3A_627 : memref<10240x16xf32, #tpu.memory_space<vmem_shared>>) target(%arg28 : memref<128x16xf32, #tpu.memory_space<vmem>>) offsets(%dma_start3A_624 : memref<128xi32, #tpu.memory_space<vmem>>) semaphore(%arg36 : memref<!tpu.dma_semaphore, #tpu.memory_space<semaphore_mem>>)
      %add3A_628 = arith.constant 1 : i32
      %add3A_629 = arith.addi %scan3A_445, %add3A_628 : i32
      %mul3A_630 = arith.constant 8 : i32
      %mul3A_631 = arith.muli %add3A_629, %mul3A_630 : i32
      %add3A_632 = arith.constant 3 : i32
      %add3A_633 = arith.addi %mul3A_631, %add3A_632 : i32
      %dma_wait3A_634 = arith.constant 0 : i32
      %dma_wait3A_635 = tpu.memref_slice %arg16[%add3A_633, %dma_wait3A_634] : memref<80x128xi32, #tpu.memory_space<vmem>> -> memref<1x128xi32, #tpu.memory_space<vmem>>
      %dma_wait3A_636 = tpu.memref_squeeze %dma_wait3A_635 : memref<1x128xi32, #tpu.memory_space<vmem>> -> memref<128xi32, #tpu.memory_space<vmem>>
      %dma_wait3A_637 = arith.constant 0 : i32
      %dma_wait3A_638 = arith.constant 0 : i32
      %dma_wait3A_639 = tpu.memref_slice %arg12[%dma_wait3A_637, %dma_wait3A_638] : memref<10240x16xf32, #tpu.memory_space<vmem_shared>> -> memref<10240x16xf32, #tpu.memory_space<vmem_shared>>
      tpu.wait_indirect_dma semaphore(%arg45 : memref<!tpu.dma_semaphore, #tpu.memory_space<semaphore_mem>>) src(%arg29 : memref<128x16xf32, #tpu.memory_space<vmem>>) dst(%dma_wait3A_639 : memref<10240x16xf32, #tpu.memory_space<vmem_shared>>)
      %dma_start3A_640 = arith.constant 0 : i32
      %dma_start3A_641 = tpu.memref_slice %arg15[%add3A_633, %dma_start3A_640] : memref<80x128xi32, #tpu.memory_space<vmem>> -> memref<1x128xi32, #tpu.memory_space<vmem>>
      %dma_start3A_642 = tpu.memref_squeeze %dma_start3A_641 : memref<1x128xi32, #tpu.memory_space<vmem>> -> memref<128xi32, #tpu.memory_space<vmem>>
      %dma_start3A_643 = arith.constant 0 : i32
      %dma_start3A_644 = arith.constant 0 : i32
      %dma_start3A_645 = tpu.memref_slice %arg11[%dma_start3A_643, %dma_start3A_644] : memref<10240x16xf32, #tpu.memory_space<vmem_shared>> -> memref<10240x16xf32, #tpu.memory_space<vmem_shared>>
      tpu.enqueue_indirect_dma source(%dma_start3A_645 : memref<10240x16xf32, #tpu.memory_space<vmem_shared>>) target(%arg29 : memref<128x16xf32, #tpu.memory_space<vmem>>) offsets(%dma_start3A_642 : memref<128xi32, #tpu.memory_space<vmem>>) semaphore(%arg37 : memref<!tpu.dma_semaphore, #tpu.memory_space<semaphore_mem>>)
      %add3A_646 = arith.constant 1 : i32
      %add3A_647 = arith.addi %scan3A_445, %add3A_646 : i32
      %mul3A_648 = arith.constant 8 : i32
      %mul3A_649 = arith.muli %add3A_647, %mul3A_648 : i32
      %add3A_650 = arith.constant 4 : i32
      %add3A_651 = arith.addi %mul3A_649, %add3A_650 : i32
      %dma_wait3A_652 = arith.constant 0 : i32
      %dma_wait3A_653 = tpu.memref_slice %arg16[%add3A_651, %dma_wait3A_652] : memref<80x128xi32, #tpu.memory_space<vmem>> -> memref<1x128xi32, #tpu.memory_space<vmem>>
      %dma_wait3A_654 = tpu.memref_squeeze %dma_wait3A_653 : memref<1x128xi32, #tpu.memory_space<vmem>> -> memref<128xi32, #tpu.memory_space<vmem>>
      %dma_wait3A_655 = arith.constant 0 : i32
      %dma_wait3A_656 = arith.constant 0 : i32
      %dma_wait3A_657 = tpu.memref_slice %arg12[%dma_wait3A_655, %dma_wait3A_656] : memref<10240x16xf32, #tpu.memory_space<vmem_shared>> -> memref<10240x16xf32, #tpu.memory_space<vmem_shared>>
      tpu.wait_indirect_dma semaphore(%arg46 : memref<!tpu.dma_semaphore, #tpu.memory_space<semaphore_mem>>) src(%arg30 : memref<128x16xf32, #tpu.memory_space<vmem>>) dst(%dma_wait3A_657 : memref<10240x16xf32, #tpu.memory_space<vmem_shared>>)
      %dma_start3A_658 = arith.constant 0 : i32
      %dma_start3A_659 = tpu.memref_slice %arg15[%add3A_651, %dma_start3A_658] : memref<80x128xi32, #tpu.memory_space<vmem>> -> memref<1x128xi32, #tpu.memory_space<vmem>>
      %dma_start3A_660 = tpu.memref_squeeze %dma_start3A_659 : memref<1x128xi32, #tpu.memory_space<vmem>> -> memref<128xi32, #tpu.memory_space<vmem>>
      %dma_start3A_661 = arith.constant 0 : i32
      %dma_start3A_662 = arith.constant 0 : i32
      %dma_start3A_663 = tpu.memref_slice %arg11[%dma_start3A_661, %dma_start3A_662] : memref<10240x16xf32, #tpu.memory_space<vmem_shared>> -> memref<10240x16xf32, #tpu.memory_space<vmem_shared>>
      tpu.enqueue_indirect_dma source(%dma_start3A_663 : memref<10240x16xf32, #tpu.memory_space<vmem_shared>>) target(%arg30 : memref<128x16xf32, #tpu.memory_space<vmem>>) offsets(%dma_start3A_660 : memref<128xi32, #tpu.memory_space<vmem>>) semaphore(%arg38 : memref<!tpu.dma_semaphore, #tpu.memory_space<semaphore_mem>>)
      %add3A_664 = arith.constant 1 : i32
      %add3A_665 = arith.addi %scan3A_445, %add3A_664 : i32
      %mul3A_666 = arith.constant 8 : i32
      %mul3A_667 = arith.muli %add3A_665, %mul3A_666 : i32
      %add3A_668 = arith.constant 5 : i32
      %add3A_669 = arith.addi %mul3A_667, %add3A_668 : i32
      %dma_wait3A_670 = arith.constant 0 : i32
      %dma_wait3A_671 = tpu.memref_slice %arg16[%add3A_669, %dma_wait3A_670] : memref<80x128xi32, #tpu.memory_space<vmem>> -> memref<1x128xi32, #tpu.memory_space<vmem>>
      %dma_wait3A_672 = tpu.memref_squeeze %dma_wait3A_671 : memref<1x128xi32, #tpu.memory_space<vmem>> -> memref<128xi32, #tpu.memory_space<vmem>>
      %dma_wait3A_673 = arith.constant 0 : i32
      %dma_wait3A_674 = arith.constant 0 : i32
      %dma_wait3A_675 = tpu.memref_slice %arg12[%dma_wait3A_673, %dma_wait3A_674] : memref<10240x16xf32, #tpu.memory_space<vmem_shared>> -> memref<10240x16xf32, #tpu.memory_space<vmem_shared>>
      tpu.wait_indirect_dma semaphore(%arg47 : memref<!tpu.dma_semaphore, #tpu.memory_space<semaphore_mem>>) src(%arg31 : memref<128x16xf32, #tpu.memory_space<vmem>>) dst(%dma_wait3A_675 : memref<10240x16xf32, #tpu.memory_space<vmem_shared>>)
      %dma_start3A_676 = arith.constant 0 : i32
      %dma_start3A_677 = tpu.memref_slice %arg15[%add3A_669, %dma_start3A_676] : memref<80x128xi32, #tpu.memory_space<vmem>> -> memref<1x128xi32, #tpu.memory_space<vmem>>
      %dma_start3A_678 = tpu.memref_squeeze %dma_start3A_677 : memref<1x128xi32, #tpu.memory_space<vmem>> -> memref<128xi32, #tpu.memory_space<vmem>>
      %dma_start3A_679 = arith.constant 0 : i32
      %dma_start3A_680 = arith.constant 0 : i32
      %dma_start3A_681 = tpu.memref_slice %arg11[%dma_start3A_679, %dma_start3A_680] : memref<10240x16xf32, #tpu.memory_space<vmem_shared>> -> memref<10240x16xf32, #tpu.memory_space<vmem_shared>>
      tpu.enqueue_indirect_dma source(%dma_start3A_681 : memref<10240x16xf32, #tpu.memory_space<vmem_shared>>) target(%arg31 : memref<128x16xf32, #tpu.memory_space<vmem>>) offsets(%dma_start3A_678 : memref<128xi32, #tpu.memory_space<vmem>>) semaphore(%arg39 : memref<!tpu.dma_semaphore, #tpu.memory_space<semaphore_mem>>)
      %add3A_682 = arith.constant 1 : i32
      %add3A_683 = arith.addi %scan3A_445, %add3A_682 : i32
      %mul3A_684 = arith.constant 8 : i32
      %mul3A_685 = arith.muli %add3A_683, %mul3A_684 : i32
      %add3A_686 = arith.constant 6 : i32
      %add3A_687 = arith.addi %mul3A_685, %add3A_686 : i32
      %dma_wait3A_688 = arith.constant 0 : i32
      %dma_wait3A_689 = tpu.memref_slice %arg16[%add3A_687, %dma_wait3A_688] : memref<80x128xi32, #tpu.memory_space<vmem>> -> memref<1x128xi32, #tpu.memory_space<vmem>>
      %dma_wait3A_690 = tpu.memref_squeeze %dma_wait3A_689 : memref<1x128xi32, #tpu.memory_space<vmem>> -> memref<128xi32, #tpu.memory_space<vmem>>
      %dma_wait3A_691 = arith.constant 0 : i32
      %dma_wait3A_692 = arith.constant 0 : i32
      %dma_wait3A_693 = tpu.memref_slice %arg12[%dma_wait3A_691, %dma_wait3A_692] : memref<10240x16xf32, #tpu.memory_space<vmem_shared>> -> memref<10240x16xf32, #tpu.memory_space<vmem_shared>>
      tpu.wait_indirect_dma semaphore(%arg48 : memref<!tpu.dma_semaphore, #tpu.memory_space<semaphore_mem>>) src(%arg32 : memref<128x16xf32, #tpu.memory_space<vmem>>) dst(%dma_wait3A_693 : memref<10240x16xf32, #tpu.memory_space<vmem_shared>>)
      %dma_start3A_694 = arith.constant 0 : i32
      %dma_start3A_695 = tpu.memref_slice %arg15[%add3A_687, %dma_start3A_694] : memref<80x128xi32, #tpu.memory_space<vmem>> -> memref<1x128xi32, #tpu.memory_space<vmem>>
      %dma_start3A_696 = tpu.memref_squeeze %dma_start3A_695 : memref<1x128xi32, #tpu.memory_space<vmem>> -> memref<128xi32, #tpu.memory_space<vmem>>
      %dma_start3A_697 = arith.constant 0 : i32
      %dma_start3A_698 = arith.constant 0 : i32
      %dma_start3A_699 = tpu.memref_slice %arg11[%dma_start3A_697, %dma_start3A_698] : memref<10240x16xf32, #tpu.memory_space<vmem_shared>> -> memref<10240x16xf32, #tpu.memory_space<vmem_shared>>
      tpu.enqueue_indirect_dma source(%dma_start3A_699 : memref<10240x16xf32, #tpu.memory_space<vmem_shared>>) target(%arg32 : memref<128x16xf32, #tpu.memory_space<vmem>>) offsets(%dma_start3A_696 : memref<128xi32, #tpu.memory_space<vmem>>) semaphore(%arg40 : memref<!tpu.dma_semaphore, #tpu.memory_space<semaphore_mem>>)
      %add3A_700 = arith.constant 1 : i32
      %add3A_701 = arith.addi %scan3A_445, %add3A_700 : i32
      %mul3A_702 = arith.constant 8 : i32
      %mul3A_703 = arith.muli %add3A_701, %mul3A_702 : i32
      %add3A_704 = arith.constant 7 : i32
      %add3A_705 = arith.addi %mul3A_703, %add3A_704 : i32
      %dma_wait3A_706 = arith.constant 0 : i32
      %dma_wait3A_707 = tpu.memref_slice %arg16[%add3A_705, %dma_wait3A_706] : memref<80x128xi32, #tpu.memory_space<vmem>> -> memref<1x128xi32, #tpu.memory_space<vmem>>
      %dma_wait3A_708 = tpu.memref_squeeze %dma_wait3A_707 : memref<1x128xi32, #tpu.memory_space<vmem>> -> memref<128xi32, #tpu.memory_space<vmem>>
      %dma_wait3A_709 = arith.constant 0 : i32
      %dma_wait3A_710 = arith.constant 0 : i32
      %dma_wait3A_711 = tpu.memref_slice %arg12[%dma_wait3A_709, %dma_wait3A_710] : memref<10240x16xf32, #tpu.memory_space<vmem_shared>> -> memref<10240x16xf32, #tpu.memory_space<vmem_shared>>
      tpu.wait_indirect_dma semaphore(%arg49 : memref<!tpu.dma_semaphore, #tpu.memory_space<semaphore_mem>>) src(%arg33 : memref<128x16xf32, #tpu.memory_space<vmem>>) dst(%dma_wait3A_711 : memref<10240x16xf32, #tpu.memory_space<vmem_shared>>)
      %dma_start3A_712 = arith.constant 0 : i32
      %dma_start3A_713 = tpu.memref_slice %arg15[%add3A_705, %dma_start3A_712] : memref<80x128xi32, #tpu.memory_space<vmem>> -> memref<1x128xi32, #tpu.memory_space<vmem>>
      %dma_start3A_714 = tpu.memref_squeeze %dma_start3A_713 : memref<1x128xi32, #tpu.memory_space<vmem>> -> memref<128xi32, #tpu.memory_space<vmem>>
      %dma_start3A_715 = arith.constant 0 : i32
      %dma_start3A_716 = arith.constant 0 : i32
      %dma_start3A_717 = tpu.memref_slice %arg11[%dma_start3A_715, %dma_start3A_716] : memref<10240x16xf32, #tpu.memory_space<vmem_shared>> -> memref<10240x16xf32, #tpu.memory_space<vmem_shared>>
      tpu.enqueue_indirect_dma source(%dma_start3A_717 : memref<10240x16xf32, #tpu.memory_space<vmem_shared>>) target(%arg33 : memref<128x16xf32, #tpu.memory_space<vmem>>) offsets(%dma_start3A_714 : memref<128xi32, #tpu.memory_space<vmem>>) semaphore(%arg41 : memref<!tpu.dma_semaphore, #tpu.memory_space<semaphore_mem>>)
    }
    %scan3A_231 = arith.constant 9 : i32
    %dma_wait3A_232 = arith.constant 72 : i32
    %dma_wait3A_233 = arith.constant 0 : i32
    %dma_wait3A_234 = tpu.memref_slice %arg15[%dma_wait3A_232, %dma_wait3A_233] : memref<80x128xi32, #tpu.memory_space<vmem>> -> memref<1x128xi32, #tpu.memory_space<vmem>>
    %dma_wait3A_235 = tpu.memref_squeeze %dma_wait3A_234 : memref<1x128xi32, #tpu.memory_space<vmem>> -> memref<128xi32, #tpu.memory_space<vmem>>
    %dma_wait3A_236 = arith.constant 0 : i32
    %dma_wait3A_237 = arith.constant 0 : i32
    %dma_wait3A_238 = tpu.memref_slice %arg11[%dma_wait3A_236, %dma_wait3A_237] : memref<10240x16xf32, #tpu.memory_space<vmem_shared>> -> memref<10240x16xf32, #tpu.memory_space<vmem_shared>>
    tpu.wait_indirect_dma semaphore(%arg34 : memref<!tpu.dma_semaphore, #tpu.memory_space<semaphore_mem>>) src(%dma_wait3A_238 : memref<10240x16xf32, #tpu.memory_space<vmem_shared>>) dst(%arg26 : memref<128x16xf32, #tpu.memory_space<vmem>>)
    %run_scoped3A = arith.constant 72 : i32
    "tpu.region"() ({
      %run_scoped3A_445 = tpu.sem_alloc : memref<!tpu.dma_semaphore, #tpu.memory_space<semaphore_mem>>
      %dma_start3A_446 = arith.constant 0 : i32
      %dma_start3A_447 = tpu.memref_slice %arg16[%run_scoped3A, %dma_start3A_446] : memref<80x128xi32, #tpu.memory_space<vmem>> -> memref<1x128xi32, #tpu.memory_space<vmem>>
      %dma_start3A_448 = tpu.memref_squeeze %dma_start3A_447 : memref<1x128xi32, #tpu.memory_space<vmem>> -> memref<128xi32, #tpu.memory_space<vmem>>
      %dma_start3A_449 = arith.constant 0 : i32
      %dma_start3A_450 = arith.constant 0 : i32
      %dma_start3A_451 = tpu.memref_slice %arg12[%dma_start3A_449, %dma_start3A_450] : memref<10240x16xf32, #tpu.memory_space<vmem_shared>> -> memref<10240x16xf32, #tpu.memory_space<vmem_shared>>
      tpu.enqueue_indirect_dma source(%arg26 : memref<128x16xf32, #tpu.memory_space<vmem>>) target(%dma_start3A_451 : memref<10240x16xf32, #tpu.memory_space<vmem_shared>>) offsets(%dma_start3A_448 : memref<128xi32, #tpu.memory_space<vmem>>) semaphore(%run_scoped3A_445 : memref<!tpu.dma_semaphore, #tpu.memory_space<semaphore_mem>>) {add = true}
      %dma_wait3A_452 = arith.constant 0 : i32
      %dma_wait3A_453 = tpu.memref_slice %arg16[%run_scoped3A, %dma_wait3A_452] : memref<80x128xi32, #tpu.memory_space<vmem>> -> memref<1x128xi32, #tpu.memory_space<vmem>>
      %dma_wait3A_454 = tpu.memref_squeeze %dma_wait3A_453 : memref<1x128xi32, #tpu.memory_space<vmem>> -> memref<128xi32, #tpu.memory_space<vmem>>
      %dma_wait3A_455 = arith.constant 0 : i32
      %dma_wait3A_456 = arith.constant 0 : i32
      %dma_wait3A_457 = tpu.memref_slice %arg12[%dma_wait3A_455, %dma_wait3A_456] : memref<10240x16xf32, #tpu.memory_space<vmem_shared>> -> memref<10240x16xf32, #tpu.memory_space<vmem_shared>>
      tpu.wait_indirect_dma semaphore(%run_scoped3A_445 : memref<!tpu.dma_semaphore, #tpu.memory_space<semaphore_mem>>) src(%arg26 : memref<128x16xf32, #tpu.memory_space<vmem>>) dst(%dma_wait3A_457 : memref<10240x16xf32, #tpu.memory_space<vmem_shared>>)
      tpu.yield
    }) : () -> ()
    %dma_wait3A_239 = arith.constant 73 : i32
    %dma_wait3A_240 = arith.constant 0 : i32
    %dma_wait3A_241 = tpu.memref_slice %arg15[%dma_wait3A_239, %dma_wait3A_240] : memref<80x128xi32, #tpu.memory_space<vmem>> -> memref<1x128xi32, #tpu.memory_space<vmem>>
    %dma_wait3A_242 = tpu.memref_squeeze %dma_wait3A_241 : memref<1x128xi32, #tpu.memory_space<vmem>> -> memref<128xi32, #tpu.memory_space<vmem>>
    %dma_wait3A_243 = arith.constant 0 : i32
    %dma_wait3A_244 = arith.constant 0 : i32
    %dma_wait3A_245 = tpu.memref_slice %arg11[%dma_wait3A_243, %dma_wait3A_244] : memref<10240x16xf32, #tpu.memory_space<vmem_shared>> -> memref<10240x16xf32, #tpu.memory_space<vmem_shared>>
    tpu.wait_indirect_dma semaphore(%arg35 : memref<!tpu.dma_semaphore, #tpu.memory_space<semaphore_mem>>) src(%dma_wait3A_245 : memref<10240x16xf32, #tpu.memory_space<vmem_shared>>) dst(%arg27 : memref<128x16xf32, #tpu.memory_space<vmem>>)
    %run_scoped3A_246 = arith.constant 73 : i32
    "tpu.region"() ({
      %run_scoped3A_445 = tpu.sem_alloc : memref<!tpu.dma_semaphore, #tpu.memory_space<semaphore_mem>>
      %dma_start3A_446 = arith.constant 0 : i32
      %dma_start3A_447 = tpu.memref_slice %arg16[%run_scoped3A_246, %dma_start3A_446] : memref<80x128xi32, #tpu.memory_space<vmem>> -> memref<1x128xi32, #tpu.memory_space<vmem>>
      %dma_start3A_448 = tpu.memref_squeeze %dma_start3A_447 : memref<1x128xi32, #tpu.memory_space<vmem>> -> memref<128xi32, #tpu.memory_space<vmem>>
      %dma_start3A_449 = arith.constant 0 : i32
      %dma_start3A_450 = arith.constant 0 : i32
      %dma_start3A_451 = tpu.memref_slice %arg12[%dma_start3A_449, %dma_start3A_450] : memref<10240x16xf32, #tpu.memory_space<vmem_shared>> -> memref<10240x16xf32, #tpu.memory_space<vmem_shared>>
      tpu.enqueue_indirect_dma source(%arg27 : memref<128x16xf32, #tpu.memory_space<vmem>>) target(%dma_start3A_451 : memref<10240x16xf32, #tpu.memory_space<vmem_shared>>) offsets(%dma_start3A_448 : memref<128xi32, #tpu.memory_space<vmem>>) semaphore(%run_scoped3A_445 : memref<!tpu.dma_semaphore, #tpu.memory_space<semaphore_mem>>) {add = true}
      %dma_wait3A_452 = arith.constant 0 : i32
      %dma_wait3A_453 = tpu.memref_slice %arg16[%run_scoped3A_246, %dma_wait3A_452] : memref<80x128xi32, #tpu.memory_space<vmem>> -> memref<1x128xi32, #tpu.memory_space<vmem>>
      %dma_wait3A_454 = tpu.memref_squeeze %dma_wait3A_453 : memref<1x128xi32, #tpu.memory_space<vmem>> -> memref<128xi32, #tpu.memory_space<vmem>>
      %dma_wait3A_455 = arith.constant 0 : i32
      %dma_wait3A_456 = arith.constant 0 : i32
      %dma_wait3A_457 = tpu.memref_slice %arg12[%dma_wait3A_455, %dma_wait3A_456] : memref<10240x16xf32, #tpu.memory_space<vmem_shared>> -> memref<10240x16xf32, #tpu.memory_space<vmem_shared>>
      tpu.wait_indirect_dma semaphore(%run_scoped3A_445 : memref<!tpu.dma_semaphore, #tpu.memory_space<semaphore_mem>>) src(%arg27 : memref<128x16xf32, #tpu.memory_space<vmem>>) dst(%dma_wait3A_457 : memref<10240x16xf32, #tpu.memory_space<vmem_shared>>)
      tpu.yield
    }) : () -> ()
    %dma_wait3A_247 = arith.constant 74 : i32
    %dma_wait3A_248 = arith.constant 0 : i32
    %dma_wait3A_249 = tpu.memref_slice %arg15[%dma_wait3A_247, %dma_wait3A_248] : memref<80x128xi32, #tpu.memory_space<vmem>> -> memref<1x128xi32, #tpu.memory_space<vmem>>
    %dma_wait3A_250 = tpu.memref_squeeze %dma_wait3A_249 : memref<1x128xi32, #tpu.memory_space<vmem>> -> memref<128xi32, #tpu.memory_space<vmem>>
    %dma_wait3A_251 = arith.constant 0 : i32
    %dma_wait3A_252 = arith.constant 0 : i32
    %dma_wait3A_253 = tpu.memref_slice %arg11[%dma_wait3A_251, %dma_wait3A_252] : memref<10240x16xf32, #tpu.memory_space<vmem_shared>> -> memref<10240x16xf32, #tpu.memory_space<vmem_shared>>
    tpu.wait_indirect_dma semaphore(%arg36 : memref<!tpu.dma_semaphore, #tpu.memory_space<semaphore_mem>>) src(%dma_wait3A_253 : memref<10240x16xf32, #tpu.memory_space<vmem_shared>>) dst(%arg28 : memref<128x16xf32, #tpu.memory_space<vmem>>)
    %run_scoped3A_254 = arith.constant 74 : i32
    "tpu.region"() ({
      %run_scoped3A_445 = tpu.sem_alloc : memref<!tpu.dma_semaphore, #tpu.memory_space<semaphore_mem>>
      %dma_start3A_446 = arith.constant 0 : i32
      %dma_start3A_447 = tpu.memref_slice %arg16[%run_scoped3A_254, %dma_start3A_446] : memref<80x128xi32, #tpu.memory_space<vmem>> -> memref<1x128xi32, #tpu.memory_space<vmem>>
      %dma_start3A_448 = tpu.memref_squeeze %dma_start3A_447 : memref<1x128xi32, #tpu.memory_space<vmem>> -> memref<128xi32, #tpu.memory_space<vmem>>
      %dma_start3A_449 = arith.constant 0 : i32
      %dma_start3A_450 = arith.constant 0 : i32
      %dma_start3A_451 = tpu.memref_slice %arg12[%dma_start3A_449, %dma_start3A_450] : memref<10240x16xf32, #tpu.memory_space<vmem_shared>> -> memref<10240x16xf32, #tpu.memory_space<vmem_shared>>
      tpu.enqueue_indirect_dma source(%arg28 : memref<128x16xf32, #tpu.memory_space<vmem>>) target(%dma_start3A_451 : memref<10240x16xf32, #tpu.memory_space<vmem_shared>>) offsets(%dma_start3A_448 : memref<128xi32, #tpu.memory_space<vmem>>) semaphore(%run_scoped3A_445 : memref<!tpu.dma_semaphore, #tpu.memory_space<semaphore_mem>>) {add = true}
      %dma_wait3A_452 = arith.constant 0 : i32
      %dma_wait3A_453 = tpu.memref_slice %arg16[%run_scoped3A_254, %dma_wait3A_452] : memref<80x128xi32, #tpu.memory_space<vmem>> -> memref<1x128xi32, #tpu.memory_space<vmem>>
      %dma_wait3A_454 = tpu.memref_squeeze %dma_wait3A_453 : memref<1x128xi32, #tpu.memory_space<vmem>> -> memref<128xi32, #tpu.memory_space<vmem>>
      %dma_wait3A_455 = arith.constant 0 : i32
      %dma_wait3A_456 = arith.constant 0 : i32
      %dma_wait3A_457 = tpu.memref_slice %arg12[%dma_wait3A_455, %dma_wait3A_456] : memref<10240x16xf32, #tpu.memory_space<vmem_shared>> -> memref<10240x16xf32, #tpu.memory_space<vmem_shared>>
      tpu.wait_indirect_dma semaphore(%run_scoped3A_445 : memref<!tpu.dma_semaphore, #tpu.memory_space<semaphore_mem>>) src(%arg28 : memref<128x16xf32, #tpu.memory_space<vmem>>) dst(%dma_wait3A_457 : memref<10240x16xf32, #tpu.memory_space<vmem_shared>>)
      tpu.yield
    }) : () -> ()
    %dma_wait3A_255 = arith.constant 75 : i32
    %dma_wait3A_256 = arith.constant 0 : i32
    %dma_wait3A_257 = tpu.memref_slice %arg15[%dma_wait3A_255, %dma_wait3A_256] : memref<80x128xi32, #tpu.memory_space<vmem>> -> memref<1x128xi32, #tpu.memory_space<vmem>>
    %dma_wait3A_258 = tpu.memref_squeeze %dma_wait3A_257 : memref<1x128xi32, #tpu.memory_space<vmem>> -> memref<128xi32, #tpu.memory_space<vmem>>
    %dma_wait3A_259 = arith.constant 0 : i32
    %dma_wait3A_260 = arith.constant 0 : i32
    %dma_wait3A_261 = tpu.memref_slice %arg11[%dma_wait3A_259, %dma_wait3A_260] : memref<10240x16xf32, #tpu.memory_space<vmem_shared>> -> memref<10240x16xf32, #tpu.memory_space<vmem_shared>>
    tpu.wait_indirect_dma semaphore(%arg37 : memref<!tpu.dma_semaphore, #tpu.memory_space<semaphore_mem>>) src(%dma_wait3A_261 : memref<10240x16xf32, #tpu.memory_space<vmem_shared>>) dst(%arg29 : memref<128x16xf32, #tpu.memory_space<vmem>>)
    %run_scoped3A_262 = arith.constant 75 : i32
    "tpu.region"() ({
      %run_scoped3A_445 = tpu.sem_alloc : memref<!tpu.dma_semaphore, #tpu.memory_space<semaphore_mem>>
      %dma_start3A_446 = arith.constant 0 : i32
      %dma_start3A_447 = tpu.memref_slice %arg16[%run_scoped3A_262, %dma_start3A_446] : memref<80x128xi32, #tpu.memory_space<vmem>> -> memref<1x128xi32, #tpu.memory_space<vmem>>
      %dma_start3A_448 = tpu.memref_squeeze %dma_start3A_447 : memref<1x128xi32, #tpu.memory_space<vmem>> -> memref<128xi32, #tpu.memory_space<vmem>>
      %dma_start3A_449 = arith.constant 0 : i32
      %dma_start3A_450 = arith.constant 0 : i32
      %dma_start3A_451 = tpu.memref_slice %arg12[%dma_start3A_449, %dma_start3A_450] : memref<10240x16xf32, #tpu.memory_space<vmem_shared>> -> memref<10240x16xf32, #tpu.memory_space<vmem_shared>>
      tpu.enqueue_indirect_dma source(%arg29 : memref<128x16xf32, #tpu.memory_space<vmem>>) target(%dma_start3A_451 : memref<10240x16xf32, #tpu.memory_space<vmem_shared>>) offsets(%dma_start3A_448 : memref<128xi32, #tpu.memory_space<vmem>>) semaphore(%run_scoped3A_445 : memref<!tpu.dma_semaphore, #tpu.memory_space<semaphore_mem>>) {add = true}
      %dma_wait3A_452 = arith.constant 0 : i32
      %dma_wait3A_453 = tpu.memref_slice %arg16[%run_scoped3A_262, %dma_wait3A_452] : memref<80x128xi32, #tpu.memory_space<vmem>> -> memref<1x128xi32, #tpu.memory_space<vmem>>
      %dma_wait3A_454 = tpu.memref_squeeze %dma_wait3A_453 : memref<1x128xi32, #tpu.memory_space<vmem>> -> memref<128xi32, #tpu.memory_space<vmem>>
      %dma_wait3A_455 = arith.constant 0 : i32
      %dma_wait3A_456 = arith.constant 0 : i32
      %dma_wait3A_457 = tpu.memref_slice %arg12[%dma_wait3A_455, %dma_wait3A_456] : memref<10240x16xf32, #tpu.memory_space<vmem_shared>> -> memref<10240x16xf32, #tpu.memory_space<vmem_shared>>
      tpu.wait_indirect_dma semaphore(%run_scoped3A_445 : memref<!tpu.dma_semaphore, #tpu.memory_space<semaphore_mem>>) src(%arg29 : memref<128x16xf32, #tpu.memory_space<vmem>>) dst(%dma_wait3A_457 : memref<10240x16xf32, #tpu.memory_space<vmem_shared>>)
      tpu.yield
    }) : () -> ()
    %dma_wait3A_263 = arith.constant 76 : i32
    %dma_wait3A_264 = arith.constant 0 : i32
    %dma_wait3A_265 = tpu.memref_slice %arg15[%dma_wait3A_263, %dma_wait3A_264] : memref<80x128xi32, #tpu.memory_space<vmem>> -> memref<1x128xi32, #tpu.memory_space<vmem>>
    %dma_wait3A_266 = tpu.memref_squeeze %dma_wait3A_265 : memref<1x128xi32, #tpu.memory_space<vmem>> -> memref<128xi32, #tpu.memory_space<vmem>>
    %dma_wait3A_267 = arith.constant 0 : i32
    %dma_wait3A_268 = arith.constant 0 : i32
    %dma_wait3A_269 = tpu.memref_slice %arg11[%dma_wait3A_267, %dma_wait3A_268] : memref<10240x16xf32, #tpu.memory_space<vmem_shared>> -> memref<10240x16xf32, #tpu.memory_space<vmem_shared>>
    tpu.wait_indirect_dma semaphore(%arg38 : memref<!tpu.dma_semaphore, #tpu.memory_space<semaphore_mem>>) src(%dma_wait3A_269 : memref<10240x16xf32, #tpu.memory_space<vmem_shared>>) dst(%arg30 : memref<128x16xf32, #tpu.memory_space<vmem>>)
    %run_scoped3A_270 = arith.constant 76 : i32
    "tpu.region"() ({
      %run_scoped3A_445 = tpu.sem_alloc : memref<!tpu.dma_semaphore, #tpu.memory_space<semaphore_mem>>
      %dma_start3A_446 = arith.constant 0 : i32
      %dma_start3A_447 = tpu.memref_slice %arg16[%run_scoped3A_270, %dma_start3A_446] : memref<80x128xi32, #tpu.memory_space<vmem>> -> memref<1x128xi32, #tpu.memory_space<vmem>>
      %dma_start3A_448 = tpu.memref_squeeze %dma_start3A_447 : memref<1x128xi32, #tpu.memory_space<vmem>> -> memref<128xi32, #tpu.memory_space<vmem>>
      %dma_start3A_449 = arith.constant 0 : i32
      %dma_start3A_450 = arith.constant 0 : i32
      %dma_start3A_451 = tpu.memref_slice %arg12[%dma_start3A_449, %dma_start3A_450] : memref<10240x16xf32, #tpu.memory_space<vmem_shared>> -> memref<10240x16xf32, #tpu.memory_space<vmem_shared>>
      tpu.enqueue_indirect_dma source(%arg30 : memref<128x16xf32, #tpu.memory_space<vmem>>) target(%dma_start3A_451 : memref<10240x16xf32, #tpu.memory_space<vmem_shared>>) offsets(%dma_start3A_448 : memref<128xi32, #tpu.memory_space<vmem>>) semaphore(%run_scoped3A_445 : memref<!tpu.dma_semaphore, #tpu.memory_space<semaphore_mem>>) {add = true}
      %dma_wait3A_452 = arith.constant 0 : i32
      %dma_wait3A_453 = tpu.memref_slice %arg16[%run_scoped3A_270, %dma_wait3A_452] : memref<80x128xi32, #tpu.memory_space<vmem>> -> memref<1x128xi32, #tpu.memory_space<vmem>>
      %dma_wait3A_454 = tpu.memref_squeeze %dma_wait3A_453 : memref<1x128xi32, #tpu.memory_space<vmem>> -> memref<128xi32, #tpu.memory_space<vmem>>
      %dma_wait3A_455 = arith.constant 0 : i32
      %dma_wait3A_456 = arith.constant 0 : i32
      %dma_wait3A_457 = tpu.memref_slice %arg12[%dma_wait3A_455, %dma_wait3A_456] : memref<10240x16xf32, #tpu.memory_space<vmem_shared>> -> memref<10240x16xf32, #tpu.memory_space<vmem_shared>>
      tpu.wait_indirect_dma semaphore(%run_scoped3A_445 : memref<!tpu.dma_semaphore, #tpu.memory_space<semaphore_mem>>) src(%arg30 : memref<128x16xf32, #tpu.memory_space<vmem>>) dst(%dma_wait3A_457 : memref<10240x16xf32, #tpu.memory_space<vmem_shared>>)
      tpu.yield
    }) : () -> ()
    %dma_wait3A_271 = arith.constant 77 : i32
    %dma_wait3A_272 = arith.constant 0 : i32
    %dma_wait3A_273 = tpu.memref_slice %arg15[%dma_wait3A_271, %dma_wait3A_272] : memref<80x128xi32, #tpu.memory_space<vmem>> -> memref<1x128xi32, #tpu.memory_space<vmem>>
    %dma_wait3A_274 = tpu.memref_squeeze %dma_wait3A_273 : memref<1x128xi32, #tpu.memory_space<vmem>> -> memref<128xi32, #tpu.memory_space<vmem>>
    %dma_wait3A_275 = arith.constant 0 : i32
    %dma_wait3A_276 = arith.constant 0 : i32
    %dma_wait3A_277 = tpu.memref_slice %arg11[%dma_wait3A_275, %dma_wait3A_276] : memref<10240x16xf32, #tpu.memory_space<vmem_shared>> -> memref<10240x16xf32, #tpu.memory_space<vmem_shared>>
    tpu.wait_indirect_dma semaphore(%arg39 : memref<!tpu.dma_semaphore, #tpu.memory_space<semaphore_mem>>) src(%dma_wait3A_277 : memref<10240x16xf32, #tpu.memory_space<vmem_shared>>) dst(%arg31 : memref<128x16xf32, #tpu.memory_space<vmem>>)
    %run_scoped3A_278 = arith.constant 77 : i32
    "tpu.region"() ({
      %run_scoped3A_445 = tpu.sem_alloc : memref<!tpu.dma_semaphore, #tpu.memory_space<semaphore_mem>>
      %dma_start3A_446 = arith.constant 0 : i32
      %dma_start3A_447 = tpu.memref_slice %arg16[%run_scoped3A_278, %dma_start3A_446] : memref<80x128xi32, #tpu.memory_space<vmem>> -> memref<1x128xi32, #tpu.memory_space<vmem>>
      %dma_start3A_448 = tpu.memref_squeeze %dma_start3A_447 : memref<1x128xi32, #tpu.memory_space<vmem>> -> memref<128xi32, #tpu.memory_space<vmem>>
      %dma_start3A_449 = arith.constant 0 : i32
      %dma_start3A_450 = arith.constant 0 : i32
      %dma_start3A_451 = tpu.memref_slice %arg12[%dma_start3A_449, %dma_start3A_450] : memref<10240x16xf32, #tpu.memory_space<vmem_shared>> -> memref<10240x16xf32, #tpu.memory_space<vmem_shared>>
      tpu.enqueue_indirect_dma source(%arg31 : memref<128x16xf32, #tpu.memory_space<vmem>>) target(%dma_start3A_451 : memref<10240x16xf32, #tpu.memory_space<vmem_shared>>) offsets(%dma_start3A_448 : memref<128xi32, #tpu.memory_space<vmem>>) semaphore(%run_scoped3A_445 : memref<!tpu.dma_semaphore, #tpu.memory_space<semaphore_mem>>) {add = true}
      %dma_wait3A_452 = arith.constant 0 : i32
      %dma_wait3A_453 = tpu.memref_slice %arg16[%run_scoped3A_278, %dma_wait3A_452] : memref<80x128xi32, #tpu.memory_space<vmem>> -> memref<1x128xi32, #tpu.memory_space<vmem>>
      %dma_wait3A_454 = tpu.memref_squeeze %dma_wait3A_453 : memref<1x128xi32, #tpu.memory_space<vmem>> -> memref<128xi32, #tpu.memory_space<vmem>>
      %dma_wait3A_455 = arith.constant 0 : i32
      %dma_wait3A_456 = arith.constant 0 : i32
      %dma_wait3A_457 = tpu.memref_slice %arg12[%dma_wait3A_455, %dma_wait3A_456] : memref<10240x16xf32, #tpu.memory_space<vmem_shared>> -> memref<10240x16xf32, #tpu.memory_space<vmem_shared>>
      tpu.wait_indirect_dma semaphore(%run_scoped3A_445 : memref<!tpu.dma_semaphore, #tpu.memory_space<semaphore_mem>>) src(%arg31 : memref<128x16xf32, #tpu.memory_space<vmem>>) dst(%dma_wait3A_457 : memref<10240x16xf32, #tpu.memory_space<vmem_shared>>)
      tpu.yield
    }) : () -> ()
    %dma_wait3A_279 = arith.constant 78 : i32
    %dma_wait3A_280 = arith.constant 0 : i32
    %dma_wait3A_281 = tpu.memref_slice %arg15[%dma_wait3A_279, %dma_wait3A_280] : memref<80x128xi32, #tpu.memory_space<vmem>> -> memref<1x128xi32, #tpu.memory_space<vmem>>
    %dma_wait3A_282 = tpu.memref_squeeze %dma_wait3A_281 : memref<1x128xi32, #tpu.memory_space<vmem>> -> memref<128xi32, #tpu.memory_space<vmem>>
    %dma_wait3A_283 = arith.constant 0 : i32
    %dma_wait3A_284 = arith.constant 0 : i32
    %dma_wait3A_285 = tpu.memref_slice %arg11[%dma_wait3A_283, %dma_wait3A_284] : memref<10240x16xf32, #tpu.memory_space<vmem_shared>> -> memref<10240x16xf32, #tpu.memory_space<vmem_shared>>
    tpu.wait_indirect_dma semaphore(%arg40 : memref<!tpu.dma_semaphore, #tpu.memory_space<semaphore_mem>>) src(%dma_wait3A_285 : memref<10240x16xf32, #tpu.memory_space<vmem_shared>>) dst(%arg32 : memref<128x16xf32, #tpu.memory_space<vmem>>)
    %run_scoped3A_286 = arith.constant 78 : i32
    "tpu.region"() ({
      %run_scoped3A_445 = tpu.sem_alloc : memref<!tpu.dma_semaphore, #tpu.memory_space<semaphore_mem>>
      %dma_start3A_446 = arith.constant 0 : i32
      %dma_start3A_447 = tpu.memref_slice %arg16[%run_scoped3A_286, %dma_start3A_446] : memref<80x128xi32, #tpu.memory_space<vmem>> -> memref<1x128xi32, #tpu.memory_space<vmem>>
      %dma_start3A_448 = tpu.memref_squeeze %dma_start3A_447 : memref<1x128xi32, #tpu.memory_space<vmem>> -> memref<128xi32, #tpu.memory_space<vmem>>
      %dma_start3A_449 = arith.constant 0 : i32
      %dma_start3A_450 = arith.constant 0 : i32
      %dma_start3A_451 = tpu.memref_slice %arg12[%dma_start3A_449, %dma_start3A_450] : memref<10240x16xf32, #tpu.memory_space<vmem_shared>> -> memref<10240x16xf32, #tpu.memory_space<vmem_shared>>
      tpu.enqueue_indirect_dma source(%arg32 : memref<128x16xf32, #tpu.memory_space<vmem>>) target(%dma_start3A_451 : memref<10240x16xf32, #tpu.memory_space<vmem_shared>>) offsets(%dma_start3A_448 : memref<128xi32, #tpu.memory_space<vmem>>) semaphore(%run_scoped3A_445 : memref<!tpu.dma_semaphore, #tpu.memory_space<semaphore_mem>>) {add = true}
      %dma_wait3A_452 = arith.constant 0 : i32
      %dma_wait3A_453 = tpu.memref_slice %arg16[%run_scoped3A_286, %dma_wait3A_452] : memref<80x128xi32, #tpu.memory_space<vmem>> -> memref<1x128xi32, #tpu.memory_space<vmem>>
      %dma_wait3A_454 = tpu.memref_squeeze %dma_wait3A_453 : memref<1x128xi32, #tpu.memory_space<vmem>> -> memref<128xi32, #tpu.memory_space<vmem>>
      %dma_wait3A_455 = arith.constant 0 : i32
      %dma_wait3A_456 = arith.constant 0 : i32
      %dma_wait3A_457 = tpu.memref_slice %arg12[%dma_wait3A_455, %dma_wait3A_456] : memref<10240x16xf32, #tpu.memory_space<vmem_shared>> -> memref<10240x16xf32, #tpu.memory_space<vmem_shared>>
      tpu.wait_indirect_dma semaphore(%run_scoped3A_445 : memref<!tpu.dma_semaphore, #tpu.memory_space<semaphore_mem>>) src(%arg32 : memref<128x16xf32, #tpu.memory_space<vmem>>) dst(%dma_wait3A_457 : memref<10240x16xf32, #tpu.memory_space<vmem_shared>>)
      tpu.yield
    }) : () -> ()
    %dma_wait3A_287 = arith.constant 79 : i32
    %dma_wait3A_288 = arith.constant 0 : i32
    %dma_wait3A_289 = tpu.memref_slice %arg15[%dma_wait3A_287, %dma_wait3A_288] : memref<80x128xi32, #tpu.memory_space<vmem>> -> memref<1x128xi32, #tpu.memory_space<vmem>>
    %dma_wait3A_290 = tpu.memref_squeeze %dma_wait3A_289 : memref<1x128xi32, #tpu.memory_space<vmem>> -> memref<128xi32, #tpu.memory_space<vmem>>
    %dma_wait3A_291 = arith.constant 0 : i32
    %dma_wait3A_292 = arith.constant 0 : i32
    %dma_wait3A_293 = tpu.memref_slice %arg11[%dma_wait3A_291, %dma_wait3A_292] : memref<10240x16xf32, #tpu.memory_space<vmem_shared>> -> memref<10240x16xf32, #tpu.memory_space<vmem_shared>>
    tpu.wait_indirect_dma semaphore(%arg41 : memref<!tpu.dma_semaphore, #tpu.memory_space<semaphore_mem>>) src(%dma_wait3A_293 : memref<10240x16xf32, #tpu.memory_space<vmem_shared>>) dst(%arg33 : memref<128x16xf32, #tpu.memory_space<vmem>>)
    %run_scoped3A_294 = arith.constant 79 : i32
    "tpu.region"() ({
      %run_scoped3A_445 = tpu.sem_alloc : memref<!tpu.dma_semaphore, #tpu.memory_space<semaphore_mem>>
      %dma_start3A_446 = arith.constant 0 : i32
      %dma_start3A_447 = tpu.memref_slice %arg16[%run_scoped3A_294, %dma_start3A_446] : memref<80x128xi32, #tpu.memory_space<vmem>> -> memref<1x128xi32, #tpu.memory_space<vmem>>
      %dma_start3A_448 = tpu.memref_squeeze %dma_start3A_447 : memref<1x128xi32, #tpu.memory_space<vmem>> -> memref<128xi32, #tpu.memory_space<vmem>>
      %dma_start3A_449 = arith.constant 0 : i32
      %dma_start3A_450 = arith.constant 0 : i32
      %dma_start3A_451 = tpu.memref_slice %arg12[%dma_start3A_449, %dma_start3A_450] : memref<10240x16xf32, #tpu.memory_space<vmem_shared>> -> memref<10240x16xf32, #tpu.memory_space<vmem_shared>>
      tpu.enqueue_indirect_dma source(%arg33 : memref<128x16xf32, #tpu.memory_space<vmem>>) target(%dma_start3A_451 : memref<10240x16xf32, #tpu.memory_space<vmem_shared>>) offsets(%dma_start3A_448 : memref<128xi32, #tpu.memory_space<vmem>>) semaphore(%run_scoped3A_445 : memref<!tpu.dma_semaphore, #tpu.memory_space<semaphore_mem>>) {add = true}
      %dma_wait3A_452 = arith.constant 0 : i32
      %dma_wait3A_453 = tpu.memref_slice %arg16[%run_scoped3A_294, %dma_wait3A_452] : memref<80x128xi32, #tpu.memory_space<vmem>> -> memref<1x128xi32, #tpu.memory_space<vmem>>
      %dma_wait3A_454 = tpu.memref_squeeze %dma_wait3A_453 : memref<1x128xi32, #tpu.memory_space<vmem>> -> memref<128xi32, #tpu.memory_space<vmem>>
      %dma_wait3A_455 = arith.constant 0 : i32
      %dma_wait3A_456 = arith.constant 0 : i32
      %dma_wait3A_457 = tpu.memref_slice %arg12[%dma_wait3A_455, %dma_wait3A_456] : memref<10240x16xf32, #tpu.memory_space<vmem_shared>> -> memref<10240x16xf32, #tpu.memory_space<vmem_shared>>
      tpu.wait_indirect_dma semaphore(%run_scoped3A_445 : memref<!tpu.dma_semaphore, #tpu.memory_space<semaphore_mem>>) src(%arg33 : memref<128x16xf32, #tpu.memory_space<vmem>>) dst(%dma_wait3A_457 : memref<10240x16xf32, #tpu.memory_space<vmem_shared>>)
      tpu.yield
    }) : () -> ()
    %barrier3A_295 = arith.constant 0 : index
    tpu.barrier barrier_id(%barrier3A_295)
    "tpu.region"() ({
      %run_scoped3A_445 = tpu.sem_alloc : memref<!tpu.dma_semaphore, #tpu.memory_space<semaphore_mem>>
      %dma_start3A_446 = arith.constant 0 : i32
      %dma_start3A_447 = tpu.memref_slice %arg12[%mul3A_0, %dma_start3A_446] : memref<10240x16xf32, #tpu.memory_space<vmem_shared>> -> memref<640x16xf32, #tpu.memory_space<vmem_shared>>
      %dma_start3A_448 = arith.constant 0 : i32
      %dma_start3A_449 = tpu.memref_slice %arg12[%mul3A_0, %dma_start3A_448] : memref<10240x16xf32, #tpu.memory_space<vmem_shared>> -> memref<640x16xf32, #tpu.memory_space<vmem_shared>>
      tpu.enqueue_dma source(%dma_start3A_449 : memref<640x16xf32, #tpu.memory_space<vmem_shared>>) target(%arg22 : memref<640x16xf32, #tpu.memory_space<vmem>>) target_semaphore(%run_scoped3A_445 : memref<!tpu.dma_semaphore, #tpu.memory_space<semaphore_mem>>)
      %dma_wait3A_450 = arith.constant 0 : i32
      %dma_wait3A_451 = tpu.memref_slice %arg12[%mul3A_0, %dma_wait3A_450] : memref<10240x16xf32, #tpu.memory_space<vmem_shared>> -> memref<640x16xf32, #tpu.memory_space<vmem_shared>>
      %dma_wait3A_452 = arith.constant 0 : i32
      %dma_wait3A_453 = tpu.memref_slice %arg12[%mul3A_0, %dma_wait3A_452] : memref<10240x16xf32, #tpu.memory_space<vmem_shared>> -> memref<640x16xf32, #tpu.memory_space<vmem_shared>>
      tpu.wait_dma2 semaphore(%run_scoped3A_445 : memref<!tpu.dma_semaphore, #tpu.memory_space<semaphore_mem>>) src(%dma_wait3A_453 : memref<640x16xf32, #tpu.memory_space<vmem_shared>>) dst(%arg22 : memref<640x16xf32, #tpu.memory_space<vmem>>)
      tpu.yield
    }) : () -> ()
    "tpu.region"() ({
      %run_scoped3A_445 = tpu.sem_alloc : memref<!tpu.dma_semaphore, #tpu.memory_space<semaphore_mem>>
      %dma_start3A_446 = arith.constant 0 : i32
      %dma_start3A_447 = tpu.memref_slice %arg12[%mul3A_0, %dma_start3A_446] : memref<10240x16xf32, #tpu.memory_space<vmem_shared>> -> memref<640x16xf32, #tpu.memory_space<vmem_shared>>
      %dma_start3A_448 = arith.constant 0 : i32
      %dma_start3A_449 = tpu.memref_slice %arg8[%mul3A_0, %dma_start3A_448] : memref<10240x16xf32, #tpu.memory_space<hbm>> -> memref<640x16xf32, #tpu.memory_space<hbm>>
      tpu.enqueue_dma source(%dma_start3A_449 : memref<640x16xf32, #tpu.memory_space<hbm>>) target(%dma_start3A_447 : memref<640x16xf32, #tpu.memory_space<vmem_shared>>) target_semaphore(%run_scoped3A_445 : memref<!tpu.dma_semaphore, #tpu.memory_space<semaphore_mem>>)
      %dma_wait3A_450 = arith.constant 0 : i32
      %dma_wait3A_451 = tpu.memref_slice %arg12[%mul3A_0, %dma_wait3A_450] : memref<10240x16xf32, #tpu.memory_space<vmem_shared>> -> memref<640x16xf32, #tpu.memory_space<vmem_shared>>
      %dma_wait3A_452 = arith.constant 0 : i32
      %dma_wait3A_453 = tpu.memref_slice %arg8[%mul3A_0, %dma_wait3A_452] : memref<10240x16xf32, #tpu.memory_space<hbm>> -> memref<640x16xf32, #tpu.memory_space<hbm>>
      tpu.wait_dma2 semaphore(%run_scoped3A_445 : memref<!tpu.dma_semaphore, #tpu.memory_space<semaphore_mem>>) src(%dma_wait3A_453 : memref<640x16xf32, #tpu.memory_space<hbm>>) dst(%dma_wait3A_451 : memref<640x16xf32, #tpu.memory_space<vmem_shared>>)
      tpu.yield
    }) : () -> ()
    %get3A = arith.constant 0 : index
    %get3A_296 = tpu.vector_load %arg19[%get3A] {strides = array<i32>} : memref<16xf32, #tpu.memory_space<vmem>>, vector<16xf32>,
    %scan3A_297 = arith.constant 0 : i32
    %scan3A_298 = arith.constant 0 : i32
    %scan3A_299 = arith.constant 40 : i32
    %scan3A_300 = arith.addi %scan3A_298, %scan3A_299 : i32
    %scan3A_301 = arith.constant 1 : i32
    scf.for %scan3A_445 = %scan3A_298 to %scan3A_300 step %scan3A_301  : i32 {
      %mul3A_446 = arith.constant 16 : i32
      %mul3A_447 = arith.muli %scan3A_445, %mul3A_446 : i32
      %get3A_448 = arith.index_cast %mul3A_447 : i32 to index
      %get3A_449 = tpu.vector_load %arg20[%get3A_448] {strides = array<i32>} : memref<640xf32, #tpu.memory_space<vmem>>, vector<16xf32>,
      %mul3A_450 = arith.constant 16 : i32
      %mul3A_451 = arith.muli %scan3A_445, %mul3A_450 : i32
      %add3A_452 = arith.constant 0 : i32
      %add3A_453 = arith.addi %mul3A_451, %add3A_452 : i32
      %get3A_454 = arith.index_cast %add3A_453 : i32 to index
      %get3A_455 = arith.constant 0 : index
      %get3A_456 = tpu.vector_load %arg22[%get3A_454, %get3A_455] {strides = array<i32>} : memref<640x16xf32, #tpu.memory_space<vmem>>, vector<16xf32>,
      %get3A_457 = arith.index_cast %add3A_453 : i32 to index
      %get3A_458 = arith.constant 0 : index
      %get3A_459 = tpu.vector_load %arg21[%get3A_457, %get3A_458] {strides = array<i32>} : memref<640x16xf32, #tpu.memory_space<vmem>>, vector<16xf32>,
      %add3A_460 = arith.addf %get3A_456, %get3A_459 : vector<16xf32>
      %slice3A = vector.extract_strided_slice %get3A_449 {offsets = [0], sizes = [1], strides = [1]} : vector<16xf32> to vector<1xf32>
      %squeeze3A = vector.extract %slice3A[0] : f32 from vector<1xf32>
      %mul3A_461 = vector.broadcast %squeeze3A : f32 to vector<16xf32>
      %mul3A_462 = arith.mulf %add3A_460, %mul3A_461 : vector<16xf32>
      %add3A_463 = arith.addf %mul3A_462, %get3A_296 : vector<16xf32>
      %max3A = arith.constant 0.000000e+00 : f32
      %max3A_464 = vector.broadcast %max3A : f32 to vector<16xf32>
      %max3A_465 = arith.maximumf %add3A_463, %max3A_464 : vector<16xf32>
      %slice3A_466 = vector.extract_strided_slice %get3A_449 {offsets = [0], sizes = [1], strides = [1]} : vector<16xf32> to vector<1xf32>
      %squeeze3A_467 = vector.extract %slice3A_466[0] : f32 from vector<1xf32>
      %mul3A_468 = vector.broadcast %squeeze3A_467 : f32 to vector<16xf32>
      %mul3A_469 = arith.mulf %max3A_465, %mul3A_468 : vector<16xf32>
      %swap3A_470 = arith.index_cast %add3A_453 : i32 to index
      %swap3A_471 = arith.constant 0 : index
      %swap3A_472 = tpu.vector_load %arg21[%swap3A_470, %swap3A_471] {strides = array<i32>} : memref<640x16xf32, #tpu.memory_space<vmem>>, vector<16xf32>,
      tpu.vector_store %arg21[%swap3A_470, %swap3A_471], %mul3A_469 {strides = array<i32>} : memref<640x16xf32, #tpu.memory_space<vmem>>, vector<16xf32>,
      %mul3A_473 = arith.constant 16 : i32
      %mul3A_474 = arith.muli %scan3A_445, %mul3A_473 : i32
      %add3A_475 = arith.constant 1 : i32
      %add3A_476 = arith.addi %mul3A_474, %add3A_475 : i32
      %get3A_477 = arith.index_cast %add3A_476 : i32 to index
      %get3A_478 = arith.constant 0 : index
      %get3A_479 = tpu.vector_load %arg22[%get3A_477, %get3A_478] {strides = array<i32>} : memref<640x16xf32, #tpu.memory_space<vmem>>, vector<16xf32>,
      %get3A_480 = arith.index_cast %add3A_476 : i32 to index
      %get3A_481 = arith.constant 0 : index
      %get3A_482 = tpu.vector_load %arg21[%get3A_480, %get3A_481] {strides = array<i32>} : memref<640x16xf32, #tpu.memory_space<vmem>>, vector<16xf32>,
      %add3A_483 = arith.addf %get3A_479, %get3A_482 : vector<16xf32>
      %slice3A_484 = vector.extract_strided_slice %get3A_449 {offsets = [1], sizes = [1], strides = [1]} : vector<16xf32> to vector<1xf32>
      %squeeze3A_485 = vector.extract %slice3A_484[0] : f32 from vector<1xf32>
      %mul3A_486 = vector.broadcast %squeeze3A_485 : f32 to vector<16xf32>
      %mul3A_487 = arith.mulf %add3A_483, %mul3A_486 : vector<16xf32>
      %add3A_488 = arith.addf %mul3A_487, %get3A_296 : vector<16xf32>
      %max3A_489 = arith.constant 0.000000e+00 : f32
      %max3A_490 = vector.broadcast %max3A_489 : f32 to vector<16xf32>
      %max3A_491 = arith.maximumf %add3A_488, %max3A_490 : vector<16xf32>
      %slice3A_492 = vector.extract_strided_slice %get3A_449 {offsets = [1], sizes = [1], strides = [1]} : vector<16xf32> to vector<1xf32>
      %squeeze3A_493 = vector.extract %slice3A_492[0] : f32 from vector<1xf32>
      %mul3A_494 = vector.broadcast %squeeze3A_493 : f32 to vector<16xf32>
      %mul3A_495 = arith.mulf %max3A_491, %mul3A_494 : vector<16xf32>
      %swap3A_496 = arith.index_cast %add3A_476 : i32 to index
      %swap3A_497 = arith.constant 0 : index
      %swap3A_498 = tpu.vector_load %arg21[%swap3A_496, %swap3A_497] {strides = array<i32>} : memref<640x16xf32, #tpu.memory_space<vmem>>, vector<16xf32>,
      tpu.vector_store %arg21[%swap3A_496, %swap3A_497], %mul3A_495 {strides = array<i32>} : memref<640x16xf32, #tpu.memory_space<vmem>>, vector<16xf32>,
      %mul3A_499 = arith.constant 16 : i32
      %mul3A_500 = arith.muli %scan3A_445, %mul3A_499 : i32
      %add3A_501 = arith.constant 2 : i32
      %add3A_502 = arith.addi %mul3A_500, %add3A_501 : i32
      %get3A_503 = arith.index_cast %add3A_502 : i32 to index
      %get3A_504 = arith.constant 0 : index
      %get3A_505 = tpu.vector_load %arg22[%get3A_503, %get3A_504] {strides = array<i32>} : memref<640x16xf32, #tpu.memory_space<vmem>>, vector<16xf32>,
      %get3A_506 = arith.index_cast %add3A_502 : i32 to index
      %get3A_507 = arith.constant 0 : index
      %get3A_508 = tpu.vector_load %arg21[%get3A_506, %get3A_507] {strides = array<i32>} : memref<640x16xf32, #tpu.memory_space<vmem>>, vector<16xf32>,
      %add3A_509 = arith.addf %get3A_505, %get3A_508 : vector<16xf32>
      %slice3A_510 = vector.extract_strided_slice %get3A_449 {offsets = [2], sizes = [1], strides = [1]} : vector<16xf32> to vector<1xf32>
      %squeeze3A_511 = vector.extract %slice3A_510[0] : f32 from vector<1xf32>
      %mul3A_512 = vector.broadcast %squeeze3A_511 : f32 to vector<16xf32>
      %mul3A_513 = arith.mulf %add3A_509, %mul3A_512 : vector<16xf32>
      %add3A_514 = arith.addf %mul3A_513, %get3A_296 : vector<16xf32>
      %max3A_515 = arith.constant 0.000000e+00 : f32
      %max3A_516 = vector.broadcast %max3A_515 : f32 to vector<16xf32>
      %max3A_517 = arith.maximumf %add3A_514, %max3A_516 : vector<16xf32>
      %slice3A_518 = vector.extract_strided_slice %get3A_449 {offsets = [2], sizes = [1], strides = [1]} : vector<16xf32> to vector<1xf32>
      %squeeze3A_519 = vector.extract %slice3A_518[0] : f32 from vector<1xf32>
      %mul3A_520 = vector.broadcast %squeeze3A_519 : f32 to vector<16xf32>
      %mul3A_521 = arith.mulf %max3A_517, %mul3A_520 : vector<16xf32>
      %swap3A_522 = arith.index_cast %add3A_502 : i32 to index
      %swap3A_523 = arith.constant 0 : index
      %swap3A_524 = tpu.vector_load %arg21[%swap3A_522, %swap3A_523] {strides = array<i32>} : memref<640x16xf32, #tpu.memory_space<vmem>>, vector<16xf32>,
      tpu.vector_store %arg21[%swap3A_522, %swap3A_523], %mul3A_521 {strides = array<i32>} : memref<640x16xf32, #tpu.memory_space<vmem>>, vector<16xf32>,
      %mul3A_525 = arith.constant 16 : i32
      %mul3A_526 = arith.muli %scan3A_445, %mul3A_525 : i32
      %add3A_527 = arith.constant 3 : i32
      %add3A_528 = arith.addi %mul3A_526, %add3A_527 : i32
      %get3A_529 = arith.index_cast %add3A_528 : i32 to index
      %get3A_530 = arith.constant 0 : index
      %get3A_531 = tpu.vector_load %arg22[%get3A_529, %get3A_530] {strides = array<i32>} : memref<640x16xf32, #tpu.memory_space<vmem>>, vector<16xf32>,
      %get3A_532 = arith.index_cast %add3A_528 : i32 to index
      %get3A_533 = arith.constant 0 : index
      %get3A_534 = tpu.vector_load %arg21[%get3A_532, %get3A_533] {strides = array<i32>} : memref<640x16xf32, #tpu.memory_space<vmem>>, vector<16xf32>,
      %add3A_535 = arith.addf %get3A_531, %get3A_534 : vector<16xf32>
      %slice3A_536 = vector.extract_strided_slice %get3A_449 {offsets = [3], sizes = [1], strides = [1]} : vector<16xf32> to vector<1xf32>
      %squeeze3A_537 = vector.extract %slice3A_536[0] : f32 from vector<1xf32>
      %mul3A_538 = vector.broadcast %squeeze3A_537 : f32 to vector<16xf32>
      %mul3A_539 = arith.mulf %add3A_535, %mul3A_538 : vector<16xf32>
      %add3A_540 = arith.addf %mul3A_539, %get3A_296 : vector<16xf32>
      %max3A_541 = arith.constant 0.000000e+00 : f32
      %max3A_542 = vector.broadcast %max3A_541 : f32 to vector<16xf32>
      %max3A_543 = arith.maximumf %add3A_540, %max3A_542 : vector<16xf32>
      %slice3A_544 = vector.extract_strided_slice %get3A_449 {offsets = [3], sizes = [1], strides = [1]} : vector<16xf32> to vector<1xf32>
      %squeeze3A_545 = vector.extract %slice3A_544[0] : f32 from vector<1xf32>
      %mul3A_546 = vector.broadcast %squeeze3A_545 : f32 to vector<16xf32>
      %mul3A_547 = arith.mulf %max3A_543, %mul3A_546 : vector<16xf32>
      %swap3A_548 = arith.index_cast %add3A_528 : i32 to index
      %swap3A_549 = arith.constant 0 : index
      %swap3A_550 = tpu.vector_load %arg21[%swap3A_548, %swap3A_549] {strides = array<i32>} : memref<640x16xf32, #tpu.memory_space<vmem>>, vector<16xf32>,
      tpu.vector_store %arg21[%swap3A_548, %swap3A_549], %mul3A_547 {strides = array<i32>} : memref<640x16xf32, #tpu.memory_space<vmem>>, vector<16xf32>,
      %mul3A_551 = arith.constant 16 : i32
      %mul3A_552 = arith.muli %scan3A_445, %mul3A_551 : i32
      %add3A_553 = arith.constant 4 : i32
      %add3A_554 = arith.addi %mul3A_552, %add3A_553 : i32
      %get3A_555 = arith.index_cast %add3A_554 : i32 to index
      %get3A_556 = arith.constant 0 : index
      %get3A_557 = tpu.vector_load %arg22[%get3A_555, %get3A_556] {strides = array<i32>} : memref<640x16xf32, #tpu.memory_space<vmem>>, vector<16xf32>,
      %get3A_558 = arith.index_cast %add3A_554 : i32 to index
      %get3A_559 = arith.constant 0 : index
      %get3A_560 = tpu.vector_load %arg21[%get3A_558, %get3A_559] {strides = array<i32>} : memref<640x16xf32, #tpu.memory_space<vmem>>, vector<16xf32>,
      %add3A_561 = arith.addf %get3A_557, %get3A_560 : vector<16xf32>
      %slice3A_562 = vector.extract_strided_slice %get3A_449 {offsets = [4], sizes = [1], strides = [1]} : vector<16xf32> to vector<1xf32>
      %squeeze3A_563 = vector.extract %slice3A_562[0] : f32 from vector<1xf32>
      %mul3A_564 = vector.broadcast %squeeze3A_563 : f32 to vector<16xf32>
      %mul3A_565 = arith.mulf %add3A_561, %mul3A_564 : vector<16xf32>
      %add3A_566 = arith.addf %mul3A_565, %get3A_296 : vector<16xf32>
      %max3A_567 = arith.constant 0.000000e+00 : f32
      %max3A_568 = vector.broadcast %max3A_567 : f32 to vector<16xf32>
      %max3A_569 = arith.maximumf %add3A_566, %max3A_568 : vector<16xf32>
      %slice3A_570 = vector.extract_strided_slice %get3A_449 {offsets = [4], sizes = [1], strides = [1]} : vector<16xf32> to vector<1xf32>
      %squeeze3A_571 = vector.extract %slice3A_570[0] : f32 from vector<1xf32>
      %mul3A_572 = vector.broadcast %squeeze3A_571 : f32 to vector<16xf32>
      %mul3A_573 = arith.mulf %max3A_569, %mul3A_572 : vector<16xf32>
      %swap3A_574 = arith.index_cast %add3A_554 : i32 to index
      %swap3A_575 = arith.constant 0 : index
      %swap3A_576 = tpu.vector_load %arg21[%swap3A_574, %swap3A_575] {strides = array<i32>} : memref<640x16xf32, #tpu.memory_space<vmem>>, vector<16xf32>,
      tpu.vector_store %arg21[%swap3A_574, %swap3A_575], %mul3A_573 {strides = array<i32>} : memref<640x16xf32, #tpu.memory_space<vmem>>, vector<16xf32>,
      %mul3A_577 = arith.constant 16 : i32
      %mul3A_578 = arith.muli %scan3A_445, %mul3A_577 : i32
      %add3A_579 = arith.constant 5 : i32
      %add3A_580 = arith.addi %mul3A_578, %add3A_579 : i32
      %get3A_581 = arith.index_cast %add3A_580 : i32 to index
      %get3A_582 = arith.constant 0 : index
      %get3A_583 = tpu.vector_load %arg22[%get3A_581, %get3A_582] {strides = array<i32>} : memref<640x16xf32, #tpu.memory_space<vmem>>, vector<16xf32>,
      %get3A_584 = arith.index_cast %add3A_580 : i32 to index
      %get3A_585 = arith.constant 0 : index
      %get3A_586 = tpu.vector_load %arg21[%get3A_584, %get3A_585] {strides = array<i32>} : memref<640x16xf32, #tpu.memory_space<vmem>>, vector<16xf32>,
      %add3A_587 = arith.addf %get3A_583, %get3A_586 : vector<16xf32>
      %slice3A_588 = vector.extract_strided_slice %get3A_449 {offsets = [5], sizes = [1], strides = [1]} : vector<16xf32> to vector<1xf32>
      %squeeze3A_589 = vector.extract %slice3A_588[0] : f32 from vector<1xf32>
      %mul3A_590 = vector.broadcast %squeeze3A_589 : f32 to vector<16xf32>
      %mul3A_591 = arith.mulf %add3A_587, %mul3A_590 : vector<16xf32>
      %add3A_592 = arith.addf %mul3A_591, %get3A_296 : vector<16xf32>
      %max3A_593 = arith.constant 0.000000e+00 : f32
      %max3A_594 = vector.broadcast %max3A_593 : f32 to vector<16xf32>
      %max3A_595 = arith.maximumf %add3A_592, %max3A_594 : vector<16xf32>
      %slice3A_596 = vector.extract_strided_slice %get3A_449 {offsets = [5], sizes = [1], strides = [1]} : vector<16xf32> to vector<1xf32>
      %squeeze3A_597 = vector.extract %slice3A_596[0] : f32 from vector<1xf32>
      %mul3A_598 = vector.broadcast %squeeze3A_597 : f32 to vector<16xf32>
      %mul3A_599 = arith.mulf %max3A_595, %mul3A_598 : vector<16xf32>
      %swap3A_600 = arith.index_cast %add3A_580 : i32 to index
      %swap3A_601 = arith.constant 0 : index
      %swap3A_602 = tpu.vector_load %arg21[%swap3A_600, %swap3A_601] {strides = array<i32>} : memref<640x16xf32, #tpu.memory_space<vmem>>, vector<16xf32>,
      tpu.vector_store %arg21[%swap3A_600, %swap3A_601], %mul3A_599 {strides = array<i32>} : memref<640x16xf32, #tpu.memory_space<vmem>>, vector<16xf32>,
      %mul3A_603 = arith.constant 16 : i32
      %mul3A_604 = arith.muli %scan3A_445, %mul3A_603 : i32
      %add3A_605 = arith.constant 6 : i32
      %add3A_606 = arith.addi %mul3A_604, %add3A_605 : i32
      %get3A_607 = arith.index_cast %add3A_606 : i32 to index
      %get3A_608 = arith.constant 0 : index
      %get3A_609 = tpu.vector_load %arg22[%get3A_607, %get3A_608] {strides = array<i32>} : memref<640x16xf32, #tpu.memory_space<vmem>>, vector<16xf32>,
      %get3A_610 = arith.index_cast %add3A_606 : i32 to index
      %get3A_611 = arith.constant 0 : index
      %get3A_612 = tpu.vector_load %arg21[%get3A_610, %get3A_611] {strides = array<i32>} : memref<640x16xf32, #tpu.memory_space<vmem>>, vector<16xf32>,
      %add3A_613 = arith.addf %get3A_609, %get3A_612 : vector<16xf32>
      %slice3A_614 = vector.extract_strided_slice %get3A_449 {offsets = [6], sizes = [1], strides = [1]} : vector<16xf32> to vector<1xf32>
      %squeeze3A_615 = vector.extract %slice3A_614[0] : f32 from vector<1xf32>
      %mul3A_616 = vector.broadcast %squeeze3A_615 : f32 to vector<16xf32>
      %mul3A_617 = arith.mulf %add3A_613, %mul3A_616 : vector<16xf32>
      %add3A_618 = arith.addf %mul3A_617, %get3A_296 : vector<16xf32>
      %max3A_619 = arith.constant 0.000000e+00 : f32
      %max3A_620 = vector.broadcast %max3A_619 : f32 to vector<16xf32>
      %max3A_621 = arith.maximumf %add3A_618, %max3A_620 : vector<16xf32>
      %slice3A_622 = vector.extract_strided_slice %get3A_449 {offsets = [6], sizes = [1], strides = [1]} : vector<16xf32> to vector<1xf32>
      %squeeze3A_623 = vector.extract %slice3A_622[0] : f32 from vector<1xf32>
      %mul3A_624 = vector.broadcast %squeeze3A_623 : f32 to vector<16xf32>
      %mul3A_625 = arith.mulf %max3A_621, %mul3A_624 : vector<16xf32>
      %swap3A_626 = arith.index_cast %add3A_606 : i32 to index
      %swap3A_627 = arith.constant 0 : index
      %swap3A_628 = tpu.vector_load %arg21[%swap3A_626, %swap3A_627] {strides = array<i32>} : memref<640x16xf32, #tpu.memory_space<vmem>>, vector<16xf32>,
      tpu.vector_store %arg21[%swap3A_626, %swap3A_627], %mul3A_625 {strides = array<i32>} : memref<640x16xf32, #tpu.memory_space<vmem>>, vector<16xf32>,
      %mul3A_629 = arith.constant 16 : i32
      %mul3A_630 = arith.muli %scan3A_445, %mul3A_629 : i32
      %add3A_631 = arith.constant 7 : i32
      %add3A_632 = arith.addi %mul3A_630, %add3A_631 : i32
      %get3A_633 = arith.index_cast %add3A_632 : i32 to index
      %get3A_634 = arith.constant 0 : index
      %get3A_635 = tpu.vector_load %arg22[%get3A_633, %get3A_634] {strides = array<i32>} : memref<640x16xf32, #tpu.memory_space<vmem>>, vector<16xf32>,
      %get3A_636 = arith.index_cast %add3A_632 : i32 to index
      %get3A_637 = arith.constant 0 : index
      %get3A_638 = tpu.vector_load %arg21[%get3A_636, %get3A_637] {strides = array<i32>} : memref<640x16xf32, #tpu.memory_space<vmem>>, vector<16xf32>,
      %add3A_639 = arith.addf %get3A_635, %get3A_638 : vector<16xf32>
      %slice3A_640 = vector.extract_strided_slice %get3A_449 {offsets = [7], sizes = [1], strides = [1]} : vector<16xf32> to vector<1xf32>
      %squeeze3A_641 = vector.extract %slice3A_640[0] : f32 from vector<1xf32>
      %mul3A_642 = vector.broadcast %squeeze3A_641 : f32 to vector<16xf32>
      %mul3A_643 = arith.mulf %add3A_639, %mul3A_642 : vector<16xf32>
      %add3A_644 = arith.addf %mul3A_643, %get3A_296 : vector<16xf32>
      %max3A_645 = arith.constant 0.000000e+00 : f32
      %max3A_646 = vector.broadcast %max3A_645 : f32 to vector<16xf32>
      %max3A_647 = arith.maximumf %add3A_644, %max3A_646 : vector<16xf32>
      %slice3A_648 = vector.extract_strided_slice %get3A_449 {offsets = [7], sizes = [1], strides = [1]} : vector<16xf32> to vector<1xf32>
      %squeeze3A_649 = vector.extract %slice3A_648[0] : f32 from vector<1xf32>
      %mul3A_650 = vector.broadcast %squeeze3A_649 : f32 to vector<16xf32>
      %mul3A_651 = arith.mulf %max3A_647, %mul3A_650 : vector<16xf32>
      %swap3A_652 = arith.index_cast %add3A_632 : i32 to index
      %swap3A_653 = arith.constant 0 : index
      %swap3A_654 = tpu.vector_load %arg21[%swap3A_652, %swap3A_653] {strides = array<i32>} : memref<640x16xf32, #tpu.memory_space<vmem>>, vector<16xf32>,
      tpu.vector_store %arg21[%swap3A_652, %swap3A_653], %mul3A_651 {strides = array<i32>} : memref<640x16xf32, #tpu.memory_space<vmem>>, vector<16xf32>,
      %mul3A_655 = arith.constant 16 : i32
      %mul3A_656 = arith.muli %scan3A_445, %mul3A_655 : i32
      %add3A_657 = arith.constant 8 : i32
      %add3A_658 = arith.addi %mul3A_656, %add3A_657 : i32
      %get3A_659 = arith.index_cast %add3A_658 : i32 to index
      %get3A_660 = arith.constant 0 : index
      %get3A_661 = tpu.vector_load %arg22[%get3A_659, %get3A_660] {strides = array<i32>} : memref<640x16xf32, #tpu.memory_space<vmem>>, vector<16xf32>,
      %get3A_662 = arith.index_cast %add3A_658 : i32 to index
      %get3A_663 = arith.constant 0 : index
      %get3A_664 = tpu.vector_load %arg21[%get3A_662, %get3A_663] {strides = array<i32>} : memref<640x16xf32, #tpu.memory_space<vmem>>, vector<16xf32>,
      %add3A_665 = arith.addf %get3A_661, %get3A_664 : vector<16xf32>
      %slice3A_666 = vector.extract_strided_slice %get3A_449 {offsets = [8], sizes = [1], strides = [1]} : vector<16xf32> to vector<1xf32>
      %squeeze3A_667 = vector.extract %slice3A_666[0] : f32 from vector<1xf32>
      %mul3A_668 = vector.broadcast %squeeze3A_667 : f32 to vector<16xf32>
      %mul3A_669 = arith.mulf %add3A_665, %mul3A_668 : vector<16xf32>
      %add3A_670 = arith.addf %mul3A_669, %get3A_296 : vector<16xf32>
      %max3A_671 = arith.constant 0.000000e+00 : f32
      %max3A_672 = vector.broadcast %max3A_671 : f32 to vector<16xf32>
      %max3A_673 = arith.maximumf %add3A_670, %max3A_672 : vector<16xf32>
      %slice3A_674 = vector.extract_strided_slice %get3A_449 {offsets = [8], sizes = [1], strides = [1]} : vector<16xf32> to vector<1xf32>
      %squeeze3A_675 = vector.extract %slice3A_674[0] : f32 from vector<1xf32>
      %mul3A_676 = vector.broadcast %squeeze3A_675 : f32 to vector<16xf32>
      %mul3A_677 = arith.mulf %max3A_673, %mul3A_676 : vector<16xf32>
      %swap3A_678 = arith.index_cast %add3A_658 : i32 to index
      %swap3A_679 = arith.constant 0 : index
      %swap3A_680 = tpu.vector_load %arg21[%swap3A_678, %swap3A_679] {strides = array<i32>} : memref<640x16xf32, #tpu.memory_space<vmem>>, vector<16xf32>,
      tpu.vector_store %arg21[%swap3A_678, %swap3A_679], %mul3A_677 {strides = array<i32>} : memref<640x16xf32, #tpu.memory_space<vmem>>, vector<16xf32>,
      %mul3A_681 = arith.constant 16 : i32
      %mul3A_682 = arith.muli %scan3A_445, %mul3A_681 : i32
      %add3A_683 = arith.constant 9 : i32
      %add3A_684 = arith.addi %mul3A_682, %add3A_683 : i32
      %get3A_685 = arith.index_cast %add3A_684 : i32 to index
      %get3A_686 = arith.constant 0 : index
      %get3A_687 = tpu.vector_load %arg22[%get3A_685, %get3A_686] {strides = array<i32>} : memref<640x16xf32, #tpu.memory_space<vmem>>, vector<16xf32>,
      %get3A_688 = arith.index_cast %add3A_684 : i32 to index
      %get3A_689 = arith.constant 0 : index
      %get3A_690 = tpu.vector_load %arg21[%get3A_688, %get3A_689] {strides = array<i32>} : memref<640x16xf32, #tpu.memory_space<vmem>>, vector<16xf32>,
      %add3A_691 = arith.addf %get3A_687, %get3A_690 : vector<16xf32>
      %slice3A_692 = vector.extract_strided_slice %get3A_449 {offsets = [9], sizes = [1], strides = [1]} : vector<16xf32> to vector<1xf32>
      %squeeze3A_693 = vector.extract %slice3A_692[0] : f32 from vector<1xf32>
      %mul3A_694 = vector.broadcast %squeeze3A_693 : f32 to vector<16xf32>
      %mul3A_695 = arith.mulf %add3A_691, %mul3A_694 : vector<16xf32>
      %add3A_696 = arith.addf %mul3A_695, %get3A_296 : vector<16xf32>
      %max3A_697 = arith.constant 0.000000e+00 : f32
      %max3A_698 = vector.broadcast %max3A_697 : f32 to vector<16xf32>
      %max3A_699 = arith.maximumf %add3A_696, %max3A_698 : vector<16xf32>
      %slice3A_700 = vector.extract_strided_slice %get3A_449 {offsets = [9], sizes = [1], strides = [1]} : vector<16xf32> to vector<1xf32>
      %squeeze3A_701 = vector.extract %slice3A_700[0] : f32 from vector<1xf32>
      %mul3A_702 = vector.broadcast %squeeze3A_701 : f32 to vector<16xf32>
      %mul3A_703 = arith.mulf %max3A_699, %mul3A_702 : vector<16xf32>
      %swap3A_704 = arith.index_cast %add3A_684 : i32 to index
      %swap3A_705 = arith.constant 0 : index
      %swap3A_706 = tpu.vector_load %arg21[%swap3A_704, %swap3A_705] {strides = array<i32>} : memref<640x16xf32, #tpu.memory_space<vmem>>, vector<16xf32>,
      tpu.vector_store %arg21[%swap3A_704, %swap3A_705], %mul3A_703 {strides = array<i32>} : memref<640x16xf32, #tpu.memory_space<vmem>>, vector<16xf32>,
      %mul3A_707 = arith.constant 16 : i32
      %mul3A_708 = arith.muli %scan3A_445, %mul3A_707 : i32
      %add3A_709 = arith.constant 10 : i32
      %add3A_710 = arith.addi %mul3A_708, %add3A_709 : i32
      %get3A_711 = arith.index_cast %add3A_710 : i32 to index
      %get3A_712 = arith.constant 0 : index
      %get3A_713 = tpu.vector_load %arg22[%get3A_711, %get3A_712] {strides = array<i32>} : memref<640x16xf32, #tpu.memory_space<vmem>>, vector<16xf32>,
      %get3A_714 = arith.index_cast %add3A_710 : i32 to index
      %get3A_715 = arith.constant 0 : index
      %get3A_716 = tpu.vector_load %arg21[%get3A_714, %get3A_715] {strides = array<i32>} : memref<640x16xf32, #tpu.memory_space<vmem>>, vector<16xf32>,
      %add3A_717 = arith.addf %get3A_713, %get3A_716 : vector<16xf32>
      %slice3A_718 = vector.extract_strided_slice %get3A_449 {offsets = [10], sizes = [1], strides = [1]} : vector<16xf32> to vector<1xf32>
      %squeeze3A_719 = vector.extract %slice3A_718[0] : f32 from vector<1xf32>
      %mul3A_720 = vector.broadcast %squeeze3A_719 : f32 to vector<16xf32>
      %mul3A_721 = arith.mulf %add3A_717, %mul3A_720 : vector<16xf32>
      %add3A_722 = arith.addf %mul3A_721, %get3A_296 : vector<16xf32>
      %max3A_723 = arith.constant 0.000000e+00 : f32
      %max3A_724 = vector.broadcast %max3A_723 : f32 to vector<16xf32>
      %max3A_725 = arith.maximumf %add3A_722, %max3A_724 : vector<16xf32>
      %slice3A_726 = vector.extract_strided_slice %get3A_449 {offsets = [10], sizes = [1], strides = [1]} : vector<16xf32> to vector<1xf32>
      %squeeze3A_727 = vector.extract %slice3A_726[0] : f32 from vector<1xf32>
      %mul3A_728 = vector.broadcast %squeeze3A_727 : f32 to vector<16xf32>
      %mul3A_729 = arith.mulf %max3A_725, %mul3A_728 : vector<16xf32>
      %swap3A_730 = arith.index_cast %add3A_710 : i32 to index
      %swap3A_731 = arith.constant 0 : index
      %swap3A_732 = tpu.vector_load %arg21[%swap3A_730, %swap3A_731] {strides = array<i32>} : memref<640x16xf32, #tpu.memory_space<vmem>>, vector<16xf32>,
      tpu.vector_store %arg21[%swap3A_730, %swap3A_731], %mul3A_729 {strides = array<i32>} : memref<640x16xf32, #tpu.memory_space<vmem>>, vector<16xf32>,
      %mul3A_733 = arith.constant 16 : i32
      %mul3A_734 = arith.muli %scan3A_445, %mul3A_733 : i32
      %add3A_735 = arith.constant 11 : i32
      %add3A_736 = arith.addi %mul3A_734, %add3A_735 : i32
      %get3A_737 = arith.index_cast %add3A_736 : i32 to index
      %get3A_738 = arith.constant 0 : index
      %get3A_739 = tpu.vector_load %arg22[%get3A_737, %get3A_738] {strides = array<i32>} : memref<640x16xf32, #tpu.memory_space<vmem>>, vector<16xf32>,
      %get3A_740 = arith.index_cast %add3A_736 : i32 to index
      %get3A_741 = arith.constant 0 : index
      %get3A_742 = tpu.vector_load %arg21[%get3A_740, %get3A_741] {strides = array<i32>} : memref<640x16xf32, #tpu.memory_space<vmem>>, vector<16xf32>,
      %add3A_743 = arith.addf %get3A_739, %get3A_742 : vector<16xf32>
      %slice3A_744 = vector.extract_strided_slice %get3A_449 {offsets = [11], sizes = [1], strides = [1]} : vector<16xf32> to vector<1xf32>
      %squeeze3A_745 = vector.extract %slice3A_744[0] : f32 from vector<1xf32>
      %mul3A_746 = vector.broadcast %squeeze3A_745 : f32 to vector<16xf32>
      %mul3A_747 = arith.mulf %add3A_743, %mul3A_746 : vector<16xf32>
      %add3A_748 = arith.addf %mul3A_747, %get3A_296 : vector<16xf32>
      %max3A_749 = arith.constant 0.000000e+00 : f32
      %max3A_750 = vector.broadcast %max3A_749 : f32 to vector<16xf32>
      %max3A_751 = arith.maximumf %add3A_748, %max3A_750 : vector<16xf32>
      %slice3A_752 = vector.extract_strided_slice %get3A_449 {offsets = [11], sizes = [1], strides = [1]} : vector<16xf32> to vector<1xf32>
      %squeeze3A_753 = vector.extract %slice3A_752[0] : f32 from vector<1xf32>
      %mul3A_754 = vector.broadcast %squeeze3A_753 : f32 to vector<16xf32>
      %mul3A_755 = arith.mulf %max3A_751, %mul3A_754 : vector<16xf32>
      %swap3A_756 = arith.index_cast %add3A_736 : i32 to index
      %swap3A_757 = arith.constant 0 : index
      %swap3A_758 = tpu.vector_load %arg21[%swap3A_756, %swap3A_757] {strides = array<i32>} : memref<640x16xf32, #tpu.memory_space<vmem>>, vector<16xf32>,
      tpu.vector_store %arg21[%swap3A_756, %swap3A_757], %mul3A_755 {strides = array<i32>} : memref<640x16xf32, #tpu.memory_space<vmem>>, vector<16xf32>,
      %mul3A_759 = arith.constant 16 : i32
      %mul3A_760 = arith.muli %scan3A_445, %mul3A_759 : i32
      %add3A_761 = arith.constant 12 : i32
      %add3A_762 = arith.addi %mul3A_760, %add3A_761 : i32
      %get3A_763 = arith.index_cast %add3A_762 : i32 to index
      %get3A_764 = arith.constant 0 : index
      %get3A_765 = tpu.vector_load %arg22[%get3A_763, %get3A_764] {strides = array<i32>} : memref<640x16xf32, #tpu.memory_space<vmem>>, vector<16xf32>,
      %get3A_766 = arith.index_cast %add3A_762 : i32 to index
      %get3A_767 = arith.constant 0 : index
      %get3A_768 = tpu.vector_load %arg21[%get3A_766, %get3A_767] {strides = array<i32>} : memref<640x16xf32, #tpu.memory_space<vmem>>, vector<16xf32>,
      %add3A_769 = arith.addf %get3A_765, %get3A_768 : vector<16xf32>
      %slice3A_770 = vector.extract_strided_slice %get3A_449 {offsets = [12], sizes = [1], strides = [1]} : vector<16xf32> to vector<1xf32>
      %squeeze3A_771 = vector.extract %slice3A_770[0] : f32 from vector<1xf32>
      %mul3A_772 = vector.broadcast %squeeze3A_771 : f32 to vector<16xf32>
      %mul3A_773 = arith.mulf %add3A_769, %mul3A_772 : vector<16xf32>
      %add3A_774 = arith.addf %mul3A_773, %get3A_296 : vector<16xf32>
      %max3A_775 = arith.constant 0.000000e+00 : f32
      %max3A_776 = vector.broadcast %max3A_775 : f32 to vector<16xf32>
      %max3A_777 = arith.maximumf %add3A_774, %max3A_776 : vector<16xf32>
      %slice3A_778 = vector.extract_strided_slice %get3A_449 {offsets = [12], sizes = [1], strides = [1]} : vector<16xf32> to vector<1xf32>
      %squeeze3A_779 = vector.extract %slice3A_778[0] : f32 from vector<1xf32>
      %mul3A_780 = vector.broadcast %squeeze3A_779 : f32 to vector<16xf32>
      %mul3A_781 = arith.mulf %max3A_777, %mul3A_780 : vector<16xf32>
      %swap3A_782 = arith.index_cast %add3A_762 : i32 to index
      %swap3A_783 = arith.constant 0 : index
      %swap3A_784 = tpu.vector_load %arg21[%swap3A_782, %swap3A_783] {strides = array<i32>} : memref<640x16xf32, #tpu.memory_space<vmem>>, vector<16xf32>,
      tpu.vector_store %arg21[%swap3A_782, %swap3A_783], %mul3A_781 {strides = array<i32>} : memref<640x16xf32, #tpu.memory_space<vmem>>, vector<16xf32>,
      %mul3A_785 = arith.constant 16 : i32
      %mul3A_786 = arith.muli %scan3A_445, %mul3A_785 : i32
      %add3A_787 = arith.constant 13 : i32
      %add3A_788 = arith.addi %mul3A_786, %add3A_787 : i32
      %get3A_789 = arith.index_cast %add3A_788 : i32 to index
      %get3A_790 = arith.constant 0 : index
      %get3A_791 = tpu.vector_load %arg22[%get3A_789, %get3A_790] {strides = array<i32>} : memref<640x16xf32, #tpu.memory_space<vmem>>, vector<16xf32>,
      %get3A_792 = arith.index_cast %add3A_788 : i32 to index
      %get3A_793 = arith.constant 0 : index
      %get3A_794 = tpu.vector_load %arg21[%get3A_792, %get3A_793] {strides = array<i32>} : memref<640x16xf32, #tpu.memory_space<vmem>>, vector<16xf32>,
      %add3A_795 = arith.addf %get3A_791, %get3A_794 : vector<16xf32>
      %slice3A_796 = vector.extract_strided_slice %get3A_449 {offsets = [13], sizes = [1], strides = [1]} : vector<16xf32> to vector<1xf32>
      %squeeze3A_797 = vector.extract %slice3A_796[0] : f32 from vector<1xf32>
      %mul3A_798 = vector.broadcast %squeeze3A_797 : f32 to vector<16xf32>
      %mul3A_799 = arith.mulf %add3A_795, %mul3A_798 : vector<16xf32>
      %add3A_800 = arith.addf %mul3A_799, %get3A_296 : vector<16xf32>
      %max3A_801 = arith.constant 0.000000e+00 : f32
      %max3A_802 = vector.broadcast %max3A_801 : f32 to vector<16xf32>
      %max3A_803 = arith.maximumf %add3A_800, %max3A_802 : vector<16xf32>
      %slice3A_804 = vector.extract_strided_slice %get3A_449 {offsets = [13], sizes = [1], strides = [1]} : vector<16xf32> to vector<1xf32>
      %squeeze3A_805 = vector.extract %slice3A_804[0] : f32 from vector<1xf32>
      %mul3A_806 = vector.broadcast %squeeze3A_805 : f32 to vector<16xf32>
      %mul3A_807 = arith.mulf %max3A_803, %mul3A_806 : vector<16xf32>
      %swap3A_808 = arith.index_cast %add3A_788 : i32 to index
      %swap3A_809 = arith.constant 0 : index
      %swap3A_810 = tpu.vector_load %arg21[%swap3A_808, %swap3A_809] {strides = array<i32>} : memref<640x16xf32, #tpu.memory_space<vmem>>, vector<16xf32>,
      tpu.vector_store %arg21[%swap3A_808, %swap3A_809], %mul3A_807 {strides = array<i32>} : memref<640x16xf32, #tpu.memory_space<vmem>>, vector<16xf32>,
      %mul3A_811 = arith.constant 16 : i32
      %mul3A_812 = arith.muli %scan3A_445, %mul3A_811 : i32
      %add3A_813 = arith.constant 14 : i32
      %add3A_814 = arith.addi %mul3A_812, %add3A_813 : i32
      %get3A_815 = arith.index_cast %add3A_814 : i32 to index
      %get3A_816 = arith.constant 0 : index
      %get3A_817 = tpu.vector_load %arg22[%get3A_815, %get3A_816] {strides = array<i32>} : memref<640x16xf32, #tpu.memory_space<vmem>>, vector<16xf32>,
      %get3A_818 = arith.index_cast %add3A_814 : i32 to index
      %get3A_819 = arith.constant 0 : index
      %get3A_820 = tpu.vector_load %arg21[%get3A_818, %get3A_819] {strides = array<i32>} : memref<640x16xf32, #tpu.memory_space<vmem>>, vector<16xf32>,
      %add3A_821 = arith.addf %get3A_817, %get3A_820 : vector<16xf32>
      %slice3A_822 = vector.extract_strided_slice %get3A_449 {offsets = [14], sizes = [1], strides = [1]} : vector<16xf32> to vector<1xf32>
      %squeeze3A_823 = vector.extract %slice3A_822[0] : f32 from vector<1xf32>
      %mul3A_824 = vector.broadcast %squeeze3A_823 : f32 to vector<16xf32>
      %mul3A_825 = arith.mulf %add3A_821, %mul3A_824 : vector<16xf32>
      %add3A_826 = arith.addf %mul3A_825, %get3A_296 : vector<16xf32>
      %max3A_827 = arith.constant 0.000000e+00 : f32
      %max3A_828 = vector.broadcast %max3A_827 : f32 to vector<16xf32>
      %max3A_829 = arith.maximumf %add3A_826, %max3A_828 : vector<16xf32>
      %slice3A_830 = vector.extract_strided_slice %get3A_449 {offsets = [14], sizes = [1], strides = [1]} : vector<16xf32> to vector<1xf32>
      %squeeze3A_831 = vector.extract %slice3A_830[0] : f32 from vector<1xf32>
      %mul3A_832 = vector.broadcast %squeeze3A_831 : f32 to vector<16xf32>
      %mul3A_833 = arith.mulf %max3A_829, %mul3A_832 : vector<16xf32>
      %swap3A_834 = arith.index_cast %add3A_814 : i32 to index
      %swap3A_835 = arith.constant 0 : index
      %swap3A_836 = tpu.vector_load %arg21[%swap3A_834, %swap3A_835] {strides = array<i32>} : memref<640x16xf32, #tpu.memory_space<vmem>>, vector<16xf32>,
      tpu.vector_store %arg21[%swap3A_834, %swap3A_835], %mul3A_833 {strides = array<i32>} : memref<640x16xf32, #tpu.memory_space<vmem>>, vector<16xf32>,
      %mul3A_837 = arith.constant 16 : i32
      %mul3A_838 = arith.muli %scan3A_445, %mul3A_837 : i32
      %add3A_839 = arith.constant 15 : i32
      %add3A_840 = arith.addi %mul3A_838, %add3A_839 : i32
      %get3A_841 = arith.index_cast %add3A_840 : i32 to index
      %get3A_842 = arith.constant 0 : index
      %get3A_843 = tpu.vector_load %arg22[%get3A_841, %get3A_842] {strides = array<i32>} : memref<640x16xf32, #tpu.memory_space<vmem>>, vector<16xf32>,
      %get3A_844 = arith.index_cast %add3A_840 : i32 to index
      %get3A_845 = arith.constant 0 : index
      %get3A_846 = tpu.vector_load %arg21[%get3A_844, %get3A_845] {strides = array<i32>} : memref<640x16xf32, #tpu.memory_space<vmem>>, vector<16xf32>,
      %add3A_847 = arith.addf %get3A_843, %get3A_846 : vector<16xf32>
      %slice3A_848 = vector.extract_strided_slice %get3A_449 {offsets = [15], sizes = [1], strides = [1]} : vector<16xf32> to vector<1xf32>
      %squeeze3A_849 = vector.extract %slice3A_848[0] : f32 from vector<1xf32>
      %mul3A_850 = vector.broadcast %squeeze3A_849 : f32 to vector<16xf32>
      %mul3A_851 = arith.mulf %add3A_847, %mul3A_850 : vector<16xf32>
      %add3A_852 = arith.addf %mul3A_851, %get3A_296 : vector<16xf32>
      %max3A_853 = arith.constant 0.000000e+00 : f32
      %max3A_854 = vector.broadcast %max3A_853 : f32 to vector<16xf32>
      %max3A_855 = arith.maximumf %add3A_852, %max3A_854 : vector<16xf32>
      %slice3A_856 = vector.extract_strided_slice %get3A_449 {offsets = [15], sizes = [1], strides = [1]} : vector<16xf32> to vector<1xf32>
      %squeeze3A_857 = vector.extract %slice3A_856[0] : f32 from vector<1xf32>
      %mul3A_858 = vector.broadcast %squeeze3A_857 : f32 to vector<16xf32>
      %mul3A_859 = arith.mulf %max3A_855, %mul3A_858 : vector<16xf32>
      %swap3A_860 = arith.index_cast %add3A_840 : i32 to index
      %swap3A_861 = arith.constant 0 : index
      %swap3A_862 = tpu.vector_load %arg21[%swap3A_860, %swap3A_861] {strides = array<i32>} : memref<640x16xf32, #tpu.memory_space<vmem>>, vector<16xf32>,
      tpu.vector_store %arg21[%swap3A_860, %swap3A_861], %mul3A_859 {strides = array<i32>} : memref<640x16xf32, #tpu.memory_space<vmem>>, vector<16xf32>,
    }
    %scan3A_302 = arith.constant 40 : i32
    "tpu.region"() ({
      %run_scoped3A_445 = tpu.sem_alloc : memref<!tpu.dma_semaphore, #tpu.memory_space<semaphore_mem>>
      %dma_start3A_446 = arith.constant 0 : i32
      %dma_start3A_447 = tpu.memref_slice %arg11[%mul3A_0, %dma_start3A_446] : memref<10240x16xf32, #tpu.memory_space<vmem_shared>> -> memref<640x16xf32, #tpu.memory_space<vmem_shared>>
      %dma_start3A_448 = arith.constant 0 : i32
      %dma_start3A_449 = tpu.memref_slice %arg11[%mul3A_0, %dma_start3A_448] : memref<10240x16xf32, #tpu.memory_space<vmem_shared>> -> memref<640x16xf32, #tpu.memory_space<vmem_shared>>
      tpu.enqueue_dma source(%arg21 : memref<640x16xf32, #tpu.memory_space<vmem>>) target(%dma_start3A_449 : memref<640x16xf32, #tpu.memory_space<vmem_shared>>) target_semaphore(%run_scoped3A_445 : memref<!tpu.dma_semaphore, #tpu.memory_space<semaphore_mem>>)
      %dma_wait3A_450 = arith.constant 0 : i32
      %dma_wait3A_451 = tpu.memref_slice %arg11[%mul3A_0, %dma_wait3A_450] : memref<10240x16xf32, #tpu.memory_space<vmem_shared>> -> memref<640x16xf32, #tpu.memory_space<vmem_shared>>
      %dma_wait3A_452 = arith.constant 0 : i32
      %dma_wait3A_453 = tpu.memref_slice %arg11[%mul3A_0, %dma_wait3A_452] : memref<10240x16xf32, #tpu.memory_space<vmem_shared>> -> memref<640x16xf32, #tpu.memory_space<vmem_shared>>
      tpu.wait_dma2 semaphore(%run_scoped3A_445 : memref<!tpu.dma_semaphore, #tpu.memory_space<semaphore_mem>>) src(%arg21 : memref<640x16xf32, #tpu.memory_space<vmem>>) dst(%dma_wait3A_453 : memref<640x16xf32, #tpu.memory_space<vmem_shared>>)
      tpu.yield
    }) : () -> ()
    %barrier3A_303 = arith.constant 0 : index
    tpu.barrier barrier_id(%barrier3A_303)
    %dma_start3A_304 = arith.constant 0 : i32
    %dma_start3A_305 = arith.constant 0 : i32
    %dma_start3A_306 = tpu.memref_slice %arg15[%dma_start3A_304, %dma_start3A_305] : memref<80x128xi32, #tpu.memory_space<vmem>> -> memref<1x128xi32, #tpu.memory_space<vmem>>
    %dma_start3A_307 = tpu.memref_squeeze %dma_start3A_306 : memref<1x128xi32, #tpu.memory_space<vmem>> -> memref<128xi32, #tpu.memory_space<vmem>>
    %dma_start3A_308 = arith.constant 0 : i32
    %dma_start3A_309 = arith.constant 0 : i32
    %dma_start3A_310 = tpu.memref_slice %arg11[%dma_start3A_308, %dma_start3A_309] : memref<10240x16xf32, #tpu.memory_space<vmem_shared>> -> memref<10240x16xf32, #tpu.memory_space<vmem_shared>>
    tpu.enqueue_indirect_dma source(%dma_start3A_310 : memref<10240x16xf32, #tpu.memory_space<vmem_shared>>) target(%arg26 : memref<128x16xf32, #tpu.memory_space<vmem>>) offsets(%dma_start3A_307 : memref<128xi32, #tpu.memory_space<vmem>>) semaphore(%arg34 : memref<!tpu.dma_semaphore, #tpu.memory_space<semaphore_mem>>)
    %dma_start3A_311 = arith.constant 1 : i32
    %dma_start3A_312 = arith.constant 0 : i32
    %dma_start3A_313 = tpu.memref_slice %arg15[%dma_start3A_311, %dma_start3A_312] : memref<80x128xi32, #tpu.memory_space<vmem>> -> memref<1x128xi32, #tpu.memory_space<vmem>>
    %dma_start3A_314 = tpu.memref_squeeze %dma_start3A_313 : memref<1x128xi32, #tpu.memory_space<vmem>> -> memref<128xi32, #tpu.memory_space<vmem>>
    %dma_start3A_315 = arith.constant 0 : i32
    %dma_start3A_316 = arith.constant 0 : i32
    %dma_start3A_317 = tpu.memref_slice %arg11[%dma_start3A_315, %dma_start3A_316] : memref<10240x16xf32, #tpu.memory_space<vmem_shared>> -> memref<10240x16xf32, #tpu.memory_space<vmem_shared>>
    tpu.enqueue_indirect_dma source(%dma_start3A_317 : memref<10240x16xf32, #tpu.memory_space<vmem_shared>>) target(%arg27 : memref<128x16xf32, #tpu.memory_space<vmem>>) offsets(%dma_start3A_314 : memref<128xi32, #tpu.memory_space<vmem>>) semaphore(%arg35 : memref<!tpu.dma_semaphore, #tpu.memory_space<semaphore_mem>>)
    %dma_start3A_318 = arith.constant 2 : i32
    %dma_start3A_319 = arith.constant 0 : i32
    %dma_start3A_320 = tpu.memref_slice %arg15[%dma_start3A_318, %dma_start3A_319] : memref<80x128xi32, #tpu.memory_space<vmem>> -> memref<1x128xi32, #tpu.memory_space<vmem>>
    %dma_start3A_321 = tpu.memref_squeeze %dma_start3A_320 : memref<1x128xi32, #tpu.memory_space<vmem>> -> memref<128xi32, #tpu.memory_space<vmem>>
    %dma_start3A_322 = arith.constant 0 : i32
    %dma_start3A_323 = arith.constant 0 : i32
    %dma_start3A_324 = tpu.memref_slice %arg11[%dma_start3A_322, %dma_start3A_323] : memref<10240x16xf32, #tpu.memory_space<vmem_shared>> -> memref<10240x16xf32, #tpu.memory_space<vmem_shared>>
    tpu.enqueue_indirect_dma source(%dma_start3A_324 : memref<10240x16xf32, #tpu.memory_space<vmem_shared>>) target(%arg28 : memref<128x16xf32, #tpu.memory_space<vmem>>) offsets(%dma_start3A_321 : memref<128xi32, #tpu.memory_space<vmem>>) semaphore(%arg36 : memref<!tpu.dma_semaphore, #tpu.memory_space<semaphore_mem>>)
    %dma_start3A_325 = arith.constant 3 : i32
    %dma_start3A_326 = arith.constant 0 : i32
    %dma_start3A_327 = tpu.memref_slice %arg15[%dma_start3A_325, %dma_start3A_326] : memref<80x128xi32, #tpu.memory_space<vmem>> -> memref<1x128xi32, #tpu.memory_space<vmem>>
    %dma_start3A_328 = tpu.memref_squeeze %dma_start3A_327 : memref<1x128xi32, #tpu.memory_space<vmem>> -> memref<128xi32, #tpu.memory_space<vmem>>
    %dma_start3A_329 = arith.constant 0 : i32
    %dma_start3A_330 = arith.constant 0 : i32
    %dma_start3A_331 = tpu.memref_slice %arg11[%dma_start3A_329, %dma_start3A_330] : memref<10240x16xf32, #tpu.memory_space<vmem_shared>> -> memref<10240x16xf32, #tpu.memory_space<vmem_shared>>
    tpu.enqueue_indirect_dma source(%dma_start3A_331 : memref<10240x16xf32, #tpu.memory_space<vmem_shared>>) target(%arg29 : memref<128x16xf32, #tpu.memory_space<vmem>>) offsets(%dma_start3A_328 : memref<128xi32, #tpu.memory_space<vmem>>) semaphore(%arg37 : memref<!tpu.dma_semaphore, #tpu.memory_space<semaphore_mem>>)
    %dma_start3A_332 = arith.constant 4 : i32
    %dma_start3A_333 = arith.constant 0 : i32
    %dma_start3A_334 = tpu.memref_slice %arg15[%dma_start3A_332, %dma_start3A_333] : memref<80x128xi32, #tpu.memory_space<vmem>> -> memref<1x128xi32, #tpu.memory_space<vmem>>
    %dma_start3A_335 = tpu.memref_squeeze %dma_start3A_334 : memref<1x128xi32, #tpu.memory_space<vmem>> -> memref<128xi32, #tpu.memory_space<vmem>>
    %dma_start3A_336 = arith.constant 0 : i32
    %dma_start3A_337 = arith.constant 0 : i32
    %dma_start3A_338 = tpu.memref_slice %arg11[%dma_start3A_336, %dma_start3A_337] : memref<10240x16xf32, #tpu.memory_space<vmem_shared>> -> memref<10240x16xf32, #tpu.memory_space<vmem_shared>>
    tpu.enqueue_indirect_dma source(%dma_start3A_338 : memref<10240x16xf32, #tpu.memory_space<vmem_shared>>) target(%arg30 : memref<128x16xf32, #tpu.memory_space<vmem>>) offsets(%dma_start3A_335 : memref<128xi32, #tpu.memory_space<vmem>>) semaphore(%arg38 : memref<!tpu.dma_semaphore, #tpu.memory_space<semaphore_mem>>)
    %dma_start3A_339 = arith.constant 5 : i32
    %dma_start3A_340 = arith.constant 0 : i32
    %dma_start3A_341 = tpu.memref_slice %arg15[%dma_start3A_339, %dma_start3A_340] : memref<80x128xi32, #tpu.memory_space<vmem>> -> memref<1x128xi32, #tpu.memory_space<vmem>>
    %dma_start3A_342 = tpu.memref_squeeze %dma_start3A_341 : memref<1x128xi32, #tpu.memory_space<vmem>> -> memref<128xi32, #tpu.memory_space<vmem>>
    %dma_start3A_343 = arith.constant 0 : i32
    %dma_start3A_344 = arith.constant 0 : i32
    %dma_start3A_345 = tpu.memref_slice %arg11[%dma_start3A_343, %dma_start3A_344] : memref<10240x16xf32, #tpu.memory_space<vmem_shared>> -> memref<10240x16xf32, #tpu.memory_space<vmem_shared>>
    tpu.enqueue_indirect_dma source(%dma_start3A_345 : memref<10240x16xf32, #tpu.memory_space<vmem_shared>>) target(%arg31 : memref<128x16xf32, #tpu.memory_space<vmem>>) offsets(%dma_start3A_342 : memref<128xi32, #tpu.memory_space<vmem>>) semaphore(%arg39 : memref<!tpu.dma_semaphore, #tpu.memory_space<semaphore_mem>>)
    %dma_start3A_346 = arith.constant 6 : i32
    %dma_start3A_347 = arith.constant 0 : i32
    %dma_start3A_348 = tpu.memref_slice %arg15[%dma_start3A_346, %dma_start3A_347] : memref<80x128xi32, #tpu.memory_space<vmem>> -> memref<1x128xi32, #tpu.memory_space<vmem>>
    %dma_start3A_349 = tpu.memref_squeeze %dma_start3A_348 : memref<1x128xi32, #tpu.memory_space<vmem>> -> memref<128xi32, #tpu.memory_space<vmem>>
    %dma_start3A_350 = arith.constant 0 : i32
    %dma_start3A_351 = arith.constant 0 : i32
    %dma_start3A_352 = tpu.memref_slice %arg11[%dma_start3A_350, %dma_start3A_351] : memref<10240x16xf32, #tpu.memory_space<vmem_shared>> -> memref<10240x16xf32, #tpu.memory_space<vmem_shared>>
    tpu.enqueue_indirect_dma source(%dma_start3A_352 : memref<10240x16xf32, #tpu.memory_space<vmem_shared>>) target(%arg32 : memref<128x16xf32, #tpu.memory_space<vmem>>) offsets(%dma_start3A_349 : memref<128xi32, #tpu.memory_space<vmem>>) semaphore(%arg40 : memref<!tpu.dma_semaphore, #tpu.memory_space<semaphore_mem>>)
    %dma_start3A_353 = arith.constant 7 : i32
    %dma_start3A_354 = arith.constant 0 : i32
    %dma_start3A_355 = tpu.memref_slice %arg15[%dma_start3A_353, %dma_start3A_354] : memref<80x128xi32, #tpu.memory_space<vmem>> -> memref<1x128xi32, #tpu.memory_space<vmem>>
    %dma_start3A_356 = tpu.memref_squeeze %dma_start3A_355 : memref<1x128xi32, #tpu.memory_space<vmem>> -> memref<128xi32, #tpu.memory_space<vmem>>
    %dma_start3A_357 = arith.constant 0 : i32
    %dma_start3A_358 = arith.constant 0 : i32
    %dma_start3A_359 = tpu.memref_slice %arg11[%dma_start3A_357, %dma_start3A_358] : memref<10240x16xf32, #tpu.memory_space<vmem_shared>> -> memref<10240x16xf32, #tpu.memory_space<vmem_shared>>
    tpu.enqueue_indirect_dma source(%dma_start3A_359 : memref<10240x16xf32, #tpu.memory_space<vmem_shared>>) target(%arg33 : memref<128x16xf32, #tpu.memory_space<vmem>>) offsets(%dma_start3A_356 : memref<128xi32, #tpu.memory_space<vmem>>) semaphore(%arg41 : memref<!tpu.dma_semaphore, #tpu.memory_space<semaphore_mem>>)
    %scan3A_360 = arith.constant 0 : i32
    %scan3A_361 = arith.constant 0 : i32
    %scan3A_362 = arith.constant 9 : i32
    %scan3A_363 = arith.addi %scan3A_361, %scan3A_362 : i32
    %scan3A_364 = arith.constant 1 : i32
    scf.for %scan3A_445 = %scan3A_361 to %scan3A_363 step %scan3A_364  : i32 {
      %mul3A_446 = arith.constant 8 : i32
      %mul3A_447 = arith.muli %scan3A_445, %mul3A_446 : i32
      %add3A_448 = arith.constant 0 : i32
      %add3A_449 = arith.addi %mul3A_447, %add3A_448 : i32
      %dma_wait3A_450 = arith.constant 0 : i32
      %dma_wait3A_451 = tpu.memref_slice %arg15[%add3A_449, %dma_wait3A_450] : memref<80x128xi32, #tpu.memory_space<vmem>> -> memref<1x128xi32, #tpu.memory_space<vmem>>
      %dma_wait3A_452 = tpu.memref_squeeze %dma_wait3A_451 : memref<1x128xi32, #tpu.memory_space<vmem>> -> memref<128xi32, #tpu.memory_space<vmem>>
      %dma_wait3A_453 = arith.constant 0 : i32
      %dma_wait3A_454 = arith.constant 0 : i32
      %dma_wait3A_455 = tpu.memref_slice %arg11[%dma_wait3A_453, %dma_wait3A_454] : memref<10240x16xf32, #tpu.memory_space<vmem_shared>> -> memref<10240x16xf32, #tpu.memory_space<vmem_shared>>
      tpu.wait_indirect_dma semaphore(%arg34 : memref<!tpu.dma_semaphore, #tpu.memory_space<semaphore_mem>>) src(%dma_wait3A_455 : memref<10240x16xf32, #tpu.memory_space<vmem_shared>>) dst(%arg26 : memref<128x16xf32, #tpu.memory_space<vmem>>)
      %dma_start3A_456 = arith.constant 0 : i32
      %dma_start3A_457 = tpu.memref_slice %arg16[%add3A_449, %dma_start3A_456] : memref<80x128xi32, #tpu.memory_space<vmem>> -> memref<1x128xi32, #tpu.memory_space<vmem>>
      %dma_start3A_458 = tpu.memref_squeeze %dma_start3A_457 : memref<1x128xi32, #tpu.memory_space<vmem>> -> memref<128xi32, #tpu.memory_space<vmem>>
      %dma_start3A_459 = arith.constant 0 : i32
      %dma_start3A_460 = arith.constant 0 : i32
      %dma_start3A_461 = tpu.memref_slice %arg12[%dma_start3A_459, %dma_start3A_460] : memref<10240x16xf32, #tpu.memory_space<vmem_shared>> -> memref<10240x16xf32, #tpu.memory_space<vmem_shared>>
      tpu.enqueue_indirect_dma source(%arg26 : memref<128x16xf32, #tpu.memory_space<vmem>>) target(%dma_start3A_461 : memref<10240x16xf32, #tpu.memory_space<vmem_shared>>) offsets(%dma_start3A_458 : memref<128xi32, #tpu.memory_space<vmem>>) semaphore(%arg42 : memref<!tpu.dma_semaphore, #tpu.memory_space<semaphore_mem>>) {add = true}
      %mul3A_462 = arith.constant 8 : i32
      %mul3A_463 = arith.muli %scan3A_445, %mul3A_462 : i32
      %add3A_464 = arith.constant 1 : i32
      %add3A_465 = arith.addi %mul3A_463, %add3A_464 : i32
      %dma_wait3A_466 = arith.constant 0 : i32
      %dma_wait3A_467 = tpu.memref_slice %arg15[%add3A_465, %dma_wait3A_466] : memref<80x128xi32, #tpu.memory_space<vmem>> -> memref<1x128xi32, #tpu.memory_space<vmem>>
      %dma_wait3A_468 = tpu.memref_squeeze %dma_wait3A_467 : memref<1x128xi32, #tpu.memory_space<vmem>> -> memref<128xi32, #tpu.memory_space<vmem>>
      %dma_wait3A_469 = arith.constant 0 : i32
      %dma_wait3A_470 = arith.constant 0 : i32
      %dma_wait3A_471 = tpu.memref_slice %arg11[%dma_wait3A_469, %dma_wait3A_470] : memref<10240x16xf32, #tpu.memory_space<vmem_shared>> -> memref<10240x16xf32, #tpu.memory_space<vmem_shared>>
      tpu.wait_indirect_dma semaphore(%arg35 : memref<!tpu.dma_semaphore, #tpu.memory_space<semaphore_mem>>) src(%dma_wait3A_471 : memref<10240x16xf32, #tpu.memory_space<vmem_shared>>) dst(%arg27 : memref<128x16xf32, #tpu.memory_space<vmem>>)
      %dma_start3A_472 = arith.constant 0 : i32
      %dma_start3A_473 = tpu.memref_slice %arg16[%add3A_465, %dma_start3A_472] : memref<80x128xi32, #tpu.memory_space<vmem>> -> memref<1x128xi32, #tpu.memory_space<vmem>>
      %dma_start3A_474 = tpu.memref_squeeze %dma_start3A_473 : memref<1x128xi32, #tpu.memory_space<vmem>> -> memref<128xi32, #tpu.memory_space<vmem>>
      %dma_start3A_475 = arith.constant 0 : i32
      %dma_start3A_476 = arith.constant 0 : i32
      %dma_start3A_477 = tpu.memref_slice %arg12[%dma_start3A_475, %dma_start3A_476] : memref<10240x16xf32, #tpu.memory_space<vmem_shared>> -> memref<10240x16xf32, #tpu.memory_space<vmem_shared>>
      tpu.enqueue_indirect_dma source(%arg27 : memref<128x16xf32, #tpu.memory_space<vmem>>) target(%dma_start3A_477 : memref<10240x16xf32, #tpu.memory_space<vmem_shared>>) offsets(%dma_start3A_474 : memref<128xi32, #tpu.memory_space<vmem>>) semaphore(%arg43 : memref<!tpu.dma_semaphore, #tpu.memory_space<semaphore_mem>>) {add = true}
      %mul3A_478 = arith.constant 8 : i32
      %mul3A_479 = arith.muli %scan3A_445, %mul3A_478 : i32
      %add3A_480 = arith.constant 2 : i32
      %add3A_481 = arith.addi %mul3A_479, %add3A_480 : i32
      %dma_wait3A_482 = arith.constant 0 : i32
      %dma_wait3A_483 = tpu.memref_slice %arg15[%add3A_481, %dma_wait3A_482] : memref<80x128xi32, #tpu.memory_space<vmem>> -> memref<1x128xi32, #tpu.memory_space<vmem>>
      %dma_wait3A_484 = tpu.memref_squeeze %dma_wait3A_483 : memref<1x128xi32, #tpu.memory_space<vmem>> -> memref<128xi32, #tpu.memory_space<vmem>>
      %dma_wait3A_485 = arith.constant 0 : i32
      %dma_wait3A_486 = arith.constant 0 : i32
      %dma_wait3A_487 = tpu.memref_slice %arg11[%dma_wait3A_485, %dma_wait3A_486] : memref<10240x16xf32, #tpu.memory_space<vmem_shared>> -> memref<10240x16xf32, #tpu.memory_space<vmem_shared>>
      tpu.wait_indirect_dma semaphore(%arg36 : memref<!tpu.dma_semaphore, #tpu.memory_space<semaphore_mem>>) src(%dma_wait3A_487 : memref<10240x16xf32, #tpu.memory_space<vmem_shared>>) dst(%arg28 : memref<128x16xf32, #tpu.memory_space<vmem>>)
      %dma_start3A_488 = arith.constant 0 : i32
      %dma_start3A_489 = tpu.memref_slice %arg16[%add3A_481, %dma_start3A_488] : memref<80x128xi32, #tpu.memory_space<vmem>> -> memref<1x128xi32, #tpu.memory_space<vmem>>
      %dma_start3A_490 = tpu.memref_squeeze %dma_start3A_489 : memref<1x128xi32, #tpu.memory_space<vmem>> -> memref<128xi32, #tpu.memory_space<vmem>>
      %dma_start3A_491 = arith.constant 0 : i32
      %dma_start3A_492 = arith.constant 0 : i32
      %dma_start3A_493 = tpu.memref_slice %arg12[%dma_start3A_491, %dma_start3A_492] : memref<10240x16xf32, #tpu.memory_space<vmem_shared>> -> memref<10240x16xf32, #tpu.memory_space<vmem_shared>>
      tpu.enqueue_indirect_dma source(%arg28 : memref<128x16xf32, #tpu.memory_space<vmem>>) target(%dma_start3A_493 : memref<10240x16xf32, #tpu.memory_space<vmem_shared>>) offsets(%dma_start3A_490 : memref<128xi32, #tpu.memory_space<vmem>>) semaphore(%arg44 : memref<!tpu.dma_semaphore, #tpu.memory_space<semaphore_mem>>) {add = true}
      %mul3A_494 = arith.constant 8 : i32
      %mul3A_495 = arith.muli %scan3A_445, %mul3A_494 : i32
      %add3A_496 = arith.constant 3 : i32
      %add3A_497 = arith.addi %mul3A_495, %add3A_496 : i32
      %dma_wait3A_498 = arith.constant 0 : i32
      %dma_wait3A_499 = tpu.memref_slice %arg15[%add3A_497, %dma_wait3A_498] : memref<80x128xi32, #tpu.memory_space<vmem>> -> memref<1x128xi32, #tpu.memory_space<vmem>>
      %dma_wait3A_500 = tpu.memref_squeeze %dma_wait3A_499 : memref<1x128xi32, #tpu.memory_space<vmem>> -> memref<128xi32, #tpu.memory_space<vmem>>
      %dma_wait3A_501 = arith.constant 0 : i32
      %dma_wait3A_502 = arith.constant 0 : i32
      %dma_wait3A_503 = tpu.memref_slice %arg11[%dma_wait3A_501, %dma_wait3A_502] : memref<10240x16xf32, #tpu.memory_space<vmem_shared>> -> memref<10240x16xf32, #tpu.memory_space<vmem_shared>>
      tpu.wait_indirect_dma semaphore(%arg37 : memref<!tpu.dma_semaphore, #tpu.memory_space<semaphore_mem>>) src(%dma_wait3A_503 : memref<10240x16xf32, #tpu.memory_space<vmem_shared>>) dst(%arg29 : memref<128x16xf32, #tpu.memory_space<vmem>>)
      %dma_start3A_504 = arith.constant 0 : i32
      %dma_start3A_505 = tpu.memref_slice %arg16[%add3A_497, %dma_start3A_504] : memref<80x128xi32, #tpu.memory_space<vmem>> -> memref<1x128xi32, #tpu.memory_space<vmem>>
      %dma_start3A_506 = tpu.memref_squeeze %dma_start3A_505 : memref<1x128xi32, #tpu.memory_space<vmem>> -> memref<128xi32, #tpu.memory_space<vmem>>
      %dma_start3A_507 = arith.constant 0 : i32
      %dma_start3A_508 = arith.constant 0 : i32
      %dma_start3A_509 = tpu.memref_slice %arg12[%dma_start3A_507, %dma_start3A_508] : memref<10240x16xf32, #tpu.memory_space<vmem_shared>> -> memref<10240x16xf32, #tpu.memory_space<vmem_shared>>
      tpu.enqueue_indirect_dma source(%arg29 : memref<128x16xf32, #tpu.memory_space<vmem>>) target(%dma_start3A_509 : memref<10240x16xf32, #tpu.memory_space<vmem_shared>>) offsets(%dma_start3A_506 : memref<128xi32, #tpu.memory_space<vmem>>) semaphore(%arg45 : memref<!tpu.dma_semaphore, #tpu.memory_space<semaphore_mem>>) {add = true}
      %mul3A_510 = arith.constant 8 : i32
      %mul3A_511 = arith.muli %scan3A_445, %mul3A_510 : i32
      %add3A_512 = arith.constant 4 : i32
      %add3A_513 = arith.addi %mul3A_511, %add3A_512 : i32
      %dma_wait3A_514 = arith.constant 0 : i32
      %dma_wait3A_515 = tpu.memref_slice %arg15[%add3A_513, %dma_wait3A_514] : memref<80x128xi32, #tpu.memory_space<vmem>> -> memref<1x128xi32, #tpu.memory_space<vmem>>
      %dma_wait3A_516 = tpu.memref_squeeze %dma_wait3A_515 : memref<1x128xi32, #tpu.memory_space<vmem>> -> memref<128xi32, #tpu.memory_space<vmem>>
      %dma_wait3A_517 = arith.constant 0 : i32
      %dma_wait3A_518 = arith.constant 0 : i32
      %dma_wait3A_519 = tpu.memref_slice %arg11[%dma_wait3A_517, %dma_wait3A_518] : memref<10240x16xf32, #tpu.memory_space<vmem_shared>> -> memref<10240x16xf32, #tpu.memory_space<vmem_shared>>
      tpu.wait_indirect_dma semaphore(%arg38 : memref<!tpu.dma_semaphore, #tpu.memory_space<semaphore_mem>>) src(%dma_wait3A_519 : memref<10240x16xf32, #tpu.memory_space<vmem_shared>>) dst(%arg30 : memref<128x16xf32, #tpu.memory_space<vmem>>)
      %dma_start3A_520 = arith.constant 0 : i32
      %dma_start3A_521 = tpu.memref_slice %arg16[%add3A_513, %dma_start3A_520] : memref<80x128xi32, #tpu.memory_space<vmem>> -> memref<1x128xi32, #tpu.memory_space<vmem>>
      %dma_start3A_522 = tpu.memref_squeeze %dma_start3A_521 : memref<1x128xi32, #tpu.memory_space<vmem>> -> memref<128xi32, #tpu.memory_space<vmem>>
      %dma_start3A_523 = arith.constant 0 : i32
      %dma_start3A_524 = arith.constant 0 : i32
      %dma_start3A_525 = tpu.memref_slice %arg12[%dma_start3A_523, %dma_start3A_524] : memref<10240x16xf32, #tpu.memory_space<vmem_shared>> -> memref<10240x16xf32, #tpu.memory_space<vmem_shared>>
      tpu.enqueue_indirect_dma source(%arg30 : memref<128x16xf32, #tpu.memory_space<vmem>>) target(%dma_start3A_525 : memref<10240x16xf32, #tpu.memory_space<vmem_shared>>) offsets(%dma_start3A_522 : memref<128xi32, #tpu.memory_space<vmem>>) semaphore(%arg46 : memref<!tpu.dma_semaphore, #tpu.memory_space<semaphore_mem>>) {add = true}
      %mul3A_526 = arith.constant 8 : i32
      %mul3A_527 = arith.muli %scan3A_445, %mul3A_526 : i32
      %add3A_528 = arith.constant 5 : i32
      %add3A_529 = arith.addi %mul3A_527, %add3A_528 : i32
      %dma_wait3A_530 = arith.constant 0 : i32
      %dma_wait3A_531 = tpu.memref_slice %arg15[%add3A_529, %dma_wait3A_530] : memref<80x128xi32, #tpu.memory_space<vmem>> -> memref<1x128xi32, #tpu.memory_space<vmem>>
      %dma_wait3A_532 = tpu.memref_squeeze %dma_wait3A_531 : memref<1x128xi32, #tpu.memory_space<vmem>> -> memref<128xi32, #tpu.memory_space<vmem>>
      %dma_wait3A_533 = arith.constant 0 : i32
      %dma_wait3A_534 = arith.constant 0 : i32
      %dma_wait3A_535 = tpu.memref_slice %arg11[%dma_wait3A_533, %dma_wait3A_534] : memref<10240x16xf32, #tpu.memory_space<vmem_shared>> -> memref<10240x16xf32, #tpu.memory_space<vmem_shared>>
      tpu.wait_indirect_dma semaphore(%arg39 : memref<!tpu.dma_semaphore, #tpu.memory_space<semaphore_mem>>) src(%dma_wait3A_535 : memref<10240x16xf32, #tpu.memory_space<vmem_shared>>) dst(%arg31 : memref<128x16xf32, #tpu.memory_space<vmem>>)
      %dma_start3A_536 = arith.constant 0 : i32
      %dma_start3A_537 = tpu.memref_slice %arg16[%add3A_529, %dma_start3A_536] : memref<80x128xi32, #tpu.memory_space<vmem>> -> memref<1x128xi32, #tpu.memory_space<vmem>>
      %dma_start3A_538 = tpu.memref_squeeze %dma_start3A_537 : memref<1x128xi32, #tpu.memory_space<vmem>> -> memref<128xi32, #tpu.memory_space<vmem>>
      %dma_start3A_539 = arith.constant 0 : i32
      %dma_start3A_540 = arith.constant 0 : i32
      %dma_start3A_541 = tpu.memref_slice %arg12[%dma_start3A_539, %dma_start3A_540] : memref<10240x16xf32, #tpu.memory_space<vmem_shared>> -> memref<10240x16xf32, #tpu.memory_space<vmem_shared>>
      tpu.enqueue_indirect_dma source(%arg31 : memref<128x16xf32, #tpu.memory_space<vmem>>) target(%dma_start3A_541 : memref<10240x16xf32, #tpu.memory_space<vmem_shared>>) offsets(%dma_start3A_538 : memref<128xi32, #tpu.memory_space<vmem>>) semaphore(%arg47 : memref<!tpu.dma_semaphore, #tpu.memory_space<semaphore_mem>>) {add = true}
      %mul3A_542 = arith.constant 8 : i32
      %mul3A_543 = arith.muli %scan3A_445, %mul3A_542 : i32
      %add3A_544 = arith.constant 6 : i32
      %add3A_545 = arith.addi %mul3A_543, %add3A_544 : i32
      %dma_wait3A_546 = arith.constant 0 : i32
      %dma_wait3A_547 = tpu.memref_slice %arg15[%add3A_545, %dma_wait3A_546] : memref<80x128xi32, #tpu.memory_space<vmem>> -> memref<1x128xi32, #tpu.memory_space<vmem>>
      %dma_wait3A_548 = tpu.memref_squeeze %dma_wait3A_547 : memref<1x128xi32, #tpu.memory_space<vmem>> -> memref<128xi32, #tpu.memory_space<vmem>>
      %dma_wait3A_549 = arith.constant 0 : i32
      %dma_wait3A_550 = arith.constant 0 : i32
      %dma_wait3A_551 = tpu.memref_slice %arg11[%dma_wait3A_549, %dma_wait3A_550] : memref<10240x16xf32, #tpu.memory_space<vmem_shared>> -> memref<10240x16xf32, #tpu.memory_space<vmem_shared>>
      tpu.wait_indirect_dma semaphore(%arg40 : memref<!tpu.dma_semaphore, #tpu.memory_space<semaphore_mem>>) src(%dma_wait3A_551 : memref<10240x16xf32, #tpu.memory_space<vmem_shared>>) dst(%arg32 : memref<128x16xf32, #tpu.memory_space<vmem>>)
      %dma_start3A_552 = arith.constant 0 : i32
      %dma_start3A_553 = tpu.memref_slice %arg16[%add3A_545, %dma_start3A_552] : memref<80x128xi32, #tpu.memory_space<vmem>> -> memref<1x128xi32, #tpu.memory_space<vmem>>
      %dma_start3A_554 = tpu.memref_squeeze %dma_start3A_553 : memref<1x128xi32, #tpu.memory_space<vmem>> -> memref<128xi32, #tpu.memory_space<vmem>>
      %dma_start3A_555 = arith.constant 0 : i32
      %dma_start3A_556 = arith.constant 0 : i32
      %dma_start3A_557 = tpu.memref_slice %arg12[%dma_start3A_555, %dma_start3A_556] : memref<10240x16xf32, #tpu.memory_space<vmem_shared>> -> memref<10240x16xf32, #tpu.memory_space<vmem_shared>>
      tpu.enqueue_indirect_dma source(%arg32 : memref<128x16xf32, #tpu.memory_space<vmem>>) target(%dma_start3A_557 : memref<10240x16xf32, #tpu.memory_space<vmem_shared>>) offsets(%dma_start3A_554 : memref<128xi32, #tpu.memory_space<vmem>>) semaphore(%arg48 : memref<!tpu.dma_semaphore, #tpu.memory_space<semaphore_mem>>) {add = true}
      %mul3A_558 = arith.constant 8 : i32
      %mul3A_559 = arith.muli %scan3A_445, %mul3A_558 : i32
      %add3A_560 = arith.constant 7 : i32
      %add3A_561 = arith.addi %mul3A_559, %add3A_560 : i32
      %dma_wait3A_562 = arith.constant 0 : i32
      %dma_wait3A_563 = tpu.memref_slice %arg15[%add3A_561, %dma_wait3A_562] : memref<80x128xi32, #tpu.memory_space<vmem>> -> memref<1x128xi32, #tpu.memory_space<vmem>>
      %dma_wait3A_564 = tpu.memref_squeeze %dma_wait3A_563 : memref<1x128xi32, #tpu.memory_space<vmem>> -> memref<128xi32, #tpu.memory_space<vmem>>
      %dma_wait3A_565 = arith.constant 0 : i32
      %dma_wait3A_566 = arith.constant 0 : i32
      %dma_wait3A_567 = tpu.memref_slice %arg11[%dma_wait3A_565, %dma_wait3A_566] : memref<10240x16xf32, #tpu.memory_space<vmem_shared>> -> memref<10240x16xf32, #tpu.memory_space<vmem_shared>>
      tpu.wait_indirect_dma semaphore(%arg41 : memref<!tpu.dma_semaphore, #tpu.memory_space<semaphore_mem>>) src(%dma_wait3A_567 : memref<10240x16xf32, #tpu.memory_space<vmem_shared>>) dst(%arg33 : memref<128x16xf32, #tpu.memory_space<vmem>>)
      %dma_start3A_568 = arith.constant 0 : i32
      %dma_start3A_569 = tpu.memref_slice %arg16[%add3A_561, %dma_start3A_568] : memref<80x128xi32, #tpu.memory_space<vmem>> -> memref<1x128xi32, #tpu.memory_space<vmem>>
      %dma_start3A_570 = tpu.memref_squeeze %dma_start3A_569 : memref<1x128xi32, #tpu.memory_space<vmem>> -> memref<128xi32, #tpu.memory_space<vmem>>
      %dma_start3A_571 = arith.constant 0 : i32
      %dma_start3A_572 = arith.constant 0 : i32
      %dma_start3A_573 = tpu.memref_slice %arg12[%dma_start3A_571, %dma_start3A_572] : memref<10240x16xf32, #tpu.memory_space<vmem_shared>> -> memref<10240x16xf32, #tpu.memory_space<vmem_shared>>
      tpu.enqueue_indirect_dma source(%arg33 : memref<128x16xf32, #tpu.memory_space<vmem>>) target(%dma_start3A_573 : memref<10240x16xf32, #tpu.memory_space<vmem_shared>>) offsets(%dma_start3A_570 : memref<128xi32, #tpu.memory_space<vmem>>) semaphore(%arg49 : memref<!tpu.dma_semaphore, #tpu.memory_space<semaphore_mem>>) {add = true}
      %add3A_574 = arith.constant 1 : i32
      %add3A_575 = arith.addi %scan3A_445, %add3A_574 : i32
      %mul3A_576 = arith.constant 8 : i32
      %mul3A_577 = arith.muli %add3A_575, %mul3A_576 : i32
      %add3A_578 = arith.constant 0 : i32
      %add3A_579 = arith.addi %mul3A_577, %add3A_578 : i32
      %dma_wait3A_580 = arith.constant 0 : i32
      %dma_wait3A_581 = tpu.memref_slice %arg16[%add3A_579, %dma_wait3A_580] : memref<80x128xi32, #tpu.memory_space<vmem>> -> memref<1x128xi32, #tpu.memory_space<vmem>>
      %dma_wait3A_582 = tpu.memref_squeeze %dma_wait3A_581 : memref<1x128xi32, #tpu.memory_space<vmem>> -> memref<128xi32, #tpu.memory_space<vmem>>
      %dma_wait3A_583 = arith.constant 0 : i32
      %dma_wait3A_584 = arith.constant 0 : i32
      %dma_wait3A_585 = tpu.memref_slice %arg12[%dma_wait3A_583, %dma_wait3A_584] : memref<10240x16xf32, #tpu.memory_space<vmem_shared>> -> memref<10240x16xf32, #tpu.memory_space<vmem_shared>>
      tpu.wait_indirect_dma semaphore(%arg42 : memref<!tpu.dma_semaphore, #tpu.memory_space<semaphore_mem>>) src(%arg26 : memref<128x16xf32, #tpu.memory_space<vmem>>) dst(%dma_wait3A_585 : memref<10240x16xf32, #tpu.memory_space<vmem_shared>>)
      %dma_start3A_586 = arith.constant 0 : i32
      %dma_start3A_587 = tpu.memref_slice %arg15[%add3A_579, %dma_start3A_586] : memref<80x128xi32, #tpu.memory_space<vmem>> -> memref<1x128xi32, #tpu.memory_space<vmem>>
      %dma_start3A_588 = tpu.memref_squeeze %dma_start3A_587 : memref<1x128xi32, #tpu.memory_space<vmem>> -> memref<128xi32, #tpu.memory_space<vmem>>
      %dma_start3A_589 = arith.constant 0 : i32
      %dma_start3A_590 = arith.constant 0 : i32
      %dma_start3A_591 = tpu.memref_slice %arg11[%dma_start3A_589, %dma_start3A_590] : memref<10240x16xf32, #tpu.memory_space<vmem_shared>> -> memref<10240x16xf32, #tpu.memory_space<vmem_shared>>
      tpu.enqueue_indirect_dma source(%dma_start3A_591 : memref<10240x16xf32, #tpu.memory_space<vmem_shared>>) target(%arg26 : memref<128x16xf32, #tpu.memory_space<vmem>>) offsets(%dma_start3A_588 : memref<128xi32, #tpu.memory_space<vmem>>) semaphore(%arg34 : memref<!tpu.dma_semaphore, #tpu.memory_space<semaphore_mem>>)
      %add3A_592 = arith.constant 1 : i32
      %add3A_593 = arith.addi %scan3A_445, %add3A_592 : i32
      %mul3A_594 = arith.constant 8 : i32
      %mul3A_595 = arith.muli %add3A_593, %mul3A_594 : i32
      %add3A_596 = arith.constant 1 : i32
      %add3A_597 = arith.addi %mul3A_595, %add3A_596 : i32
      %dma_wait3A_598 = arith.constant 0 : i32
      %dma_wait3A_599 = tpu.memref_slice %arg16[%add3A_597, %dma_wait3A_598] : memref<80x128xi32, #tpu.memory_space<vmem>> -> memref<1x128xi32, #tpu.memory_space<vmem>>
      %dma_wait3A_600 = tpu.memref_squeeze %dma_wait3A_599 : memref<1x128xi32, #tpu.memory_space<vmem>> -> memref<128xi32, #tpu.memory_space<vmem>>
      %dma_wait3A_601 = arith.constant 0 : i32
      %dma_wait3A_602 = arith.constant 0 : i32
      %dma_wait3A_603 = tpu.memref_slice %arg12[%dma_wait3A_601, %dma_wait3A_602] : memref<10240x16xf32, #tpu.memory_space<vmem_shared>> -> memref<10240x16xf32, #tpu.memory_space<vmem_shared>>
      tpu.wait_indirect_dma semaphore(%arg43 : memref<!tpu.dma_semaphore, #tpu.memory_space<semaphore_mem>>) src(%arg27 : memref<128x16xf32, #tpu.memory_space<vmem>>) dst(%dma_wait3A_603 : memref<10240x16xf32, #tpu.memory_space<vmem_shared>>)
      %dma_start3A_604 = arith.constant 0 : i32
      %dma_start3A_605 = tpu.memref_slice %arg15[%add3A_597, %dma_start3A_604] : memref<80x128xi32, #tpu.memory_space<vmem>> -> memref<1x128xi32, #tpu.memory_space<vmem>>
      %dma_start3A_606 = tpu.memref_squeeze %dma_start3A_605 : memref<1x128xi32, #tpu.memory_space<vmem>> -> memref<128xi32, #tpu.memory_space<vmem>>
      %dma_start3A_607 = arith.constant 0 : i32
      %dma_start3A_608 = arith.constant 0 : i32
      %dma_start3A_609 = tpu.memref_slice %arg11[%dma_start3A_607, %dma_start3A_608] : memref<10240x16xf32, #tpu.memory_space<vmem_shared>> -> memref<10240x16xf32, #tpu.memory_space<vmem_shared>>
      tpu.enqueue_indirect_dma source(%dma_start3A_609 : memref<10240x16xf32, #tpu.memory_space<vmem_shared>>) target(%arg27 : memref<128x16xf32, #tpu.memory_space<vmem>>) offsets(%dma_start3A_606 : memref<128xi32, #tpu.memory_space<vmem>>) semaphore(%arg35 : memref<!tpu.dma_semaphore, #tpu.memory_space<semaphore_mem>>)
      %add3A_610 = arith.constant 1 : i32
      %add3A_611 = arith.addi %scan3A_445, %add3A_610 : i32
      %mul3A_612 = arith.constant 8 : i32
      %mul3A_613 = arith.muli %add3A_611, %mul3A_612 : i32
      %add3A_614 = arith.constant 2 : i32
      %add3A_615 = arith.addi %mul3A_613, %add3A_614 : i32
      %dma_wait3A_616 = arith.constant 0 : i32
      %dma_wait3A_617 = tpu.memref_slice %arg16[%add3A_615, %dma_wait3A_616] : memref<80x128xi32, #tpu.memory_space<vmem>> -> memref<1x128xi32, #tpu.memory_space<vmem>>
      %dma_wait3A_618 = tpu.memref_squeeze %dma_wait3A_617 : memref<1x128xi32, #tpu.memory_space<vmem>> -> memref<128xi32, #tpu.memory_space<vmem>>
      %dma_wait3A_619 = arith.constant 0 : i32
      %dma_wait3A_620 = arith.constant 0 : i32
      %dma_wait3A_621 = tpu.memref_slice %arg12[%dma_wait3A_619, %dma_wait3A_620] : memref<10240x16xf32, #tpu.memory_space<vmem_shared>> -> memref<10240x16xf32, #tpu.memory_space<vmem_shared>>
      tpu.wait_indirect_dma semaphore(%arg44 : memref<!tpu.dma_semaphore, #tpu.memory_space<semaphore_mem>>) src(%arg28 : memref<128x16xf32, #tpu.memory_space<vmem>>) dst(%dma_wait3A_621 : memref<10240x16xf32, #tpu.memory_space<vmem_shared>>)
      %dma_start3A_622 = arith.constant 0 : i32
      %dma_start3A_623 = tpu.memref_slice %arg15[%add3A_615, %dma_start3A_622] : memref<80x128xi32, #tpu.memory_space<vmem>> -> memref<1x128xi32, #tpu.memory_space<vmem>>
      %dma_start3A_624 = tpu.memref_squeeze %dma_start3A_623 : memref<1x128xi32, #tpu.memory_space<vmem>> -> memref<128xi32, #tpu.memory_space<vmem>>
      %dma_start3A_625 = arith.constant 0 : i32
      %dma_start3A_626 = arith.constant 0 : i32
      %dma_start3A_627 = tpu.memref_slice %arg11[%dma_start3A_625, %dma_start3A_626] : memref<10240x16xf32, #tpu.memory_space<vmem_shared>> -> memref<10240x16xf32, #tpu.memory_space<vmem_shared>>
      tpu.enqueue_indirect_dma source(%dma_start3A_627 : memref<10240x16xf32, #tpu.memory_space<vmem_shared>>) target(%arg28 : memref<128x16xf32, #tpu.memory_space<vmem>>) offsets(%dma_start3A_624 : memref<128xi32, #tpu.memory_space<vmem>>) semaphore(%arg36 : memref<!tpu.dma_semaphore, #tpu.memory_space<semaphore_mem>>)
      %add3A_628 = arith.constant 1 : i32
      %add3A_629 = arith.addi %scan3A_445, %add3A_628 : i32
      %mul3A_630 = arith.constant 8 : i32
      %mul3A_631 = arith.muli %add3A_629, %mul3A_630 : i32
      %add3A_632 = arith.constant 3 : i32
      %add3A_633 = arith.addi %mul3A_631, %add3A_632 : i32
      %dma_wait3A_634 = arith.constant 0 : i32
      %dma_wait3A_635 = tpu.memref_slice %arg16[%add3A_633, %dma_wait3A_634] : memref<80x128xi32, #tpu.memory_space<vmem>> -> memref<1x128xi32, #tpu.memory_space<vmem>>
      %dma_wait3A_636 = tpu.memref_squeeze %dma_wait3A_635 : memref<1x128xi32, #tpu.memory_space<vmem>> -> memref<128xi32, #tpu.memory_space<vmem>>
      %dma_wait3A_637 = arith.constant 0 : i32
      %dma_wait3A_638 = arith.constant 0 : i32
      %dma_wait3A_639 = tpu.memref_slice %arg12[%dma_wait3A_637, %dma_wait3A_638] : memref<10240x16xf32, #tpu.memory_space<vmem_shared>> -> memref<10240x16xf32, #tpu.memory_space<vmem_shared>>
      tpu.wait_indirect_dma semaphore(%arg45 : memref<!tpu.dma_semaphore, #tpu.memory_space<semaphore_mem>>) src(%arg29 : memref<128x16xf32, #tpu.memory_space<vmem>>) dst(%dma_wait3A_639 : memref<10240x16xf32, #tpu.memory_space<vmem_shared>>)
      %dma_start3A_640 = arith.constant 0 : i32
      %dma_start3A_641 = tpu.memref_slice %arg15[%add3A_633, %dma_start3A_640] : memref<80x128xi32, #tpu.memory_space<vmem>> -> memref<1x128xi32, #tpu.memory_space<vmem>>
      %dma_start3A_642 = tpu.memref_squeeze %dma_start3A_641 : memref<1x128xi32, #tpu.memory_space<vmem>> -> memref<128xi32, #tpu.memory_space<vmem>>
      %dma_start3A_643 = arith.constant 0 : i32
      %dma_start3A_644 = arith.constant 0 : i32
      %dma_start3A_645 = tpu.memref_slice %arg11[%dma_start3A_643, %dma_start3A_644] : memref<10240x16xf32, #tpu.memory_space<vmem_shared>> -> memref<10240x16xf32, #tpu.memory_space<vmem_shared>>
      tpu.enqueue_indirect_dma source(%dma_start3A_645 : memref<10240x16xf32, #tpu.memory_space<vmem_shared>>) target(%arg29 : memref<128x16xf32, #tpu.memory_space<vmem>>) offsets(%dma_start3A_642 : memref<128xi32, #tpu.memory_space<vmem>>) semaphore(%arg37 : memref<!tpu.dma_semaphore, #tpu.memory_space<semaphore_mem>>)
      %add3A_646 = arith.constant 1 : i32
      %add3A_647 = arith.addi %scan3A_445, %add3A_646 : i32
      %mul3A_648 = arith.constant 8 : i32
      %mul3A_649 = arith.muli %add3A_647, %mul3A_648 : i32
      %add3A_650 = arith.constant 4 : i32
      %add3A_651 = arith.addi %mul3A_649, %add3A_650 : i32
      %dma_wait3A_652 = arith.constant 0 : i32
      %dma_wait3A_653 = tpu.memref_slice %arg16[%add3A_651, %dma_wait3A_652] : memref<80x128xi32, #tpu.memory_space<vmem>> -> memref<1x128xi32, #tpu.memory_space<vmem>>
      %dma_wait3A_654 = tpu.memref_squeeze %dma_wait3A_653 : memref<1x128xi32, #tpu.memory_space<vmem>> -> memref<128xi32, #tpu.memory_space<vmem>>
      %dma_wait3A_655 = arith.constant 0 : i32
      %dma_wait3A_656 = arith.constant 0 : i32
      %dma_wait3A_657 = tpu.memref_slice %arg12[%dma_wait3A_655, %dma_wait3A_656] : memref<10240x16xf32, #tpu.memory_space<vmem_shared>> -> memref<10240x16xf32, #tpu.memory_space<vmem_shared>>
      tpu.wait_indirect_dma semaphore(%arg46 : memref<!tpu.dma_semaphore, #tpu.memory_space<semaphore_mem>>) src(%arg30 : memref<128x16xf32, #tpu.memory_space<vmem>>) dst(%dma_wait3A_657 : memref<10240x16xf32, #tpu.memory_space<vmem_shared>>)
      %dma_start3A_658 = arith.constant 0 : i32
      %dma_start3A_659 = tpu.memref_slice %arg15[%add3A_651, %dma_start3A_658] : memref<80x128xi32, #tpu.memory_space<vmem>> -> memref<1x128xi32, #tpu.memory_space<vmem>>
      %dma_start3A_660 = tpu.memref_squeeze %dma_start3A_659 : memref<1x128xi32, #tpu.memory_space<vmem>> -> memref<128xi32, #tpu.memory_space<vmem>>
      %dma_start3A_661 = arith.constant 0 : i32
      %dma_start3A_662 = arith.constant 0 : i32
      %dma_start3A_663 = tpu.memref_slice %arg11[%dma_start3A_661, %dma_start3A_662] : memref<10240x16xf32, #tpu.memory_space<vmem_shared>> -> memref<10240x16xf32, #tpu.memory_space<vmem_shared>>
      tpu.enqueue_indirect_dma source(%dma_start3A_663 : memref<10240x16xf32, #tpu.memory_space<vmem_shared>>) target(%arg30 : memref<128x16xf32, #tpu.memory_space<vmem>>) offsets(%dma_start3A_660 : memref<128xi32, #tpu.memory_space<vmem>>) semaphore(%arg38 : memref<!tpu.dma_semaphore, #tpu.memory_space<semaphore_mem>>)
      %add3A_664 = arith.constant 1 : i32
      %add3A_665 = arith.addi %scan3A_445, %add3A_664 : i32
      %mul3A_666 = arith.constant 8 : i32
      %mul3A_667 = arith.muli %add3A_665, %mul3A_666 : i32
      %add3A_668 = arith.constant 5 : i32
      %add3A_669 = arith.addi %mul3A_667, %add3A_668 : i32
      %dma_wait3A_670 = arith.constant 0 : i32
      %dma_wait3A_671 = tpu.memref_slice %arg16[%add3A_669, %dma_wait3A_670] : memref<80x128xi32, #tpu.memory_space<vmem>> -> memref<1x128xi32, #tpu.memory_space<vmem>>
      %dma_wait3A_672 = tpu.memref_squeeze %dma_wait3A_671 : memref<1x128xi32, #tpu.memory_space<vmem>> -> memref<128xi32, #tpu.memory_space<vmem>>
      %dma_wait3A_673 = arith.constant 0 : i32
      %dma_wait3A_674 = arith.constant 0 : i32
      %dma_wait3A_675 = tpu.memref_slice %arg12[%dma_wait3A_673, %dma_wait3A_674] : memref<10240x16xf32, #tpu.memory_space<vmem_shared>> -> memref<10240x16xf32, #tpu.memory_space<vmem_shared>>
      tpu.wait_indirect_dma semaphore(%arg47 : memref<!tpu.dma_semaphore, #tpu.memory_space<semaphore_mem>>) src(%arg31 : memref<128x16xf32, #tpu.memory_space<vmem>>) dst(%dma_wait3A_675 : memref<10240x16xf32, #tpu.memory_space<vmem_shared>>)
      %dma_start3A_676 = arith.constant 0 : i32
      %dma_start3A_677 = tpu.memref_slice %arg15[%add3A_669, %dma_start3A_676] : memref<80x128xi32, #tpu.memory_space<vmem>> -> memref<1x128xi32, #tpu.memory_space<vmem>>
      %dma_start3A_678 = tpu.memref_squeeze %dma_start3A_677 : memref<1x128xi32, #tpu.memory_space<vmem>> -> memref<128xi32, #tpu.memory_space<vmem>>
      %dma_start3A_679 = arith.constant 0 : i32
      %dma_start3A_680 = arith.constant 0 : i32
      %dma_start3A_681 = tpu.memref_slice %arg11[%dma_start3A_679, %dma_start3A_680] : memref<10240x16xf32, #tpu.memory_space<vmem_shared>> -> memref<10240x16xf32, #tpu.memory_space<vmem_shared>>
      tpu.enqueue_indirect_dma source(%dma_start3A_681 : memref<10240x16xf32, #tpu.memory_space<vmem_shared>>) target(%arg31 : memref<128x16xf32, #tpu.memory_space<vmem>>) offsets(%dma_start3A_678 : memref<128xi32, #tpu.memory_space<vmem>>) semaphore(%arg39 : memref<!tpu.dma_semaphore, #tpu.memory_space<semaphore_mem>>)
      %add3A_682 = arith.constant 1 : i32
      %add3A_683 = arith.addi %scan3A_445, %add3A_682 : i32
      %mul3A_684 = arith.constant 8 : i32
      %mul3A_685 = arith.muli %add3A_683, %mul3A_684 : i32
      %add3A_686 = arith.constant 6 : i32
      %add3A_687 = arith.addi %mul3A_685, %add3A_686 : i32
      %dma_wait3A_688 = arith.constant 0 : i32
      %dma_wait3A_689 = tpu.memref_slice %arg16[%add3A_687, %dma_wait3A_688] : memref<80x128xi32, #tpu.memory_space<vmem>> -> memref<1x128xi32, #tpu.memory_space<vmem>>
      %dma_wait3A_690 = tpu.memref_squeeze %dma_wait3A_689 : memref<1x128xi32, #tpu.memory_space<vmem>> -> memref<128xi32, #tpu.memory_space<vmem>>
      %dma_wait3A_691 = arith.constant 0 : i32
      %dma_wait3A_692 = arith.constant 0 : i32
      %dma_wait3A_693 = tpu.memref_slice %arg12[%dma_wait3A_691, %dma_wait3A_692] : memref<10240x16xf32, #tpu.memory_space<vmem_shared>> -> memref<10240x16xf32, #tpu.memory_space<vmem_shared>>
      tpu.wait_indirect_dma semaphore(%arg48 : memref<!tpu.dma_semaphore, #tpu.memory_space<semaphore_mem>>) src(%arg32 : memref<128x16xf32, #tpu.memory_space<vmem>>) dst(%dma_wait3A_693 : memref<10240x16xf32, #tpu.memory_space<vmem_shared>>)
      %dma_start3A_694 = arith.constant 0 : i32
      %dma_start3A_695 = tpu.memref_slice %arg15[%add3A_687, %dma_start3A_694] : memref<80x128xi32, #tpu.memory_space<vmem>> -> memref<1x128xi32, #tpu.memory_space<vmem>>
      %dma_start3A_696 = tpu.memref_squeeze %dma_start3A_695 : memref<1x128xi32, #tpu.memory_space<vmem>> -> memref<128xi32, #tpu.memory_space<vmem>>
      %dma_start3A_697 = arith.constant 0 : i32
      %dma_start3A_698 = arith.constant 0 : i32
      %dma_start3A_699 = tpu.memref_slice %arg11[%dma_start3A_697, %dma_start3A_698] : memref<10240x16xf32, #tpu.memory_space<vmem_shared>> -> memref<10240x16xf32, #tpu.memory_space<vmem_shared>>
      tpu.enqueue_indirect_dma source(%dma_start3A_699 : memref<10240x16xf32, #tpu.memory_space<vmem_shared>>) target(%arg32 : memref<128x16xf32, #tpu.memory_space<vmem>>) offsets(%dma_start3A_696 : memref<128xi32, #tpu.memory_space<vmem>>) semaphore(%arg40 : memref<!tpu.dma_semaphore, #tpu.memory_space<semaphore_mem>>)
      %add3A_700 = arith.constant 1 : i32
      %add3A_701 = arith.addi %scan3A_445, %add3A_700 : i32
      %mul3A_702 = arith.constant 8 : i32
      %mul3A_703 = arith.muli %add3A_701, %mul3A_702 : i32
      %add3A_704 = arith.constant 7 : i32
      %add3A_705 = arith.addi %mul3A_703, %add3A_704 : i32
      %dma_wait3A_706 = arith.constant 0 : i32
      %dma_wait3A_707 = tpu.memref_slice %arg16[%add3A_705, %dma_wait3A_706] : memref<80x128xi32, #tpu.memory_space<vmem>> -> memref<1x128xi32, #tpu.memory_space<vmem>>
      %dma_wait3A_708 = tpu.memref_squeeze %dma_wait3A_707 : memref<1x128xi32, #tpu.memory_space<vmem>> -> memref<128xi32, #tpu.memory_space<vmem>>
      %dma_wait3A_709 = arith.constant 0 : i32
      %dma_wait3A_710 = arith.constant 0 : i32
      %dma_wait3A_711 = tpu.memref_slice %arg12[%dma_wait3A_709, %dma_wait3A_710] : memref<10240x16xf32, #tpu.memory_space<vmem_shared>> -> memref<10240x16xf32, #tpu.memory_space<vmem_shared>>
      tpu.wait_indirect_dma semaphore(%arg49 : memref<!tpu.dma_semaphore, #tpu.memory_space<semaphore_mem>>) src(%arg33 : memref<128x16xf32, #tpu.memory_space<vmem>>) dst(%dma_wait3A_711 : memref<10240x16xf32, #tpu.memory_space<vmem_shared>>)
      %dma_start3A_712 = arith.constant 0 : i32
      %dma_start3A_713 = tpu.memref_slice %arg15[%add3A_705, %dma_start3A_712] : memref<80x128xi32, #tpu.memory_space<vmem>> -> memref<1x128xi32, #tpu.memory_space<vmem>>
      %dma_start3A_714 = tpu.memref_squeeze %dma_start3A_713 : memref<1x128xi32, #tpu.memory_space<vmem>> -> memref<128xi32, #tpu.memory_space<vmem>>
      %dma_start3A_715 = arith.constant 0 : i32
      %dma_start3A_716 = arith.constant 0 : i32
      %dma_start3A_717 = tpu.memref_slice %arg11[%dma_start3A_715, %dma_start3A_716] : memref<10240x16xf32, #tpu.memory_space<vmem_shared>> -> memref<10240x16xf32, #tpu.memory_space<vmem_shared>>
      tpu.enqueue_indirect_dma source(%dma_start3A_717 : memref<10240x16xf32, #tpu.memory_space<vmem_shared>>) target(%arg33 : memref<128x16xf32, #tpu.memory_space<vmem>>) offsets(%dma_start3A_714 : memref<128xi32, #tpu.memory_space<vmem>>) semaphore(%arg41 : memref<!tpu.dma_semaphore, #tpu.memory_space<semaphore_mem>>)
    }
    %scan3A_365 = arith.constant 9 : i32
    %dma_wait3A_366 = arith.constant 72 : i32
    %dma_wait3A_367 = arith.constant 0 : i32
    %dma_wait3A_368 = tpu.memref_slice %arg15[%dma_wait3A_366, %dma_wait3A_367] : memref<80x128xi32, #tpu.memory_space<vmem>> -> memref<1x128xi32, #tpu.memory_space<vmem>>
    %dma_wait3A_369 = tpu.memref_squeeze %dma_wait3A_368 : memref<1x128xi32, #tpu.memory_space<vmem>> -> memref<128xi32, #tpu.memory_space<vmem>>
    %dma_wait3A_370 = arith.constant 0 : i32
    %dma_wait3A_371 = arith.constant 0 : i32
    %dma_wait3A_372 = tpu.memref_slice %arg11[%dma_wait3A_370, %dma_wait3A_371] : memref<10240x16xf32, #tpu.memory_space<vmem_shared>> -> memref<10240x16xf32, #tpu.memory_space<vmem_shared>>
    tpu.wait_indirect_dma semaphore(%arg34 : memref<!tpu.dma_semaphore, #tpu.memory_space<semaphore_mem>>) src(%dma_wait3A_372 : memref<10240x16xf32, #tpu.memory_space<vmem_shared>>) dst(%arg26 : memref<128x16xf32, #tpu.memory_space<vmem>>)
    %run_scoped3A_373 = arith.constant 72 : i32
    "tpu.region"() ({
      %run_scoped3A_445 = tpu.sem_alloc : memref<!tpu.dma_semaphore, #tpu.memory_space<semaphore_mem>>
      %dma_start3A_446 = arith.constant 0 : i32
      %dma_start3A_447 = tpu.memref_slice %arg16[%run_scoped3A_373, %dma_start3A_446] : memref<80x128xi32, #tpu.memory_space<vmem>> -> memref<1x128xi32, #tpu.memory_space<vmem>>
      %dma_start3A_448 = tpu.memref_squeeze %dma_start3A_447 : memref<1x128xi32, #tpu.memory_space<vmem>> -> memref<128xi32, #tpu.memory_space<vmem>>
      %dma_start3A_449 = arith.constant 0 : i32
      %dma_start3A_450 = arith.constant 0 : i32
      %dma_start3A_451 = tpu.memref_slice %arg12[%dma_start3A_449, %dma_start3A_450] : memref<10240x16xf32, #tpu.memory_space<vmem_shared>> -> memref<10240x16xf32, #tpu.memory_space<vmem_shared>>
      tpu.enqueue_indirect_dma source(%arg26 : memref<128x16xf32, #tpu.memory_space<vmem>>) target(%dma_start3A_451 : memref<10240x16xf32, #tpu.memory_space<vmem_shared>>) offsets(%dma_start3A_448 : memref<128xi32, #tpu.memory_space<vmem>>) semaphore(%run_scoped3A_445 : memref<!tpu.dma_semaphore, #tpu.memory_space<semaphore_mem>>) {add = true}
      %dma_wait3A_452 = arith.constant 0 : i32
      %dma_wait3A_453 = tpu.memref_slice %arg16[%run_scoped3A_373, %dma_wait3A_452] : memref<80x128xi32, #tpu.memory_space<vmem>> -> memref<1x128xi32, #tpu.memory_space<vmem>>
      %dma_wait3A_454 = tpu.memref_squeeze %dma_wait3A_453 : memref<1x128xi32, #tpu.memory_space<vmem>> -> memref<128xi32, #tpu.memory_space<vmem>>
      %dma_wait3A_455 = arith.constant 0 : i32
      %dma_wait3A_456 = arith.constant 0 : i32
      %dma_wait3A_457 = tpu.memref_slice %arg12[%dma_wait3A_455, %dma_wait3A_456] : memref<10240x16xf32, #tpu.memory_space<vmem_shared>> -> memref<10240x16xf32, #tpu.memory_space<vmem_shared>>
      tpu.wait_indirect_dma semaphore(%run_scoped3A_445 : memref<!tpu.dma_semaphore, #tpu.memory_space<semaphore_mem>>) src(%arg26 : memref<128x16xf32, #tpu.memory_space<vmem>>) dst(%dma_wait3A_457 : memref<10240x16xf32, #tpu.memory_space<vmem_shared>>)
      tpu.yield
    }) : () -> ()
    %dma_wait3A_374 = arith.constant 73 : i32
    %dma_wait3A_375 = arith.constant 0 : i32
    %dma_wait3A_376 = tpu.memref_slice %arg15[%dma_wait3A_374, %dma_wait3A_375] : memref<80x128xi32, #tpu.memory_space<vmem>> -> memref<1x128xi32, #tpu.memory_space<vmem>>
    %dma_wait3A_377 = tpu.memref_squeeze %dma_wait3A_376 : memref<1x128xi32, #tpu.memory_space<vmem>> -> memref<128xi32, #tpu.memory_space<vmem>>
    %dma_wait3A_378 = arith.constant 0 : i32
    %dma_wait3A_379 = arith.constant 0 : i32
    %dma_wait3A_380 = tpu.memref_slice %arg11[%dma_wait3A_378, %dma_wait3A_379] : memref<10240x16xf32, #tpu.memory_space<vmem_shared>> -> memref<10240x16xf32, #tpu.memory_space<vmem_shared>>
    tpu.wait_indirect_dma semaphore(%arg35 : memref<!tpu.dma_semaphore, #tpu.memory_space<semaphore_mem>>) src(%dma_wait3A_380 : memref<10240x16xf32, #tpu.memory_space<vmem_shared>>) dst(%arg27 : memref<128x16xf32, #tpu.memory_space<vmem>>)
    %run_scoped3A_381 = arith.constant 73 : i32
    "tpu.region"() ({
      %run_scoped3A_445 = tpu.sem_alloc : memref<!tpu.dma_semaphore, #tpu.memory_space<semaphore_mem>>
      %dma_start3A_446 = arith.constant 0 : i32
      %dma_start3A_447 = tpu.memref_slice %arg16[%run_scoped3A_381, %dma_start3A_446] : memref<80x128xi32, #tpu.memory_space<vmem>> -> memref<1x128xi32, #tpu.memory_space<vmem>>
      %dma_start3A_448 = tpu.memref_squeeze %dma_start3A_447 : memref<1x128xi32, #tpu.memory_space<vmem>> -> memref<128xi32, #tpu.memory_space<vmem>>
      %dma_start3A_449 = arith.constant 0 : i32
      %dma_start3A_450 = arith.constant 0 : i32
      %dma_start3A_451 = tpu.memref_slice %arg12[%dma_start3A_449, %dma_start3A_450] : memref<10240x16xf32, #tpu.memory_space<vmem_shared>> -> memref<10240x16xf32, #tpu.memory_space<vmem_shared>>
      tpu.enqueue_indirect_dma source(%arg27 : memref<128x16xf32, #tpu.memory_space<vmem>>) target(%dma_start3A_451 : memref<10240x16xf32, #tpu.memory_space<vmem_shared>>) offsets(%dma_start3A_448 : memref<128xi32, #tpu.memory_space<vmem>>) semaphore(%run_scoped3A_445 : memref<!tpu.dma_semaphore, #tpu.memory_space<semaphore_mem>>) {add = true}
      %dma_wait3A_452 = arith.constant 0 : i32
      %dma_wait3A_453 = tpu.memref_slice %arg16[%run_scoped3A_381, %dma_wait3A_452] : memref<80x128xi32, #tpu.memory_space<vmem>> -> memref<1x128xi32, #tpu.memory_space<vmem>>
      %dma_wait3A_454 = tpu.memref_squeeze %dma_wait3A_453 : memref<1x128xi32, #tpu.memory_space<vmem>> -> memref<128xi32, #tpu.memory_space<vmem>>
      %dma_wait3A_455 = arith.constant 0 : i32
      %dma_wait3A_456 = arith.constant 0 : i32
      %dma_wait3A_457 = tpu.memref_slice %arg12[%dma_wait3A_455, %dma_wait3A_456] : memref<10240x16xf32, #tpu.memory_space<vmem_shared>> -> memref<10240x16xf32, #tpu.memory_space<vmem_shared>>
      tpu.wait_indirect_dma semaphore(%run_scoped3A_445 : memref<!tpu.dma_semaphore, #tpu.memory_space<semaphore_mem>>) src(%arg27 : memref<128x16xf32, #tpu.memory_space<vmem>>) dst(%dma_wait3A_457 : memref<10240x16xf32, #tpu.memory_space<vmem_shared>>)
      tpu.yield
    }) : () -> ()
    %dma_wait3A_382 = arith.constant 74 : i32
    %dma_wait3A_383 = arith.constant 0 : i32
    %dma_wait3A_384 = tpu.memref_slice %arg15[%dma_wait3A_382, %dma_wait3A_383] : memref<80x128xi32, #tpu.memory_space<vmem>> -> memref<1x128xi32, #tpu.memory_space<vmem>>
    %dma_wait3A_385 = tpu.memref_squeeze %dma_wait3A_384 : memref<1x128xi32, #tpu.memory_space<vmem>> -> memref<128xi32, #tpu.memory_space<vmem>>
    %dma_wait3A_386 = arith.constant 0 : i32
    %dma_wait3A_387 = arith.constant 0 : i32
    %dma_wait3A_388 = tpu.memref_slice %arg11[%dma_wait3A_386, %dma_wait3A_387] : memref<10240x16xf32, #tpu.memory_space<vmem_shared>> -> memref<10240x16xf32, #tpu.memory_space<vmem_shared>>
    tpu.wait_indirect_dma semaphore(%arg36 : memref<!tpu.dma_semaphore, #tpu.memory_space<semaphore_mem>>) src(%dma_wait3A_388 : memref<10240x16xf32, #tpu.memory_space<vmem_shared>>) dst(%arg28 : memref<128x16xf32, #tpu.memory_space<vmem>>)
    %run_scoped3A_389 = arith.constant 74 : i32
    "tpu.region"() ({
      %run_scoped3A_445 = tpu.sem_alloc : memref<!tpu.dma_semaphore, #tpu.memory_space<semaphore_mem>>
      %dma_start3A_446 = arith.constant 0 : i32
      %dma_start3A_447 = tpu.memref_slice %arg16[%run_scoped3A_389, %dma_start3A_446] : memref<80x128xi32, #tpu.memory_space<vmem>> -> memref<1x128xi32, #tpu.memory_space<vmem>>
      %dma_start3A_448 = tpu.memref_squeeze %dma_start3A_447 : memref<1x128xi32, #tpu.memory_space<vmem>> -> memref<128xi32, #tpu.memory_space<vmem>>
      %dma_start3A_449 = arith.constant 0 : i32
      %dma_start3A_450 = arith.constant 0 : i32
      %dma_start3A_451 = tpu.memref_slice %arg12[%dma_start3A_449, %dma_start3A_450] : memref<10240x16xf32, #tpu.memory_space<vmem_shared>> -> memref<10240x16xf32, #tpu.memory_space<vmem_shared>>
      tpu.enqueue_indirect_dma source(%arg28 : memref<128x16xf32, #tpu.memory_space<vmem>>) target(%dma_start3A_451 : memref<10240x16xf32, #tpu.memory_space<vmem_shared>>) offsets(%dma_start3A_448 : memref<128xi32, #tpu.memory_space<vmem>>) semaphore(%run_scoped3A_445 : memref<!tpu.dma_semaphore, #tpu.memory_space<semaphore_mem>>) {add = true}
      %dma_wait3A_452 = arith.constant 0 : i32
      %dma_wait3A_453 = tpu.memref_slice %arg16[%run_scoped3A_389, %dma_wait3A_452] : memref<80x128xi32, #tpu.memory_space<vmem>> -> memref<1x128xi32, #tpu.memory_space<vmem>>
      %dma_wait3A_454 = tpu.memref_squeeze %dma_wait3A_453 : memref<1x128xi32, #tpu.memory_space<vmem>> -> memref<128xi32, #tpu.memory_space<vmem>>
      %dma_wait3A_455 = arith.constant 0 : i32
      %dma_wait3A_456 = arith.constant 0 : i32
      %dma_wait3A_457 = tpu.memref_slice %arg12[%dma_wait3A_455, %dma_wait3A_456] : memref<10240x16xf32, #tpu.memory_space<vmem_shared>> -> memref<10240x16xf32, #tpu.memory_space<vmem_shared>>
      tpu.wait_indirect_dma semaphore(%run_scoped3A_445 : memref<!tpu.dma_semaphore, #tpu.memory_space<semaphore_mem>>) src(%arg28 : memref<128x16xf32, #tpu.memory_space<vmem>>) dst(%dma_wait3A_457 : memref<10240x16xf32, #tpu.memory_space<vmem_shared>>)
      tpu.yield
    }) : () -> ()
    %dma_wait3A_390 = arith.constant 75 : i32
    %dma_wait3A_391 = arith.constant 0 : i32
    %dma_wait3A_392 = tpu.memref_slice %arg15[%dma_wait3A_390, %dma_wait3A_391] : memref<80x128xi32, #tpu.memory_space<vmem>> -> memref<1x128xi32, #tpu.memory_space<vmem>>
    %dma_wait3A_393 = tpu.memref_squeeze %dma_wait3A_392 : memref<1x128xi32, #tpu.memory_space<vmem>> -> memref<128xi32, #tpu.memory_space<vmem>>
    %dma_wait3A_394 = arith.constant 0 : i32
    %dma_wait3A_395 = arith.constant 0 : i32
    %dma_wait3A_396 = tpu.memref_slice %arg11[%dma_wait3A_394, %dma_wait3A_395] : memref<10240x16xf32, #tpu.memory_space<vmem_shared>> -> memref<10240x16xf32, #tpu.memory_space<vmem_shared>>
    tpu.wait_indirect_dma semaphore(%arg37 : memref<!tpu.dma_semaphore, #tpu.memory_space<semaphore_mem>>) src(%dma_wait3A_396 : memref<10240x16xf32, #tpu.memory_space<vmem_shared>>) dst(%arg29 : memref<128x16xf32, #tpu.memory_space<vmem>>)
    %run_scoped3A_397 = arith.constant 75 : i32
    "tpu.region"() ({
      %run_scoped3A_445 = tpu.sem_alloc : memref<!tpu.dma_semaphore, #tpu.memory_space<semaphore_mem>>
      %dma_start3A_446 = arith.constant 0 : i32
      %dma_start3A_447 = tpu.memref_slice %arg16[%run_scoped3A_397, %dma_start3A_446] : memref<80x128xi32, #tpu.memory_space<vmem>> -> memref<1x128xi32, #tpu.memory_space<vmem>>
      %dma_start3A_448 = tpu.memref_squeeze %dma_start3A_447 : memref<1x128xi32, #tpu.memory_space<vmem>> -> memref<128xi32, #tpu.memory_space<vmem>>
      %dma_start3A_449 = arith.constant 0 : i32
      %dma_start3A_450 = arith.constant 0 : i32
      %dma_start3A_451 = tpu.memref_slice %arg12[%dma_start3A_449, %dma_start3A_450] : memref<10240x16xf32, #tpu.memory_space<vmem_shared>> -> memref<10240x16xf32, #tpu.memory_space<vmem_shared>>
      tpu.enqueue_indirect_dma source(%arg29 : memref<128x16xf32, #tpu.memory_space<vmem>>) target(%dma_start3A_451 : memref<10240x16xf32, #tpu.memory_space<vmem_shared>>) offsets(%dma_start3A_448 : memref<128xi32, #tpu.memory_space<vmem>>) semaphore(%run_scoped3A_445 : memref<!tpu.dma_semaphore, #tpu.memory_space<semaphore_mem>>) {add = true}
      %dma_wait3A_452 = arith.constant 0 : i32
      %dma_wait3A_453 = tpu.memref_slice %arg16[%run_scoped3A_397, %dma_wait3A_452] : memref<80x128xi32, #tpu.memory_space<vmem>> -> memref<1x128xi32, #tpu.memory_space<vmem>>
      %dma_wait3A_454 = tpu.memref_squeeze %dma_wait3A_453 : memref<1x128xi32, #tpu.memory_space<vmem>> -> memref<128xi32, #tpu.memory_space<vmem>>
      %dma_wait3A_455 = arith.constant 0 : i32
      %dma_wait3A_456 = arith.constant 0 : i32
      %dma_wait3A_457 = tpu.memref_slice %arg12[%dma_wait3A_455, %dma_wait3A_456] : memref<10240x16xf32, #tpu.memory_space<vmem_shared>> -> memref<10240x16xf32, #tpu.memory_space<vmem_shared>>
      tpu.wait_indirect_dma semaphore(%run_scoped3A_445 : memref<!tpu.dma_semaphore, #tpu.memory_space<semaphore_mem>>) src(%arg29 : memref<128x16xf32, #tpu.memory_space<vmem>>) dst(%dma_wait3A_457 : memref<10240x16xf32, #tpu.memory_space<vmem_shared>>)
      tpu.yield
    }) : () -> ()
    %dma_wait3A_398 = arith.constant 76 : i32
    %dma_wait3A_399 = arith.constant 0 : i32
    %dma_wait3A_400 = tpu.memref_slice %arg15[%dma_wait3A_398, %dma_wait3A_399] : memref<80x128xi32, #tpu.memory_space<vmem>> -> memref<1x128xi32, #tpu.memory_space<vmem>>
    %dma_wait3A_401 = tpu.memref_squeeze %dma_wait3A_400 : memref<1x128xi32, #tpu.memory_space<vmem>> -> memref<128xi32, #tpu.memory_space<vmem>>
    %dma_wait3A_402 = arith.constant 0 : i32
    %dma_wait3A_403 = arith.constant 0 : i32
    %dma_wait3A_404 = tpu.memref_slice %arg11[%dma_wait3A_402, %dma_wait3A_403] : memref<10240x16xf32, #tpu.memory_space<vmem_shared>> -> memref<10240x16xf32, #tpu.memory_space<vmem_shared>>
    tpu.wait_indirect_dma semaphore(%arg38 : memref<!tpu.dma_semaphore, #tpu.memory_space<semaphore_mem>>) src(%dma_wait3A_404 : memref<10240x16xf32, #tpu.memory_space<vmem_shared>>) dst(%arg30 : memref<128x16xf32, #tpu.memory_space<vmem>>)
    %run_scoped3A_405 = arith.constant 76 : i32
    "tpu.region"() ({
      %run_scoped3A_445 = tpu.sem_alloc : memref<!tpu.dma_semaphore, #tpu.memory_space<semaphore_mem>>
      %dma_start3A_446 = arith.constant 0 : i32
      %dma_start3A_447 = tpu.memref_slice %arg16[%run_scoped3A_405, %dma_start3A_446] : memref<80x128xi32, #tpu.memory_space<vmem>> -> memref<1x128xi32, #tpu.memory_space<vmem>>
      %dma_start3A_448 = tpu.memref_squeeze %dma_start3A_447 : memref<1x128xi32, #tpu.memory_space<vmem>> -> memref<128xi32, #tpu.memory_space<vmem>>
      %dma_start3A_449 = arith.constant 0 : i32
      %dma_start3A_450 = arith.constant 0 : i32
      %dma_start3A_451 = tpu.memref_slice %arg12[%dma_start3A_449, %dma_start3A_450] : memref<10240x16xf32, #tpu.memory_space<vmem_shared>> -> memref<10240x16xf32, #tpu.memory_space<vmem_shared>>
      tpu.enqueue_indirect_dma source(%arg30 : memref<128x16xf32, #tpu.memory_space<vmem>>) target(%dma_start3A_451 : memref<10240x16xf32, #tpu.memory_space<vmem_shared>>) offsets(%dma_start3A_448 : memref<128xi32, #tpu.memory_space<vmem>>) semaphore(%run_scoped3A_445 : memref<!tpu.dma_semaphore, #tpu.memory_space<semaphore_mem>>) {add = true}
      %dma_wait3A_452 = arith.constant 0 : i32
      %dma_wait3A_453 = tpu.memref_slice %arg16[%run_scoped3A_405, %dma_wait3A_452] : memref<80x128xi32, #tpu.memory_space<vmem>> -> memref<1x128xi32, #tpu.memory_space<vmem>>
      %dma_wait3A_454 = tpu.memref_squeeze %dma_wait3A_453 : memref<1x128xi32, #tpu.memory_space<vmem>> -> memref<128xi32, #tpu.memory_space<vmem>>
      %dma_wait3A_455 = arith.constant 0 : i32
      %dma_wait3A_456 = arith.constant 0 : i32
      %dma_wait3A_457 = tpu.memref_slice %arg12[%dma_wait3A_455, %dma_wait3A_456] : memref<10240x16xf32, #tpu.memory_space<vmem_shared>> -> memref<10240x16xf32, #tpu.memory_space<vmem_shared>>
      tpu.wait_indirect_dma semaphore(%run_scoped3A_445 : memref<!tpu.dma_semaphore, #tpu.memory_space<semaphore_mem>>) src(%arg30 : memref<128x16xf32, #tpu.memory_space<vmem>>) dst(%dma_wait3A_457 : memref<10240x16xf32, #tpu.memory_space<vmem_shared>>)
      tpu.yield
    }) : () -> ()
    %dma_wait3A_406 = arith.constant 77 : i32
    %dma_wait3A_407 = arith.constant 0 : i32
    %dma_wait3A_408 = tpu.memref_slice %arg15[%dma_wait3A_406, %dma_wait3A_407] : memref<80x128xi32, #tpu.memory_space<vmem>> -> memref<1x128xi32, #tpu.memory_space<vmem>>
    %dma_wait3A_409 = tpu.memref_squeeze %dma_wait3A_408 : memref<1x128xi32, #tpu.memory_space<vmem>> -> memref<128xi32, #tpu.memory_space<vmem>>
    %dma_wait3A_410 = arith.constant 0 : i32
    %dma_wait3A_411 = arith.constant 0 : i32
    %dma_wait3A_412 = tpu.memref_slice %arg11[%dma_wait3A_410, %dma_wait3A_411] : memref<10240x16xf32, #tpu.memory_space<vmem_shared>> -> memref<10240x16xf32, #tpu.memory_space<vmem_shared>>
    tpu.wait_indirect_dma semaphore(%arg39 : memref<!tpu.dma_semaphore, #tpu.memory_space<semaphore_mem>>) src(%dma_wait3A_412 : memref<10240x16xf32, #tpu.memory_space<vmem_shared>>) dst(%arg31 : memref<128x16xf32, #tpu.memory_space<vmem>>)
    %run_scoped3A_413 = arith.constant 77 : i32
    "tpu.region"() ({
      %run_scoped3A_445 = tpu.sem_alloc : memref<!tpu.dma_semaphore, #tpu.memory_space<semaphore_mem>>
      %dma_start3A_446 = arith.constant 0 : i32
      %dma_start3A_447 = tpu.memref_slice %arg16[%run_scoped3A_413, %dma_start3A_446] : memref<80x128xi32, #tpu.memory_space<vmem>> -> memref<1x128xi32, #tpu.memory_space<vmem>>
      %dma_start3A_448 = tpu.memref_squeeze %dma_start3A_447 : memref<1x128xi32, #tpu.memory_space<vmem>> -> memref<128xi32, #tpu.memory_space<vmem>>
      %dma_start3A_449 = arith.constant 0 : i32
      %dma_start3A_450 = arith.constant 0 : i32
      %dma_start3A_451 = tpu.memref_slice %arg12[%dma_start3A_449, %dma_start3A_450] : memref<10240x16xf32, #tpu.memory_space<vmem_shared>> -> memref<10240x16xf32, #tpu.memory_space<vmem_shared>>
      tpu.enqueue_indirect_dma source(%arg31 : memref<128x16xf32, #tpu.memory_space<vmem>>) target(%dma_start3A_451 : memref<10240x16xf32, #tpu.memory_space<vmem_shared>>) offsets(%dma_start3A_448 : memref<128xi32, #tpu.memory_space<vmem>>) semaphore(%run_scoped3A_445 : memref<!tpu.dma_semaphore, #tpu.memory_space<semaphore_mem>>) {add = true}
      %dma_wait3A_452 = arith.constant 0 : i32
      %dma_wait3A_453 = tpu.memref_slice %arg16[%run_scoped3A_413, %dma_wait3A_452] : memref<80x128xi32, #tpu.memory_space<vmem>> -> memref<1x128xi32, #tpu.memory_space<vmem>>
      %dma_wait3A_454 = tpu.memref_squeeze %dma_wait3A_453 : memref<1x128xi32, #tpu.memory_space<vmem>> -> memref<128xi32, #tpu.memory_space<vmem>>
      %dma_wait3A_455 = arith.constant 0 : i32
      %dma_wait3A_456 = arith.constant 0 : i32
      %dma_wait3A_457 = tpu.memref_slice %arg12[%dma_wait3A_455, %dma_wait3A_456] : memref<10240x16xf32, #tpu.memory_space<vmem_shared>> -> memref<10240x16xf32, #tpu.memory_space<vmem_shared>>
      tpu.wait_indirect_dma semaphore(%run_scoped3A_445 : memref<!tpu.dma_semaphore, #tpu.memory_space<semaphore_mem>>) src(%arg31 : memref<128x16xf32, #tpu.memory_space<vmem>>) dst(%dma_wait3A_457 : memref<10240x16xf32, #tpu.memory_space<vmem_shared>>)
      tpu.yield
    }) : () -> ()
    %dma_wait3A_414 = arith.constant 78 : i32
    %dma_wait3A_415 = arith.constant 0 : i32
    %dma_wait3A_416 = tpu.memref_slice %arg15[%dma_wait3A_414, %dma_wait3A_415] : memref<80x128xi32, #tpu.memory_space<vmem>> -> memref<1x128xi32, #tpu.memory_space<vmem>>
    %dma_wait3A_417 = tpu.memref_squeeze %dma_wait3A_416 : memref<1x128xi32, #tpu.memory_space<vmem>> -> memref<128xi32, #tpu.memory_space<vmem>>
    %dma_wait3A_418 = arith.constant 0 : i32
    %dma_wait3A_419 = arith.constant 0 : i32
    %dma_wait3A_420 = tpu.memref_slice %arg11[%dma_wait3A_418, %dma_wait3A_419] : memref<10240x16xf32, #tpu.memory_space<vmem_shared>> -> memref<10240x16xf32, #tpu.memory_space<vmem_shared>>
    tpu.wait_indirect_dma semaphore(%arg40 : memref<!tpu.dma_semaphore, #tpu.memory_space<semaphore_mem>>) src(%dma_wait3A_420 : memref<10240x16xf32, #tpu.memory_space<vmem_shared>>) dst(%arg32 : memref<128x16xf32, #tpu.memory_space<vmem>>)
    %run_scoped3A_421 = arith.constant 78 : i32
    "tpu.region"() ({
      %run_scoped3A_445 = tpu.sem_alloc : memref<!tpu.dma_semaphore, #tpu.memory_space<semaphore_mem>>
      %dma_start3A_446 = arith.constant 0 : i32
      %dma_start3A_447 = tpu.memref_slice %arg16[%run_scoped3A_421, %dma_start3A_446] : memref<80x128xi32, #tpu.memory_space<vmem>> -> memref<1x128xi32, #tpu.memory_space<vmem>>
      %dma_start3A_448 = tpu.memref_squeeze %dma_start3A_447 : memref<1x128xi32, #tpu.memory_space<vmem>> -> memref<128xi32, #tpu.memory_space<vmem>>
      %dma_start3A_449 = arith.constant 0 : i32
      %dma_start3A_450 = arith.constant 0 : i32
      %dma_start3A_451 = tpu.memref_slice %arg12[%dma_start3A_449, %dma_start3A_450] : memref<10240x16xf32, #tpu.memory_space<vmem_shared>> -> memref<10240x16xf32, #tpu.memory_space<vmem_shared>>
      tpu.enqueue_indirect_dma source(%arg32 : memref<128x16xf32, #tpu.memory_space<vmem>>) target(%dma_start3A_451 : memref<10240x16xf32, #tpu.memory_space<vmem_shared>>) offsets(%dma_start3A_448 : memref<128xi32, #tpu.memory_space<vmem>>) semaphore(%run_scoped3A_445 : memref<!tpu.dma_semaphore, #tpu.memory_space<semaphore_mem>>) {add = true}
      %dma_wait3A_452 = arith.constant 0 : i32
      %dma_wait3A_453 = tpu.memref_slice %arg16[%run_scoped3A_421, %dma_wait3A_452] : memref<80x128xi32, #tpu.memory_space<vmem>> -> memref<1x128xi32, #tpu.memory_space<vmem>>
      %dma_wait3A_454 = tpu.memref_squeeze %dma_wait3A_453 : memref<1x128xi32, #tpu.memory_space<vmem>> -> memref<128xi32, #tpu.memory_space<vmem>>
      %dma_wait3A_455 = arith.constant 0 : i32
      %dma_wait3A_456 = arith.constant 0 : i32
      %dma_wait3A_457 = tpu.memref_slice %arg12[%dma_wait3A_455, %dma_wait3A_456] : memref<10240x16xf32, #tpu.memory_space<vmem_shared>> -> memref<10240x16xf32, #tpu.memory_space<vmem_shared>>
      tpu.wait_indirect_dma semaphore(%run_scoped3A_445 : memref<!tpu.dma_semaphore, #tpu.memory_space<semaphore_mem>>) src(%arg32 : memref<128x16xf32, #tpu.memory_space<vmem>>) dst(%dma_wait3A_457 : memref<10240x16xf32, #tpu.memory_space<vmem_shared>>)
      tpu.yield
    }) : () -> ()
    %dma_wait3A_422 = arith.constant 79 : i32
    %dma_wait3A_423 = arith.constant 0 : i32
    %dma_wait3A_424 = tpu.memref_slice %arg15[%dma_wait3A_422, %dma_wait3A_423] : memref<80x128xi32, #tpu.memory_space<vmem>> -> memref<1x128xi32, #tpu.memory_space<vmem>>
    %dma_wait3A_425 = tpu.memref_squeeze %dma_wait3A_424 : memref<1x128xi32, #tpu.memory_space<vmem>> -> memref<128xi32, #tpu.memory_space<vmem>>
    %dma_wait3A_426 = arith.constant 0 : i32
    %dma_wait3A_427 = arith.constant 0 : i32
    %dma_wait3A_428 = tpu.memref_slice %arg11[%dma_wait3A_426, %dma_wait3A_427] : memref<10240x16xf32, #tpu.memory_space<vmem_shared>> -> memref<10240x16xf32, #tpu.memory_space<vmem_shared>>
    tpu.wait_indirect_dma semaphore(%arg41 : memref<!tpu.dma_semaphore, #tpu.memory_space<semaphore_mem>>) src(%dma_wait3A_428 : memref<10240x16xf32, #tpu.memory_space<vmem_shared>>) dst(%arg33 : memref<128x16xf32, #tpu.memory_space<vmem>>)
    %run_scoped3A_429 = arith.constant 79 : i32
    "tpu.region"() ({
      %run_scoped3A_445 = tpu.sem_alloc : memref<!tpu.dma_semaphore, #tpu.memory_space<semaphore_mem>>
      %dma_start3A_446 = arith.constant 0 : i32
      %dma_start3A_447 = tpu.memref_slice %arg16[%run_scoped3A_429, %dma_start3A_446] : memref<80x128xi32, #tpu.memory_space<vmem>> -> memref<1x128xi32, #tpu.memory_space<vmem>>
      %dma_start3A_448 = tpu.memref_squeeze %dma_start3A_447 : memref<1x128xi32, #tpu.memory_space<vmem>> -> memref<128xi32, #tpu.memory_space<vmem>>
      %dma_start3A_449 = arith.constant 0 : i32
      %dma_start3A_450 = arith.constant 0 : i32
      %dma_start3A_451 = tpu.memref_slice %arg12[%dma_start3A_449, %dma_start3A_450] : memref<10240x16xf32, #tpu.memory_space<vmem_shared>> -> memref<10240x16xf32, #tpu.memory_space<vmem_shared>>
      tpu.enqueue_indirect_dma source(%arg33 : memref<128x16xf32, #tpu.memory_space<vmem>>) target(%dma_start3A_451 : memref<10240x16xf32, #tpu.memory_space<vmem_shared>>) offsets(%dma_start3A_448 : memref<128xi32, #tpu.memory_space<vmem>>) semaphore(%run_scoped3A_445 : memref<!tpu.dma_semaphore, #tpu.memory_space<semaphore_mem>>) {add = true}
      %dma_wait3A_452 = arith.constant 0 : i32
      %dma_wait3A_453 = tpu.memref_slice %arg16[%run_scoped3A_429, %dma_wait3A_452] : memref<80x128xi32, #tpu.memory_space<vmem>> -> memref<1x128xi32, #tpu.memory_space<vmem>>
      %dma_wait3A_454 = tpu.memref_squeeze %dma_wait3A_453 : memref<1x128xi32, #tpu.memory_space<vmem>> -> memref<128xi32, #tpu.memory_space<vmem>>
      %dma_wait3A_455 = arith.constant 0 : i32
      %dma_wait3A_456 = arith.constant 0 : i32
      %dma_wait3A_457 = tpu.memref_slice %arg12[%dma_wait3A_455, %dma_wait3A_456] : memref<10240x16xf32, #tpu.memory_space<vmem_shared>> -> memref<10240x16xf32, #tpu.memory_space<vmem_shared>>
      tpu.wait_indirect_dma semaphore(%run_scoped3A_445 : memref<!tpu.dma_semaphore, #tpu.memory_space<semaphore_mem>>) src(%arg33 : memref<128x16xf32, #tpu.memory_space<vmem>>) dst(%dma_wait3A_457 : memref<10240x16xf32, #tpu.memory_space<vmem_shared>>)
      tpu.yield
    }) : () -> ()
    %barrier3A_430 = arith.constant 0 : index
    tpu.barrier barrier_id(%barrier3A_430)
    "tpu.region"() ({
      %run_scoped3A_445 = tpu.sem_alloc : memref<!tpu.dma_semaphore, #tpu.memory_space<semaphore_mem>>
      %dma_start3A_446 = arith.constant 0 : i32
      %dma_start3A_447 = tpu.memref_slice %arg12[%mul3A_0, %dma_start3A_446] : memref<10240x16xf32, #tpu.memory_space<vmem_shared>> -> memref<640x16xf32, #tpu.memory_space<vmem_shared>>
      %dma_start3A_448 = arith.constant 0 : i32
      %dma_start3A_449 = tpu.memref_slice %arg12[%mul3A_0, %dma_start3A_448] : memref<10240x16xf32, #tpu.memory_space<vmem_shared>> -> memref<640x16xf32, #tpu.memory_space<vmem_shared>>
      tpu.enqueue_dma source(%dma_start3A_449 : memref<640x16xf32, #tpu.memory_space<vmem_shared>>) target(%arg22 : memref<640x16xf32, #tpu.memory_space<vmem>>) target_semaphore(%run_scoped3A_445 : memref<!tpu.dma_semaphore, #tpu.memory_space<semaphore_mem>>)
      %dma_wait3A_450 = arith.constant 0 : i32
      %dma_wait3A_451 = tpu.memref_slice %arg12[%mul3A_0, %dma_wait3A_450] : memref<10240x16xf32, #tpu.memory_space<vmem_shared>> -> memref<640x16xf32, #tpu.memory_space<vmem_shared>>
      %dma_wait3A_452 = arith.constant 0 : i32
      %dma_wait3A_453 = tpu.memref_slice %arg12[%mul3A_0, %dma_wait3A_452] : memref<10240x16xf32, #tpu.memory_space<vmem_shared>> -> memref<640x16xf32, #tpu.memory_space<vmem_shared>>
      tpu.wait_dma2 semaphore(%run_scoped3A_445 : memref<!tpu.dma_semaphore, #tpu.memory_space<semaphore_mem>>) src(%dma_wait3A_453 : memref<640x16xf32, #tpu.memory_space<vmem_shared>>) dst(%arg22 : memref<640x16xf32, #tpu.memory_space<vmem>>)
      tpu.yield
    }) : () -> ()
    %broadcast_in_dim3A_431 = arith.constant 1.000000e+00 : f32
    %broadcast_in_dim3A_432 = vector.broadcast %broadcast_in_dim3A_431 : f32 to vector<16xf32>
    %scan3A_433 = arith.constant 0 : i32
    %scan3A_434 = arith.constant 0 : i32
    %scan3A_435 = arith.constant 40 : i32
    %scan3A_436 = arith.addi %scan3A_434, %scan3A_435 : i32
    %scan3A_437 = arith.constant 1 : i32
    scf.for %scan3A_445 = %scan3A_434 to %scan3A_436 step %scan3A_437  : i32 {
      %mul3A_446 = arith.constant 16 : i32
      %mul3A_447 = arith.muli %scan3A_445, %mul3A_446 : i32
      %get3A_448 = arith.index_cast %mul3A_447 : i32 to index
      %get3A_449 = tpu.vector_load %arg20[%get3A_448] {strides = array<i32>} : memref<640xf32, #tpu.memory_space<vmem>>, vector<16xf32>,
      %mul3A_450 = arith.constant 16 : i32
      %mul3A_451 = arith.muli %scan3A_445, %mul3A_450 : i32
      %get3A_452 = arith.index_cast %mul3A_451 : i32 to index
      %get3A_453 = tpu.vector_load %arg17[%get3A_452] {strides = array<i32>} : memref<640xi32, #tpu.memory_space<vmem>>, vector<16xi32>,
      %mul3A_454 = arith.constant 16 : i32
      %mul3A_455 = arith.muli %scan3A_445, %mul3A_454 : i32
      %add3A_456 = arith.constant 0 : i32
      %add3A_457 = arith.addi %mul3A_455, %add3A_456 : i32
      %slice3A = vector.extract_strided_slice %get3A_453 {offsets = [0], sizes = [1], strides = [1]} : vector<16xi32> to vector<1xi32>
      %squeeze3A = vector.extract %slice3A[0] : i32 from vector<1xi32>
      %get3A_458 = arith.index_cast %add3A_457 : i32 to index
      %get3A_459 = arith.constant 0 : index
      %get3A_460 = tpu.vector_load %arg22[%get3A_458, %get3A_459] {strides = array<i32>} : memref<640x16xf32, #tpu.memory_space<vmem>>, vector<16xf32>,
      %get3A_461 = arith.index_cast %add3A_457 : i32 to index
      %get3A_462 = arith.constant 0 : index
      %get3A_463 = tpu.vector_load %arg21[%get3A_461, %get3A_462] {strides = array<i32>} : memref<640x16xf32, #tpu.memory_space<vmem>>, vector<16xf32>,
      %add3A_464 = arith.addf %get3A_460, %get3A_463 : vector<16xf32>
      %slice3A_465 = vector.extract_strided_slice %get3A_449 {offsets = [0], sizes = [1], strides = [1]} : vector<16xf32> to vector<1xf32>
      %squeeze3A_466 = vector.extract %slice3A_465[0] : f32 from vector<1xf32>
      %mul3A_467 = vector.broadcast %squeeze3A_466 : f32 to vector<16xf32>
      %mul3A_468 = arith.mulf %add3A_464, %mul3A_467 : vector<16xf32>
      %get3A_469 = arith.index_cast %squeeze3A : i32 to index
      %get3A_470 = arith.constant 0 : index
      %get3A_471 = tpu.vector_load %arg23[%get3A_469, %get3A_470] {strides = array<i32>} : memref<128x16xf32, #tpu.memory_space<vmem>>, vector<16xf32>,
      %add3A_472 = arith.addf %get3A_471, %mul3A_468 : vector<16xf32>
      %swap3A_473 = arith.index_cast %squeeze3A : i32 to index
      %swap3A_474 = arith.constant 0 : index
      %swap3A_475 = tpu.vector_load %arg23[%swap3A_473, %swap3A_474] {strides = array<i32>} : memref<128x16xf32, #tpu.memory_space<vmem>>, vector<16xf32>,
      tpu.vector_store %arg23[%swap3A_473, %swap3A_474], %add3A_472 {strides = array<i32>} : memref<128x16xf32, #tpu.memory_space<vmem>>, vector<16xf32>,
      %get3A_476 = arith.index_cast %squeeze3A : i32 to index
      %get3A_477 = arith.constant 0 : index
      %get3A_478 = tpu.vector_load %arg24[%get3A_476, %get3A_477] {strides = array<i32>} : memref<128x16xf32, #tpu.memory_space<vmem>>, vector<16xf32>,
      %add3A_479 = arith.addf %get3A_478, %broadcast_in_dim3A_432 : vector<16xf32>
      %swap3A_480 = arith.index_cast %squeeze3A : i32 to index
      %swap3A_481 = arith.constant 0 : index
      %swap3A_482 = tpu.vector_load %arg24[%swap3A_480, %swap3A_481] {strides = array<i32>} : memref<128x16xf32, #tpu.memory_space<vmem>>, vector<16xf32>,
      tpu.vector_store %arg24[%swap3A_480, %swap3A_481], %add3A_479 {strides = array<i32>} : memref<128x16xf32, #tpu.memory_space<vmem>>, vector<16xf32>,
      %mul3A_483 = arith.constant 16 : i32
      %mul3A_484 = arith.muli %scan3A_445, %mul3A_483 : i32
      %add3A_485 = arith.constant 1 : i32
      %add3A_486 = arith.addi %mul3A_484, %add3A_485 : i32
      %slice3A_487 = vector.extract_strided_slice %get3A_453 {offsets = [1], sizes = [1], strides = [1]} : vector<16xi32> to vector<1xi32>
      %squeeze3A_488 = vector.extract %slice3A_487[0] : i32 from vector<1xi32>
      %get3A_489 = arith.index_cast %add3A_486 : i32 to index
      %get3A_490 = arith.constant 0 : index
      %get3A_491 = tpu.vector_load %arg22[%get3A_489, %get3A_490] {strides = array<i32>} : memref<640x16xf32, #tpu.memory_space<vmem>>, vector<16xf32>,
      %get3A_492 = arith.index_cast %add3A_486 : i32 to index
      %get3A_493 = arith.constant 0 : index
      %get3A_494 = tpu.vector_load %arg21[%get3A_492, %get3A_493] {strides = array<i32>} : memref<640x16xf32, #tpu.memory_space<vmem>>, vector<16xf32>,
      %add3A_495 = arith.addf %get3A_491, %get3A_494 : vector<16xf32>
      %slice3A_496 = vector.extract_strided_slice %get3A_449 {offsets = [1], sizes = [1], strides = [1]} : vector<16xf32> to vector<1xf32>
      %squeeze3A_497 = vector.extract %slice3A_496[0] : f32 from vector<1xf32>
      %mul3A_498 = vector.broadcast %squeeze3A_497 : f32 to vector<16xf32>
      %mul3A_499 = arith.mulf %add3A_495, %mul3A_498 : vector<16xf32>
      %get3A_500 = arith.index_cast %squeeze3A_488 : i32 to index
      %get3A_501 = arith.constant 0 : index
      %get3A_502 = tpu.vector_load %arg23[%get3A_500, %get3A_501] {strides = array<i32>} : memref<128x16xf32, #tpu.memory_space<vmem>>, vector<16xf32>,
      %add3A_503 = arith.addf %get3A_502, %mul3A_499 : vector<16xf32>
      %swap3A_504 = arith.index_cast %squeeze3A_488 : i32 to index
      %swap3A_505 = arith.constant 0 : index
      %swap3A_506 = tpu.vector_load %arg23[%swap3A_504, %swap3A_505] {strides = array<i32>} : memref<128x16xf32, #tpu.memory_space<vmem>>, vector<16xf32>,
      tpu.vector_store %arg23[%swap3A_504, %swap3A_505], %add3A_503 {strides = array<i32>} : memref<128x16xf32, #tpu.memory_space<vmem>>, vector<16xf32>,
      %get3A_507 = arith.index_cast %squeeze3A_488 : i32 to index
      %get3A_508 = arith.constant 0 : index
      %get3A_509 = tpu.vector_load %arg24[%get3A_507, %get3A_508] {strides = array<i32>} : memref<128x16xf32, #tpu.memory_space<vmem>>, vector<16xf32>,
      %add3A_510 = arith.addf %get3A_509, %broadcast_in_dim3A_432 : vector<16xf32>
      %swap3A_511 = arith.index_cast %squeeze3A_488 : i32 to index
      %swap3A_512 = arith.constant 0 : index
      %swap3A_513 = tpu.vector_load %arg24[%swap3A_511, %swap3A_512] {strides = array<i32>} : memref<128x16xf32, #tpu.memory_space<vmem>>, vector<16xf32>,
      tpu.vector_store %arg24[%swap3A_511, %swap3A_512], %add3A_510 {strides = array<i32>} : memref<128x16xf32, #tpu.memory_space<vmem>>, vector<16xf32>,
      %mul3A_514 = arith.constant 16 : i32
      %mul3A_515 = arith.muli %scan3A_445, %mul3A_514 : i32
      %add3A_516 = arith.constant 2 : i32
      %add3A_517 = arith.addi %mul3A_515, %add3A_516 : i32
      %slice3A_518 = vector.extract_strided_slice %get3A_453 {offsets = [2], sizes = [1], strides = [1]} : vector<16xi32> to vector<1xi32>
      %squeeze3A_519 = vector.extract %slice3A_518[0] : i32 from vector<1xi32>
      %get3A_520 = arith.index_cast %add3A_517 : i32 to index
      %get3A_521 = arith.constant 0 : index
      %get3A_522 = tpu.vector_load %arg22[%get3A_520, %get3A_521] {strides = array<i32>} : memref<640x16xf32, #tpu.memory_space<vmem>>, vector<16xf32>,
      %get3A_523 = arith.index_cast %add3A_517 : i32 to index
      %get3A_524 = arith.constant 0 : index
      %get3A_525 = tpu.vector_load %arg21[%get3A_523, %get3A_524] {strides = array<i32>} : memref<640x16xf32, #tpu.memory_space<vmem>>, vector<16xf32>,
      %add3A_526 = arith.addf %get3A_522, %get3A_525 : vector<16xf32>
      %slice3A_527 = vector.extract_strided_slice %get3A_449 {offsets = [2], sizes = [1], strides = [1]} : vector<16xf32> to vector<1xf32>
      %squeeze3A_528 = vector.extract %slice3A_527[0] : f32 from vector<1xf32>
      %mul3A_529 = vector.broadcast %squeeze3A_528 : f32 to vector<16xf32>
      %mul3A_530 = arith.mulf %add3A_526, %mul3A_529 : vector<16xf32>
      %get3A_531 = arith.index_cast %squeeze3A_519 : i32 to index
      %get3A_532 = arith.constant 0 : index
      %get3A_533 = tpu.vector_load %arg23[%get3A_531, %get3A_532] {strides = array<i32>} : memref<128x16xf32, #tpu.memory_space<vmem>>, vector<16xf32>,
      %add3A_534 = arith.addf %get3A_533, %mul3A_530 : vector<16xf32>
      %swap3A_535 = arith.index_cast %squeeze3A_519 : i32 to index
      %swap3A_536 = arith.constant 0 : index
      %swap3A_537 = tpu.vector_load %arg23[%swap3A_535, %swap3A_536] {strides = array<i32>} : memref<128x16xf32, #tpu.memory_space<vmem>>, vector<16xf32>,
      tpu.vector_store %arg23[%swap3A_535, %swap3A_536], %add3A_534 {strides = array<i32>} : memref<128x16xf32, #tpu.memory_space<vmem>>, vector<16xf32>,
      %get3A_538 = arith.index_cast %squeeze3A_519 : i32 to index
      %get3A_539 = arith.constant 0 : index
      %get3A_540 = tpu.vector_load %arg24[%get3A_538, %get3A_539] {strides = array<i32>} : memref<128x16xf32, #tpu.memory_space<vmem>>, vector<16xf32>,
      %add3A_541 = arith.addf %get3A_540, %broadcast_in_dim3A_432 : vector<16xf32>
      %swap3A_542 = arith.index_cast %squeeze3A_519 : i32 to index
      %swap3A_543 = arith.constant 0 : index
      %swap3A_544 = tpu.vector_load %arg24[%swap3A_542, %swap3A_543] {strides = array<i32>} : memref<128x16xf32, #tpu.memory_space<vmem>>, vector<16xf32>,
      tpu.vector_store %arg24[%swap3A_542, %swap3A_543], %add3A_541 {strides = array<i32>} : memref<128x16xf32, #tpu.memory_space<vmem>>, vector<16xf32>,
      %mul3A_545 = arith.constant 16 : i32
      %mul3A_546 = arith.muli %scan3A_445, %mul3A_545 : i32
      %add3A_547 = arith.constant 3 : i32
      %add3A_548 = arith.addi %mul3A_546, %add3A_547 : i32
      %slice3A_549 = vector.extract_strided_slice %get3A_453 {offsets = [3], sizes = [1], strides = [1]} : vector<16xi32> to vector<1xi32>
      %squeeze3A_550 = vector.extract %slice3A_549[0] : i32 from vector<1xi32>
      %get3A_551 = arith.index_cast %add3A_548 : i32 to index
      %get3A_552 = arith.constant 0 : index
      %get3A_553 = tpu.vector_load %arg22[%get3A_551, %get3A_552] {strides = array<i32>} : memref<640x16xf32, #tpu.memory_space<vmem>>, vector<16xf32>,
      %get3A_554 = arith.index_cast %add3A_548 : i32 to index
      %get3A_555 = arith.constant 0 : index
      %get3A_556 = tpu.vector_load %arg21[%get3A_554, %get3A_555] {strides = array<i32>} : memref<640x16xf32, #tpu.memory_space<vmem>>, vector<16xf32>,
      %add3A_557 = arith.addf %get3A_553, %get3A_556 : vector<16xf32>
      %slice3A_558 = vector.extract_strided_slice %get3A_449 {offsets = [3], sizes = [1], strides = [1]} : vector<16xf32> to vector<1xf32>
      %squeeze3A_559 = vector.extract %slice3A_558[0] : f32 from vector<1xf32>
      %mul3A_560 = vector.broadcast %squeeze3A_559 : f32 to vector<16xf32>
      %mul3A_561 = arith.mulf %add3A_557, %mul3A_560 : vector<16xf32>
      %get3A_562 = arith.index_cast %squeeze3A_550 : i32 to index
      %get3A_563 = arith.constant 0 : index
      %get3A_564 = tpu.vector_load %arg23[%get3A_562, %get3A_563] {strides = array<i32>} : memref<128x16xf32, #tpu.memory_space<vmem>>, vector<16xf32>,
      %add3A_565 = arith.addf %get3A_564, %mul3A_561 : vector<16xf32>
      %swap3A_566 = arith.index_cast %squeeze3A_550 : i32 to index
      %swap3A_567 = arith.constant 0 : index
      %swap3A_568 = tpu.vector_load %arg23[%swap3A_566, %swap3A_567] {strides = array<i32>} : memref<128x16xf32, #tpu.memory_space<vmem>>, vector<16xf32>,
      tpu.vector_store %arg23[%swap3A_566, %swap3A_567], %add3A_565 {strides = array<i32>} : memref<128x16xf32, #tpu.memory_space<vmem>>, vector<16xf32>,
      %get3A_569 = arith.index_cast %squeeze3A_550 : i32 to index
      %get3A_570 = arith.constant 0 : index
      %get3A_571 = tpu.vector_load %arg24[%get3A_569, %get3A_570] {strides = array<i32>} : memref<128x16xf32, #tpu.memory_space<vmem>>, vector<16xf32>,
      %add3A_572 = arith.addf %get3A_571, %broadcast_in_dim3A_432 : vector<16xf32>
      %swap3A_573 = arith.index_cast %squeeze3A_550 : i32 to index
      %swap3A_574 = arith.constant 0 : index
      %swap3A_575 = tpu.vector_load %arg24[%swap3A_573, %swap3A_574] {strides = array<i32>} : memref<128x16xf32, #tpu.memory_space<vmem>>, vector<16xf32>,
      tpu.vector_store %arg24[%swap3A_573, %swap3A_574], %add3A_572 {strides = array<i32>} : memref<128x16xf32, #tpu.memory_space<vmem>>, vector<16xf32>,
      %mul3A_576 = arith.constant 16 : i32
      %mul3A_577 = arith.muli %scan3A_445, %mul3A_576 : i32
      %add3A_578 = arith.constant 4 : i32
      %add3A_579 = arith.addi %mul3A_577, %add3A_578 : i32
      %slice3A_580 = vector.extract_strided_slice %get3A_453 {offsets = [4], sizes = [1], strides = [1]} : vector<16xi32> to vector<1xi32>
      %squeeze3A_581 = vector.extract %slice3A_580[0] : i32 from vector<1xi32>
      %get3A_582 = arith.index_cast %add3A_579 : i32 to index
      %get3A_583 = arith.constant 0 : index
      %get3A_584 = tpu.vector_load %arg22[%get3A_582, %get3A_583] {strides = array<i32>} : memref<640x16xf32, #tpu.memory_space<vmem>>, vector<16xf32>,
      %get3A_585 = arith.index_cast %add3A_579 : i32 to index
      %get3A_586 = arith.constant 0 : index
      %get3A_587 = tpu.vector_load %arg21[%get3A_585, %get3A_586] {strides = array<i32>} : memref<640x16xf32, #tpu.memory_space<vmem>>, vector<16xf32>,
      %add3A_588 = arith.addf %get3A_584, %get3A_587 : vector<16xf32>
      %slice3A_589 = vector.extract_strided_slice %get3A_449 {offsets = [4], sizes = [1], strides = [1]} : vector<16xf32> to vector<1xf32>
      %squeeze3A_590 = vector.extract %slice3A_589[0] : f32 from vector<1xf32>
      %mul3A_591 = vector.broadcast %squeeze3A_590 : f32 to vector<16xf32>
      %mul3A_592 = arith.mulf %add3A_588, %mul3A_591 : vector<16xf32>
      %get3A_593 = arith.index_cast %squeeze3A_581 : i32 to index
      %get3A_594 = arith.constant 0 : index
      %get3A_595 = tpu.vector_load %arg23[%get3A_593, %get3A_594] {strides = array<i32>} : memref<128x16xf32, #tpu.memory_space<vmem>>, vector<16xf32>,
      %add3A_596 = arith.addf %get3A_595, %mul3A_592 : vector<16xf32>
      %swap3A_597 = arith.index_cast %squeeze3A_581 : i32 to index
      %swap3A_598 = arith.constant 0 : index
      %swap3A_599 = tpu.vector_load %arg23[%swap3A_597, %swap3A_598] {strides = array<i32>} : memref<128x16xf32, #tpu.memory_space<vmem>>, vector<16xf32>,
      tpu.vector_store %arg23[%swap3A_597, %swap3A_598], %add3A_596 {strides = array<i32>} : memref<128x16xf32, #tpu.memory_space<vmem>>, vector<16xf32>,
      %get3A_600 = arith.index_cast %squeeze3A_581 : i32 to index
      %get3A_601 = arith.constant 0 : index
      %get3A_602 = tpu.vector_load %arg24[%get3A_600, %get3A_601] {strides = array<i32>} : memref<128x16xf32, #tpu.memory_space<vmem>>, vector<16xf32>,
      %add3A_603 = arith.addf %get3A_602, %broadcast_in_dim3A_432 : vector<16xf32>
      %swap3A_604 = arith.index_cast %squeeze3A_581 : i32 to index
      %swap3A_605 = arith.constant 0 : index
      %swap3A_606 = tpu.vector_load %arg24[%swap3A_604, %swap3A_605] {strides = array<i32>} : memref<128x16xf32, #tpu.memory_space<vmem>>, vector<16xf32>,
      tpu.vector_store %arg24[%swap3A_604, %swap3A_605], %add3A_603 {strides = array<i32>} : memref<128x16xf32, #tpu.memory_space<vmem>>, vector<16xf32>,
      %mul3A_607 = arith.constant 16 : i32
      %mul3A_608 = arith.muli %scan3A_445, %mul3A_607 : i32
      %add3A_609 = arith.constant 5 : i32
      %add3A_610 = arith.addi %mul3A_608, %add3A_609 : i32
      %slice3A_611 = vector.extract_strided_slice %get3A_453 {offsets = [5], sizes = [1], strides = [1]} : vector<16xi32> to vector<1xi32>
      %squeeze3A_612 = vector.extract %slice3A_611[0] : i32 from vector<1xi32>
      %get3A_613 = arith.index_cast %add3A_610 : i32 to index
      %get3A_614 = arith.constant 0 : index
      %get3A_615 = tpu.vector_load %arg22[%get3A_613, %get3A_614] {strides = array<i32>} : memref<640x16xf32, #tpu.memory_space<vmem>>, vector<16xf32>,
      %get3A_616 = arith.index_cast %add3A_610 : i32 to index
      %get3A_617 = arith.constant 0 : index
      %get3A_618 = tpu.vector_load %arg21[%get3A_616, %get3A_617] {strides = array<i32>} : memref<640x16xf32, #tpu.memory_space<vmem>>, vector<16xf32>,
      %add3A_619 = arith.addf %get3A_615, %get3A_618 : vector<16xf32>
      %slice3A_620 = vector.extract_strided_slice %get3A_449 {offsets = [5], sizes = [1], strides = [1]} : vector<16xf32> to vector<1xf32>
      %squeeze3A_621 = vector.extract %slice3A_620[0] : f32 from vector<1xf32>
      %mul3A_622 = vector.broadcast %squeeze3A_621 : f32 to vector<16xf32>
      %mul3A_623 = arith.mulf %add3A_619, %mul3A_622 : vector<16xf32>
      %get3A_624 = arith.index_cast %squeeze3A_612 : i32 to index
      %get3A_625 = arith.constant 0 : index
      %get3A_626 = tpu.vector_load %arg23[%get3A_624, %get3A_625] {strides = array<i32>} : memref<128x16xf32, #tpu.memory_space<vmem>>, vector<16xf32>,
      %add3A_627 = arith.addf %get3A_626, %mul3A_623 : vector<16xf32>
      %swap3A_628 = arith.index_cast %squeeze3A_612 : i32 to index
      %swap3A_629 = arith.constant 0 : index
      %swap3A_630 = tpu.vector_load %arg23[%swap3A_628, %swap3A_629] {strides = array<i32>} : memref<128x16xf32, #tpu.memory_space<vmem>>, vector<16xf32>,
      tpu.vector_store %arg23[%swap3A_628, %swap3A_629], %add3A_627 {strides = array<i32>} : memref<128x16xf32, #tpu.memory_space<vmem>>, vector<16xf32>,
      %get3A_631 = arith.index_cast %squeeze3A_612 : i32 to index
      %get3A_632 = arith.constant 0 : index
      %get3A_633 = tpu.vector_load %arg24[%get3A_631, %get3A_632] {strides = array<i32>} : memref<128x16xf32, #tpu.memory_space<vmem>>, vector<16xf32>,
      %add3A_634 = arith.addf %get3A_633, %broadcast_in_dim3A_432 : vector<16xf32>
      %swap3A_635 = arith.index_cast %squeeze3A_612 : i32 to index
      %swap3A_636 = arith.constant 0 : index
      %swap3A_637 = tpu.vector_load %arg24[%swap3A_635, %swap3A_636] {strides = array<i32>} : memref<128x16xf32, #tpu.memory_space<vmem>>, vector<16xf32>,
      tpu.vector_store %arg24[%swap3A_635, %swap3A_636], %add3A_634 {strides = array<i32>} : memref<128x16xf32, #tpu.memory_space<vmem>>, vector<16xf32>,
      %mul3A_638 = arith.constant 16 : i32
      %mul3A_639 = arith.muli %scan3A_445, %mul3A_638 : i32
      %add3A_640 = arith.constant 6 : i32
      %add3A_641 = arith.addi %mul3A_639, %add3A_640 : i32
      %slice3A_642 = vector.extract_strided_slice %get3A_453 {offsets = [6], sizes = [1], strides = [1]} : vector<16xi32> to vector<1xi32>
      %squeeze3A_643 = vector.extract %slice3A_642[0] : i32 from vector<1xi32>
      %get3A_644 = arith.index_cast %add3A_641 : i32 to index
      %get3A_645 = arith.constant 0 : index
      %get3A_646 = tpu.vector_load %arg22[%get3A_644, %get3A_645] {strides = array<i32>} : memref<640x16xf32, #tpu.memory_space<vmem>>, vector<16xf32>,
      %get3A_647 = arith.index_cast %add3A_641 : i32 to index
      %get3A_648 = arith.constant 0 : index
      %get3A_649 = tpu.vector_load %arg21[%get3A_647, %get3A_648] {strides = array<i32>} : memref<640x16xf32, #tpu.memory_space<vmem>>, vector<16xf32>,
      %add3A_650 = arith.addf %get3A_646, %get3A_649 : vector<16xf32>
      %slice3A_651 = vector.extract_strided_slice %get3A_449 {offsets = [6], sizes = [1], strides = [1]} : vector<16xf32> to vector<1xf32>
      %squeeze3A_652 = vector.extract %slice3A_651[0] : f32 from vector<1xf32>
      %mul3A_653 = vector.broadcast %squeeze3A_652 : f32 to vector<16xf32>
      %mul3A_654 = arith.mulf %add3A_650, %mul3A_653 : vector<16xf32>
      %get3A_655 = arith.index_cast %squeeze3A_643 : i32 to index
      %get3A_656 = arith.constant 0 : index
      %get3A_657 = tpu.vector_load %arg23[%get3A_655, %get3A_656] {strides = array<i32>} : memref<128x16xf32, #tpu.memory_space<vmem>>, vector<16xf32>,
      %add3A_658 = arith.addf %get3A_657, %mul3A_654 : vector<16xf32>
      %swap3A_659 = arith.index_cast %squeeze3A_643 : i32 to index
      %swap3A_660 = arith.constant 0 : index
      %swap3A_661 = tpu.vector_load %arg23[%swap3A_659, %swap3A_660] {strides = array<i32>} : memref<128x16xf32, #tpu.memory_space<vmem>>, vector<16xf32>,
      tpu.vector_store %arg23[%swap3A_659, %swap3A_660], %add3A_658 {strides = array<i32>} : memref<128x16xf32, #tpu.memory_space<vmem>>, vector<16xf32>,
      %get3A_662 = arith.index_cast %squeeze3A_643 : i32 to index
      %get3A_663 = arith.constant 0 : index
      %get3A_664 = tpu.vector_load %arg24[%get3A_662, %get3A_663] {strides = array<i32>} : memref<128x16xf32, #tpu.memory_space<vmem>>, vector<16xf32>,
      %add3A_665 = arith.addf %get3A_664, %broadcast_in_dim3A_432 : vector<16xf32>
      %swap3A_666 = arith.index_cast %squeeze3A_643 : i32 to index
      %swap3A_667 = arith.constant 0 : index
      %swap3A_668 = tpu.vector_load %arg24[%swap3A_666, %swap3A_667] {strides = array<i32>} : memref<128x16xf32, #tpu.memory_space<vmem>>, vector<16xf32>,
      tpu.vector_store %arg24[%swap3A_666, %swap3A_667], %add3A_665 {strides = array<i32>} : memref<128x16xf32, #tpu.memory_space<vmem>>, vector<16xf32>,
      %mul3A_669 = arith.constant 16 : i32
      %mul3A_670 = arith.muli %scan3A_445, %mul3A_669 : i32
      %add3A_671 = arith.constant 7 : i32
      %add3A_672 = arith.addi %mul3A_670, %add3A_671 : i32
      %slice3A_673 = vector.extract_strided_slice %get3A_453 {offsets = [7], sizes = [1], strides = [1]} : vector<16xi32> to vector<1xi32>
      %squeeze3A_674 = vector.extract %slice3A_673[0] : i32 from vector<1xi32>
      %get3A_675 = arith.index_cast %add3A_672 : i32 to index
      %get3A_676 = arith.constant 0 : index
      %get3A_677 = tpu.vector_load %arg22[%get3A_675, %get3A_676] {strides = array<i32>} : memref<640x16xf32, #tpu.memory_space<vmem>>, vector<16xf32>,
      %get3A_678 = arith.index_cast %add3A_672 : i32 to index
      %get3A_679 = arith.constant 0 : index
      %get3A_680 = tpu.vector_load %arg21[%get3A_678, %get3A_679] {strides = array<i32>} : memref<640x16xf32, #tpu.memory_space<vmem>>, vector<16xf32>,
      %add3A_681 = arith.addf %get3A_677, %get3A_680 : vector<16xf32>
      %slice3A_682 = vector.extract_strided_slice %get3A_449 {offsets = [7], sizes = [1], strides = [1]} : vector<16xf32> to vector<1xf32>
      %squeeze3A_683 = vector.extract %slice3A_682[0] : f32 from vector<1xf32>
      %mul3A_684 = vector.broadcast %squeeze3A_683 : f32 to vector<16xf32>
      %mul3A_685 = arith.mulf %add3A_681, %mul3A_684 : vector<16xf32>
      %get3A_686 = arith.index_cast %squeeze3A_674 : i32 to index
      %get3A_687 = arith.constant 0 : index
      %get3A_688 = tpu.vector_load %arg23[%get3A_686, %get3A_687] {strides = array<i32>} : memref<128x16xf32, #tpu.memory_space<vmem>>, vector<16xf32>,
      %add3A_689 = arith.addf %get3A_688, %mul3A_685 : vector<16xf32>
      %swap3A_690 = arith.index_cast %squeeze3A_674 : i32 to index
      %swap3A_691 = arith.constant 0 : index
      %swap3A_692 = tpu.vector_load %arg23[%swap3A_690, %swap3A_691] {strides = array<i32>} : memref<128x16xf32, #tpu.memory_space<vmem>>, vector<16xf32>,
      tpu.vector_store %arg23[%swap3A_690, %swap3A_691], %add3A_689 {strides = array<i32>} : memref<128x16xf32, #tpu.memory_space<vmem>>, vector<16xf32>,
      %get3A_693 = arith.index_cast %squeeze3A_674 : i32 to index
      %get3A_694 = arith.constant 0 : index
      %get3A_695 = tpu.vector_load %arg24[%get3A_693, %get3A_694] {strides = array<i32>} : memref<128x16xf32, #tpu.memory_space<vmem>>, vector<16xf32>,
      %add3A_696 = arith.addf %get3A_695, %broadcast_in_dim3A_432 : vector<16xf32>
      %swap3A_697 = arith.index_cast %squeeze3A_674 : i32 to index
      %swap3A_698 = arith.constant 0 : index
      %swap3A_699 = tpu.vector_load %arg24[%swap3A_697, %swap3A_698] {strides = array<i32>} : memref<128x16xf32, #tpu.memory_space<vmem>>, vector<16xf32>,
      tpu.vector_store %arg24[%swap3A_697, %swap3A_698], %add3A_696 {strides = array<i32>} : memref<128x16xf32, #tpu.memory_space<vmem>>, vector<16xf32>,
      %mul3A_700 = arith.constant 16 : i32
      %mul3A_701 = arith.muli %scan3A_445, %mul3A_700 : i32
      %add3A_702 = arith.constant 8 : i32
      %add3A_703 = arith.addi %mul3A_701, %add3A_702 : i32
      %slice3A_704 = vector.extract_strided_slice %get3A_453 {offsets = [8], sizes = [1], strides = [1]} : vector<16xi32> to vector<1xi32>
      %squeeze3A_705 = vector.extract %slice3A_704[0] : i32 from vector<1xi32>
      %get3A_706 = arith.index_cast %add3A_703 : i32 to index
      %get3A_707 = arith.constant 0 : index
      %get3A_708 = tpu.vector_load %arg22[%get3A_706, %get3A_707] {strides = array<i32>} : memref<640x16xf32, #tpu.memory_space<vmem>>, vector<16xf32>,
      %get3A_709 = arith.index_cast %add3A_703 : i32 to index
      %get3A_710 = arith.constant 0 : index
      %get3A_711 = tpu.vector_load %arg21[%get3A_709, %get3A_710] {strides = array<i32>} : memref<640x16xf32, #tpu.memory_space<vmem>>, vector<16xf32>,
      %add3A_712 = arith.addf %get3A_708, %get3A_711 : vector<16xf32>
      %slice3A_713 = vector.extract_strided_slice %get3A_449 {offsets = [8], sizes = [1], strides = [1]} : vector<16xf32> to vector<1xf32>
      %squeeze3A_714 = vector.extract %slice3A_713[0] : f32 from vector<1xf32>
      %mul3A_715 = vector.broadcast %squeeze3A_714 : f32 to vector<16xf32>
      %mul3A_716 = arith.mulf %add3A_712, %mul3A_715 : vector<16xf32>
      %get3A_717 = arith.index_cast %squeeze3A_705 : i32 to index
      %get3A_718 = arith.constant 0 : index
      %get3A_719 = tpu.vector_load %arg23[%get3A_717, %get3A_718] {strides = array<i32>} : memref<128x16xf32, #tpu.memory_space<vmem>>, vector<16xf32>,
      %add3A_720 = arith.addf %get3A_719, %mul3A_716 : vector<16xf32>
      %swap3A_721 = arith.index_cast %squeeze3A_705 : i32 to index
      %swap3A_722 = arith.constant 0 : index
      %swap3A_723 = tpu.vector_load %arg23[%swap3A_721, %swap3A_722] {strides = array<i32>} : memref<128x16xf32, #tpu.memory_space<vmem>>, vector<16xf32>,
      tpu.vector_store %arg23[%swap3A_721, %swap3A_722], %add3A_720 {strides = array<i32>} : memref<128x16xf32, #tpu.memory_space<vmem>>, vector<16xf32>,
      %get3A_724 = arith.index_cast %squeeze3A_705 : i32 to index
      %get3A_725 = arith.constant 0 : index
      %get3A_726 = tpu.vector_load %arg24[%get3A_724, %get3A_725] {strides = array<i32>} : memref<128x16xf32, #tpu.memory_space<vmem>>, vector<16xf32>,
      %add3A_727 = arith.addf %get3A_726, %broadcast_in_dim3A_432 : vector<16xf32>
      %swap3A_728 = arith.index_cast %squeeze3A_705 : i32 to index
      %swap3A_729 = arith.constant 0 : index
      %swap3A_730 = tpu.vector_load %arg24[%swap3A_728, %swap3A_729] {strides = array<i32>} : memref<128x16xf32, #tpu.memory_space<vmem>>, vector<16xf32>,
      tpu.vector_store %arg24[%swap3A_728, %swap3A_729], %add3A_727 {strides = array<i32>} : memref<128x16xf32, #tpu.memory_space<vmem>>, vector<16xf32>,
      %mul3A_731 = arith.constant 16 : i32
      %mul3A_732 = arith.muli %scan3A_445, %mul3A_731 : i32
      %add3A_733 = arith.constant 9 : i32
      %add3A_734 = arith.addi %mul3A_732, %add3A_733 : i32
      %slice3A_735 = vector.extract_strided_slice %get3A_453 {offsets = [9], sizes = [1], strides = [1]} : vector<16xi32> to vector<1xi32>
      %squeeze3A_736 = vector.extract %slice3A_735[0] : i32 from vector<1xi32>
      %get3A_737 = arith.index_cast %add3A_734 : i32 to index
      %get3A_738 = arith.constant 0 : index
      %get3A_739 = tpu.vector_load %arg22[%get3A_737, %get3A_738] {strides = array<i32>} : memref<640x16xf32, #tpu.memory_space<vmem>>, vector<16xf32>,
      %get3A_740 = arith.index_cast %add3A_734 : i32 to index
      %get3A_741 = arith.constant 0 : index
      %get3A_742 = tpu.vector_load %arg21[%get3A_740, %get3A_741] {strides = array<i32>} : memref<640x16xf32, #tpu.memory_space<vmem>>, vector<16xf32>,
      %add3A_743 = arith.addf %get3A_739, %get3A_742 : vector<16xf32>
      %slice3A_744 = vector.extract_strided_slice %get3A_449 {offsets = [9], sizes = [1], strides = [1]} : vector<16xf32> to vector<1xf32>
      %squeeze3A_745 = vector.extract %slice3A_744[0] : f32 from vector<1xf32>
      %mul3A_746 = vector.broadcast %squeeze3A_745 : f32 to vector<16xf32>
      %mul3A_747 = arith.mulf %add3A_743, %mul3A_746 : vector<16xf32>
      %get3A_748 = arith.index_cast %squeeze3A_736 : i32 to index
      %get3A_749 = arith.constant 0 : index
      %get3A_750 = tpu.vector_load %arg23[%get3A_748, %get3A_749] {strides = array<i32>} : memref<128x16xf32, #tpu.memory_space<vmem>>, vector<16xf32>,
      %add3A_751 = arith.addf %get3A_750, %mul3A_747 : vector<16xf32>
      %swap3A_752 = arith.index_cast %squeeze3A_736 : i32 to index
      %swap3A_753 = arith.constant 0 : index
      %swap3A_754 = tpu.vector_load %arg23[%swap3A_752, %swap3A_753] {strides = array<i32>} : memref<128x16xf32, #tpu.memory_space<vmem>>, vector<16xf32>,
      tpu.vector_store %arg23[%swap3A_752, %swap3A_753], %add3A_751 {strides = array<i32>} : memref<128x16xf32, #tpu.memory_space<vmem>>, vector<16xf32>,
      %get3A_755 = arith.index_cast %squeeze3A_736 : i32 to index
      %get3A_756 = arith.constant 0 : index
      %get3A_757 = tpu.vector_load %arg24[%get3A_755, %get3A_756] {strides = array<i32>} : memref<128x16xf32, #tpu.memory_space<vmem>>, vector<16xf32>,
      %add3A_758 = arith.addf %get3A_757, %broadcast_in_dim3A_432 : vector<16xf32>
      %swap3A_759 = arith.index_cast %squeeze3A_736 : i32 to index
      %swap3A_760 = arith.constant 0 : index
      %swap3A_761 = tpu.vector_load %arg24[%swap3A_759, %swap3A_760] {strides = array<i32>} : memref<128x16xf32, #tpu.memory_space<vmem>>, vector<16xf32>,
      tpu.vector_store %arg24[%swap3A_759, %swap3A_760], %add3A_758 {strides = array<i32>} : memref<128x16xf32, #tpu.memory_space<vmem>>, vector<16xf32>,
      %mul3A_762 = arith.constant 16 : i32
      %mul3A_763 = arith.muli %scan3A_445, %mul3A_762 : i32
      %add3A_764 = arith.constant 10 : i32
      %add3A_765 = arith.addi %mul3A_763, %add3A_764 : i32
      %slice3A_766 = vector.extract_strided_slice %get3A_453 {offsets = [10], sizes = [1], strides = [1]} : vector<16xi32> to vector<1xi32>
      %squeeze3A_767 = vector.extract %slice3A_766[0] : i32 from vector<1xi32>
      %get3A_768 = arith.index_cast %add3A_765 : i32 to index
      %get3A_769 = arith.constant 0 : index
      %get3A_770 = tpu.vector_load %arg22[%get3A_768, %get3A_769] {strides = array<i32>} : memref<640x16xf32, #tpu.memory_space<vmem>>, vector<16xf32>,
      %get3A_771 = arith.index_cast %add3A_765 : i32 to index
      %get3A_772 = arith.constant 0 : index
      %get3A_773 = tpu.vector_load %arg21[%get3A_771, %get3A_772] {strides = array<i32>} : memref<640x16xf32, #tpu.memory_space<vmem>>, vector<16xf32>,
      %add3A_774 = arith.addf %get3A_770, %get3A_773 : vector<16xf32>
      %slice3A_775 = vector.extract_strided_slice %get3A_449 {offsets = [10], sizes = [1], strides = [1]} : vector<16xf32> to vector<1xf32>
      %squeeze3A_776 = vector.extract %slice3A_775[0] : f32 from vector<1xf32>
      %mul3A_777 = vector.broadcast %squeeze3A_776 : f32 to vector<16xf32>
      %mul3A_778 = arith.mulf %add3A_774, %mul3A_777 : vector<16xf32>
      %get3A_779 = arith.index_cast %squeeze3A_767 : i32 to index
      %get3A_780 = arith.constant 0 : index
      %get3A_781 = tpu.vector_load %arg23[%get3A_779, %get3A_780] {strides = array<i32>} : memref<128x16xf32, #tpu.memory_space<vmem>>, vector<16xf32>,
      %add3A_782 = arith.addf %get3A_781, %mul3A_778 : vector<16xf32>
      %swap3A_783 = arith.index_cast %squeeze3A_767 : i32 to index
      %swap3A_784 = arith.constant 0 : index
      %swap3A_785 = tpu.vector_load %arg23[%swap3A_783, %swap3A_784] {strides = array<i32>} : memref<128x16xf32, #tpu.memory_space<vmem>>, vector<16xf32>,
      tpu.vector_store %arg23[%swap3A_783, %swap3A_784], %add3A_782 {strides = array<i32>} : memref<128x16xf32, #tpu.memory_space<vmem>>, vector<16xf32>,
      %get3A_786 = arith.index_cast %squeeze3A_767 : i32 to index
      %get3A_787 = arith.constant 0 : index
      %get3A_788 = tpu.vector_load %arg24[%get3A_786, %get3A_787] {strides = array<i32>} : memref<128x16xf32, #tpu.memory_space<vmem>>, vector<16xf32>,
      %add3A_789 = arith.addf %get3A_788, %broadcast_in_dim3A_432 : vector<16xf32>
      %swap3A_790 = arith.index_cast %squeeze3A_767 : i32 to index
      %swap3A_791 = arith.constant 0 : index
      %swap3A_792 = tpu.vector_load %arg24[%swap3A_790, %swap3A_791] {strides = array<i32>} : memref<128x16xf32, #tpu.memory_space<vmem>>, vector<16xf32>,
      tpu.vector_store %arg24[%swap3A_790, %swap3A_791], %add3A_789 {strides = array<i32>} : memref<128x16xf32, #tpu.memory_space<vmem>>, vector<16xf32>,
      %mul3A_793 = arith.constant 16 : i32
      %mul3A_794 = arith.muli %scan3A_445, %mul3A_793 : i32
      %add3A_795 = arith.constant 11 : i32
      %add3A_796 = arith.addi %mul3A_794, %add3A_795 : i32
      %slice3A_797 = vector.extract_strided_slice %get3A_453 {offsets = [11], sizes = [1], strides = [1]} : vector<16xi32> to vector<1xi32>
      %squeeze3A_798 = vector.extract %slice3A_797[0] : i32 from vector<1xi32>
      %get3A_799 = arith.index_cast %add3A_796 : i32 to index
      %get3A_800 = arith.constant 0 : index
      %get3A_801 = tpu.vector_load %arg22[%get3A_799, %get3A_800] {strides = array<i32>} : memref<640x16xf32, #tpu.memory_space<vmem>>, vector<16xf32>,
      %get3A_802 = arith.index_cast %add3A_796 : i32 to index
      %get3A_803 = arith.constant 0 : index
      %get3A_804 = tpu.vector_load %arg21[%get3A_802, %get3A_803] {strides = array<i32>} : memref<640x16xf32, #tpu.memory_space<vmem>>, vector<16xf32>,
      %add3A_805 = arith.addf %get3A_801, %get3A_804 : vector<16xf32>
      %slice3A_806 = vector.extract_strided_slice %get3A_449 {offsets = [11], sizes = [1], strides = [1]} : vector<16xf32> to vector<1xf32>
      %squeeze3A_807 = vector.extract %slice3A_806[0] : f32 from vector<1xf32>
      %mul3A_808 = vector.broadcast %squeeze3A_807 : f32 to vector<16xf32>
      %mul3A_809 = arith.mulf %add3A_805, %mul3A_808 : vector<16xf32>
      %get3A_810 = arith.index_cast %squeeze3A_798 : i32 to index
      %get3A_811 = arith.constant 0 : index
      %get3A_812 = tpu.vector_load %arg23[%get3A_810, %get3A_811] {strides = array<i32>} : memref<128x16xf32, #tpu.memory_space<vmem>>, vector<16xf32>,
      %add3A_813 = arith.addf %get3A_812, %mul3A_809 : vector<16xf32>
      %swap3A_814 = arith.index_cast %squeeze3A_798 : i32 to index
      %swap3A_815 = arith.constant 0 : index
      %swap3A_816 = tpu.vector_load %arg23[%swap3A_814, %swap3A_815] {strides = array<i32>} : memref<128x16xf32, #tpu.memory_space<vmem>>, vector<16xf32>,
      tpu.vector_store %arg23[%swap3A_814, %swap3A_815], %add3A_813 {strides = array<i32>} : memref<128x16xf32, #tpu.memory_space<vmem>>, vector<16xf32>,
      %get3A_817 = arith.index_cast %squeeze3A_798 : i32 to index
      %get3A_818 = arith.constant 0 : index
      %get3A_819 = tpu.vector_load %arg24[%get3A_817, %get3A_818] {strides = array<i32>} : memref<128x16xf32, #tpu.memory_space<vmem>>, vector<16xf32>,
      %add3A_820 = arith.addf %get3A_819, %broadcast_in_dim3A_432 : vector<16xf32>
      %swap3A_821 = arith.index_cast %squeeze3A_798 : i32 to index
      %swap3A_822 = arith.constant 0 : index
      %swap3A_823 = tpu.vector_load %arg24[%swap3A_821, %swap3A_822] {strides = array<i32>} : memref<128x16xf32, #tpu.memory_space<vmem>>, vector<16xf32>,
      tpu.vector_store %arg24[%swap3A_821, %swap3A_822], %add3A_820 {strides = array<i32>} : memref<128x16xf32, #tpu.memory_space<vmem>>, vector<16xf32>,
      %mul3A_824 = arith.constant 16 : i32
      %mul3A_825 = arith.muli %scan3A_445, %mul3A_824 : i32
      %add3A_826 = arith.constant 12 : i32
      %add3A_827 = arith.addi %mul3A_825, %add3A_826 : i32
      %slice3A_828 = vector.extract_strided_slice %get3A_453 {offsets = [12], sizes = [1], strides = [1]} : vector<16xi32> to vector<1xi32>
      %squeeze3A_829 = vector.extract %slice3A_828[0] : i32 from vector<1xi32>
      %get3A_830 = arith.index_cast %add3A_827 : i32 to index
      %get3A_831 = arith.constant 0 : index
      %get3A_832 = tpu.vector_load %arg22[%get3A_830, %get3A_831] {strides = array<i32>} : memref<640x16xf32, #tpu.memory_space<vmem>>, vector<16xf32>,
      %get3A_833 = arith.index_cast %add3A_827 : i32 to index
      %get3A_834 = arith.constant 0 : index
      %get3A_835 = tpu.vector_load %arg21[%get3A_833, %get3A_834] {strides = array<i32>} : memref<640x16xf32, #tpu.memory_space<vmem>>, vector<16xf32>,
      %add3A_836 = arith.addf %get3A_832, %get3A_835 : vector<16xf32>
      %slice3A_837 = vector.extract_strided_slice %get3A_449 {offsets = [12], sizes = [1], strides = [1]} : vector<16xf32> to vector<1xf32>
      %squeeze3A_838 = vector.extract %slice3A_837[0] : f32 from vector<1xf32>
      %mul3A_839 = vector.broadcast %squeeze3A_838 : f32 to vector<16xf32>
      %mul3A_840 = arith.mulf %add3A_836, %mul3A_839 : vector<16xf32>
      %get3A_841 = arith.index_cast %squeeze3A_829 : i32 to index
      %get3A_842 = arith.constant 0 : index
      %get3A_843 = tpu.vector_load %arg23[%get3A_841, %get3A_842] {strides = array<i32>} : memref<128x16xf32, #tpu.memory_space<vmem>>, vector<16xf32>,
      %add3A_844 = arith.addf %get3A_843, %mul3A_840 : vector<16xf32>
      %swap3A_845 = arith.index_cast %squeeze3A_829 : i32 to index
      %swap3A_846 = arith.constant 0 : index
      %swap3A_847 = tpu.vector_load %arg23[%swap3A_845, %swap3A_846] {strides = array<i32>} : memref<128x16xf32, #tpu.memory_space<vmem>>, vector<16xf32>,
      tpu.vector_store %arg23[%swap3A_845, %swap3A_846], %add3A_844 {strides = array<i32>} : memref<128x16xf32, #tpu.memory_space<vmem>>, vector<16xf32>,
      %get3A_848 = arith.index_cast %squeeze3A_829 : i32 to index
      %get3A_849 = arith.constant 0 : index
      %get3A_850 = tpu.vector_load %arg24[%get3A_848, %get3A_849] {strides = array<i32>} : memref<128x16xf32, #tpu.memory_space<vmem>>, vector<16xf32>,
      %add3A_851 = arith.addf %get3A_850, %broadcast_in_dim3A_432 : vector<16xf32>
      %swap3A_852 = arith.index_cast %squeeze3A_829 : i32 to index
      %swap3A_853 = arith.constant 0 : index
      %swap3A_854 = tpu.vector_load %arg24[%swap3A_852, %swap3A_853] {strides = array<i32>} : memref<128x16xf32, #tpu.memory_space<vmem>>, vector<16xf32>,
      tpu.vector_store %arg24[%swap3A_852, %swap3A_853], %add3A_851 {strides = array<i32>} : memref<128x16xf32, #tpu.memory_space<vmem>>, vector<16xf32>,
      %mul3A_855 = arith.constant 16 : i32
      %mul3A_856 = arith.muli %scan3A_445, %mul3A_855 : i32
      %add3A_857 = arith.constant 13 : i32
      %add3A_858 = arith.addi %mul3A_856, %add3A_857 : i32
      %slice3A_859 = vector.extract_strided_slice %get3A_453 {offsets = [13], sizes = [1], strides = [1]} : vector<16xi32> to vector<1xi32>
      %squeeze3A_860 = vector.extract %slice3A_859[0] : i32 from vector<1xi32>
      %get3A_861 = arith.index_cast %add3A_858 : i32 to index
      %get3A_862 = arith.constant 0 : index
      %get3A_863 = tpu.vector_load %arg22[%get3A_861, %get3A_862] {strides = array<i32>} : memref<640x16xf32, #tpu.memory_space<vmem>>, vector<16xf32>,
      %get3A_864 = arith.index_cast %add3A_858 : i32 to index
      %get3A_865 = arith.constant 0 : index
      %get3A_866 = tpu.vector_load %arg21[%get3A_864, %get3A_865] {strides = array<i32>} : memref<640x16xf32, #tpu.memory_space<vmem>>, vector<16xf32>,
      %add3A_867 = arith.addf %get3A_863, %get3A_866 : vector<16xf32>
      %slice3A_868 = vector.extract_strided_slice %get3A_449 {offsets = [13], sizes = [1], strides = [1]} : vector<16xf32> to vector<1xf32>
      %squeeze3A_869 = vector.extract %slice3A_868[0] : f32 from vector<1xf32>
      %mul3A_870 = vector.broadcast %squeeze3A_869 : f32 to vector<16xf32>
      %mul3A_871 = arith.mulf %add3A_867, %mul3A_870 : vector<16xf32>
      %get3A_872 = arith.index_cast %squeeze3A_860 : i32 to index
      %get3A_873 = arith.constant 0 : index
      %get3A_874 = tpu.vector_load %arg23[%get3A_872, %get3A_873] {strides = array<i32>} : memref<128x16xf32, #tpu.memory_space<vmem>>, vector<16xf32>,
      %add3A_875 = arith.addf %get3A_874, %mul3A_871 : vector<16xf32>
      %swap3A_876 = arith.index_cast %squeeze3A_860 : i32 to index
      %swap3A_877 = arith.constant 0 : index
      %swap3A_878 = tpu.vector_load %arg23[%swap3A_876, %swap3A_877] {strides = array<i32>} : memref<128x16xf32, #tpu.memory_space<vmem>>, vector<16xf32>,
      tpu.vector_store %arg23[%swap3A_876, %swap3A_877], %add3A_875 {strides = array<i32>} : memref<128x16xf32, #tpu.memory_space<vmem>>, vector<16xf32>,
      %get3A_879 = arith.index_cast %squeeze3A_860 : i32 to index
      %get3A_880 = arith.constant 0 : index
      %get3A_881 = tpu.vector_load %arg24[%get3A_879, %get3A_880] {strides = array<i32>} : memref<128x16xf32, #tpu.memory_space<vmem>>, vector<16xf32>,
      %add3A_882 = arith.addf %get3A_881, %broadcast_in_dim3A_432 : vector<16xf32>
      %swap3A_883 = arith.index_cast %squeeze3A_860 : i32 to index
      %swap3A_884 = arith.constant 0 : index
      %swap3A_885 = tpu.vector_load %arg24[%swap3A_883, %swap3A_884] {strides = array<i32>} : memref<128x16xf32, #tpu.memory_space<vmem>>, vector<16xf32>,
      tpu.vector_store %arg24[%swap3A_883, %swap3A_884], %add3A_882 {strides = array<i32>} : memref<128x16xf32, #tpu.memory_space<vmem>>, vector<16xf32>,
      %mul3A_886 = arith.constant 16 : i32
      %mul3A_887 = arith.muli %scan3A_445, %mul3A_886 : i32
      %add3A_888 = arith.constant 14 : i32
      %add3A_889 = arith.addi %mul3A_887, %add3A_888 : i32
      %slice3A_890 = vector.extract_strided_slice %get3A_453 {offsets = [14], sizes = [1], strides = [1]} : vector<16xi32> to vector<1xi32>
      %squeeze3A_891 = vector.extract %slice3A_890[0] : i32 from vector<1xi32>
      %get3A_892 = arith.index_cast %add3A_889 : i32 to index
      %get3A_893 = arith.constant 0 : index
      %get3A_894 = tpu.vector_load %arg22[%get3A_892, %get3A_893] {strides = array<i32>} : memref<640x16xf32, #tpu.memory_space<vmem>>, vector<16xf32>,
      %get3A_895 = arith.index_cast %add3A_889 : i32 to index
      %get3A_896 = arith.constant 0 : index
      %get3A_897 = tpu.vector_load %arg21[%get3A_895, %get3A_896] {strides = array<i32>} : memref<640x16xf32, #tpu.memory_space<vmem>>, vector<16xf32>,
      %add3A_898 = arith.addf %get3A_894, %get3A_897 : vector<16xf32>
      %slice3A_899 = vector.extract_strided_slice %get3A_449 {offsets = [14], sizes = [1], strides = [1]} : vector<16xf32> to vector<1xf32>
      %squeeze3A_900 = vector.extract %slice3A_899[0] : f32 from vector<1xf32>
      %mul3A_901 = vector.broadcast %squeeze3A_900 : f32 to vector<16xf32>
      %mul3A_902 = arith.mulf %add3A_898, %mul3A_901 : vector<16xf32>
      %get3A_903 = arith.index_cast %squeeze3A_891 : i32 to index
      %get3A_904 = arith.constant 0 : index
      %get3A_905 = tpu.vector_load %arg23[%get3A_903, %get3A_904] {strides = array<i32>} : memref<128x16xf32, #tpu.memory_space<vmem>>, vector<16xf32>,
      %add3A_906 = arith.addf %get3A_905, %mul3A_902 : vector<16xf32>
      %swap3A_907 = arith.index_cast %squeeze3A_891 : i32 to index
      %swap3A_908 = arith.constant 0 : index
      %swap3A_909 = tpu.vector_load %arg23[%swap3A_907, %swap3A_908] {strides = array<i32>} : memref<128x16xf32, #tpu.memory_space<vmem>>, vector<16xf32>,
      tpu.vector_store %arg23[%swap3A_907, %swap3A_908], %add3A_906 {strides = array<i32>} : memref<128x16xf32, #tpu.memory_space<vmem>>, vector<16xf32>,
      %get3A_910 = arith.index_cast %squeeze3A_891 : i32 to index
      %get3A_911 = arith.constant 0 : index
      %get3A_912 = tpu.vector_load %arg24[%get3A_910, %get3A_911] {strides = array<i32>} : memref<128x16xf32, #tpu.memory_space<vmem>>, vector<16xf32>,
      %add3A_913 = arith.addf %get3A_912, %broadcast_in_dim3A_432 : vector<16xf32>
      %swap3A_914 = arith.index_cast %squeeze3A_891 : i32 to index
      %swap3A_915 = arith.constant 0 : index
      %swap3A_916 = tpu.vector_load %arg24[%swap3A_914, %swap3A_915] {strides = array<i32>} : memref<128x16xf32, #tpu.memory_space<vmem>>, vector<16xf32>,
      tpu.vector_store %arg24[%swap3A_914, %swap3A_915], %add3A_913 {strides = array<i32>} : memref<128x16xf32, #tpu.memory_space<vmem>>, vector<16xf32>,
      %mul3A_917 = arith.constant 16 : i32
      %mul3A_918 = arith.muli %scan3A_445, %mul3A_917 : i32
      %add3A_919 = arith.constant 15 : i32
      %add3A_920 = arith.addi %mul3A_918, %add3A_919 : i32
      %slice3A_921 = vector.extract_strided_slice %get3A_453 {offsets = [15], sizes = [1], strides = [1]} : vector<16xi32> to vector<1xi32>
      %squeeze3A_922 = vector.extract %slice3A_921[0] : i32 from vector<1xi32>
      %get3A_923 = arith.index_cast %add3A_920 : i32 to index
      %get3A_924 = arith.constant 0 : index
      %get3A_925 = tpu.vector_load %arg22[%get3A_923, %get3A_924] {strides = array<i32>} : memref<640x16xf32, #tpu.memory_space<vmem>>, vector<16xf32>,
      %get3A_926 = arith.index_cast %add3A_920 : i32 to index
      %get3A_927 = arith.constant 0 : index
      %get3A_928 = tpu.vector_load %arg21[%get3A_926, %get3A_927] {strides = array<i32>} : memref<640x16xf32, #tpu.memory_space<vmem>>, vector<16xf32>,
      %add3A_929 = arith.addf %get3A_925, %get3A_928 : vector<16xf32>
      %slice3A_930 = vector.extract_strided_slice %get3A_449 {offsets = [15], sizes = [1], strides = [1]} : vector<16xf32> to vector<1xf32>
      %squeeze3A_931 = vector.extract %slice3A_930[0] : f32 from vector<1xf32>
      %mul3A_932 = vector.broadcast %squeeze3A_931 : f32 to vector<16xf32>
      %mul3A_933 = arith.mulf %add3A_929, %mul3A_932 : vector<16xf32>
      %get3A_934 = arith.index_cast %squeeze3A_922 : i32 to index
      %get3A_935 = arith.constant 0 : index
      %get3A_936 = tpu.vector_load %arg23[%get3A_934, %get3A_935] {strides = array<i32>} : memref<128x16xf32, #tpu.memory_space<vmem>>, vector<16xf32>,
      %add3A_937 = arith.addf %get3A_936, %mul3A_933 : vector<16xf32>
      %swap3A_938 = arith.index_cast %squeeze3A_922 : i32 to index
      %swap3A_939 = arith.constant 0 : index
      %swap3A_940 = tpu.vector_load %arg23[%swap3A_938, %swap3A_939] {strides = array<i32>} : memref<128x16xf32, #tpu.memory_space<vmem>>, vector<16xf32>,
      tpu.vector_store %arg23[%swap3A_938, %swap3A_939], %add3A_937 {strides = array<i32>} : memref<128x16xf32, #tpu.memory_space<vmem>>, vector<16xf32>,
      %get3A_941 = arith.index_cast %squeeze3A_922 : i32 to index
      %get3A_942 = arith.constant 0 : index
      %get3A_943 = tpu.vector_load %arg24[%get3A_941, %get3A_942] {strides = array<i32>} : memref<128x16xf32, #tpu.memory_space<vmem>>, vector<16xf32>,
      %add3A_944 = arith.addf %get3A_943, %broadcast_in_dim3A_432 : vector<16xf32>
      %swap3A_945 = arith.index_cast %squeeze3A_922 : i32 to index
      %swap3A_946 = arith.constant 0 : index
      %swap3A_947 = tpu.vector_load %arg24[%swap3A_945, %swap3A_946] {strides = array<i32>} : memref<128x16xf32, #tpu.memory_space<vmem>>, vector<16xf32>,
      tpu.vector_store %arg24[%swap3A_945, %swap3A_946], %add3A_944 {strides = array<i32>} : memref<128x16xf32, #tpu.memory_space<vmem>>, vector<16xf32>,
    }
    %scan3A_438 = arith.constant 40 : i32
    "tpu.region"() ({
      %run_scoped3A_445 = tpu.sem_alloc : memref<!tpu.dma_semaphore, #tpu.memory_space<semaphore_mem>>
      %dma_start3A_446 = arith.constant 0 : i32
      %dma_start3A_447 = arith.constant 0 : i32
      %dma_start3A_448 = tpu.memref_slice %arg13[%dma_start3A_446, %dma_start3A_447] : memref<128x16xf32, #tpu.memory_space<vmem_shared>> -> memref<128x16xf32, #tpu.memory_space<vmem_shared>>
      tpu.enqueue_indirect_dma source(%arg23 : memref<128x16xf32, #tpu.memory_space<vmem>>) target(%dma_start3A_448 : memref<128x16xf32, #tpu.memory_space<vmem_shared>>) offsets(%arg25 : memref<128xi32, #tpu.memory_space<vmem>>) semaphore(%run_scoped3A_445 : memref<!tpu.dma_semaphore, #tpu.memory_space<semaphore_mem>>) {add = true}
      %dma_wait3A_449 = arith.constant 0 : i32
      %dma_wait3A_450 = arith.constant 0 : i32
      %dma_wait3A_451 = tpu.memref_slice %arg13[%dma_wait3A_449, %dma_wait3A_450] : memref<128x16xf32, #tpu.memory_space<vmem_shared>> -> memref<128x16xf32, #tpu.memory_space<vmem_shared>>
      tpu.wait_indirect_dma semaphore(%run_scoped3A_445 : memref<!tpu.dma_semaphore, #tpu.memory_space<semaphore_mem>>) src(%arg23 : memref<128x16xf32, #tpu.memory_space<vmem>>) dst(%dma_wait3A_451 : memref<128x16xf32, #tpu.memory_space<vmem_shared>>)
      tpu.yield
    }) : () -> ()
    "tpu.region"() ({
      %run_scoped3A_445 = tpu.sem_alloc : memref<!tpu.dma_semaphore, #tpu.memory_space<semaphore_mem>>
      %dma_start3A_446 = arith.constant 0 : i32
      %dma_start3A_447 = arith.constant 0 : i32
      %dma_start3A_448 = tpu.memref_slice %arg14[%dma_start3A_446, %dma_start3A_447] : memref<128x16xf32, #tpu.memory_space<vmem_shared>> -> memref<128x16xf32, #tpu.memory_space<vmem_shared>>
      tpu.enqueue_indirect_dma source(%arg24 : memref<128x16xf32, #tpu.memory_space<vmem>>) target(%dma_start3A_448 : memref<128x16xf32, #tpu.memory_space<vmem_shared>>) offsets(%arg25 : memref<128xi32, #tpu.memory_space<vmem>>) semaphore(%run_scoped3A_445 : memref<!tpu.dma_semaphore, #tpu.memory_space<semaphore_mem>>) {add = true}
      %dma_wait3A_449 = arith.constant 0 : i32
      %dma_wait3A_450 = arith.constant 0 : i32
      %dma_wait3A_451 = tpu.memref_slice %arg14[%dma_wait3A_449, %dma_wait3A_450] : memref<128x16xf32, #tpu.memory_space<vmem_shared>> -> memref<128x16xf32, #tpu.memory_space<vmem_shared>>
      tpu.wait_indirect_dma semaphore(%run_scoped3A_445 : memref<!tpu.dma_semaphore, #tpu.memory_space<semaphore_mem>>) src(%arg24 : memref<128x16xf32, #tpu.memory_space<vmem>>) dst(%dma_wait3A_451 : memref<128x16xf32, #tpu.memory_space<vmem_shared>>)
      tpu.yield
    }) : () -> ()
    %barrier3A_439 = arith.constant 0 : index
    tpu.barrier barrier_id(%barrier3A_439)
    %eq3A_440 = arith.constant 0 : i32
    %eq3A_441 = arith.cmpi eq, %arg1, %eq3A_440 : i32
    %convert_element_type3A_442 = arith.extui %eq3A_441 : i1 to i32
    %cond3A_443 = arith.constant 0 : i32
    %cond3A_444 = arith.cmpi ne, %convert_element_type3A_442, %cond3A_443 : i32
    scf.if %cond3A_444 {
      "tpu.region"() ({
        %run_scoped3A_445 = tpu.sem_alloc : memref<!tpu.dma_semaphore, #tpu.memory_space<semaphore_mem>>
        %dma_start3A_446 = arith.constant 0 : i32
        %dma_start3A_447 = arith.constant 0 : i32
        %dma_start3A_448 = tpu.memref_slice %arg9[%arg0, %dma_start3A_446, %dma_start3A_447] : memref<2x64x16xf32, #tpu.memory_space<hbm>> -> memref<1x64x16xf32, #tpu.memory_space<hbm>>
        %dma_start3A_449 = tpu.memref_squeeze %dma_start3A_448 : memref<1x64x16xf32, #tpu.memory_space<hbm>> -> memref<64x16xf32, #tpu.memory_space<hbm>>
        %dma_start3A_450 = arith.constant 0 : i32
        %dma_start3A_451 = arith.constant 0 : i32
        %dma_start3A_452 = tpu.memref_slice %arg13[%dma_start3A_450, %dma_start3A_451] : memref<128x16xf32, #tpu.memory_space<vmem_shared>> -> memref<64x16xf32, #tpu.memory_space<vmem_shared>>
        tpu.enqueue_dma source(%dma_start3A_452 : memref<64x16xf32, #tpu.memory_space<vmem_shared>>) target(%dma_start3A_449 : memref<64x16xf32, #tpu.memory_space<hbm>>) target_semaphore(%run_scoped3A_445 : memref<!tpu.dma_semaphore, #tpu.memory_space<semaphore_mem>>)
        %dma_wait3A_453 = arith.constant 0 : i32
        %dma_wait3A_454 = arith.constant 0 : i32
        %dma_wait3A_455 = tpu.memref_slice %arg9[%arg0, %dma_wait3A_453, %dma_wait3A_454] : memref<2x64x16xf32, #tpu.memory_space<hbm>> -> memref<1x64x16xf32, #tpu.memory_space<hbm>>
        %dma_wait3A_456 = tpu.memref_squeeze %dma_wait3A_455 : memref<1x64x16xf32, #tpu.memory_space<hbm>> -> memref<64x16xf32, #tpu.memory_space<hbm>>
        %dma_wait3A_457 = arith.constant 0 : i32
        %dma_wait3A_458 = arith.constant 0 : i32
        %dma_wait3A_459 = tpu.memref_slice %arg13[%dma_wait3A_457, %dma_wait3A_458] : memref<128x16xf32, #tpu.memory_space<vmem_shared>> -> memref<64x16xf32, #tpu.memory_space<vmem_shared>>
        tpu.wait_dma2 semaphore(%run_scoped3A_445 : memref<!tpu.dma_semaphore, #tpu.memory_space<semaphore_mem>>) src(%dma_wait3A_459 : memref<64x16xf32, #tpu.memory_space<vmem_shared>>) dst(%dma_wait3A_456 : memref<64x16xf32, #tpu.memory_space<hbm>>)
        tpu.yield
      }) : () -> ()
      "tpu.region"() ({
        %run_scoped3A_445 = tpu.sem_alloc : memref<!tpu.dma_semaphore, #tpu.memory_space<semaphore_mem>>
        %dma_start3A_446 = arith.constant 0 : i32
        %dma_start3A_447 = arith.constant 0 : i32
        %dma_start3A_448 = tpu.memref_slice %arg10[%arg0, %dma_start3A_446, %dma_start3A_447] : memref<2x64x16xf32, #tpu.memory_space<hbm>> -> memref<1x64x16xf32, #tpu.memory_space<hbm>>
        %dma_start3A_449 = tpu.memref_squeeze %dma_start3A_448 : memref<1x64x16xf32, #tpu.memory_space<hbm>> -> memref<64x16xf32, #tpu.memory_space<hbm>>
        %dma_start3A_450 = arith.constant 0 : i32
        %dma_start3A_451 = arith.constant 0 : i32
        %dma_start3A_452 = tpu.memref_slice %arg14[%dma_start3A_450, %dma_start3A_451] : memref<128x16xf32, #tpu.memory_space<vmem_shared>> -> memref<64x16xf32, #tpu.memory_space<vmem_shared>>
        tpu.enqueue_dma source(%dma_start3A_452 : memref<64x16xf32, #tpu.memory_space<vmem_shared>>) target(%dma_start3A_449 : memref<64x16xf32, #tpu.memory_space<hbm>>) target_semaphore(%run_scoped3A_445 : memref<!tpu.dma_semaphore, #tpu.memory_space<semaphore_mem>>)
        %dma_wait3A_453 = arith.constant 0 : i32
        %dma_wait3A_454 = arith.constant 0 : i32
        %dma_wait3A_455 = tpu.memref_slice %arg10[%arg0, %dma_wait3A_453, %dma_wait3A_454] : memref<2x64x16xf32, #tpu.memory_space<hbm>> -> memref<1x64x16xf32, #tpu.memory_space<hbm>>
        %dma_wait3A_456 = tpu.memref_squeeze %dma_wait3A_455 : memref<1x64x16xf32, #tpu.memory_space<hbm>> -> memref<64x16xf32, #tpu.memory_space<hbm>>
        %dma_wait3A_457 = arith.constant 0 : i32
        %dma_wait3A_458 = arith.constant 0 : i32
        %dma_wait3A_459 = tpu.memref_slice %arg14[%dma_wait3A_457, %dma_wait3A_458] : memref<128x16xf32, #tpu.memory_space<vmem_shared>> -> memref<64x16xf32, #tpu.memory_space<vmem_shared>>
        tpu.wait_dma2 semaphore(%run_scoped3A_445 : memref<!tpu.dma_semaphore, #tpu.memory_space<semaphore_mem>>) src(%dma_wait3A_459 : memref<64x16xf32, #tpu.memory_space<vmem_shared>>) dst(%dma_wait3A_456 : memref<64x16xf32, #tpu.memory_space<hbm>>)
        tpu.yield
      }) : () -> ()
    } else {
    }
    return
  }
}

module attributes {stable_mosaic.version = 14 : i64} {
  func.func @_tca_body(%arg0: i32, %arg1: memref<2048x256xf32, #tpu.memory_space<vmem>>, %arg2: memref<2048x256xf32, #tpu.memory_space<vmem>>, %arg3: memref<2x256x16xf32, #tpu.memory_space<vmem>>, %arg4: memref<2x2048x16xf32, #tpu.memory_space<vmem>>) attributes {dimension_semantics = [#tpu.dimension_semantics<arbitrary>], iteration_bounds = array<i64: 5>, scalar_prefetch = 0 : i64, scratch_operands = 0 : i64, tpu.core_type = #tpu.core_type<tc>, window_params = [{transform_indices = @transform_0, window_bounds = array<i64: 2048, 256>}, {transform_indices = @transform_1, window_bounds = array<i64: 2048, 256>}, {pipeline_mode = #tpu.pipeline_mode<synchronous>, transform_indices = @transform_2, window_bounds = array<i64: 2, 256, 16>}, {transform_indices = @transform_3, window_bounds = array<i64: 2, 2048, 16>}]} {
    %mul3A = arith.constant 2048 : i32
    %mul3A_0 = arith.muli %arg0, %mul3A : i32
    %iota3A = tpu.iota {dimensions = array<i32: 0>} : vector<2048x1xi32>
    %add3A = vector.broadcast %mul3A_0 : i32 to vector<2048x1xi32>
    %add3A_1 = arith.addi %add3A, %iota3A : vector<2048x1xi32>
    %lt3A = arith.constant 10000 : i32
    %lt3A_2 = vector.broadcast %lt3A : i32 to vector<2048x1xi32>
    %lt3A_3 = arith.cmpi slt, %add3A_1, %lt3A_2 : vector<2048x1xi32>
    %get3A = arith.constant 0 : index
    %get3A_4 = arith.constant 0 : index
    %get3A_5 = vector.load %arg1[%get3A, %get3A_4] : memref<2048x256xf32, #tpu.memory_space<vmem>>, vector<2048x256xf32>
    %get3A_6 = arith.constant 0 : index
    %get3A_7 = arith.constant 0 : index
    %get3A_8 = arith.constant 0 : index
    %get3A_9 = vector.load %arg3[%get3A_6, %get3A_7, %get3A_8] : memref<2x256x16xf32, #tpu.memory_space<vmem>>, vector<1x256x16xf32>
    %get3A_10 = vector.shape_cast %get3A_9 : vector<1x256x16xf32> to vector<256x16xf32>
    %dot_general3A = arith.constant dense<0.000000e+00> : vector<2048x16xf32>
    %dot_general3A_11 = tpu.matmul %get3A_5, %get3A_10, %dot_general3A {dimension_numbers = #tpu.dot_dimension_numbers<[1], [0], [0], [1], [0, 0, 1, 1], [], []>, transpose_lhs_hint = false} : vector<2048x256xf32>, vector<256x16xf32>, vector<2048x16xf32> -> vector<2048x16xf32>
    %get3A_12 = arith.constant 0 : index
    %get3A_13 = arith.constant 0 : index
    %get3A_14 = vector.load %arg2[%get3A_12, %get3A_13] : memref<2048x256xf32, #tpu.memory_space<vmem>>, vector<2048x256xf32>
    %get3A_15 = arith.constant 1 : index
    %get3A_16 = arith.constant 0 : index
    %get3A_17 = arith.constant 0 : index
    %get3A_18 = vector.load %arg3[%get3A_15, %get3A_16, %get3A_17] : memref<2x256x16xf32, #tpu.memory_space<vmem>>, vector<1x256x16xf32>
    %get3A_19 = vector.shape_cast %get3A_18 : vector<1x256x16xf32> to vector<256x16xf32>
    %dot_general3A_20 = arith.constant dense<0.000000e+00> : vector<2048x16xf32>
    %dot_general3A_21 = tpu.matmul %get3A_14, %get3A_19, %dot_general3A_20 {dimension_numbers = #tpu.dot_dimension_numbers<[1], [0], [0], [1], [0, 0, 1, 1], [], []>, transpose_lhs_hint = false} : vector<2048x256xf32>, vector<256x16xf32>, vector<2048x16xf32> -> vector<2048x16xf32>
    %jit3A = arith.constant 0.000000e+00 : f32
    %broadcast_in_dim3A = vector.shape_cast %lt3A_3 : vector<2048x1xi1> to vector<2048x1xi1>
    %broadcast_in_dim3A_22 = vector.broadcast %broadcast_in_dim3A : vector<2048x1xi1> to vector<2048x16xi1>
    %broadcast_in_dim3A_23 = vector.broadcast %jit3A : f32 to vector<2048x16xf32>
    %select_n3A = arith.select %broadcast_in_dim3A_22, %dot_general3A_11, %broadcast_in_dim3A_23 : vector<2048x16xi1>, vector<2048x16xf32>
    %swap3A = arith.constant 0 : index
    %swap3A_24 = arith.constant 0 : index
    %swap3A_25 = arith.constant 0 : index
    %swap3A_26 = vector.load %arg4[%swap3A, %swap3A_24, %swap3A_25] : memref<2x2048x16xf32, #tpu.memory_space<vmem>>, vector<1x2048x16xf32>
    %swap3A_27 = vector.shape_cast %swap3A_26 : vector<1x2048x16xf32> to vector<2048x16xf32>
    %swap3A_28 = vector.shape_cast %select_n3A : vector<2048x16xf32> to vector<1x2048x16xf32>
    tpu.vector_store %arg4[%swap3A, %swap3A_24, %swap3A_25], %swap3A_28 {strides = array<i32>} : memref<2x2048x16xf32, #tpu.memory_space<vmem>>, vector<1x2048x16xf32>,
    %jit3A_29 = arith.constant 0.000000e+00 : f32
    %broadcast_in_dim3A_30 = vector.shape_cast %lt3A_3 : vector<2048x1xi1> to vector<2048x1xi1>
    %broadcast_in_dim3A_31 = vector.broadcast %broadcast_in_dim3A_30 : vector<2048x1xi1> to vector<2048x16xi1>
    %broadcast_in_dim3A_32 = vector.broadcast %jit3A_29 : f32 to vector<2048x16xf32>
    %select_n3A_33 = arith.select %broadcast_in_dim3A_31, %dot_general3A_21, %broadcast_in_dim3A_32 : vector<2048x16xi1>, vector<2048x16xf32>
    %swap3A_34 = arith.constant 1 : index
    %swap3A_35 = arith.constant 0 : index
    %swap3A_36 = arith.constant 0 : index
    %swap3A_37 = vector.load %arg4[%swap3A_34, %swap3A_35, %swap3A_36] : memref<2x2048x16xf32, #tpu.memory_space<vmem>>, vector<1x2048x16xf32>
    %swap3A_38 = vector.shape_cast %swap3A_37 : vector<1x2048x16xf32> to vector<2048x16xf32>
    %swap3A_39 = vector.shape_cast %select_n3A_33 : vector<2048x16xf32> to vector<1x2048x16xf32>
    tpu.vector_store %arg4[%swap3A_34, %swap3A_35, %swap3A_36], %swap3A_39 {strides = array<i32>} : memref<2x2048x16xf32, #tpu.memory_space<vmem>>, vector<1x2048x16xf32>,
    return
  }
  func.func @transform_0(%arg0: i32) -> (i32, i32) {
    %c0_i32 = arith.constant 0 : i32
    %c0_i32_0 = arith.constant 0 : i32
    return %arg0, %c0_i32 : i32, i32
  }
  func.func @transform_1(%arg0: i32) -> (i32, i32) {
    %c0_i32 = arith.constant 0 : i32
    %c0_i32_0 = arith.constant 0 : i32
    return %arg0, %c0_i32 : i32, i32
  }
  func.func @transform_2(%arg0: i32) -> (i32, i32, i32) {
    %c0_i32 = arith.constant 0 : i32
    %c0_i32_0 = arith.constant 0 : i32
    %c0_i32_1 = arith.constant 0 : i32
    %c0_i32_2 = arith.constant 0 : i32
    return %c0_i32, %c0_i32_0, %c0_i32_1 : i32, i32, i32
  }
  func.func @transform_3(%arg0: i32) -> (i32, i32, i32) {
    %c0_i32 = arith.constant 0 : i32
    %c0_i32_0 = arith.constant 0 : i32
    %c0_i32_1 = arith.constant 0 : i32
    return %c0_i32, %arg0, %c0_i32_0 : i32, i32, i32
  }
}

module attributes {stable_mosaic.version = 14 : i64} {
  func.func @_tcc_body(%arg0: memref<2x64x16xf32, #tpu.memory_space<vmem>>, %arg1: memref<2x64x16xf32, #tpu.memory_space<vmem>>, %arg2: memref<2x16x50xf32, #tpu.memory_space<vmem>>, %arg3: memref<2x1x50xf32, #tpu.memory_space<vmem>>, %arg4: memref<100x60xf32, #tpu.memory_space<vmem>>, %arg5: memref<1x60xf32, #tpu.memory_space<vmem>>, %arg6: memref<60x40xf32, #tpu.memory_space<vmem>>, %arg7: memref<1x40xf32, #tpu.memory_space<vmem>>, %arg8: memref<64x40xf32, #tpu.memory_space<vmem>>) attributes {dimension_semantics = [], scalar_prefetch = 0 : i64, scratch_operands = 0 : i64, tpu.core_type = #tpu.core_type<tc>} {
    %get3A = arith.constant 0 : index
    %get3A_0 = arith.constant 0 : index
    %get3A_1 = arith.constant 0 : index
    %get3A_2 = vector.load %arg0[%get3A, %get3A_0, %get3A_1] : memref<2x64x16xf32, #tpu.memory_space<vmem>>, vector<1x64x16xf32>
    %get3A_3 = vector.shape_cast %get3A_2 : vector<1x64x16xf32> to vector<64x16xf32>
    %get3A_4 = arith.constant 0 : index
    %get3A_5 = arith.constant 0 : index
    %get3A_6 = arith.constant 0 : index
    %get3A_7 = vector.load %arg1[%get3A_4, %get3A_5, %get3A_6] : memref<2x64x16xf32, #tpu.memory_space<vmem>>, vector<1x64x16xf32>
    %get3A_8 = vector.shape_cast %get3A_7 : vector<1x64x16xf32> to vector<64x16xf32>
    %max3A = arith.constant 1.000000e+00 : f32
    %max3A_9 = vector.broadcast %max3A : f32 to vector<64x16xf32>
    %max3A_10 = arith.maximumf %get3A_8, %max3A_9 : vector<64x16xf32>
    %div3A = arith.divf %get3A_3, %max3A_10 : vector<64x16xf32>
    %get3A_11 = arith.constant 0 : index
    %get3A_12 = arith.constant 0 : index
    %get3A_13 = arith.constant 0 : index
    %get3A_14 = vector.load %arg2[%get3A_11, %get3A_12, %get3A_13] : memref<2x16x50xf32, #tpu.memory_space<vmem>>, vector<1x16x50xf32>
    %get3A_15 = vector.shape_cast %get3A_14 : vector<1x16x50xf32> to vector<16x50xf32>
    %dot_general3A = arith.constant dense<0.000000e+00> : vector<64x50xf32>
    %dot_general3A_16 = tpu.matmul %div3A, %get3A_15, %dot_general3A {dimension_numbers = #tpu.dot_dimension_numbers<[1], [0], [0], [1], [0, 0, 1, 1], [], []>, transpose_lhs_hint = false} : vector<64x16xf32>, vector<16x50xf32>, vector<64x50xf32> -> vector<64x50xf32>
    %get3A_17 = arith.constant 0 : index
    %get3A_18 = arith.constant 0 : index
    %get3A_19 = arith.constant 0 : index
    %get3A_20 = vector.load %arg3[%get3A_17, %get3A_18, %get3A_19] : memref<2x1x50xf32, #tpu.memory_space<vmem>>, vector<1x1x50xf32>
    %get3A_21 = vector.shape_cast %get3A_20 : vector<1x1x50xf32> to vector<1x50xf32>
    %add3A = vector.broadcast %get3A_21 : vector<1x50xf32> to vector<64x50xf32>
    %add3A_22 = arith.addf %dot_general3A_16, %add3A : vector<64x50xf32>
    %get3A_23 = arith.constant 1 : index
    %get3A_24 = arith.constant 0 : index
    %get3A_25 = arith.constant 0 : index
    %get3A_26 = vector.load %arg0[%get3A_23, %get3A_24, %get3A_25] : memref<2x64x16xf32, #tpu.memory_space<vmem>>, vector<1x64x16xf32>
    %get3A_27 = vector.shape_cast %get3A_26 : vector<1x64x16xf32> to vector<64x16xf32>
    %get3A_28 = arith.constant 1 : index
    %get3A_29 = arith.constant 0 : index
    %get3A_30 = arith.constant 0 : index
    %get3A_31 = vector.load %arg1[%get3A_28, %get3A_29, %get3A_30] : memref<2x64x16xf32, #tpu.memory_space<vmem>>, vector<1x64x16xf32>
    %get3A_32 = vector.shape_cast %get3A_31 : vector<1x64x16xf32> to vector<64x16xf32>
    %max3A_33 = arith.constant 1.000000e+00 : f32
    %max3A_34 = vector.broadcast %max3A_33 : f32 to vector<64x16xf32>
    %max3A_35 = arith.maximumf %get3A_32, %max3A_34 : vector<64x16xf32>
    %div3A_36 = arith.divf %get3A_27, %max3A_35 : vector<64x16xf32>
    %get3A_37 = arith.constant 1 : index
    %get3A_38 = arith.constant 0 : index
    %get3A_39 = arith.constant 0 : index
    %get3A_40 = vector.load %arg2[%get3A_37, %get3A_38, %get3A_39] : memref<2x16x50xf32, #tpu.memory_space<vmem>>, vector<1x16x50xf32>
    %get3A_41 = vector.shape_cast %get3A_40 : vector<1x16x50xf32> to vector<16x50xf32>
    %dot_general3A_42 = arith.constant dense<0.000000e+00> : vector<64x50xf32>
    %dot_general3A_43 = tpu.matmul %div3A_36, %get3A_41, %dot_general3A_42 {dimension_numbers = #tpu.dot_dimension_numbers<[1], [0], [0], [1], [0, 0, 1, 1], [], []>, transpose_lhs_hint = false} : vector<64x16xf32>, vector<16x50xf32>, vector<64x50xf32> -> vector<64x50xf32>
    %get3A_44 = arith.constant 1 : index
    %get3A_45 = arith.constant 0 : index
    %get3A_46 = arith.constant 0 : index
    %get3A_47 = vector.load %arg3[%get3A_44, %get3A_45, %get3A_46] : memref<2x1x50xf32, #tpu.memory_space<vmem>>, vector<1x1x50xf32>
    %get3A_48 = vector.shape_cast %get3A_47 : vector<1x1x50xf32> to vector<1x50xf32>
    %add3A_49 = vector.broadcast %get3A_48 : vector<1x50xf32> to vector<64x50xf32>
    %add3A_50 = arith.addf %dot_general3A_43, %add3A_49 : vector<64x50xf32>
    %concatenate3A = tpu.concatenate %add3A_22, %add3A_50 in 1 : vector<64x50xf32>, vector<64x50xf32> -> vector<64x100xf32>
    %get3A_51 = arith.constant 0 : index
    %get3A_52 = arith.constant 0 : index
    %get3A_53 = vector.load %arg4[%get3A_51, %get3A_52] : memref<100x60xf32, #tpu.memory_space<vmem>>, vector<100x60xf32>
    %dot_general3A_54 = arith.constant dense<0.000000e+00> : vector<64x60xf32>
    %dot_general3A_55 = tpu.matmul %concatenate3A, %get3A_53, %dot_general3A_54 {dimension_numbers = #tpu.dot_dimension_numbers<[1], [0], [0], [1], [0, 0, 1, 1], [], []>, transpose_lhs_hint = false} : vector<64x100xf32>, vector<100x60xf32>, vector<64x60xf32> -> vector<64x60xf32>
    %get3A_56 = arith.constant 0 : index
    %get3A_57 = arith.constant 0 : index
    %get3A_58 = vector.load %arg5[%get3A_56, %get3A_57] : memref<1x60xf32, #tpu.memory_space<vmem>>, vector<1x60xf32>
    %add3A_59 = vector.broadcast %get3A_58 : vector<1x60xf32> to vector<64x60xf32>
    %add3A_60 = arith.addf %dot_general3A_55, %add3A_59 : vector<64x60xf32>
    %max3A_61 = arith.constant 0.000000e+00 : f32
    %max3A_62 = vector.broadcast %max3A_61 : f32 to vector<64x60xf32>
    %max3A_63 = arith.maximumf %add3A_60, %max3A_62 : vector<64x60xf32>
    %get3A_64 = arith.constant 0 : index
    %get3A_65 = arith.constant 0 : index
    %get3A_66 = vector.load %arg6[%get3A_64, %get3A_65] : memref<60x40xf32, #tpu.memory_space<vmem>>, vector<60x40xf32>
    %dot_general3A_67 = arith.constant dense<0.000000e+00> : vector<64x40xf32>
    %dot_general3A_68 = tpu.matmul %max3A_63, %get3A_66, %dot_general3A_67 {dimension_numbers = #tpu.dot_dimension_numbers<[1], [0], [0], [1], [0, 0, 1, 1], [], []>, transpose_lhs_hint = false} : vector<64x60xf32>, vector<60x40xf32>, vector<64x40xf32> -> vector<64x40xf32>
    %get3A_69 = arith.constant 0 : index
    %get3A_70 = arith.constant 0 : index
    %get3A_71 = vector.load %arg7[%get3A_69, %get3A_70] : memref<1x40xf32, #tpu.memory_space<vmem>>, vector<1x40xf32>
    %add3A_72 = vector.broadcast %get3A_71 : vector<1x40xf32> to vector<64x40xf32>
    %add3A_73 = arith.addf %dot_general3A_68, %add3A_72 : vector<64x40xf32>
    %tanh3A = math.tanh %add3A_73 : vector<64x40xf32>
    %swap3A = arith.constant 0 : index
    %swap3A_74 = arith.constant 0 : index
    %swap3A_75 = vector.load %arg8[%swap3A, %swap3A_74] : memref<64x40xf32, #tpu.memory_space<vmem>>, vector<64x40xf32>
    tpu.vector_store %arg8[%swap3A, %swap3A_74], %tanh3A {strides = array<i32>} : memref<64x40xf32, #tpu.memory_space<vmem>>, vector<64x40xf32>,
    return
  }
}

</mosaic_0001>

<sc_bundles>
// kernel: kernel.6.cloned.1.call-start
scs
__scs_entry_jumppad:
0x0: {  	(pc) =	sbr.rel $0x88, $3  }
0x1: {  	(tag) =	ssettag $0x0;
	lr =	simm.s32 $0x1  }
0x2: {  	[smem:$0x3F8F] =	sst lr;
	_ =	strace $0xD0000000  }
0x3: {  	_ = 	snop  }
0x4: {  	_ = 	snop  }
0x5: {  	_ = 	snop  }
0x6: {  	_ = 	snop  }
0x7: {  	_ = 	snop  }
__scs_overlays_trampoline_lowered:
0x8: {  	[smem:$0x3F9E] =	sst s0  }
0x9: {  	[smem:$0x3F9F] =	sst s1  }
0xa: {  	[smem:$0x3FA0] =	sst s2  }
0xb: {  	[smem:$0x3FA1] =	sst s3  }
0xc: {  	[smem:$0x3FA2] =	sst s4  }
0xd: {  	[smem:$0x3FA3] =	sst s5  }
0xe: {  	[smem:$0x3FA4] =	sst s6  }
0xf: {  	[smem:$0x3FA5] =	sst s7  }
0x10: {  	[smem:$0x3FA6] =	sst s8  }
0x11: {  	[smem:$0x3FA7] =	sst s9;
	s0 =	simm.s32 @!p0 $0x0  }
0x12: {  	s1 =	sld [smem:$0x3F8D];
	s0 =	simm.s32 @p0 $0x1  }
0x13: {  	[smem:$0x3FA8] =	sst s0;
	s0 =	simm.s32 @!p1 $0x0  }
0x14: {  	s2 =	sld [smem:$0x3F8C];
	s0 =	simm.s32 @p1 $0x1  }
0x15: {  	[smem:$0x3FA9] =	sst s0;
	s0 =	simm.s32 @!p2 $0x0  }
0x16: {  	s3 =	sld [smem:$0x3FDB];
	s0 =	simm.s32 @p2 $0x1  }
0x17: {  	s4 =	simm.s32 $0x1BF5;
	[smem:$0x3FAB] =	sst s0  }
0x18: {  	s0 =	sld [smem:$0x3F8E];
	_ =	swait.ge [sflag:s4], $0x0  }
0x19: {  	s7 =	sld [smem:$0x3F8F]  }
0x1a: {  	s8 =	sadd.s32 $0xFFFFE003, lr  }
0x1b: {  	s9 =	sadd.s32 $0xFFFFFEF7, lr;
	s5 =	simm.s32 $0xFFFFFFFF;
	p2 =	slt.u32 s8, $0xFFFFF086  }
0x1c: {  	p1 =	slt.u32 s9, $0xF7A;
	s5 =	simm.s32 @!p2 $0x0  }
0x1d: {  	s5 =	simm.s32 @p1 $0x1;
	p0 =	seq.s32 s7, s2  }
0x1e: {  	s7 =	smul.u32 @!p0 $0xF7A, s2;
	p2 =	seq.s32 @!p0 s5, $0x0  }
0x1f: {  	s9 =	smul.u32 $0xF7A, s1;
	s8 =	simm.s32 @!p0 $0x1BF5;
	p2 =	por !p2, p0  }
0x20: {  	[sflag:s8] =	ssyncset.s32 @!p0 $0xFFFFF086;
	s6 =	sadd.s32 @!p0 s3, s7;
	s7 =	simm.s32 @!p0 $0x108  }
0x21: {  	s3 =	sadd.s32 s3, s9;
	s6 =	sadd.s32 @!p0 $0x88, s6;
	s7 =	simm.s32 @p2 $0x1082  }
0x22: {  	[simem:s7], [sflag:s8] =	dma.local @!p0 [hbm:s6], $0xF7A  }
0x23: {  	s9 =	sor.u32 $0xD0000000, s2;
	s6 =	simm.s32 $0x108;
	_ =	swait.ge @!p0 [sflag:s8], $0x0  }
0x24: {  	s3 =	sadd.s32 $0x88, s3;
	s6 =	simm.s32 @!p1 $0x1082;
	[sflag:s4] =	ssyncset.s32 $0xFFFFF086  }
0x25: {  	[simem:s6], [sflag:s4] =	dma.local [hbm:s3], $0xF7A  }
0x26: {  	[smem:$0x3F8F] =	sst s1;
	(tag) =	ssettag s2;
	_ =	strace s9  }
0x27: {  	s1 =	sld [smem:$0x3F9F]  }
0x28: {  	s2 =	sld [smem:$0x3FA0]  }
0x29: {  	s4 =	sld [smem:$0x3FA2]  }
0x2a: {  	p0 =	seq.s32 s5, $0x0;
	s5 =	sld [smem:$0x3FA3]  }
0x2b: {  	s6 =	sld [smem:$0x3FA4]  }
0x2c: {  	s7 =	sld [smem:$0x3FA5]  }
0x2d: {  	s3 =	simm.s32 $0x108;
	s8 =	sld [smem:$0x3FA6]  }
0x2e: {  	s3 =	simm.s32 @!p0 $0x1082;
	s9 =	sld [smem:$0x3FA7]  }
0x2f: {  	lr =	sadd.s32 s0, s3;
	s0 =	sld [smem:$0x3F9E]  }
0x30: {  	s3 =	sld [smem:$0x3FA1]  }
0x31: {  	[smem:$0x3FAA] =	sst s10  }
0x32: {  	s10 =	sld [smem:$0x3FA8];
	_ =	sdelay $0x3  }
0x33: {  	p0 =	seq.s32 s10, $0x1;
	s10 =	sld [smem:$0x3FAA];
	_ =	sdelay $0x3  }
0x34: {  	[smem:$0x3FAA] =	sst s10  }
0x35: {  	s10 =	sld [smem:$0x3FA9];
	_ =	sdelay $0x3  }
0x36: {  	p1 =	seq.s32 s10, $0x1;
	s10 =	sld [smem:$0x3FAA];
	_ =	sdelay $0x3  }
0x37: {  	[smem:$0x3FAA] =	sst s10  }
0x38: {  	s10 =	sld [smem:$0x3FAB]  }
0x39: {  	_ = 	snop;
	(pc) =	sbr.ind lr, $3  }
0x3a: {  	_ = 	snop  }
0x3b: {  	_ = 	snop  }
0x3c: {  	p2 =	seq.s32 s10, $0x1;
	s10 =	sld [smem:$0x3FAA]  }
0x3d: {  	_ =	shalt  }
0x3e: {  	_ =	shalt  }
0x3f: {  	_ =	shalt  }
0x40: {  	_ =	shalt  }
0x41: {  	_ =	shalt  }
0x42: {  	_ =	shalt  }
0x43: {  	_ =	shalt  }
0x44: {  	_ =	shalt  }
0x45: {  	_ =	shalt  }
0x46: {  	_ =	shalt  }
0x47: {  	_ =	shalt  }
0x48: {  	_ =	shalt  }
0x49: {  	_ =	shalt  }
0x4a: {  	_ =	shalt  }
0x4b: {  	_ =	shalt  }
0x4c: {  	_ =	shalt  }
0x4d: {  	_ =	shalt  }
0x4e: {  	_ =	shalt  }
0x4f: {  	_ =	shalt  }
0x50: {  	_ =	shalt  }
0x51: {  	_ =	shalt  }
0x52: {  	_ =	shalt  }
0x53: {  	_ =	shalt  }
0x54: {  	_ =	shalt  }
0x55: {  	_ =	shalt  }
0x56: {  	_ =	shalt  }
0x57: {  	_ =	shalt  }
0x58: {  	_ =	shalt  }
0x59: {  	_ =	shalt  }
0x5a: {  	_ =	shalt  }
0x5b: {  	_ =	shalt  }
0x5c: {  	_ =	shalt  }
0x5d: {  	_ =	shalt  }
0x5e: {  	_ =	shalt  }
0x5f: {  	_ =	shalt  }
0x60: {  	_ =	shalt  }
0x61: {  	_ =	shalt  }
0x62: {  	_ =	shalt  }
0x63: {  	_ =	shalt  }
0x64: {  	_ =	shalt  }
0x65: {  	_ =	shalt  }
0x66: {  	_ =	shalt  }
0x67: {  	_ =	shalt  }
0x68: {  	_ =	shalt  }
0x69: {  	_ =	shalt  }
0x6a: {  	_ =	shalt  }
0x6b: {  	_ =	shalt  }
0x6c: {  	_ =	shalt  }
0x6d: {  	_ =	shalt  }
0x6e: {  	_ =	shalt  }
0x6f: {  	_ =	shalt  }
0x70: {  	_ =	shalt  }
0x71: {  	_ =	shalt  }
0x72: {  	_ =	shalt  }
0x73: {  	_ =	shalt  }
0x74: {  	_ =	shalt  }
0x75: {  	_ =	shalt  }
0x76: {  	_ =	shalt  }
0x77: {  	_ =	shalt  }
0x78: {  	_ =	shalt  }
0x79: {  	_ =	shalt  }
0x7a: {  	_ =	shalt  }
0x7b: {  	_ =	shalt  }
0x7c: {  	_ =	shalt  }
0x7d: {  	_ =	shalt  }
0x7e: {  	_ =	shalt  }
0x7f: {  	_ =	shalt  }
0x80: {  	_ =	shalt  }
0x81: {  	_ =	shalt  }
0x82: {  	_ =	shalt  }
0x83: {  	_ =	shalt  }
0x84: {  	_ =	shalt  }
0x85: {  	_ =	shalt  }
0x86: {  	_ =	shalt  }
0x87: {  	_ =	shalt  }
.Lfunc_end0:
.L_simem_size_0:
called_computation_lowered:
.L_overlay_start_0:
0x88: {  	s2 =	sld [smem:$0x3FD9]  }
0x89: {  	s3 =	sld [smem:$0x3FFE];
	_ =	sdelay $0x1  }
0x8a: {  	s1 =	srdreg.scid  }
0x8b: {  	s0 =	sand.u32 $0x1, s1  }
0x8c: {  	s16 =	sshll.u32 s0, $0xA;
	s2 =	sadd.s32 s3, s2  }
0x8d: {  	s2 =	sadd.s32 s2, s16  }
0x8e: {  	[smem:$0x3FB6] =	sst s2  }
0x8f: {  	_ = 	snop  }
0x90: {  	(tm) =	ssettm $0x1  }
0x91: {  	s17 =	sld [smem:$0x3FFB];
	_ =	sdelay $0x3  }
0x92: {  	_ =	strace s17  }
0x93: {  	s2 =	sld [smem:$0x3FFC];
	_ =	sdelay $0x3  }
0x94: {  	_ =	strace s2  }
0x95: {  	s2 =	sld [smem:$0x3FFD];
	_ =	sdelay $0x3  }
0x96: {  	_ =	strace s2  }
0x97: {  	_ =	strace $0x8FFFFFFF  }
0x98: {  	s18 =	sld [smem:$0x3FDB];
	_ =	sdelay $0x1  }
0x99: {  	s19 =	simm.s32 $_scs_section_size  }
0x9a: {  	s4 =	simm.s32 $_size__tile_overlayer_lowered;
	s5 =	simm.s32 $_tile_overlayer_lowered  }
0x9b: {  	s22 =	simm.s32 $0x1BFF;
	s21 =	sshll.u32 s5, $0x1;
	s2 =	sadd.s32 s19, s18  }
0x9c: {  	s6 =	simm.s32 $0x0;
	s20 =	sshll.u32 s4, $0x1;
	s4 =	sadd.s32 s21, s2  }
0x9d: {  	[timem:s6], [sflag:s22] =	dma.local [hbm:s4], s20  }
0x9e: {  	_ =	swait.ge [sflag:s22], s20  }
0x9f: {  	s3 =	ssub.s32 $0x0, s20;
	[sflag:s22] =	ssyncset.done $0x0  }
0xa0: {  	[sflag:s22] =	ssyncadd.s32 s3;
	_ =	sdelay $0x1  }
0xa1: {  	s23 =	simm.s32 $0x1B8B  }
0xa2: {  	_ =	swait.ge [sflag:s23], $0x1  }
0xa3: {  	[sflag:s23] =	ssyncset.done $0x0  }
0xa4: {  	s25 =	simm.s32 $0x1B8E;
	s24 =	sld [smem:$0x3FFE];
	[sflag:s23] =	ssyncadd.s32 $0xFFFFFFFF  }
0xa5: {  	s26 =	simm.s32 $execute0_lowered;
	[smem:$0x3FD2] =	sst s25  }
0xa6: {  	s4 =	sshll.u32 s26, $0x1;
	_ =	strace $0x80000046;
	[dreg:$0x1] =	wrdreg $0xFFFFFFFF  }
0xa7: {  	s28 =	simm.s32 $_size_execute0_lowered;
	s2 =	sadd.s32 s2, s4;
	[dreg:$0x0] =	wrdreg $0x0  }
0xa8: {  	s4 =	sshll.u32 s28, $0x1;
	[dreg:$0x2] =	wrdreg s2  }
0xa9: {  	[dreg:$0x3] =	wrdreg s4  }
0xaa: {  	[dreg:$0x4] =	wrdreg $0xC0  }
0xab: {  	_ =	task [dreg:s6], $0x5FFFF  }
0xac: {  	[dreg:$0x1] =	wrdreg $0xFFFFFFFF  }
0xad: {  	[dreg:$0x0] =	wrdreg $0x60  }
0xae: {  	[dreg:$0x2] =	wrdreg s24  }
0xaf: {  	[dreg:$0x3] =	wrdreg $0x0  }
0xb0: {  	[dreg:$0x4] =	wrdreg $0x9  }
0xb1: {  	_ =	task.clear_ibuf [dreg:s6], $0x5FFFF;
	_ =	strace $0x90000046  }
0xb2: {  	s29 =	simm.s32 $0x9;
	_ =	strace $0x80000048  }
0xb3: {  	_ =	swait.ge [sflag:s29], $0x1  }
0xb4: {  	[sflag:s29] =	ssyncadd.s32 $0xFFFFFFFF  }
0xb5: {  	_ =	strace $0x90000048  }
0xb6: {  	_ =	sfence  }
0xb7: {  	s30 =	sld [smem:$0x0];
	_ =	sdelay $0x2  }
0xb8: {  	s31 =	sshll.u32 s1, $0xD;
	s1 =	sshrl.u32 s1, $0x2  }
0xb9: {  	s3 =	sand.u32 $0x4000, s31;
	s1 =	sadd.s32 s1, s30  }
0xba: {  	s0 =	sor.u32 s3, s0;
	s1 =	sshll.u32 s1, $0x11  }
0xbb: {  	s0 =	sor.u32 s1, s0  }
0xbc: {  	s0 =	sadd.s32 $0x8F2B, s0  }
0xbd: {  	[sflag:s0] =	ssyncadd.remote.s32 $0x1  }
0xbe: {  	_ =	sfence.sel $0xFFFF  }
0xbf: {  	[dreg:$0x0] =	wrdreg $0xFFFFFFFF;
	(pc) =	sbr.abs _section_cstart, $3  }
0xc0: {  	[dreg:$0x1] =	wrdreg $0xFFFFFFFF  }
0xc1: {  	_ =	task.clear_ibuf [dreg:s6], $0x2FFFF;
	_ =	strace $0x9FFFFFFF  }
0xc2: {  	(tm) =	ssettm $0x7FFFFFFF  }
0xc3: {  	_ =	shalt  }
tec
execute0_lowered:
.L_overlay_start_1:
0x0: {  	(tag) =	ssettag $0x1  }
0x1: {  	s0 =	srdreg.scid  }
0x2: {  	s1 =	rddreg [dreg:$0x0];
	s9 =	stileid.u32  }
0x3: {  	s2 =	rddreg [dreg:$0x1];
	s3 =	simm.s32 $0x0;
	s11 =	simm.s32 $0x2  }
0x4: {  	s12 =	simm.s32 $0x280;
	s13 =	simm.s32 $0x80;
	s14 =	simm.s32 $0x2A80  }
0x5: {  	s18 =	simm.s32 $0x1;
	s30 =	simm.s32 $0x2400;
	s31 =	simm.s32 $0x2480  }
0x6: {  	s15 =	simm.s32 $0x2600;
	s16 =	simm.s32 $0x2680;
	s17 =	simm.s32 $0x2700  }
0x7: {  	s19 =	simm.s32 $0x2780;
	s20 =	simm.s32 $0x2800;
	s5 =	smul.u32 $0x2800, s9  }
0x8: {  	s21 =	simm.s32 $0x2880;
	s0 =	sand.u32 $0x1, s0;
	s24 =	smul.u32 $0x280, s9  }
0x9: {  	s22 =	simm.s32 $0x2900;
	s23 =	simm.s32 $0x2980;
	s4 =	smul.u32 $0x28000, s0  }
0xa: {  	[smem:$0x7FF] =	sst s3;
	s29 =	sshll.u32 s9, $0x6;
	s6 =	smul.u32 $0x2800, s0  }
0xb: {  	_ =	strace $0x80000047;
	s0 =	ssub.s32 $0x2, s0;
	s25 =	sshrl.u32 s24, $0x3  }
0xc: {  	s28 =	sshrl.u32 s0, $0x1;
	s4 =	sadd.s32 s5, s4;
	s6 =	sadd.s32 s24, s6  }
0xd: {  	s8 =	sadd.s32 s25, s1;
	s0 =	ssub.s32 s0, s28;
	s25 =	simm.s32 $0x2B00  }
0xe: {  	s4 =	sshrl.u32 s4, $0x3;
	s26 =	sshrl.u32 s6, $0x3;
	s5 =	sadd.s32 $0xD000, s8  }
0xf: {  	s6 =	sor.u32 $0x1C02, s29;
	s9 =	smax.u32 s0, $0x1;
	s0 =	simm.s32 $0x2580  }
0x10: {  	s7 =	sadd.s32 s4, s1;
	s1 =	sadd.s32 s26, s1;
	s4 =	sadd.s32 s24, s2  }
0x11: {  	s24 =	simm.s32 $0x2A00;
	s26 =	simm.s32 $0x0;
	s7 =	sadd.s32 $0x3000, s7  }
0x12: {  	v0 =	vimm.f32 $1.000000000e+00;
	s8 =	sadd.s32 $0xD600, s1;
	s10 =	sshrl.u32 s4, $0x3;
	s1 =	simm.s32 $0x2500  }
.LBB2_1:
0x13: {  	[spmem:s10], [sflag:s6] =	dma.local [hbm:s5], $0x50  }
0x14: {  	_ =	swait.ge [sflag:s11], $0x50  }
0x15: {  	[sflag:s11] =	ssyncset.done $0x0  }
0x16: {  	[sflag:s11] =	ssyncadd.s32 $0xFFFFFFB0  }
0x17: {  	[tilespmem:s12], [sflag:$0x2] =	stream.linear.gather [hbm4b:s7+s3], $0x2800, $0x38;
	[tilespmem:$0x2D80] =	vst v63  }
0x18: {  	_ =	swait.ge [sflag:s11], $0x2800  }
0x19: {  	[sflag:s11] =	ssyncset.done $0x0  }
0x1a: {  	[sflag:s11] =	ssyncadd.s32 $0xFFFFD800  }
0x1b: {  	[tilespmem:$0x2A80] =	vst v0  }
0x1c: {  	[tilespmem:$0x2A90] =	vst v0  }
0x1d: {  	[tilespmem:$0x2AA0] =	vst v0  }
0x1e: {  	[tilespmem:$0x2AB0] =	vst v0  }
0x1f: {  	[tilespmem:$0x2AC0] =	vst v0  }
0x20: {  	[tilespmem:$0x2AD0] =	vst v0  }
0x21: {  	[tilespmem:$0x2AE0] =	vst v0  }
0x22: {  	[tilespmem:$0x2AF0] =	vst v0  }
0x23: {  	[bflag:$0x0] =	sbarrier.arrive $0xFFFF  }
0x24: {  	[spmem:s2] =	stream.indirect.scatter.add.f32 [tilespmem:s14], [sflag:$0x1], $0x1, s12, s13, $0xb8;
	[tilespmem:$0x2D80] =	vst v63  }
0x25: {  	s28 =	simm.s32 $0x300  }
0x26: {  	[spmem:s2] =	stream.indirect.scatter.add.f32 [tilespmem:s14], [sflag:$0x1], $0x1, s28, s13, $0xb8;
	[tilespmem:$0x2D80] =	vst v63  }
0x27: {  	s28 =	simm.s32 $0x380  }
0x28: {  	[spmem:s2] =	stream.indirect.scatter.add.f32 [tilespmem:s14], [sflag:$0x1], $0x1, s28, s13, $0xb8;
	[tilespmem:$0x2D80] =	vst v63  }
0x29: {  	s28 =	simm.s32 $0x400  }
0x2a: {  	[spmem:s2] =	stream.indirect.scatter.add.f32 [tilespmem:s14], [sflag:$0x1], $0x1, s28, s13, $0xb8;
	[tilespmem:$0x2D80] =	vst v63  }
0x2b: {  	s28 =	simm.s32 $0x480  }
0x2c: {  	[spmem:s2] =	stream.indirect.scatter.add.f32 [tilespmem:s14], [sflag:$0x1], $0x1, s28, s13, $0xb8;
	[tilespmem:$0x2D80] =	vst v63  }
0x2d: {  	s28 =	simm.s32 $0x500  }
0x2e: {  	[spmem:s2] =	stream.indirect.scatter.add.f32 [tilespmem:s14], [sflag:$0x1], $0x1, s28, s13, $0xb8;
	[tilespmem:$0x2D80] =	vst v63  }
0x2f: {  	s28 =	simm.s32 $0x580  }
0x30: {  	[spmem:s2] =	stream.indirect.scatter.add.f32 [tilespmem:s14], [sflag:$0x1], $0x1, s28, s13, $0xb8;
	[tilespmem:$0x2D80] =	vst v63  }
0x31: {  	s28 =	simm.s32 $0x600  }
0x32: {  	[spmem:s2] =	stream.indirect.scatter.add.f32 [tilespmem:s14], [sflag:$0x1], $0x1, s28, s13, $0xb8;
	[tilespmem:$0x2D80] =	vst v63  }
0x33: {  	s28 =	simm.s32 $0x680  }
0x34: {  	[spmem:s2] =	stream.indirect.scatter.add.f32 [tilespmem:s14], [sflag:$0x1], $0x1, s28, s13, $0xb8;
	[tilespmem:$0x2D80] =	vst v63  }
0x35: {  	s28 =	simm.s32 $0x700  }
0x36: {  	[spmem:s2] =	stream.indirect.scatter.add.f32 [tilespmem:s14], [sflag:$0x1], $0x1, s28, s13, $0xb8;
	[tilespmem:$0x2D80] =	vst v63  }
0x37: {  	s28 =	simm.s32 $0x780  }
0x38: {  	[spmem:s2] =	stream.indirect.scatter.add.f32 [tilespmem:s14], [sflag:$0x1], $0x1, s28, s13, $0xb8;
	[tilespmem:$0x2D80] =	vst v63  }
0x39: {  	s28 =	simm.s32 $0x800  }
0x3a: {  	[spmem:s2] =	stream.indirect.scatter.add.f32 [tilespmem:s14], [sflag:$0x1], $0x1, s28, s13, $0xb8;
	[tilespmem:$0x2D80] =	vst v63  }
0x3b: {  	s28 =	simm.s32 $0x880  }
0x3c: {  	[spmem:s2] =	stream.indirect.scatter.add.f32 [tilespmem:s14], [sflag:$0x1], $0x1, s28, s13, $0xb8;
	[tilespmem:$0x2D80] =	vst v63  }
0x3d: {  	s28 =	simm.s32 $0x900  }
0x3e: {  	[spmem:s2] =	stream.indirect.scatter.add.f32 [tilespmem:s14], [sflag:$0x1], $0x1, s28, s13, $0xb8;
	[tilespmem:$0x2D80] =	vst v63  }
0x3f: {  	s28 =	simm.s32 $0x980  }
0x40: {  	[spmem:s2] =	stream.indirect.scatter.add.f32 [tilespmem:s14], [sflag:$0x1], $0x1, s28, s13, $0xb8;
	[tilespmem:$0x2D80] =	vst v63  }
0x41: {  	s28 =	simm.s32 $0xA00  }
0x42: {  	[spmem:s2] =	stream.indirect.scatter.add.f32 [tilespmem:s14], [sflag:$0x1], $0x1, s28, s13, $0xb8;
	[tilespmem:$0x2D80] =	vst v63  }
0x43: {  	s28 =	simm.s32 $0xA80  }
0x44: {  	[spmem:s2] =	stream.indirect.scatter.add.f32 [tilespmem:s14], [sflag:$0x1], $0x1, s28, s13, $0xb8;
	[tilespmem:$0x2D80] =	vst v63  }
0x45: {  	s28 =	simm.s32 $0xB00  }
0x46: {  	[spmem:s2] =	stream.indirect.scatter.add.f32 [tilespmem:s14], [sflag:$0x1], $0x1, s28, s13, $0xb8;
	[tilespmem:$0x2D80] =	vst v63  }
0x47: {  	s28 =	simm.s32 $0xB80  }
0x48: {  	[spmem:s2] =	stream.indirect.scatter.add.f32 [tilespmem:s14], [sflag:$0x1], $0x1, s28, s13, $0xb8;
	[tilespmem:$0x2D80] =	vst v63  }
0x49: {  	s28 =	simm.s32 $0xC00  }
0x4a: {  	[spmem:s2] =	stream.indirect.scatter.add.f32 [tilespmem:s14], [sflag:$0x1], $0x1, s28, s13, $0xb8;
	[tilespmem:$0x2D80] =	vst v63  }
0x4b: {  	s28 =	simm.s32 $0xC80  }
0x4c: {  	[spmem:s2] =	stream.indirect.scatter.add.f32 [tilespmem:s14], [sflag:$0x1], $0x1, s28, s13, $0xb8;
	[tilespmem:$0x2D80] =	vst v63  }
0x4d: {  	s28 =	simm.s32 $0xD00  }
0x4e: {  	[spmem:s2] =	stream.indirect.scatter.add.f32 [tilespmem:s14], [sflag:$0x1], $0x1, s28, s13, $0xb8;
	[tilespmem:$0x2D80] =	vst v63  }
0x4f: {  	s28 =	simm.s32 $0xD80  }
0x50: {  	[spmem:s2] =	stream.indirect.scatter.add.f32 [tilespmem:s14], [sflag:$0x1], $0x1, s28, s13, $0xb8;
	[tilespmem:$0x2D80] =	vst v63  }
0x51: {  	s28 =	simm.s32 $0xE00  }
0x52: {  	[spmem:s2] =	stream.indirect.scatter.add.f32 [tilespmem:s14], [sflag:$0x1], $0x1, s28, s13, $0xb8;
	[tilespmem:$0x2D80] =	vst v63  }
0x53: {  	s28 =	simm.s32 $0xE80  }
0x54: {  	[spmem:s2] =	stream.indirect.scatter.add.f32 [tilespmem:s14], [sflag:$0x1], $0x1, s28, s13, $0xb8;
	[tilespmem:$0x2D80] =	vst v63  }
0x55: {  	s28 =	simm.s32 $0xF00  }
0x56: {  	[spmem:s2] =	stream.indirect.scatter.add.f32 [tilespmem:s14], [sflag:$0x1], $0x1, s28, s13, $0xb8;
	[tilespmem:$0x2D80] =	vst v63  }
0x57: {  	s28 =	simm.s32 $0xF80  }
0x58: {  	[spmem:s2] =	stream.indirect.scatter.add.f32 [tilespmem:s14], [sflag:$0x1], $0x1, s28, s13, $0xb8;
	[tilespmem:$0x2D80] =	vst v63  }
0x59: {  	s28 =	simm.s32 $0x1000  }
0x5a: {  	[spmem:s2] =	stream.indirect.scatter.add.f32 [tilespmem:s14], [sflag:$0x1], $0x1, s28, s13, $0xb8;
	[tilespmem:$0x2D80] =	vst v63  }
0x5b: {  	s28 =	simm.s32 $0x1080  }
0x5c: {  	[spmem:s2] =	stream.indirect.scatter.add.f32 [tilespmem:s14], [sflag:$0x1], $0x1, s28, s13, $0xb8;
	[tilespmem:$0x2D80] =	vst v63  }
0x5d: {  	s28 =	simm.s32 $0x1100  }
0x5e: {  	[spmem:s2] =	stream.indirect.scatter.add.f32 [tilespmem:s14], [sflag:$0x1], $0x1, s28, s13, $0xb8;
	[tilespmem:$0x2D80] =	vst v63  }
0x5f: {  	s28 =	simm.s32 $0x1180  }
0x60: {  	[spmem:s2] =	stream.indirect.scatter.add.f32 [tilespmem:s14], [sflag:$0x1], $0x1, s28, s13, $0xb8;
	[tilespmem:$0x2D80] =	vst v63  }
0x61: {  	s28 =	simm.s32 $0x1200  }
0x62: {  	[spmem:s2] =	stream.indirect.scatter.add.f32 [tilespmem:s14], [sflag:$0x1], $0x1, s28, s13, $0xb8;
	[tilespmem:$0x2D80] =	vst v63  }
0x63: {  	s28 =	simm.s32 $0x1280  }
0x64: {  	[spmem:s2] =	stream.indirect.scatter.add.f32 [tilespmem:s14], [sflag:$0x1], $0x1, s28, s13, $0xb8;
	[tilespmem:$0x2D80] =	vst v63  }
0x65: {  	s28 =	simm.s32 $0x1300  }
0x66: {  	[spmem:s2] =	stream.indirect.scatter.add.f32 [tilespmem:s14], [sflag:$0x1], $0x1, s28, s13, $0xb8;
	[tilespmem:$0x2D80] =	vst v63  }
0x67: {  	s28 =	simm.s32 $0x1380  }
0x68: {  	[spmem:s2] =	stream.indirect.scatter.add.f32 [tilespmem:s14], [sflag:$0x1], $0x1, s28, s13, $0xb8;
	[tilespmem:$0x2D80] =	vst v63  }
0x69: {  	s28 =	simm.s32 $0x1400  }
0x6a: {  	[spmem:s2] =	stream.indirect.scatter.add.f32 [tilespmem:s14], [sflag:$0x1], $0x1, s28, s13, $0xb8;
	[tilespmem:$0x2D80] =	vst v63  }
0x6b: {  	s28 =	simm.s32 $0x1480  }
0x6c: {  	[spmem:s2] =	stream.indirect.scatter.add.f32 [tilespmem:s14], [sflag:$0x1], $0x1, s28, s13, $0xb8;
	[tilespmem:$0x2D80] =	vst v63  }
0x6d: {  	s28 =	simm.s32 $0x1500  }
0x6e: {  	[spmem:s2] =	stream.indirect.scatter.add.f32 [tilespmem:s14], [sflag:$0x1], $0x1, s28, s13, $0xb8;
	[tilespmem:$0x2D80] =	vst v63  }
0x6f: {  	s28 =	simm.s32 $0x1580  }
0x70: {  	[spmem:s2] =	stream.indirect.scatter.add.f32 [tilespmem:s14], [sflag:$0x1], $0x1, s28, s13, $0xb8;
	[tilespmem:$0x2D80] =	vst v63  }
0x71: {  	s28 =	simm.s32 $0x1600  }
0x72: {  	[spmem:s2] =	stream.indirect.scatter.add.f32 [tilespmem:s14], [sflag:$0x1], $0x1, s28, s13, $0xb8;
	[tilespmem:$0x2D80] =	vst v63  }
0x73: {  	_ =	swait.ge [sflag:s18], $0x80  }
0x74: {  	s28 =	simm.s32 $0x27;
	[sflag:s18] =	ssyncset.done $0x0  }
.LBB2_2:
0x75: {  	p0 =	sne.s32 s28, $0x1;
	s28 =	sadd.s32 $0xFFFFFFFF, s28;
	[sflag:s18] =	ssyncadd.s32 $0xFFFFFF80  }
.Ltmp0:
0x76: {  	(pc) =	sbr.rel @p0 .LBB2_2-.Ltmp0, $3  }
0x77: {  	_ =	sdelay $0x1  }
0x78: {  	_ =	swait.ge [sflag:s18], $0x80  }
0x79: {  	[sflag:s18] =	ssyncset.done $0x0  }
0x7a: {  	[sflag:s18] =	ssyncadd.s32 $0xFFFFFF80;
	s28 =	simm.s32 $0x1680  }
0x7b: {  	[spmem:s2] =	stream.indirect.scatter.add.f32 [tilespmem:s14], [sflag:$0x1], $0x1, s28, s13, $0xb8;
	[tilespmem:$0x2D80] =	vst v63  }
0x7c: {  	s28 =	simm.s32 $0x1700  }
0x7d: {  	[spmem:s2] =	stream.indirect.scatter.add.f32 [tilespmem:s14], [sflag:$0x1], $0x1, s28, s13, $0xb8;
	[tilespmem:$0x2D80] =	vst v63  }
0x7e: {  	s28 =	simm.s32 $0x1780  }
0x7f: {  	[spmem:s2] =	stream.indirect.scatter.add.f32 [tilespmem:s14], [sflag:$0x1], $0x1, s28, s13, $0xb8;
	[tilespmem:$0x2D80] =	vst v63  }
0x80: {  	s28 =	simm.s32 $0x1800  }
0x81: {  	[spmem:s2] =	stream.indirect.scatter.add.f32 [tilespmem:s14], [sflag:$0x1], $0x1, s28, s13, $0xb8;
	[tilespmem:$0x2D80] =	vst v63  }
0x82: {  	s28 =	simm.s32 $0x1880  }
0x83: {  	[spmem:s2] =	stream.indirect.scatter.add.f32 [tilespmem:s14], [sflag:$0x1], $0x1, s28, s13, $0xb8;
	[tilespmem:$0x2D80] =	vst v63  }
0x84: {  	s28 =	simm.s32 $0x1900  }
0x85: {  	[spmem:s2] =	stream.indirect.scatter.add.f32 [tilespmem:s14], [sflag:$0x1], $0x1, s28, s13, $0xb8;
	[tilespmem:$0x2D80] =	vst v63  }
0x86: {  	s28 =	simm.s32 $0x1980  }
0x87: {  	[spmem:s2] =	stream.indirect.scatter.add.f32 [tilespmem:s14], [sflag:$0x1], $0x1, s28, s13, $0xb8;
	[tilespmem:$0x2D80] =	vst v63  }
0x88: {  	s28 =	simm.s32 $0x1A00  }
0x89: {  	[spmem:s2] =	stream.indirect.scatter.add.f32 [tilespmem:s14], [sflag:$0x1], $0x1, s28, s13, $0xb8;
	[tilespmem:$0x2D80] =	vst v63  }
0x8a: {  	s28 =	simm.s32 $0x1A80  }
0x8b: {  	[spmem:s2] =	stream.indirect.scatter.add.f32 [tilespmem:s14], [sflag:$0x1], $0x1, s28, s13, $0xb8;
	[tilespmem:$0x2D80] =	vst v63  }
0x8c: {  	s28 =	simm.s32 $0x1B00  }
0x8d: {  	[spmem:s2] =	stream.indirect.scatter.add.f32 [tilespmem:s14], [sflag:$0x1], $0x1, s28, s13, $0xb8;
	[tilespmem:$0x2D80] =	vst v63  }
0x8e: {  	s28 =	simm.s32 $0x1B80  }
0x8f: {  	[spmem:s2] =	stream.indirect.scatter.add.f32 [tilespmem:s14], [sflag:$0x1], $0x1, s28, s13, $0xb8;
	[tilespmem:$0x2D80] =	vst v63  }
0x90: {  	s28 =	simm.s32 $0x1C00  }
0x91: {  	[spmem:s2] =	stream.indirect.scatter.add.f32 [tilespmem:s14], [sflag:$0x1], $0x1, s28, s13, $0xb8;
	[tilespmem:$0x2D80] =	vst v63  }
0x92: {  	s28 =	simm.s32 $0x1C80  }
0x93: {  	[spmem:s2] =	stream.indirect.scatter.add.f32 [tilespmem:s14], [sflag:$0x1], $0x1, s28, s13, $0xb8;
	[tilespmem:$0x2D80] =	vst v63  }
0x94: {  	s28 =	simm.s32 $0x1D00  }
0x95: {  	[spmem:s2] =	stream.indirect.scatter.add.f32 [tilespmem:s14], [sflag:$0x1], $0x1, s28, s13, $0xb8;
	[tilespmem:$0x2D80] =	vst v63  }
0x96: {  	s28 =	simm.s32 $0x1D80  }
0x97: {  	[spmem:s2] =	stream.indirect.scatter.add.f32 [tilespmem:s14], [sflag:$0x1], $0x1, s28, s13, $0xb8;
	[tilespmem:$0x2D80] =	vst v63  }
0x98: {  	s28 =	simm.s32 $0x1E00  }
0x99: {  	[spmem:s2] =	stream.indirect.scatter.add.f32 [tilespmem:s14], [sflag:$0x1], $0x1, s28, s13, $0xb8;
	[tilespmem:$0x2D80] =	vst v63  }
0x9a: {  	s28 =	simm.s32 $0x1E80  }
0x9b: {  	[spmem:s2] =	stream.indirect.scatter.add.f32 [tilespmem:s14], [sflag:$0x1], $0x1, s28, s13, $0xb8;
	[tilespmem:$0x2D80] =	vst v63  }
0x9c: {  	s28 =	simm.s32 $0x1F00  }
0x9d: {  	[spmem:s2] =	stream.indirect.scatter.add.f32 [tilespmem:s14], [sflag:$0x1], $0x1, s28, s13, $0xb8;
	[tilespmem:$0x2D80] =	vst v63  }
0x9e: {  	s28 =	simm.s32 $0x1F80  }
0x9f: {  	[spmem:s2] =	stream.indirect.scatter.add.f32 [tilespmem:s14], [sflag:$0x1], $0x1, s28, s13, $0xb8;
	[tilespmem:$0x2D80] =	vst v63  }
0xa0: {  	s28 =	simm.s32 $0x2000  }
0xa1: {  	[spmem:s2] =	stream.indirect.scatter.add.f32 [tilespmem:s14], [sflag:$0x1], $0x1, s28, s13, $0xb8;
	[tilespmem:$0x2D80] =	vst v63  }
0xa2: {  	s28 =	simm.s32 $0x2080  }
0xa3: {  	[spmem:s2] =	stream.indirect.scatter.add.f32 [tilespmem:s14], [sflag:$0x1], $0x1, s28, s13, $0xb8;
	[tilespmem:$0x2D80] =	vst v63  }
0xa4: {  	s28 =	simm.s32 $0x2100  }
0xa5: {  	[spmem:s2] =	stream.indirect.scatter.add.f32 [tilespmem:s14], [sflag:$0x1], $0x1, s28, s13, $0xb8;
	[tilespmem:$0x2D80] =	vst v63  }
0xa6: {  	s28 =	simm.s32 $0x2180  }
0xa7: {  	[spmem:s2] =	stream.indirect.scatter.add.f32 [tilespmem:s14], [sflag:$0x1], $0x1, s28, s13, $0xb8;
	[tilespmem:$0x2D80] =	vst v63  }
0xa8: {  	s28 =	simm.s32 $0x2200  }
0xa9: {  	[spmem:s2] =	stream.indirect.scatter.add.f32 [tilespmem:s14], [sflag:$0x1], $0x1, s28, s13, $0xb8;
	[tilespmem:$0x2D80] =	vst v63  }
0xaa: {  	s28 =	simm.s32 $0x2280  }
0xab: {  	[spmem:s2] =	stream.indirect.scatter.add.f32 [tilespmem:s14], [sflag:$0x1], $0x1, s28, s13, $0xb8;
	[tilespmem:$0x2D80] =	vst v63  }
0xac: {  	s28 =	simm.s32 $0x2300  }
0xad: {  	[spmem:s2] =	stream.indirect.scatter.add.f32 [tilespmem:s14], [sflag:$0x1], $0x1, s28, s13, $0xb8;
	[tilespmem:$0x2D80] =	vst v63  }
0xae: {  	s28 =	simm.s32 $0x2380  }
0xaf: {  	[spmem:s2] =	stream.indirect.scatter.add.f32 [tilespmem:s14], [sflag:$0x1], $0x1, s28, s13, $0xb8;
	[tilespmem:$0x2D80] =	vst v63  }
0xb0: {  	_ = 	snop  }
0xb1: {  	[spmem:s2] =	stream.indirect.scatter.add.f32 [tilespmem:s14], [sflag:$0x1], $0x1, s30, s13, $0xb8;
	[tilespmem:$0x2D80] =	vst v63  }
0xb2: {  	_ = 	snop  }
0xb3: {  	[spmem:s2] =	stream.indirect.scatter.add.f32 [tilespmem:s14], [sflag:$0x1], $0x1, s31, s13, $0xb8;
	[tilespmem:$0x2D80] =	vst v63  }
0xb4: {  	_ = 	snop  }
0xb5: {  	[spmem:s2] =	stream.indirect.scatter.add.f32 [tilespmem:s14], [sflag:$0x1], $0x1, s1, s13, $0xb8;
	[tilespmem:$0x2D80] =	vst v63  }
0xb6: {  	_ = 	snop  }
0xb7: {  	[spmem:s2] =	stream.indirect.scatter.add.f32 [tilespmem:s14], [sflag:$0x1], $0x1, s0, s13, $0xb8;
	[tilespmem:$0x2D80] =	vst v63  }
0xb8: {  	_ = 	snop  }
0xb9: {  	[spmem:s2] =	stream.indirect.scatter.add.f32 [tilespmem:s14], [sflag:$0x1], $0x1, s15, s13, $0xb8;
	[tilespmem:$0x2D80] =	vst v63  }
0xba: {  	_ = 	snop  }
0xbb: {  	[spmem:s2] =	stream.indirect.scatter.add.f32 [tilespmem:s14], [sflag:$0x1], $0x1, s16, s13, $0xb8;
	[tilespmem:$0x2D80] =	vst v63  }
0xbc: {  	_ = 	snop  }
0xbd: {  	[spmem:s2] =	stream.indirect.scatter.add.f32 [tilespmem:s14], [sflag:$0x1], $0x1, s17, s13, $0xb8;
	[tilespmem:$0x2D80] =	vst v63  }
0xbe: {  	_ = 	snop  }
0xbf: {  	[spmem:s2] =	stream.indirect.scatter.add.f32 [tilespmem:s14], [sflag:$0x1], $0x1, s19, s13, $0xb8;
	[tilespmem:$0x2D80] =	vst v63  }
0xc0: {  	_ = 	snop  }
0xc1: {  	[spmem:s2] =	stream.indirect.scatter.add.f32 [tilespmem:s14], [sflag:$0x1], $0x1, s20, s13, $0xb8;
	[tilespmem:$0x2D80] =	vst v63  }
0xc2: {  	_ = 	snop  }
0xc3: {  	[spmem:s2] =	stream.indirect.scatter.add.f32 [tilespmem:s14], [sflag:$0x1], $0x1, s21, s13, $0xb8;
	[tilespmem:$0x2D80] =	vst v63  }
0xc4: {  	_ = 	snop  }
0xc5: {  	[spmem:s2] =	stream.indirect.scatter.add.f32 [tilespmem:s14], [sflag:$0x1], $0x1, s22, s13, $0xb8;
	[tilespmem:$0x2D80] =	vst v63  }
0xc6: {  	_ = 	snop  }
0xc7: {  	[spmem:s2] =	stream.indirect.scatter.add.f32 [tilespmem:s14], [sflag:$0x1], $0x1, s23, s13, $0xb8;
	[tilespmem:$0x2D80] =	vst v63  }
0xc8: {  	_ = 	snop  }
0xc9: {  	[spmem:s2] =	stream.indirect.scatter.add.f32 [tilespmem:s14], [sflag:$0x1], $0x1, s24, s13, $0xb8;
	[tilespmem:$0x2D80] =	vst v63  }
0xca: {  	_ =	swait.ge [sflag:s18], $0x80  }
0xcb: {  	s28 =	simm.s32 $0x27;
	[sflag:s18] =	ssyncset.done $0x0  }
.LBB2_4:
0xcc: {  	p0 =	sne.s32 s28, $0x1;
	s28 =	sadd.s32 $0xFFFFFFFF, s28;
	[sflag:s18] =	ssyncadd.s32 $0xFFFFFF80  }
.Ltmp1:
0xcd: {  	(pc) =	sbr.rel @p0 .LBB2_4-.Ltmp1, $3  }
0xce: {  	_ =	sdelay $0x1  }
0xcf: {  	_ =	swait.ge [sflag:s18], $0x80  }
0xd0: {  	[sflag:s18] =	ssyncset.done $0x0  }
0xd1: {  	[sflag:s18] =	ssyncadd.s32 $0xFFFFFF80  }
0xd2: {  	[bflag:$0x0] =	sbarrier.arrive $0xFFFF  }
0xd3: {  	[tilespmem:s25], [sflag:$0x2] =	stream.linear.gather [spmem:s4], $0x280, $0x38;
	[tilespmem:$0x2D80] =	vst v63  }
0xd4: {  	_ =	swait.ge [sflag:s11], $0x280  }
0xd5: {  	[sflag:s11] =	ssyncset.done $0x0  }
0xd6: {  	s28 =	simm.s32 $0x0;
	s29 =	simm.s32 $0x40;
	[sflag:s11] =	ssyncadd.s32 $0xFFFFFD80  }
.LBB2_6:
0xd7: {  	p0 =	sne.s32 s29, $0x9C0;
	v1 =	vld [tilespmem:s28+$0x2B00];
	_ =	sdelay $0x4  }
0xd8: {  	v1 =	vadd.f32 $1.000000000e+00, v1;
	_ =	sdelay $0x1  }
0xd9: {  	v2 =	vshra.s32 v1, $0x1;
	v1 =	vmul.f32 $5.000000000e-01, v1  }
0xda: {  	v2 =	vsub.s32 $0x5F3759DF, v2  }
0xdb: {  	v3 =	vmul.f32 v2, v1;
	_ =	sdelay $0x1  }
0xdc: {  	v3 =	vmul.f32 v2, v3;
	_ =	sdelay $0x1  }
0xdd: {  	v3 =	vsub.f32 $1.500000000e+00, v3;
	_ =	sdelay $0x1  }
0xde: {  	v2 =	vmul.f32 v2, v3;
	_ =	sdelay $0x1  }
0xdf: {  	v3 =	vmul.f32 v2, v1;
	_ =	sdelay $0x1  }
0xe0: {  	v3 =	vmul.f32 v3, v2;
	_ =	sdelay $0x1  }
0xe1: {  	v3 =	vsub.f32 $1.500000000e+00, v3;
	_ =	sdelay $0x1  }
0xe2: {  	v2 =	vmul.f32 v3, v2;
	_ =	sdelay $0x1  }
0xe3: {  	v1 =	vmul.f32 v2, v1;
	_ =	sdelay $0x1  }
0xe4: {  	v1 =	vmul.f32 v1, v2;
	_ =	sdelay $0x1  }
.Ltmp2:
0xe5: {  	v1 =	vsub.f32 $1.500000000e+00, v1;
	(pc) =	sbr.rel @p0 .LBB2_6-.Ltmp2, $3  }
0xe6: {  	_ = 	snop  }
0xe7: {  	v1 =	vmul.f32 v1, v2;
	_ =	sdelay $0x1  }
0xe8: {  	[tilespmem:s28+$0x2B00] =	vst v1;
	s28 =	sshra.s32 s29, $0x2;
	s29 =	sadd.s32 $0x40, s29  }
0xe9: {  	v1 =	vld [tilespmem:s28+$0x2B00];
	_ =	sdelay $0x4  }
0xea: {  	v1 =	vadd.f32 $1.000000000e+00, v1;
	_ =	sdelay $0x1  }
0xeb: {  	v2 =	vshra.s32 v1, $0x1;
	v1 =	vmul.f32 $5.000000000e-01, v1  }
0xec: {  	v2 =	vsub.s32 $0x5F3759DF, v2  }
0xed: {  	v3 =	vmul.f32 v2, v1;
	_ =	sdelay $0x1  }
0xee: {  	v3 =	vmul.f32 v2, v3;
	_ =	sdelay $0x1  }
0xef: {  	v3 =	vsub.f32 $1.500000000e+00, v3;
	_ =	sdelay $0x1  }
0xf0: {  	v2 =	vmul.f32 v2, v3;
	_ =	sdelay $0x1  }
0xf1: {  	v3 =	vmul.f32 v2, v1;
	_ =	sdelay $0x1  }
0xf2: {  	v3 =	vmul.f32 v3, v2;
	_ =	sdelay $0x1  }
0xf3: {  	v3 =	vsub.f32 $1.500000000e+00, v3;
	_ =	sdelay $0x1  }
0xf4: {  	v2 =	vmul.f32 v3, v2;
	_ =	sdelay $0x1  }
0xf5: {  	v1 =	vmul.f32 v2, v1;
	_ =	sdelay $0x1  }
0xf6: {  	v1 =	vmul.f32 v1, v2;
	_ =	sdelay $0x1  }
0xf7: {  	v1 =	vsub.f32 $1.500000000e+00, v1;
	_ =	sdelay $0x1  }
0xf8: {  	s26 =	sadd.s32 $0x1, s26;
	v1 =	vmul.f32 v1, v2  }
0xf9: {  	p0 =	sne.s32 s26, s9  }
.Ltmp3:
0xfa: {  	[tilespmem:s28+$0x2B00] =	vst v1;
	(pc) =	sbr.rel @p0 .LBB2_1-.Ltmp3, $4  }
0xfb: {  	[hbm4b:s8+s3] =	stream.linear.scatter [tilespmem:s25], [sflag:$0x2], $0x280, $0x38;
	[tilespmem:$0x2D80] =	vst v63  }
0xfc: {  	_ =	swait.ge [sflag:s11], $0x280  }
0xfd: {  	[sflag:s11] =	ssyncset.done $0x0  }
0xfe: {  	[sflag:s11] =	ssyncadd.s32 $0xFFFFFD80  }
0xff: {  	_ =	sfence.sel $0x180000  }
0x100: {  	[bflag:$0x0] =	sbarrier.arrive $0xFFFF  }
0x101: {  	_ =	strace $0x90000047  }
0x102: {  	s0 =	stileid.u32;
	[bflag:$0x2] =	sbarrier.arrive $0xFFFF  }
0x103: {  	p0 =	sne.s32 s0, $0x0;
	s0 =	rddreg [dreg:$0x2]  }
0x104: {  	s0 =	sadd.s32 @!p0 $0x100000, s0  }
0x105: {  	[sflag:s0] =	ssyncadd.tile.s32 @!p0 $0x1;
	_ =	shalt  }
.Lfunc_end2:
_tile_overlayer_lowered:
.L_overlay_start_2:
0x106: {  	(tag) =	ssettag $0x2  }
0x107: {  	s0 =	rddreg [dreg:$0x0];
	s2 =	stileid.u32  }
0x108: {  	s1 =	rddreg [dreg:$0x1];
	p0 =	sne.s32 s2, $0x0  }
0x109: {  	s3 =	rddreg [dreg:$0x2];
	[bflag:$0x3] =	sbarrier.arrive $0xFFFF;
	s2 =	simm.s32 @!p0 $0x1C02  }
0x10a: {  	[timem:s3], [sflag:s2] =	dma.local @!p0 [hbm:s0], s1  }
0x10b: {  	s0 =	simm.s32 @!p0 $0x2  }
0x10c: {  	_ =	swait.ge @!p0 [sflag:s0], s1  }
0x10d: {  	s1 =	ssub.s32 @!p0 $0x0, s1;
	[sflag:s0] =	ssyncset.done @!p0 $0x0  }
0x10e: {  	[sflag:s0] =	ssyncadd.s32 @!p0 s1  }
0x10f: {  	[bflag:$0x3] =	sbarrier.arrive $0xFFFF  }
0x110: {  	_ =	shalt  }

// kernel: kernel.9.cloned.1.call-start
scs
__scs_entry_jumppad:
0x0: {  	(pc) =	sbr.rel $0x88, $3  }
0x1: {  	(tag) =	ssettag $0x0;
	lr =	simm.s32 $0x1  }
0x2: {  	[smem:$0x3F8F] =	sst lr;
	_ =	strace $0xD0000000  }
0x3: {  	_ = 	snop  }
0x4: {  	_ = 	snop  }
0x5: {  	_ = 	snop  }
0x6: {  	_ = 	snop  }
0x7: {  	_ = 	snop  }
__scs_overlays_trampoline_lowered:
0x8: {  	[smem:$0x3F9E] =	sst s0  }
0x9: {  	[smem:$0x3F9F] =	sst s1  }
0xa: {  	[smem:$0x3FA0] =	sst s2  }
0xb: {  	[smem:$0x3FA1] =	sst s3  }
0xc: {  	[smem:$0x3FA2] =	sst s4  }
0xd: {  	[smem:$0x3FA3] =	sst s5  }
0xe: {  	[smem:$0x3FA4] =	sst s6  }
0xf: {  	[smem:$0x3FA5] =	sst s7  }
0x10: {  	[smem:$0x3FA6] =	sst s8  }
0x11: {  	[smem:$0x3FA7] =	sst s9;
	s0 =	simm.s32 @!p0 $0x0  }
0x12: {  	s1 =	sld [smem:$0x3F8D];
	s0 =	simm.s32 @p0 $0x1  }
0x13: {  	[smem:$0x3FA8] =	sst s0;
	s0 =	simm.s32 @!p1 $0x0  }
0x14: {  	s2 =	sld [smem:$0x3F8C];
	s0 =	simm.s32 @p1 $0x1  }
0x15: {  	[smem:$0x3FA9] =	sst s0;
	s0 =	simm.s32 @!p2 $0x0  }
0x16: {  	s3 =	sld [smem:$0x3FDB];
	s0 =	simm.s32 @p2 $0x1  }
0x17: {  	s4 =	simm.s32 $0x1BF5;
	[smem:$0x3FAB] =	sst s0  }
0x18: {  	s0 =	sld [smem:$0x3F8E];
	_ =	swait.ge [sflag:s4], $0x0  }
0x19: {  	s7 =	sld [smem:$0x3F8F]  }
0x1a: {  	s8 =	sadd.s32 $0xFFFFE003, lr  }
0x1b: {  	s9 =	sadd.s32 $0xFFFFFEF7, lr;
	s5 =	simm.s32 $0xFFFFFFFF;
	p2 =	slt.u32 s8, $0xFFFFF086  }
0x1c: {  	p1 =	slt.u32 s9, $0xF7A;
	s5 =	simm.s32 @!p2 $0x0  }
0x1d: {  	s5 =	simm.s32 @p1 $0x1;
	p0 =	seq.s32 s7, s2  }
0x1e: {  	s7 =	smul.u32 @!p0 $0xF7A, s2;
	p2 =	seq.s32 @!p0 s5, $0x0  }
0x1f: {  	s9 =	smul.u32 $0xF7A, s1;
	s8 =	simm.s32 @!p0 $0x1BF5;
	p2 =	por !p2, p0  }
0x20: {  	[sflag:s8] =	ssyncset.s32 @!p0 $0xFFFFF086;
	s6 =	sadd.s32 @!p0 s3, s7;
	s7 =	simm.s32 @!p0 $0x108  }
0x21: {  	s3 =	sadd.s32 s3, s9;
	s6 =	sadd.s32 @!p0 $0x88, s6;
	s7 =	simm.s32 @p2 $0x1082  }
0x22: {  	[simem:s7], [sflag:s8] =	dma.local @!p0 [hbm:s6], $0xF7A  }
0x23: {  	s9 =	sor.u32 $0xD0000000, s2;
	s6 =	simm.s32 $0x108;
	_ =	swait.ge @!p0 [sflag:s8], $0x0  }
0x24: {  	s3 =	sadd.s32 $0x88, s3;
	s6 =	simm.s32 @!p1 $0x1082;
	[sflag:s4] =	ssyncset.s32 $0xFFFFF086  }
0x25: {  	[simem:s6], [sflag:s4] =	dma.local [hbm:s3], $0xF7A  }
0x26: {  	[smem:$0x3F8F] =	sst s1;
	(tag) =	ssettag s2;
	_ =	strace s9  }
0x27: {  	s1 =	sld [smem:$0x3F9F]  }
0x28: {  	s2 =	sld [smem:$0x3FA0]  }
0x29: {  	s4 =	sld [smem:$0x3FA2]  }
0x2a: {  	p0 =	seq.s32 s5, $0x0;
	s5 =	sld [smem:$0x3FA3]  }
0x2b: {  	s6 =	sld [smem:$0x3FA4]  }
0x2c: {  	s7 =	sld [smem:$0x3FA5]  }
0x2d: {  	s3 =	simm.s32 $0x108;
	s8 =	sld [smem:$0x3FA6]  }
0x2e: {  	s3 =	simm.s32 @!p0 $0x1082;
	s9 =	sld [smem:$0x3FA7]  }
0x2f: {  	lr =	sadd.s32 s0, s3;
	s0 =	sld [smem:$0x3F9E]  }
0x30: {  	s3 =	sld [smem:$0x3FA1]  }
0x31: {  	[smem:$0x3FAA] =	sst s10  }
0x32: {  	s10 =	sld [smem:$0x3FA8];
	_ =	sdelay $0x3  }
0x33: {  	p0 =	seq.s32 s10, $0x1;
	s10 =	sld [smem:$0x3FAA];
	_ =	sdelay $0x3  }
0x34: {  	[smem:$0x3FAA] =	sst s10  }
0x35: {  	s10 =	sld [smem:$0x3FA9];
	_ =	sdelay $0x3  }
0x36: {  	p1 =	seq.s32 s10, $0x1;
	s10 =	sld [smem:$0x3FAA];
	_ =	sdelay $0x3  }
0x37: {  	[smem:$0x3FAA] =	sst s10  }
0x38: {  	s10 =	sld [smem:$0x3FAB]  }
0x39: {  	_ = 	snop;
	(pc) =	sbr.ind lr, $3  }
0x3a: {  	_ = 	snop  }
0x3b: {  	_ = 	snop  }
0x3c: {  	p2 =	seq.s32 s10, $0x1;
	s10 =	sld [smem:$0x3FAA]  }
0x3d: {  	_ =	shalt  }
0x3e: {  	_ =	shalt  }
0x3f: {  	_ =	shalt  }
0x40: {  	_ =	shalt  }
0x41: {  	_ =	shalt  }
0x42: {  	_ =	shalt  }
0x43: {  	_ =	shalt  }
0x44: {  	_ =	shalt  }
0x45: {  	_ =	shalt  }
0x46: {  	_ =	shalt  }
0x47: {  	_ =	shalt  }
0x48: {  	_ =	shalt  }
0x49: {  	_ =	shalt  }
0x4a: {  	_ =	shalt  }
0x4b: {  	_ =	shalt  }
0x4c: {  	_ =	shalt  }
0x4d: {  	_ =	shalt  }
0x4e: {  	_ =	shalt  }
0x4f: {  	_ =	shalt  }
0x50: {  	_ =	shalt  }
0x51: {  	_ =	shalt  }
0x52: {  	_ =	shalt  }
0x53: {  	_ =	shalt  }
0x54: {  	_ =	shalt  }
0x55: {  	_ =	shalt  }
0x56: {  	_ =	shalt  }
0x57: {  	_ =	shalt  }
0x58: {  	_ =	shalt  }
0x59: {  	_ =	shalt  }
0x5a: {  	_ =	shalt  }
0x5b: {  	_ =	shalt  }
0x5c: {  	_ =	shalt  }
0x5d: {  	_ =	shalt  }
0x5e: {  	_ =	shalt  }
0x5f: {  	_ =	shalt  }
0x60: {  	_ =	shalt  }
0x61: {  	_ =	shalt  }
0x62: {  	_ =	shalt  }
0x63: {  	_ =	shalt  }
0x64: {  	_ =	shalt  }
0x65: {  	_ =	shalt  }
0x66: {  	_ =	shalt  }
0x67: {  	_ =	shalt  }
0x68: {  	_ =	shalt  }
0x69: {  	_ =	shalt  }
0x6a: {  	_ =	shalt  }
0x6b: {  	_ =	shalt  }
0x6c: {  	_ =	shalt  }
0x6d: {  	_ =	shalt  }
0x6e: {  	_ =	shalt  }
0x6f: {  	_ =	shalt  }
0x70: {  	_ =	shalt  }
0x71: {  	_ =	shalt  }
0x72: {  	_ =	shalt  }
0x73: {  	_ =	shalt  }
0x74: {  	_ =	shalt  }
0x75: {  	_ =	shalt  }
0x76: {  	_ =	shalt  }
0x77: {  	_ =	shalt  }
0x78: {  	_ =	shalt  }
0x79: {  	_ =	shalt  }
0x7a: {  	_ =	shalt  }
0x7b: {  	_ =	shalt  }
0x7c: {  	_ =	shalt  }
0x7d: {  	_ =	shalt  }
0x7e: {  	_ =	shalt  }
0x7f: {  	_ =	shalt  }
0x80: {  	_ =	shalt  }
0x81: {  	_ =	shalt  }
0x82: {  	_ =	shalt  }
0x83: {  	_ =	shalt  }
0x84: {  	_ =	shalt  }
0x85: {  	_ =	shalt  }
0x86: {  	_ =	shalt  }
0x87: {  	_ =	shalt  }
.Lfunc_end0:
.L_simem_size_0:
called_computation.1_lowered:
.L_overlay_start_0:
0x88: {  	s2 =	sld [smem:$0x3FD9]  }
0x89: {  	s3 =	sld [smem:$0x3FFE];
	_ =	sdelay $0x1  }
0x8a: {  	s1 =	srdreg.scid  }
0x8b: {  	s0 =	sand.u32 $0x1, s1  }
0x8c: {  	s17 =	sshll.u32 s0, $0xA;
	s2 =	sadd.s32 s3, s2  }
0x8d: {  	s2 =	sadd.s32 s2, s17  }
0x8e: {  	[smem:$0x3FB6] =	sst s2  }
0x8f: {  	_ = 	snop  }
0x90: {  	s2 =	sld [smem:$0x3FD0];
	(tm) =	ssettm $0x1  }
0x91: {  	s18 =	sld [smem:$0x3FFB];
	_ =	sdelay $0x3  }
0x92: {  	_ =	strace s18  }
0x93: {  	s3 =	sld [smem:$0x3FFC];
	_ =	sdelay $0x3  }
0x94: {  	_ =	strace s3  }
0x95: {  	s3 =	sld [smem:$0x3FFD];
	_ =	sdelay $0x3  }
0x96: {  	_ =	strace s3  }
0x97: {  	_ =	strace $0x8FFFFFFF  }
0x98: {  	s19 =	sld [smem:$0x3FDB];
	_ =	sdelay $0x1  }
0x99: {  	s4 =	simm.s32 $_scs_section_size  }
0x9a: {  	s5 =	simm.s32 $_size__tile_overlayer_lowered;
	s6 =	simm.s32 $_tile_overlayer_lowered  }
0x9b: {  	s22 =	simm.s32 $0x1BFF;
	s21 =	sshll.u32 s6, $0x1;
	s3 =	sadd.s32 s4, s19  }
0x9c: {  	s7 =	simm.s32 $0x0;
	s20 =	sshll.u32 s5, $0x1;
	s5 =	sadd.s32 s21, s3  }
0x9d: {  	[timem:s7], [sflag:s22] =	dma.local [hbm:s5], s20  }
0x9e: {  	_ =	swait.ge [sflag:s22], s20  }
0x9f: {  	s4 =	ssub.s32 $0x0, s20;
	[sflag:s22] =	ssyncset.done $0x0  }
0xa0: {  	[sflag:s22] =	ssyncadd.s32 s4;
	_ =	sdelay $0x1  }
0xa1: {  	s23 =	simm.s32 $0x1B8B  }
0xa2: {  	_ =	swait.ge [sflag:s23], $0x1  }
0xa3: {  	[sflag:s23] =	ssyncset.done $0x0  }
0xa4: {  	s25 =	simm.s32 $0x1B8E;
	s24 =	sld [smem:$0x3FFE];
	[sflag:s23] =	ssyncadd.s32 $0xFFFFFFFF  }
0xa5: {  	s26 =	simm.s32 $execute0_lowered;
	[smem:$0x3FD2] =	sst s25  }
0xa6: {  	s5 =	sshll.u32 s26, $0x1;
	_ =	strace $0x80000049;
	[dreg:$0x1] =	wrdreg $0xFFFFFFFF  }
0xa7: {  	s28 =	simm.s32 $_size_execute0_lowered;
	s3 =	sadd.s32 s3, s5;
	[dreg:$0x0] =	wrdreg $0x0  }
0xa8: {  	s5 =	sshll.u32 s28, $0x1;
	[dreg:$0x2] =	wrdreg s3  }
0xa9: {  	[dreg:$0x3] =	wrdreg s5  }
0xaa: {  	[dreg:$0x4] =	wrdreg $0xC0  }
0xab: {  	_ =	task [dreg:s7], $0x5FFFF  }
0xac: {  	[dreg:$0x1] =	wrdreg $0xFFFFFFFF  }
0xad: {  	[dreg:$0x0] =	wrdreg $0x60  }
0xae: {  	[dreg:$0x2] =	wrdreg s24  }
0xaf: {  	[dreg:$0x3] =	wrdreg s2  }
0xb0: {  	[dreg:$0x4] =	wrdreg $0x28000  }
0xb1: {  	[dreg:$0x5] =	wrdreg $0x50000  }
0xb2: {  	[dreg:$0x6] =	wrdreg $0x50800  }
0xb3: {  	[dreg:$0x7] =	wrdreg $0x0  }
0xb4: {  	[dreg:$0x8] =	wrdreg $0x9  }
0xb5: {  	_ =	task.clear_ibuf [dreg:s7], $0x9FFFF;
	_ =	strace $0x90000049  }
0xb6: {  	s29 =	simm.s32 $0x9;
	_ =	strace $0x8000004B  }
0xb7: {  	_ =	swait.ge [sflag:s29], $0x1  }
0xb8: {  	[sflag:s29] =	ssyncadd.s32 $0xFFFFFFFF  }
0xb9: {  	_ =	strace $0x9000004B  }
0xba: {  	_ =	sfence  }
0xbb: {  	s30 =	sld [smem:$0x0];
	_ =	sdelay $0x2  }
0xbc: {  	s31 =	sshll.u32 s1, $0xD;
	s1 =	sshrl.u32 s1, $0x2  }
0xbd: {  	s3 =	sand.u32 $0x4000, s31;
	s1 =	sadd.s32 s1, s30  }
0xbe: {  	s0 =	sor.u32 s3, s0;
	s1 =	sshll.u32 s1, $0x11  }
0xbf: {  	s0 =	sor.u32 s1, s0  }
0xc0: {  	s0 =	sadd.s32 $0x8F2B, s0  }
0xc1: {  	[sflag:s0] =	ssyncadd.remote.s32 $0x1  }
0xc2: {  	_ =	sfence.sel $0xFFFF  }
0xc3: {  	[dreg:$0x0] =	wrdreg $0xFFFFFFFF;
	(pc) =	sbr.abs _section_cstart, $3  }
0xc4: {  	[dreg:$0x1] =	wrdreg $0xFFFFFFFF  }
0xc5: {  	_ =	task.clear_ibuf [dreg:s7], $0x2FFFF;
	_ =	strace $0x9FFFFFFF  }
0xc6: {  	(tm) =	ssettm $0x7FFFFFFF  }
0xc7: {  	_ =	shalt  }
tec
execute0_lowered:
.L_overlay_start_1:
0x0: {  	(tag) =	ssettag $0x1  }
0x1: {  	s1 =	rddreg [dreg:$0x0]  }
0x2: {  	s2 =	rddreg [dreg:$0x1]  }
0x3: {  	s0 =	rddreg [dreg:$0x2]  }
0x4: {  	s28 =	rddreg [dreg:$0x3]  }
0x5: {  	s3 =	srdreg.scid;
	s12 =	rddreg [dreg:$0x4]  }
0x6: {  	s5 =	stileid.u32;
	s4 =	rddreg [dreg:$0x5];
	s10 =	simm.s32 $0x0  }
0x7: {  	s29 =	simm.s32 $0x1;
	s30 =	simm.s32 $0x2;
	s31 =	simm.s32 $0x3  }
0x8: {  	s16 =	simm.s32 $0x13F10;
	s3 =	sand.u32 $0x1, s3;
	s6 =	smul.u32 $0x2800, s5  }
0x9: {  	s9 =	smul.u32 $0x280, s5;
	[smem:$0x7FF] =	sst s10;
	s13 =	sadd.s32 $0x18C00, s1  }
0xa: {  	s14 =	sshll.u32 s5, $0x6;
	p0 =	sne.s32 s5, $0x0;
	s7 =	smul.u32 $0x28000, s3  }
0xb: {  	s5 =	smov.u32 s12;
	s12 =	simm.s32 $0x11F10;
	s8 =	smul.u32 $0x2800, s3  }
0xc: {  	_ =	strace $0x8000004A;
	s17 =	sshll.u32 s3, $0x1;
	[dreg:$0x7] =	wrdreg s13  }
0xd: {  	s18 =	ssub.s32 $0x2, s3;
	s3 =	sshll.u32 s3, $0x7;
	[dreg:$0x9] =	wrdreg s14  }
0xe: {  	s21 =	sor.u32 $0x1C02, s14;
	s14 =	simm.s32 $0x12710;
	s11 =	sshrl.u32 s18, $0x1  }
0xf: {  	s20 =	sshrl.u32 s6, $0x3;
	s15 =	sadd.s32 s6, s0;
	[dreg:$0xc] =	wrdreg s21  }
0x10: {  	s2 =	sadd.s32 s2, s3;
	s21 =	simm.s32 $0x5;
	s7 =	sadd.s32 s6, s7  }
0x11: {  	s8 =	sadd.s32 s9, s8;
	s9 =	sadd.s32 s17, s1;
	s10 =	ssub.s32 s18, s11  }
0x12: {  	s11 =	sadd.s32 s13, s20;
	s6 =	sadd.s32 s6, s4;
	[dreg:$0x13] =	wrdreg s2  }
0x13: {  	[dreg:$0xa] =	wrdreg s15;
	s2 =	simm.s32 $0x4;
	s13 =	simm.s32 $0x13710  }
0x14: {  	s20 =	simm.s32 $0x9;
	s18 =	simm.s32 $0xA;
	[dreg:$0x12] =	wrdreg s6  }
0x15: {  	s7 =	sshrl.u32 s7, $0x3;
	s25 =	sadd.s32 $0xEA00, s9;
	[dreg:$0xb] =	wrdreg s11  }
0x16: {  	s8 =	sshrl.u32 s8, $0x3;
	s26 =	smax.u32 s10, $0x1;
	[dreg:$0x11] =	wrdreg s25  }
0x17: {  	s9 =	sshrl.u32 s15, $0x3;
	s8 =	sadd.s32 s8, s1;
	[dreg:$0x15] =	wrdreg s26  }
0x18: {  	s7 =	sadd.s32 s7, s1;
	[dreg:$0x16] =	wrdreg s9;
	s19 =	sadd.s32 $0xD600, s8  }
0x19: {  	s17 =	simm.s32 $0xF;
	s22 =	sadd.s32 $0x5E000, s7;
	[dreg:$0x8] =	wrdreg s19  }
0x1a: {  	s15 =	simm.s32 $0x12F10;
	s23 =	sadd.s32 $0xEC00, s7;
	[dreg:$0xd] =	wrdreg s22  }
0x1b: {  	s10 =	simm.s32 $0xE;
	s7 =	sadd.s32 $0x3000, s7;
	[dreg:$0xe] =	wrdreg s23  }
0x1c: {  	s1 =	sadd.s32 s3, s1;
	s24 =	sadd.s32 $0xE000, s8;
	[dreg:$0xf] =	wrdreg s7  }
0x1d: {  	v0 =	vlaneseq.u32;
	s25 =	simm.s32 $0x6;
	s1 =	sadd.s32 $0xD000, s1;
	[dreg:$0x10] =	wrdreg s24  }
0x1e: {  	v1 =	vimm.f32 $1.000000000e+00;
	v9 =	vimm.f32 $0.0e+00;
	v2 =	vor.u32 $0x10, v0;
	s26 =	simm.s32 $0x7;
	s8 =	simm.s32 $0xB;
	[dreg:$0x14] =	wrdreg s1  }
0x1f: {  	v3 =	vor.u32 $0x20, v0;
	v4 =	vor.u32 $0x30, v0;
	v5 =	vor.u32 $0x40, v0;
	s1 =	simm.s32 $0x80;
	s19 =	simm.s32 $0x8;
	s23 =	simm.s32 $0xC  }
0x20: {  	v6 =	vor.u32 $0x50, v0;
	v7 =	vor.u32 $0x60, v0;
	v8 =	vor.u32 $0x70, v0;
	s24 =	simm.s32 $0xD;
	s22 =	simm.s32 $0x10;
	s7 =	simm.s32 $0x0  }
.LBB2_1:
0x21: {  	[dreg:$0x17] =	wrdreg s7  }
0x22: {  	s3 =	simm.s32 $0x0;
	s6 =	rddreg [dreg:$0x8];
	s7 =	simm.s32 $0xA410  }
0x23: {  	[tilespmem:s7], [sflag:$0x1] =	stream.linear.gather [hbm4b:s6+s3], $0x280, $0x38;
	[tilespmem:$0x14710] =	vst v63  }
0x24: {  	s7 =	rddreg [dreg:$0xc]  }
0x25: {  	[spmem:s9], [sflag:s7] =	dma.local [hbm:s11], $0x500  }
0x26: {  	s6 =	rddreg [dreg:$0xd]  }
0x27: {  	s11 =	simm.s32 $0xA690;
	s7 =	sshrl.u32 @!p0 s28, $0x3;
	s9 =	rddreg [dreg:$0xe]  }
0x28: {  	[tilespmem:s11], [sflag:$0x3] =	stream.linear.gather [hbm4b:s6+s3], $0x2800, $0x38;
	[tilespmem:$0x14710] =	vst v63  }
0x29: {  	[dreg:$0x18] =	wrdreg s7;
	s11 =	simm.s32 $0x5100  }
0x2a: {  	[tilespmem:s11], [sflag:$0x4] =	stream.linear.gather [hbm4b:s9+s3], $0x2800, $0x38;
	[tilespmem:$0x14710] =	vst v63  }
0x2b: {  	s9 =	rddreg [dreg:$0xf];
	s11 =	simm.s32 $0x7900  }
0x2c: {  	[tilespmem:s11], [sflag:$0x5] =	stream.linear.gather [hbm4b:s9+s3], $0x2800, $0x38;
	[tilespmem:$0x14710] =	vst v63  }
0x2d: {  	s9 =	rddreg [dreg:$0x10];
	s11 =	simm.s32 $0xA100  }
0x2e: {  	[tilespmem:s11], [sflag:$0x6] =	stream.linear.gather [hbm4b:s9+s3], $0x280, $0x38;
	[tilespmem:$0x14710] =	vst v63  }
0x2f: {  	s9 =	rddreg [dreg:$0x11];
	s11 =	simm.s32 $0xA400  }
0x30: {  	[tilespmem:s11], [sflag:$0x7] =	stream.linear.gather [hbm4b:s9+s3], $0x10, $0x38;
	[tilespmem:$0x14710] =	vst v63  }
0x31: {  	s6 =	rddreg [dreg:$0x7];
	s3 =	simm.s32 @!p0 $0x1C09  }
0x32: {  	[spmem:s7], [sflag:s3] =	dma.local @!p0 [hbm:s6], $0x100  }
0x33: {  	s3 =	simm.s32 @!p0 $0x9  }
0x34: {  	_ =	swait.ge @!p0 [sflag:s3], $0x100  }
0x35: {  	s5 =	sshrl.u32 @!p0 s5, $0x3;
	[sflag:s3] =	ssyncset.done @!p0 $0x0  }
0x36: {  	[dreg:$0x19] =	wrdreg s5;
	[sflag:s3] =	ssyncadd.s32 @!p0 $0xFFFFFF00;
	s3 =	simm.s32 @!p0 $0x1C0A  }
0x37: {  	[spmem:s5], [sflag:s3] =	dma.local @!p0 [hbm:s6], $0x100  }
0x38: {  	s3 =	simm.s32 @!p0 $0xA  }
0x39: {  	_ =	swait.ge @!p0 [sflag:s3], $0x100  }
0x3a: {  	[sflag:s3] =	ssyncset.done @!p0 $0x0  }
0x3b: {  	[sflag:s3] =	ssyncadd.s32 @!p0 $0xFFFFFF00  }
0x3c: {  	[tilespmem:$0xA380] =	vst v1  }
0x3d: {  	[tilespmem:$0x10690] =	vst v0  }
0x3e: {  	[tilespmem:$0xA390] =	vst v1  }
0x3f: {  	[tilespmem:$0x106A0] =	vst v2  }
0x40: {  	[tilespmem:$0xA3A0] =	vst v1  }
0x41: {  	[tilespmem:$0x106B0] =	vst v3  }
0x42: {  	[tilespmem:$0xA3B0] =	vst v1  }
0x43: {  	[tilespmem:$0x106C0] =	vst v4  }
0x44: {  	[tilespmem:$0xA3C0] =	vst v1  }
0x45: {  	[tilespmem:$0x106D0] =	vst v5  }
0x46: {  	[tilespmem:$0xA3D0] =	vst v1  }
0x47: {  	[tilespmem:$0x106E0] =	vst v6  }
0x48: {  	[tilespmem:$0xA3E0] =	vst v1  }
0x49: {  	[tilespmem:$0x106F0] =	vst v7  }
0x4a: {  	[tilespmem:$0xA3F0] =	vst v1  }
0x4b: {  	s5 =	simm.s32 $0x0;
	s3 =	simm.s32 $0x40;
	[tilespmem:$0x10700] =	vst v8  }
.LBB2_2:
0x4c: {  	p1 =	sne.s32 s3, $0x1FC0;
	[tilespmem:s5+$0xF690] =	vst v9;
	s6 =	smov.u32 s3;
	s3 =	sadd.s32 $0x40, s3  }
.Ltmp0:
0x4d: {  	[tilespmem:s5+$0xFE90] =	vst v9;
	(pc) =	sbr.rel @p1 .LBB2_2-.Ltmp0, $2  }
0x4e: {  	_ =	sdelay $0x2  }
0x4f: {  	s5 =	sshra.s32 s6, $0x2  }
0x50: {  	[tilespmem:s5+$0xF690] =	vst v9  }
0x51: {  	[tilespmem:s5+$0xFE90] =	vst v9  }
0x52: {  	_ =	swait.ge [sflag:s29], $0x280  }
0x53: {  	[sflag:s29] =	ssyncset.done $0x0  }
0x54: {  	[sflag:s29] =	ssyncadd.s32 $0xFFFFFD80  }
0x55: {  	_ =	swait.ge [sflag:s30], $0x500  }
0x56: {  	[sflag:s30] =	ssyncset.done $0x0  }
0x57: {  	[sflag:s30] =	ssyncadd.s32 $0xFFFFFB00  }
0x58: {  	_ =	swait.ge [sflag:s31], $0x2800  }
0x59: {  	[sflag:s31] =	ssyncset.done $0x0  }
0x5a: {  	[sflag:s31] =	ssyncadd.s32 $0xFFFFD800  }
0x5b: {  	_ =	swait.ge [sflag:s2], $0x2800  }
0x5c: {  	[sflag:s2] =	ssyncset.done $0x0  }
0x5d: {  	[sflag:s2] =	ssyncadd.s32 $0xFFFFD800  }
0x5e: {  	_ =	swait.ge [sflag:s21], $0x2800  }
0x5f: {  	[sflag:s21] =	ssyncset.done $0x0  }
0x60: {  	[sflag:s21] =	ssyncadd.s32 $0xFFFFD800  }
0x61: {  	_ =	swait.ge [sflag:s25], $0x280  }
0x62: {  	[sflag:s25] =	ssyncset.done $0x0  }
0x63: {  	[sflag:s25] =	ssyncadd.s32 $0xFFFFFD80  }
0x64: {  	_ =	swait.ge [sflag:s26], $0x10  }
0x65: {  	[sflag:s26] =	ssyncset.done $0x0  }
0x66: {  	s3 =	simm.s32 $0xA710;
	s7 =	simm.s32 $0x0;
	[sflag:s26] =	ssyncadd.s32 $0xFFFFFFF0  }
0x67: {  	s6 =	simm.s32 $0x40;
	s5 =	simm.s32 $0xA710;
	s28 =	simm.s32 $0x10710;
	v10 =	vld [tilespmem:s3+$0xFFFFFFB0]  }
.LBB2_4:
0x68: {  	p1 =	sne.s32 s6, $0x9C0;
	v11 =	vld [tilespmem:s7+$0xA410]  }
0x69: {  	v12 =	vld [tilespmem:s3+$0xFFFFFF90]  }
0x6a: {  	v13 =	vld [tilespmem:s3+$0xFFFFFF80]  }
0x6b: {  	v14 =	vld [tilespmem:s3+$0xFFFFFFA0]  }
0x6c: {  	v15 =	vld [tilespmem:s3+$0xFFFFFFF0]  }
0x6d: {  	v16 =	vbroadcast v11, $0x0;
	v17 =	vbroadcast v11, $0x1;
	v18 =	vld [tilespmem:s3+$0xFFFFFFD0]  }
0x6e: {  	v19 =	vbroadcast v11, $0x2;
	v20 =	vbroadcast v11, $0x3;
	v21 =	vld [tilespmem:s3+$0xFFFFFFC0]  }
0x6f: {  	v13 =	vmul.f32 v16, v13;
	v12 =	vmul.f32 v12, v17;
	v16 =	vld [tilespmem:s3+$0xFFFFFFE0]  }
0x70: {  	v10 =	vmul.f32 v10, v20;
	v14 =	vmul.f32 v14, v19;
	v17 =	vld [tilespmem:s3+$0x30]  }
0x71: {  	v19 =	vbroadcast v11, $0x5;
	[tilespmem:s3+$0xFFFFFF80] =	vst v13;
	v13 =	vbroadcast v11, $0x4;
	v20 =	vld [tilespmem:s3+$0x10]  }
0x72: {  	v22 =	vbroadcast v11, $0x7;
	[tilespmem:s3+$0xFFFFFF90] =	vst v12;
	v12 =	vbroadcast v11, $0x6;
	v23 =	vld [tilespmem:s3+$0x0]  }
0x73: {  	[tilespmem:s3+$0xFFFFFFA0] =	vst v14;
	v13 =	vmul.f32 v21, v13;
	v14 =	vmul.f32 v18, v19;
	v18 =	vld [tilespmem:s3+$0x20]  }
0x74: {  	[tilespmem:s3+$0xFFFFFFB0] =	vst v10;
	v10 =	vmul.f32 v16, v12;
	v12 =	vmul.f32 v15, v22;
	v15 =	vld [tilespmem:s3+$0x70]  }
0x75: {  	v16 =	vbroadcast v11, $0x9;
	[tilespmem:s3+$0xFFFFFFC0] =	vst v13;
	v13 =	vbroadcast v11, $0x8;
	v19 =	vld [tilespmem:s3+$0x50]  }
0x76: {  	v21 =	vbroadcast v11, $0xB;
	[tilespmem:s3+$0xFFFFFFD0] =	vst v14;
	v14 =	vbroadcast v11, $0xA;
	v22 =	vld [tilespmem:s3+$0x40]  }
0x77: {  	[tilespmem:s3+$0xFFFFFFE0] =	vst v10;
	v10 =	vmul.f32 v23, v13;
	v13 =	vmul.f32 v20, v16;
	v16 =	vld [tilespmem:s3+$0x60]  }
0x78: {  	[tilespmem:s3+$0xFFFFFFF0] =	vst v12;
	v12 =	vmul.f32 v18, v14;
	v14 =	vmul.f32 v17, v21  }
0x79: {  	v17 =	vbroadcast v11, $0xD;
	[tilespmem:s3+$0x0] =	vst v10;
	v10 =	vbroadcast v11, $0xC  }
0x7a: {  	[tilespmem:s3+$0x10] =	vst v13;
	v13 =	vbroadcast v11, $0xE;
	v11 =	vbroadcast v11, $0xF  }
0x7b: {  	[tilespmem:s3+$0x20] =	vst v12;
	v10 =	vmul.f32 v22, v10;
	v12 =	vmul.f32 v19, v17  }
.Ltmp1:
0x7c: {  	[tilespmem:s3+$0x30] =	vst v14;
	v13 =	vmul.f32 v16, v13;
	v11 =	vmul.f32 v15, v11;
	(pc) =	sbr.rel @p1 .LBB2_4-.Ltmp1, $4  }
0x7d: {  	[tilespmem:s3+$0x40] =	vst v10  }
0x7e: {  	[tilespmem:s3+$0x50] =	vst v12  }
0x7f: {  	s3 =	sadd.s32 $0x100, s3;
	[tilespmem:s5+$0x60] =	vst v13  }
0x80: {  	s7 =	sshra.s32 s6, $0x2;
	s6 =	sadd.s32 $0x40, s6;
	v10 =	vld [tilespmem:s3+$0xFFFFFFB0];
	[tilespmem:s5+$0x70] =	vst v11;
	s5 =	smov.u32 s3  }
0x81: {  	v11 =	vld [tilespmem:s7+$0xA410];
	_ =	sdelay $0x1  }
0x82: {  	v12 =	vld [tilespmem:s3+$0xFFFFFF80]  }
0x83: {  	v13 =	vld [tilespmem:s3+$0xFFFFFF90]  }
0x84: {  	v14 =	vld [tilespmem:s3+$0xFFFFFFA0]  }
0x85: {  	v15 =	vbroadcast v11, $0x0  }
0x86: {  	v18 =	vld [tilespmem:s3+$0xFFFFFFD0];
	v16 =	vbroadcast v11, $0x1;
	v19 =	vbroadcast v11, $0x2  }
0x87: {  	v45 =	vld [tilespmem:s3+$0xFFFFFFE0];
	v44 =	vbroadcast v11, $0x3;
	v12 =	vmul.f32 v15, v12  }
0x88: {  	v49 =	vld [tilespmem:s3+$0x10];
	v46 =	vbroadcast v11, $0x4;
	v13 =	vmul.f32 v13, v16  }
0x89: {  	v17 =	vld [tilespmem:s3+$0xFFFFFFC0];
	v47 =	vbroadcast v11, $0x5;
	v14 =	vmul.f32 v14, v19;
	[tilespmem:s3+$0xFFFFFF80] =	vst v12  }
0x8a: {  	v20 =	vld [tilespmem:s3+$0xFFFFFFF0];
	v21 =	vbroadcast v11, $0x6;
	v10 =	vmul.f32 v10, v44;
	[tilespmem:s3+$0xFFFFFF90] =	vst v13  }
0x8b: {  	v51 =	vld [tilespmem:s3+$0x20];
	v53 =	vbroadcast v11, $0x9;
	v15 =	vmul.f32 v18, v47;
	[tilespmem:s3+$0xFFFFFFA0] =	vst v14  }
0x8c: {  	v48 =	vld [tilespmem:s3+$0x0];
	v50 =	vbroadcast v11, $0x7;
	v16 =	vmul.f32 v45, v21;
	[tilespmem:s3+$0xFFFFFFB0] =	vst v10  }
0x8d: {  	v55 =	vld [tilespmem:s3+$0x50];
	v52 =	vbroadcast v11, $0x8;
	v58 =	vmul.f32 v49, v53;
	[tilespmem:s3+$0xFFFFFFD0] =	vst v15  }
0x8e: {  	v54 =	vld [tilespmem:s3+$0x40];
	v56 =	vbroadcast v11, $0xA;
	v12 =	vmul.f32 v17, v46;
	[tilespmem:s3+$0xFFFFFFE0] =	vst v16  }
0x8f: {  	v57 =	vbroadcast v11, $0xB;
	v10 =	vld [tilespmem:s3+$0x30];
	v14 =	vmul.f32 v20, v50;
	[tilespmem:s3+$0x10] =	vst v58  }
0x90: {  	v60 =	vld [tilespmem:s3+$0x70];
	v62 =	vbroadcast v11, $0xD;
	v17 =	vmul.f32 v51, v56;
	[tilespmem:s3+$0xFFFFFFC0] =	vst v12  }
0x91: {  	v59 =	vld [tilespmem:s3+$0x60];
	v61 =	vbroadcast v11, $0xC;
	v12 =	vmul.f32 v48, v52;
	[tilespmem:s3+$0xFFFFFFF0] =	vst v14  }
0x92: {  	v63 =	vbroadcast v11, $0xE;
	v13 =	vmul.f32 v55, v62;
	[tilespmem:s3+$0x20] =	vst v17  }
0x93: {  	v11 =	vbroadcast v11, $0xF;
	[tilespmem:s3+$0x0] =	vst v12;
	v12 =	vmul.f32 v54, v61  }
0x94: {  	[tilespmem:s3+$0x50] =	vst v13;
	v10 =	vmul.f32 v10, v57  }
0x95: {  	v11 =	vmul.f32 v60, v11;
	[tilespmem:s3+$0x40] =	vst v12  }
0x96: {  	[tilespmem:s3+$0x30] =	vst v10;
	v10 =	vmul.f32 v59, v63  }
0x97: {  	[tilespmem:s5+$0x70] =	vst v11  }
0x98: {  	s7 =	rddreg [dreg:$0x12];
	s9 =	simm.s32 $0xA690;
	[tilespmem:s5+$0x60] =	vst v10  }
0x99: {  	[spmem:s7] =	stream.linear.scatter [tilespmem:s9], [sflag:$0x11], $0x2800, $0x38;
	[tilespmem:$0x14710] =	vst v63  }
0x9a: {  	s7 =	simm.s32 $0x11  }
0x9b: {  	_ =	swait.ge [sflag:s7], $0x2800  }
0x9c: {  	[sflag:s7] =	ssyncset.done $0x0  }
0x9d: {  	[sflag:s7] =	ssyncadd.s32 $0xFFFFD800  }
0x9e: {  	s11 =	simm.s32 $0x5100;
	[bflag:$0x0] =	sbarrier.arrive $0xFFFF  }
0x9f: {  	[tilespmem:s28], [sflag:$0x1] =	stream.indirect.gather [spmem:s4], $0x10, s11, s1, $0xb8;
	[tilespmem:$0x14710] =	vst v63  }
0xa0: {  	s5 =	simm.s32 $0x5180;
	s11 =	simm.s32 $0x10F10  }
0xa1: {  	[tilespmem:s11], [sflag:$0x2] =	stream.indirect.gather [spmem:s4], $0x10, s5, s1, $0xb8;
	[tilespmem:$0x14710] =	vst v63  }
0xa2: {  	s6 =	simm.s32 $0x5200;
	s9 =	simm.s32 $0x11710  }
0xa3: {  	[tilespmem:s9], [sflag:$0x3] =	stream.indirect.gather [spmem:s4], $0x10, s6, s1, $0xb8;
	[tilespmem:$0x14710] =	vst v63  }
0xa4: {  	s5 =	simm.s32 $0x5280  }
0xa5: {  	[tilespmem:s12], [sflag:$0x4] =	stream.indirect.gather [spmem:s4], $0x10, s5, s1, $0xb8;
	[tilespmem:$0x14710] =	vst v63  }
0xa6: {  	s6 =	simm.s32 $0x5300  }
0xa7: {  	[tilespmem:s14], [sflag:$0x5] =	stream.indirect.gather [spmem:s4], $0x10, s6, s1, $0xb8;
	[tilespmem:$0x14710] =	vst v63  }
0xa8: {  	s5 =	simm.s32 $0x5380  }
0xa9: {  	[tilespmem:s15], [sflag:$0x6] =	stream.indirect.gather [spmem:s4], $0x10, s5, s1, $0xb8;
	[tilespmem:$0x14710] =	vst v63  }
0xaa: {  	s6 =	simm.s32 $0x5400  }
0xab: {  	[tilespmem:s13], [sflag:$0x7] =	stream.indirect.gather [spmem:s4], $0x10, s6, s1, $0xb8;
	[tilespmem:$0x14710] =	vst v63  }
0xac: {  	s5 =	simm.s32 $0x5480  }
0xad: {  	[tilespmem:s16], [sflag:$0x8] =	stream.indirect.gather [spmem:s4], $0x10, s5, s1, $0xb8;
	[tilespmem:$0x14710] =	vst v63  }
0xae: {  	_ =	swait.ge [sflag:s29], $0x800  }
0xaf: {  	[sflag:s29] =	ssyncset.done $0x0  }
0xb0: {  	s6 =	simm.s32 $0x7900;
	[sflag:s29] =	ssyncadd.s32 $0xFFFFF800  }
0xb1: {  	[spmem:s0] =	stream.indirect.scatter.add.f32 [tilespmem:s28], [sflag:$0x9], $0x10, s6, s1, $0xb8;
	[tilespmem:$0x14710] =	vst v63  }
0xb2: {  	_ =	swait.ge [sflag:s30], $0x800  }
0xb3: {  	[sflag:s30] =	ssyncset.done $0x0  }
0xb4: {  	s5 =	simm.s32 $0x7980;
	[sflag:s30] =	ssyncadd.s32 $0xFFFFF800  }
0xb5: {  	[spmem:s0] =	stream.indirect.scatter.add.f32 [tilespmem:s11], [sflag:$0xA], $0x10, s5, s1, $0xb8;
	[tilespmem:$0x14710] =	vst v63  }
0xb6: {  	_ =	swait.ge [sflag:s31], $0x800  }
0xb7: {  	[sflag:s31] =	ssyncset.done $0x0  }
0xb8: {  	s6 =	simm.s32 $0x7A00;
	[sflag:s31] =	ssyncadd.s32 $0xFFFFF800  }
0xb9: {  	[spmem:s0] =	stream.indirect.scatter.add.f32 [tilespmem:s9], [sflag:$0xB], $0x10, s6, s1, $0xb8;
	[tilespmem:$0x14710] =	vst v63  }
0xba: {  	_ =	swait.ge [sflag:s2], $0x800  }
0xbb: {  	[sflag:s2] =	ssyncset.done $0x0  }
0xbc: {  	s5 =	simm.s32 $0x7A80;
	[sflag:s2] =	ssyncadd.s32 $0xFFFFF800  }
0xbd: {  	[spmem:s0] =	stream.indirect.scatter.add.f32 [tilespmem:s12], [sflag:$0xC], $0x10, s5, s1, $0xb8;
	[tilespmem:$0x14710] =	vst v63  }
0xbe: {  	_ =	swait.ge [sflag:s21], $0x800  }
0xbf: {  	[sflag:s21] =	ssyncset.done $0x0  }
0xc0: {  	s6 =	simm.s32 $0x7B00;
	[sflag:s21] =	ssyncadd.s32 $0xFFFFF800  }
0xc1: {  	[spmem:s0] =	stream.indirect.scatter.add.f32 [tilespmem:s14], [sflag:$0xD], $0x10, s6, s1, $0xb8;
	[tilespmem:$0x14710] =	vst v63  }
0xc2: {  	_ =	swait.ge [sflag:s25], $0x800  }
0xc3: {  	[sflag:s25] =	ssyncset.done $0x0  }
0xc4: {  	s5 =	simm.s32 $0x7B80;
	[sflag:s25] =	ssyncadd.s32 $0xFFFFF800  }
0xc5: {  	[spmem:s0] =	stream.indirect.scatter.add.f32 [tilespmem:s15], [sflag:$0xE], $0x10, s5, s1, $0xb8;
	[tilespmem:$0x14710] =	vst v63  }
0xc6: {  	_ =	swait.ge [sflag:s26], $0x800  }
0xc7: {  	[sflag:s26] =	ssyncset.done $0x0  }
0xc8: {  	s6 =	simm.s32 $0x7C00;
	[sflag:s26] =	ssyncadd.s32 $0xFFFFF800  }
0xc9: {  	[spmem:s0] =	stream.indirect.scatter.add.f32 [tilespmem:s13], [sflag:$0xF], $0x10, s6, s1, $0xb8;
	[tilespmem:$0x14710] =	vst v63  }
0xca: {  	_ =	swait.ge [sflag:s19], $0x800  }
0xcb: {  	[sflag:s19] =	ssyncset.done $0x0  }
0xcc: {  	s5 =	simm.s32 $0x7C80;
	[sflag:s19] =	ssyncadd.s32 $0xFFFFF800  }
0xcd: {  	[spmem:s0] =	stream.indirect.scatter.add.f32 [tilespmem:s16], [sflag:$0x10], $0x10, s5, s1, $0xb8;
	[tilespmem:$0x14710] =	vst v63  }
0xce: {  	_ =	swait.ge [sflag:s20], $0x800  }
0xcf: {  	[sflag:s20] =	ssyncset.done $0x0  }
0xd0: {  	s6 =	simm.s32 $0x5500;
	[sflag:s20] =	ssyncadd.s32 $0xFFFFF800  }
0xd1: {  	[tilespmem:s28], [sflag:$0x1] =	stream.indirect.gather [spmem:s4], $0x10, s6, s1, $0xb8;
	[tilespmem:$0x14710] =	vst v63  }
0xd2: {  	_ =	swait.ge [sflag:s18], $0x800  }
0xd3: {  	[sflag:s18] =	ssyncset.done $0x0  }
0xd4: {  	s5 =	simm.s32 $0x5580;
	[sflag:s18] =	ssyncadd.s32 $0xFFFFF800  }
0xd5: {  	[tilespmem:s11], [sflag:$0x2] =	stream.indirect.gather [spmem:s4], $0x10, s5, s1, $0xb8;
	[tilespmem:$0x14710] =	vst v63  }
0xd6: {  	_ =	swait.ge [sflag:s8], $0x800  }
0xd7: {  	[sflag:s8] =	ssyncset.done $0x0  }
0xd8: {  	s6 =	simm.s32 $0x5600;
	[sflag:s8] =	ssyncadd.s32 $0xFFFFF800  }
0xd9: {  	[tilespmem:s9], [sflag:$0x3] =	stream.indirect.gather [spmem:s4], $0x10, s6, s1, $0xb8;
	[tilespmem:$0x14710] =	vst v63  }
0xda: {  	_ =	swait.ge [sflag:s23], $0x800  }
0xdb: {  	[sflag:s23] =	ssyncset.done $0x0  }
0xdc: {  	s5 =	simm.s32 $0x5680;
	[sflag:s23] =	ssyncadd.s32 $0xFFFFF800  }
0xdd: {  	[tilespmem:s12], [sflag:$0x4] =	stream.indirect.gather [spmem:s4], $0x10, s5, s1, $0xb8;
	[tilespmem:$0x14710] =	vst v63  }
0xde: {  	_ =	swait.ge [sflag:s24], $0x800  }
0xdf: {  	[sflag:s24] =	ssyncset.done $0x0  }
0xe0: {  	s6 =	simm.s32 $0x5700;
	[sflag:s24] =	ssyncadd.s32 $0xFFFFF800  }
0xe1: {  	[tilespmem:s14], [sflag:$0x5] =	stream.indirect.gather [spmem:s4], $0x10, s6, s1, $0xb8;
	[tilespmem:$0x14710] =	vst v63  }
0xe2: {  	_ =	swait.ge [sflag:s10], $0x800  }
0xe3: {  	[sflag:s10] =	ssyncset.done $0x0  }
0xe4: {  	s5 =	simm.s32 $0x5780;
	[sflag:s10] =	ssyncadd.s32 $0xFFFFF800  }
0xe5: {  	[tilespmem:s15], [sflag:$0x6] =	stream.indirect.gather [spmem:s4], $0x10, s5, s1, $0xb8;
	[tilespmem:$0x14710] =	vst v63  }
0xe6: {  	_ =	swait.ge [sflag:s17], $0x800  }
0xe7: {  	[sflag:s17] =	ssyncset.done $0x0  }
0xe8: {  	s6 =	simm.s32 $0x5800;
	[sflag:s17] =	ssyncadd.s32 $0xFFFFF800  }
0xe9: {  	[tilespmem:s13], [sflag:$0x7] =	stream.indirect.gather [spmem:s4], $0x10, s6, s1, $0xb8;
	[tilespmem:$0x14710] =	vst v63  }
0xea: {  	_ =	swait.ge [sflag:s22], $0x800  }
0xeb: {  	[sflag:s22] =	ssyncset.done $0x0  }
0xec: {  	s3 =	simm.s32 $0x1000;
	s5 =	simm.s32 $0x5880;
	[sflag:s22] =	ssyncadd.s32 $0xFFFFF800  }
.LBB2_6:
0xed: {  	[tilespmem:s16], [sflag:$0x8] =	stream.indirect.gather [spmem:s4], $0x10, s5, s1, $0xb8;
	[tilespmem:$0x14710] =	vst v63  }
0xee: {  	s5 =	smov.u32 s3  }
0xef: {  	p1 =	sne.s32 s3, $0x8000;
	s3 =	sadd.s32 $0x1000, s3;
	_ =	swait.ge [sflag:s29], $0x800  }
0xf0: {  	s5 =	sshra.s32 s5, $0x2;
	[sflag:s29] =	ssyncset.done $0x0  }
0xf1: {  	s6 =	sadd.s32 $0x7900, s5;
	[sflag:s29] =	ssyncadd.s32 $0xFFFFF800  }
0xf2: {  	[spmem:s0] =	stream.indirect.scatter.add.f32 [tilespmem:s28], [sflag:$0x9], $0x10, s6, s1, $0xb8;
	[tilespmem:$0x14710] =	vst v63  }
0xf3: {  	_ =	swait.ge [sflag:s30], $0x800  }
0xf4: {  	[sflag:s30] =	ssyncset.done $0x0  }
0xf5: {  	s6 =	sadd.s32 $0x7980, s5;
	[sflag:s30] =	ssyncadd.s32 $0xFFFFF800  }
0xf6: {  	[spmem:s0] =	stream.indirect.scatter.add.f32 [tilespmem:s11], [sflag:$0xA], $0x10, s6, s1, $0xb8;
	[tilespmem:$0x14710] =	vst v63  }
0xf7: {  	_ =	swait.ge [sflag:s31], $0x800  }
0xf8: {  	[sflag:s31] =	ssyncset.done $0x0  }
0xf9: {  	s6 =	sadd.s32 $0x7A00, s5;
	[sflag:s31] =	ssyncadd.s32 $0xFFFFF800  }
0xfa: {  	[spmem:s0] =	stream.indirect.scatter.add.f32 [tilespmem:s9], [sflag:$0xB], $0x10, s6, s1, $0xb8;
	[tilespmem:$0x14710] =	vst v63  }
0xfb: {  	_ =	swait.ge [sflag:s2], $0x800  }
0xfc: {  	[sflag:s2] =	ssyncset.done $0x0  }
0xfd: {  	s6 =	sadd.s32 $0x7A80, s5;
	[sflag:s2] =	ssyncadd.s32 $0xFFFFF800  }
0xfe: {  	[spmem:s0] =	stream.indirect.scatter.add.f32 [tilespmem:s12], [sflag:$0xC], $0x10, s6, s1, $0xb8;
	[tilespmem:$0x14710] =	vst v63  }
0xff: {  	_ =	swait.ge [sflag:s21], $0x800  }
0x100: {  	[sflag:s21] =	ssyncset.done $0x0  }
0x101: {  	s6 =	sadd.s32 $0x7B00, s5;
	[sflag:s21] =	ssyncadd.s32 $0xFFFFF800  }
0x102: {  	[spmem:s0] =	stream.indirect.scatter.add.f32 [tilespmem:s14], [sflag:$0xD], $0x10, s6, s1, $0xb8;
	[tilespmem:$0x14710] =	vst v63  }
0x103: {  	_ =	swait.ge [sflag:s25], $0x800  }
0x104: {  	[sflag:s25] =	ssyncset.done $0x0  }
0x105: {  	s6 =	sadd.s32 $0x7B80, s5;
	[sflag:s25] =	ssyncadd.s32 $0xFFFFF800  }
0x106: {  	[spmem:s0] =	stream.indirect.scatter.add.f32 [tilespmem:s15], [sflag:$0xE], $0x10, s6, s1, $0xb8;
	[tilespmem:$0x14710] =	vst v63  }
0x107: {  	_ =	swait.ge [sflag:s26], $0x800  }
0x108: {  	[sflag:s26] =	ssyncset.done $0x0  }
0x109: {  	s6 =	sadd.s32 $0x7C00, s5;
	[sflag:s26] =	ssyncadd.s32 $0xFFFFF800  }
0x10a: {  	[spmem:s0] =	stream.indirect.scatter.add.f32 [tilespmem:s13], [sflag:$0xF], $0x10, s6, s1, $0xb8;
	[tilespmem:$0x14710] =	vst v63  }
0x10b: {  	_ =	swait.ge [sflag:s19], $0x800  }
0x10c: {  	[sflag:s19] =	ssyncset.done $0x0  }
0x10d: {  	s6 =	sadd.s32 $0x7C80, s5;
	[sflag:s19] =	ssyncadd.s32 $0xFFFFF800  }
0x10e: {  	[spmem:s0] =	stream.indirect.scatter.add.f32 [tilespmem:s16], [sflag:$0x10], $0x10, s6, s1, $0xb8;
	[tilespmem:$0x14710] =	vst v63  }
0x10f: {  	_ =	swait.ge [sflag:s20], $0x800  }
0x110: {  	[sflag:s20] =	ssyncset.done $0x0  }
0x111: {  	s6 =	sadd.s32 $0x5500, s5;
	[sflag:s20] =	ssyncadd.s32 $0xFFFFF800  }
0x112: {  	[tilespmem:s28], [sflag:$0x1] =	stream.indirect.gather [spmem:s4], $0x10, s6, s1, $0xb8;
	[tilespmem:$0x14710] =	vst v63  }
0x113: {  	_ =	swait.ge [sflag:s18], $0x800  }
0x114: {  	[sflag:s18] =	ssyncset.done $0x0  }
0x115: {  	s6 =	sadd.s32 $0x5580, s5;
	[sflag:s18] =	ssyncadd.s32 $0xFFFFF800  }
0x116: {  	[tilespmem:s11], [sflag:$0x2] =	stream.indirect.gather [spmem:s4], $0x10, s6, s1, $0xb8;
	[tilespmem:$0x14710] =	vst v63  }
0x117: {  	_ =	swait.ge [sflag:s8], $0x800  }
0x118: {  	[sflag:s8] =	ssyncset.done $0x0  }
0x119: {  	s6 =	sadd.s32 $0x5600, s5;
	[sflag:s8] =	ssyncadd.s32 $0xFFFFF800  }
0x11a: {  	[tilespmem:s9], [sflag:$0x3] =	stream.indirect.gather [spmem:s4], $0x10, s6, s1, $0xb8;
	[tilespmem:$0x14710] =	vst v63  }
0x11b: {  	_ =	swait.ge [sflag:s23], $0x800  }
0x11c: {  	[sflag:s23] =	ssyncset.done $0x0  }
0x11d: {  	s6 =	sadd.s32 $0x5680, s5;
	[sflag:s23] =	ssyncadd.s32 $0xFFFFF800  }
0x11e: {  	[tilespmem:s12], [sflag:$0x4] =	stream.indirect.gather [spmem:s4], $0x10, s6, s1, $0xb8;
	[tilespmem:$0x14710] =	vst v63  }
0x11f: {  	_ =	swait.ge [sflag:s24], $0x800  }
0x120: {  	[sflag:s24] =	ssyncset.done $0x0  }
0x121: {  	s6 =	sadd.s32 $0x5700, s5;
	[sflag:s24] =	ssyncadd.s32 $0xFFFFF800  }
0x122: {  	[tilespmem:s14], [sflag:$0x5] =	stream.indirect.gather [spmem:s4], $0x10, s6, s1, $0xb8;
	[tilespmem:$0x14710] =	vst v63  }
0x123: {  	_ =	swait.ge [sflag:s10], $0x800  }
0x124: {  	[sflag:s10] =	ssyncset.done $0x0  }
0x125: {  	s6 =	sadd.s32 $0x5780, s5;
	[sflag:s10] =	ssyncadd.s32 $0xFFFFF800  }
0x126: {  	[tilespmem:s15], [sflag:$0x6] =	stream.indirect.gather [spmem:s4], $0x10, s6, s1, $0xb8;
	[tilespmem:$0x14710] =	vst v63  }
0x127: {  	_ =	swait.ge [sflag:s17], $0x800  }
0x128: {  	[sflag:s17] =	ssyncset.done $0x0  }
.Ltmp2:
0x129: {  	s6 =	sadd.s32 $0x5800, s5;
	[sflag:s17] =	ssyncadd.s32 $0xFFFFF800;
	(pc) =	sbr.rel @p1 .LBB2_6-.Ltmp2, $4  }
0x12a: {  	[tilespmem:s13], [sflag:$0x7] =	stream.indirect.gather [spmem:s4], $0x10, s6, s1, $0xb8;
	[tilespmem:$0x14710] =	vst v63  }
0x12b: {  	_ =	swait.ge [sflag:s22], $0x800  }
0x12c: {  	[sflag:s22] =	ssyncset.done $0x0  }
0x12d: {  	s5 =	sadd.s32 $0x5880, s5;
	[sflag:s22] =	ssyncadd.s32 $0xFFFFF800  }
0x12e: {  	[tilespmem:s16], [sflag:$0x8] =	stream.indirect.gather [spmem:s4], $0x10, s5, s1, $0xb8;
	[tilespmem:$0x14710] =	vst v63  }
0x12f: {  	_ =	swait.ge [sflag:s29], $0x800  }
0x130: {  	[sflag:s29] =	ssyncset.done $0x0  }
0x131: {  	s3 =	simm.s32 $0x9D00;
	[sflag:s29] =	ssyncadd.s32 $0xFFFFF800  }
0x132: {  	[spmem:s0] =	stream.indirect.scatter.add.f32 [tilespmem:s28], [sflag:$0x11], $0x10, s3, s1, $0xb8;
	[tilespmem:$0x14710] =	vst v63  }
0x133: {  	_ =	swait.ge [sflag:s7], $0x800  }
0x134: {  	[sflag:s7] =	ssyncset.done $0x0  }
0x135: {  	[sflag:s7] =	ssyncadd.s32 $0xFFFFF800  }
0x136: {  	_ =	swait.ge [sflag:s30], $0x800  }
0x137: {  	[sflag:s30] =	ssyncset.done $0x0  }
0x138: {  	s5 =	simm.s32 $0x9D80;
	[sflag:s30] =	ssyncadd.s32 $0xFFFFF800  }
0x139: {  	[spmem:s0] =	stream.indirect.scatter.add.f32 [tilespmem:s11], [sflag:$0x11], $0x10, s5, s1, $0xb8;
	[tilespmem:$0x14710] =	vst v63  }
0x13a: {  	_ =	swait.ge [sflag:s7], $0x800  }
0x13b: {  	[sflag:s7] =	ssyncset.done $0x0  }
0x13c: {  	[sflag:s7] =	ssyncadd.s32 $0xFFFFF800  }
0x13d: {  	_ =	swait.ge [sflag:s31], $0x800  }
0x13e: {  	[sflag:s31] =	ssyncset.done $0x0  }
0x13f: {  	s6 =	simm.s32 $0x9E00;
	[sflag:s31] =	ssyncadd.s32 $0xFFFFF800  }
0x140: {  	[spmem:s0] =	stream.indirect.scatter.add.f32 [tilespmem:s9], [sflag:$0x11], $0x10, s6, s1, $0xb8;
	[tilespmem:$0x14710] =	vst v63  }
0x141: {  	_ =	swait.ge [sflag:s7], $0x800  }
0x142: {  	[sflag:s7] =	ssyncset.done $0x0  }
0x143: {  	[sflag:s7] =	ssyncadd.s32 $0xFFFFF800  }
0x144: {  	_ =	swait.ge [sflag:s2], $0x800  }
0x145: {  	[sflag:s2] =	ssyncset.done $0x0  }
0x146: {  	s11 =	simm.s32 $0x9E80;
	[sflag:s2] =	ssyncadd.s32 $0xFFFFF800  }
0x147: {  	[spmem:s0] =	stream.indirect.scatter.add.f32 [tilespmem:s12], [sflag:$0x11], $0x10, s11, s1, $0xb8;
	[tilespmem:$0x14710] =	vst v63  }
0x148: {  	_ =	swait.ge [sflag:s7], $0x800  }
0x149: {  	[sflag:s7] =	ssyncset.done $0x0  }
0x14a: {  	[sflag:s7] =	ssyncadd.s32 $0xFFFFF800  }
0x14b: {  	_ =	swait.ge [sflag:s21], $0x800  }
0x14c: {  	[sflag:s21] =	ssyncset.done $0x0  }
0x14d: {  	s5 =	simm.s32 $0x9F00;
	[sflag:s21] =	ssyncadd.s32 $0xFFFFF800  }
0x14e: {  	[spmem:s0] =	stream.indirect.scatter.add.f32 [tilespmem:s14], [sflag:$0x11], $0x10, s5, s1, $0xb8;
	[tilespmem:$0x14710] =	vst v63  }
0x14f: {  	_ =	swait.ge [sflag:s7], $0x800  }
0x150: {  	[sflag:s7] =	ssyncset.done $0x0  }
0x151: {  	[sflag:s7] =	ssyncadd.s32 $0xFFFFF800  }
0x152: {  	_ =	swait.ge [sflag:s25], $0x800  }
0x153: {  	[sflag:s25] =	ssyncset.done $0x0  }
0x154: {  	s6 =	simm.s32 $0x9F80;
	[sflag:s25] =	ssyncadd.s32 $0xFFFFF800  }
0x155: {  	[spmem:s0] =	stream.indirect.scatter.add.f32 [tilespmem:s15], [sflag:$0x11], $0x10, s6, s1, $0xb8;
	[tilespmem:$0x14710] =	vst v63  }
0x156: {  	_ =	swait.ge [sflag:s7], $0x800  }
0x157: {  	[sflag:s7] =	ssyncset.done $0x0  }
0x158: {  	[sflag:s7] =	ssyncadd.s32 $0xFFFFF800  }
0x159: {  	_ =	swait.ge [sflag:s26], $0x800  }
0x15a: {  	[sflag:s26] =	ssyncset.done $0x0  }
0x15b: {  	s9 =	simm.s32 $0xA000;
	[sflag:s26] =	ssyncadd.s32 $0xFFFFF800  }
0x15c: {  	[spmem:s0] =	stream.indirect.scatter.add.f32 [tilespmem:s13], [sflag:$0x11], $0x10, s9, s1, $0xb8;
	[tilespmem:$0x14710] =	vst v63  }
0x15d: {  	_ =	swait.ge [sflag:s7], $0x800  }
0x15e: {  	[sflag:s7] =	ssyncset.done $0x0  }
0x15f: {  	[sflag:s7] =	ssyncadd.s32 $0xFFFFF800  }
0x160: {  	_ =	swait.ge [sflag:s19], $0x800  }
0x161: {  	[sflag:s19] =	ssyncset.done $0x0  }
0x162: {  	s11 =	simm.s32 $0xA080;
	[sflag:s19] =	ssyncadd.s32 $0xFFFFF800  }
0x163: {  	[spmem:s0] =	stream.indirect.scatter.add.f32 [tilespmem:s16], [sflag:$0x11], $0x10, s11, s1, $0xb8;
	[tilespmem:$0x14710] =	vst v63  }
0x164: {  	_ =	swait.ge [sflag:s7], $0x800  }
0x165: {  	[sflag:s7] =	ssyncset.done $0x0  }
0x166: {  	[sflag:s7] =	ssyncadd.s32 $0xFFFFF800  }
0x167: {  	[bflag:$0x0] =	sbarrier.arrive $0xFFFF  }
0x168: {  	s6 =	simm.s32 $0xCE90;
	s5 =	rddreg [dreg:$0xa]  }
0x169: {  	[tilespmem:s6], [sflag:$0x11] =	stream.linear.gather [spmem:s5], $0x2800, $0x38;
	[tilespmem:$0x14710] =	vst v63  }
0x16a: {  	_ =	swait.ge [sflag:s7], $0x2800  }
0x16b: {  	s9 =	rddreg [dreg:$0x9]  }
0x16c: {  	s6 =	rddreg [dreg:$0x16]  }
0x16d: {  	[sflag:s7] =	ssyncset.done $0x0;
	s11 =	rddreg [dreg:$0xb];
	s3 =	sor.u32 $0x1C11, s9  }
0x16e: {  	[sflag:s7] =	ssyncadd.s32 $0xFFFFD800;
	[dreg:$0x1a] =	wrdreg s3  }
0x16f: {  	[spmem:s6], [sflag:s3] =	dma.local [hbm:s11], $0x500  }
0x170: {  	_ =	swait.ge [sflag:s7], $0x500  }
0x171: {  	[sflag:s7] =	ssyncset.done $0x0  }
0x172: {  	[sflag:s7] =	ssyncadd.s32 $0xFFFFFB00  }
0x173: {  	s3 =	simm.s32 $0x0;
	v10 =	vld [tilespmem:$0xA400]  }
0x174: {  	v19 =	vld [tilespmem:s3+$0xCEF0]  }
0x175: {  	v20 =	vld [tilespmem:s3+$0xA6F0]  }
0x176: {  	v11 =	vld [tilespmem:s3+$0xCF60]  }
0x177: {  	v23 =	vld [tilespmem:s3+$0xCF70]  }
0x178: {  	v18 =	vld [tilespmem:s3+$0xA6B0]  }
0x179: {  	v16 =	vld [tilespmem:s3+$0xCEE0]  }
0x17a: {  	v22 =	vld [tilespmem:s3+$0xA6D0]  }
0x17b: {  	v17 =	vld [tilespmem:s3+$0xA740]  }
0x17c: {  	v24 =	vld [tilespmem:s3+$0xA770]  }
0x17d: {  	v13 =	vld [tilespmem:s3+$0xA780]  }
0x17e: {  	v21 =	vld [tilespmem:s3+$0xA690]  }
0x17f: {  	v14 =	vld [tilespmem:s3+$0xCF40]  }
0x180: {  	v12 =	vld [tilespmem:s3+$0xA6C0]  }
0x181: {  	s5 =	simm.s32 $0xA410;
	s6 =	simm.s32 $0x400;
	s11 =	simm.s32 $0x11710;
	v15 =	vld [tilespmem:s3+$0xA6E0]  }
.LBB2_8:
0x182: {  	p1 =	sne.s32 s6, $0x9C00  }
0x183: {  	v25 =	vld [tilespmem:s5+$0x0];
	s5 =	sadd.s32 $0x10, s5;
	s9 =	smov.u32 s6;
	s6 =	sadd.s32 $0x400, s6  }
0x184: {  	v23 =	vadd.f32 v24, v23;
	v26 =	vld [tilespmem:s3+$0xCEC0]  }
0x185: {  	v24 =	vld [tilespmem:s3+$0xCEB0]  }
0x186: {  	v27 =	vld [tilespmem:s3+$0xCED0]  }
0x187: {  	v16 =	vadd.f32 v15, v16;
	v28 =	vld [tilespmem:s3+$0xA750]  }
0x188: {  	v15 =	vadd.f32 v17, v14;
	v29 =	vbroadcast v25, $0x2;
	v30 =	vld [tilespmem:s3+$0xCF30];
	v31 =	vbroadcast v25, $0xB  }
0x189: {  	v14 =	vbroadcast v25, $0x8;
	v17 =	vbroadcast v25, $0xE;
	v32 =	vld [tilespmem:s3+$0xCE90]  }
0x18a: {  	v26 =	vadd.f32 v12, v26;
	v12 =	vbroadcast v25, $0x3;
	v33 =	vld [tilespmem:s3+$0xA700];
	v34 =	vmul.f32 v15, v31  }
0x18b: {  	v19 =	vadd.f32 v20, v19;
	v20 =	vbroadcast v25, $0x6;
	v23 =	vmul.f32 v23, v17;
	v35 =	vld [tilespmem:s3+$0xCF50]  }
0x18c: {  	v15 =	vbroadcast v25, $0x5;
	v22 =	vadd.f32 v22, v27;
	v27 =	vbroadcast v25, $0x4;
	v36 =	vld [tilespmem:s3+$0xCF10]  }
0x18d: {  	v37 =	vbroadcast v25, $0x7;
	v19 =	vmul.f32 v19, v20;
	v34 =	vadd.f32 v34, v10;
	v38 =	vld [tilespmem:s3+$0xCF80]  }
0x18e: {  	v39 =	vbroadcast v25, $0xA;
	v18 =	vadd.f32 v18, v24;
	v22 =	vmul.f32 v22, v27;
	v24 =	vld [tilespmem:s3+$0xCF00]  }
0x18f: {  	v40 =	vbroadcast v25, $0x0;
	v19 =	vadd.f32 v19, v10;
	v34 =	vmax.f32 v34, $0.0e+00  }
0x190: {  	v42 =	vbroadcast v25, $0xD;
	v18 =	vmul.f32 v18, v29;
	v22 =	vadd.f32 v22, v10;
	v41 =	vld [tilespmem:s3+$0xCEA0]  }
0x191: {  	v43 =	vbroadcast v25, $0xF;
	v21 =	vadd.f32 v21, v32;
	v19 =	vmax.f32 v19, $0.0e+00;
	v32 =	vld [tilespmem:s3+$0xA6A0]  }
0x192: {  	v18 =	vadd.f32 v18, v10;
	v19 =	vmul.f32 v19, v20;
	v22 =	vmax.f32 v22, $0.0e+00  }
0x193: {  	v20 =	vmul.f32 v21, v40;
	v13 =	vadd.f32 v13, v38;
	v21 =	vadd.f32 v33, v24;
	v24 =	vld [tilespmem:s3+$0xCF20]  }
0x194: {  	v18 =	vmax.f32 v18, $0.0e+00;
	v22 =	vmul.f32 v22, v27;
	v27 =	vbroadcast v25, $0x9;
	[tilespmem:s3+$0xA6F0] =	vst v19;
	v19 =	vld [tilespmem:s3+$0xA720]  }
0x195: {  	v18 =	vmul.f32 v18, v29;
	v20 =	vadd.f32 v20, v10;
	v13 =	vmul.f32 v13, v43;
	v29 =	vld [tilespmem:s3+$0xA760]  }
0x196: {  	v33 =	vbroadcast v25, $0x1;
	v32 =	vadd.f32 v32, v41;
	[tilespmem:s3+$0xA6D0] =	vst v22;
	v22 =	vbroadcast v25, $0xC  }
0x197: {  	v20 =	vmax.f32 v20, $0.0e+00;
	v13 =	vadd.f32 v13, v10;
	[tilespmem:s3+$0xA6B0] =	vst v18;
	v18 =	vadd.f32 v28, v35  }
0x198: {  	v20 =	vmul.f32 v20, v40;
	v28 =	vadd.f32 v23, v10;
	v25 =	vmul.f32 v32, v33  }
0x199: {  	v13 =	vmax.f32 v13, $0.0e+00;
	v19 =	vadd.f32 v19, v24;
	v23 =	vld [tilespmem:s3+$0xA730];
	v18 =	vmul.f32 v18, v22  }
0x19a: {  	v13 =	vmul.f32 v13, v43;
	[tilespmem:s3+$0xA690] =	vst v20;
	v20 =	vadd.f32 v25, v10;
	v24 =	vld [tilespmem:s3+$0xA710];
	v11 =	vadd.f32 v29, v11  }
0x19b: {  	v21 =	vmul.f32 v21, v37;
	v19 =	vmul.f32 v19, v27;
	v18 =	vadd.f32 v18, v10  }
0x19c: {  	v25 =	vmul.f32 v34, v31;
	v20 =	vmax.f32 v20, $0.0e+00;
	v11 =	vmul.f32 v11, v42;
	[tilespmem:s3+$0xA780] =	vst v13  }
0x19d: {  	v13 =	vmul.f32 v20, v33;
	v20 =	vadd.f32 v19, v10;
	v18 =	vmax.f32 v18, $0.0e+00  }
0x19e: {  	s9 =	sshra.s32 s9, $0x2;
	v23 =	vadd.f32 v23, v30;
	[tilespmem:s3+$0xA740] =	vst v25;
	v18 =	vmul.f32 v18, v22;
	v11 =	vadd.f32 v11, v10  }
0x19f: {  	v19 =	vld [tilespmem:s9+$0xCEF0];
	[tilespmem:s3+$0xA6A0] =	vst v13;
	v13 =	vadd.f32 v21, v10;
	v21 =	vadd.f32 v24, v36;
	v22 =	vmax.f32 v20, $0.0e+00  }
0x1a0: {  	v20 =	vld [tilespmem:s9+$0xA6F0];
	v22 =	vmul.f32 v22, v27;
	v24 =	vmul.f32 v23, v39;
	[tilespmem:s3+$0xA750] =	vst v18;
	v18 =	vmax.f32 v11, $0.0e+00  }
0x1a1: {  	v11 =	vld [tilespmem:s9+$0xCF60];
	v13 =	vmax.f32 v13, $0.0e+00;
	v21 =	vmul.f32 v21, v14;
	v25 =	vmul.f32 v18, v42  }
0x1a2: {  	v23 =	vld [tilespmem:s9+$0xCF70];
	v13 =	vmul.f32 v13, v37;
	[tilespmem:s3+$0xA720] =	vst v22;
	v22 =	vadd.f32 v24, v10;
	v24 =	vmax.f32 v28, $0.0e+00  }
0x1a3: {  	v26 =	vmul.f32 v26, v12;
	v27 =	vmul.f32 v16, v15;
	v18 =	vld [tilespmem:s9+$0xA6B0];
	v21 =	vadd.f32 v21, v10;
	[tilespmem:s3+$0xA760] =	vst v25  }
0x1a4: {  	v24 =	vmul.f32 v24, v17;
	v16 =	vld [tilespmem:s9+$0xCEE0];
	[tilespmem:s3+$0xA700] =	vst v13;
	v13 =	vmax.f32 v22, $0.0e+00  }
0x1a5: {  	v25 =	vadd.f32 v26, v10;
	v22 =	vld [tilespmem:s9+$0xA6D0];
	v21 =	vmax.f32 v21, $0.0e+00;
	v13 =	vmul.f32 v13, v39  }
0x1a6: {  	v26 =	vadd.f32 v27, v10;
	v17 =	vld [tilespmem:s9+$0xA740];
	v14 =	vmul.f32 v21, v14;
	[tilespmem:s3+$0xA770] =	vst v24  }
0x1a7: {  	v21 =	vmax.f32 v25, $0.0e+00;
	v24 =	vld [tilespmem:s9+$0xA770];
	[tilespmem:s3+$0xA730] =	vst v13  }
.Ltmp3:
0x1a8: {  	v25 =	vmax.f32 v26, $0.0e+00;
	v12 =	vmul.f32 v21, v12;
	v13 =	vld [tilespmem:s9+$0xA780];
	[tilespmem:s3+$0xA710] =	vst v14;
	(pc) =	sbr.rel @p1 .LBB2_8-.Ltmp3, $4  }
0x1a9: {  	v15 =	vmul.f32 v25, v15;
	v21 =	vld [tilespmem:s9+$0xA690]  }
0x1aa: {  	v14 =	vld [tilespmem:s9+$0xCF40];
	[tilespmem:s3+$0xA6C0] =	vst v12  }
0x1ab: {  	v12 =	vld [tilespmem:s9+$0xA6C0];
	[tilespmem:s3+$0xA6E0] =	vst v15;
	s3 =	smov.u32 s9  }
0x1ac: {  	v15 =	vld [tilespmem:s3+$0xA6E0]  }
0x1ad: {  	v25 =	vld [tilespmem:s5+$0x0]  }
0x1ae: {  	v26 =	vld [tilespmem:s3+$0xCEC0]  }
0x1af: {  	v27 =	vld [tilespmem:s3+$0xCEB0]  }
0x1b0: {  	v54 =	vld [tilespmem:s3+$0xCED0]  }
0x1b1: {  	v55 =	vld [tilespmem:s3+$0xA750]  }
0x1b2: {  	v30 =	vld [tilespmem:s3+$0xCF30]  }
0x1b3: {  	v23 =	vadd.f32 v24, v23;
	v32 =	vld [tilespmem:s3+$0xCE90];
	v28 =	vbroadcast v25, $0x2  }
0x1b4: {  	v57 =	vld [tilespmem:s3+$0xA700];
	v14 =	vadd.f32 v17, v14;
	v29 =	vbroadcast v25, $0xB;
	v17 =	vbroadcast v25, $0x8  }
0x1b5: {  	v19 =	vadd.f32 v20, v19;
	v37 =	vld [tilespmem:s3+$0xCF80];
	v31 =	vbroadcast v25, $0xE;
	v33 =	vbroadcast v25, $0x3  }
0x1b6: {  	v40 =	vld [tilespmem:s3+$0xCEA0];
	v15 =	vadd.f32 v15, v16;
	v56 =	vbroadcast v25, $0x6;
	v58 =	vbroadcast v25, $0x4  }
0x1b7: {  	v60 =	vld [tilespmem:s3+$0xA6A0];
	v12 =	vadd.f32 v12, v26;
	v35 =	vbroadcast v25, $0x5;
	v36 =	vbroadcast v25, $0x7  }
0x1b8: {  	v34 =	vld [tilespmem:s3+$0xCF50];
	v22 =	vadd.f32 v22, v54;
	v38 =	vbroadcast v25, $0xA;
	v39 =	vbroadcast v25, $0x0  }
0x1b9: {  	v59 =	vld [tilespmem:s3+$0xCF00];
	v18 =	vadd.f32 v18, v27;
	v42 =	vbroadcast v25, $0xD;
	v61 =	vbroadcast v25, $0xF  }
0x1ba: {  	v50 =	vld [tilespmem:s3+$0xA730];
	v21 =	vadd.f32 v21, v32;
	v45 =	vbroadcast v25, $0x1;
	v46 =	vbroadcast v25, $0xC  }
0x1bb: {  	v13 =	vadd.f32 v13, v37;
	v48 =	vbroadcast v25, $0x9;
	v14 =	vmul.f32 v14, v29  }
0x1bc: {  	v44 =	vadd.f32 v60, v40;
	v23 =	vmul.f32 v23, v31;
	v19 =	vmul.f32 v19, v56  }
0x1bd: {  	v16 =	vadd.f32 v55, v34;
	v22 =	vmul.f32 v22, v58;
	v18 =	vmul.f32 v18, v28  }
0x1be: {  	v26 =	vadd.f32 v57, v59;
	v21 =	vmul.f32 v21, v39;
	v13 =	vmul.f32 v13, v61  }
0x1bf: {  	v54 =	vadd.f32 v50, v30;
	v49 =	vmul.f32 v44, v45;
	v16 =	vmul.f32 v16, v46  }
0x1c0: {  	v53 =	vmul.f32 v26, v36;
	v14 =	vadd.f32 v14, v10;
	v19 =	vadd.f32 v19, v10  }
0x1c1: {  	v37 =	vld [tilespmem:s3+$0xA760];
	v59 =	vmul.f32 v54, v38;
	v22 =	vadd.f32 v22, v10;
	v18 =	vadd.f32 v18, v10  }
0x1c2: {  	v41 =	vld [tilespmem:s3+$0xCF10];
	v12 =	vmul.f32 v12, v33;
	v21 =	vadd.f32 v21, v10;
	v13 =	vadd.f32 v13, v10  }
0x1c3: {  	v43 =	vld [tilespmem:s3+$0xCF20];
	v15 =	vmul.f32 v15, v35;
	v23 =	vadd.f32 v23, v10;
	v51 =	vadd.f32 v49, v10  }
0x1c4: {  	v63 =	vld [tilespmem:s3+$0xA720];
	v16 =	vadd.f32 v16, v10;
	v55 =	vadd.f32 v53, v10;
	v19 =	vmax.f32 v19, $0.0e+00  }
0x1c5: {  	v52 =	vld [tilespmem:s3+$0xA710];
	v12 =	vadd.f32 v12, v10;
	v22 =	vmax.f32 v22, $0.0e+00;
	v19 =	vmul.f32 v19, v56  }
0x1c6: {  	v11 =	vadd.f32 v37, v11;
	v18 =	vmax.f32 v18, $0.0e+00;
	v62 =	vmul.f32 v22, v58  }
0x1c7: {  	v14 =	vmax.f32 v14, $0.0e+00;
	v21 =	vmax.f32 v21, $0.0e+00;
	v18 =	vmul.f32 v18, v28;
	[tilespmem:s3+$0xA6F0] =	vst v19  }
0x1c8: {  	v13 =	vmax.f32 v13, $0.0e+00;
	v16 =	vmax.f32 v16, $0.0e+00;
	v47 =	vmul.f32 v21, v39;
	[tilespmem:s3+$0xA6D0] =	vst v62  }
0x1c9: {  	v22 =	vadd.f32 v63, v43;
	v13 =	vmul.f32 v13, v61;
	v11 =	vmul.f32 v11, v42;
	[tilespmem:s3+$0xA6B0] =	vst v18  }
0x1ca: {  	v14 =	vmul.f32 v14, v29;
	v16 =	vmul.f32 v16, v46;
	v56 =	vadd.f32 v52, v41;
	[tilespmem:s3+$0xA690] =	vst v47  }
0x1cb: {  	v22 =	vmul.f32 v22, v48;
	v18 =	vmax.f32 v51, $0.0e+00;
	v11 =	vadd.f32 v11, v10;
	[tilespmem:s3+$0xA780] =	vst v13  }
0x1cc: {  	[tilespmem:s3+$0xA740] =	vst v14;
	v13 =	vmax.f32 v55, $0.0e+00;
	v60 =	vmul.f32 v56, v17;
	v18 =	vmul.f32 v18, v45  }
0x1cd: {  	[tilespmem:s3+$0xA750] =	vst v16;
	v13 =	vmul.f32 v13, v36;
	v22 =	vadd.f32 v22, v10;
	v11 =	vmax.f32 v11, $0.0e+00  }
0x1ce: {  	v61 =	vadd.f32 v59, v10;
	v62 =	vmax.f32 v23, $0.0e+00;
	[tilespmem:s3+$0xA6A0] =	vst v18;
	v11 =	vmul.f32 v11, v42  }
0x1cf: {  	v14 =	vmul.f32 v62, v31;
	v18 =	vadd.f32 v60, v10;
	[tilespmem:s3+$0xA700] =	vst v13;
	v57 =	vmax.f32 v22, $0.0e+00  }
0x1d0: {  	v10 =	vadd.f32 v15, v10;
	v58 =	vmul.f32 v57, v48;
	[tilespmem:s3+$0xA760] =	vst v11;
	v11 =	vmax.f32 v61, $0.0e+00  }
0x1d1: {  	[tilespmem:s3+$0xA770] =	vst v14;
	v63 =	vmax.f32 v18, $0.0e+00;
	v11 =	vmul.f32 v11, v38  }
0x1d2: {  	v10 =	vmax.f32 v10, $0.0e+00;
	v13 =	vmul.f32 v63, v17;
	[tilespmem:s3+$0xA720] =	vst v58  }
0x1d3: {  	v12 =	vmax.f32 v12, $0.0e+00;
	v10 =	vmul.f32 v10, v35;
	[tilespmem:s3+$0xA730] =	vst v11  }
0x1d4: {  	v11 =	vmul.f32 v12, v33;
	[tilespmem:s3+$0xA710] =	vst v13  }
0x1d5: {  	[tilespmem:s3+$0xA6E0] =	vst v10  }
0x1d6: {  	s5 =	rddreg [dreg:$0x12];
	s6 =	simm.s32 $0xA690;
	[tilespmem:s3+$0xA6C0] =	vst v11  }
0x1d7: {  	[spmem:s5] =	stream.linear.scatter [tilespmem:s6], [sflag:$0x11], $0x2800, $0x38;
	[tilespmem:$0x14710] =	vst v63  }
0x1d8: {  	_ =	swait.ge [sflag:s7], $0x2800  }
0x1d9: {  	[sflag:s7] =	ssyncset.done $0x0  }
0x1da: {  	[sflag:s7] =	ssyncadd.s32 $0xFFFFD800  }
0x1db: {  	s9 =	simm.s32 $0x5100;
	[bflag:$0x0] =	sbarrier.arrive $0xFFFF  }
0x1dc: {  	[tilespmem:s28], [sflag:$0x1] =	stream.indirect.gather [spmem:s4], $0x10, s9, s1, $0xb8;
	[tilespmem:$0x14710] =	vst v63  }
0x1dd: {  	s5 =	simm.s32 $0x5180;
	s9 =	simm.s32 $0x10F10  }
0x1de: {  	[tilespmem:s9], [sflag:$0x2] =	stream.indirect.gather [spmem:s4], $0x10, s5, s1, $0xb8;
	[tilespmem:$0x14710] =	vst v63  }
0x1df: {  	s6 =	simm.s32 $0x5200  }
0x1e0: {  	[tilespmem:s11], [sflag:$0x3] =	stream.indirect.gather [spmem:s4], $0x10, s6, s1, $0xb8;
	[tilespmem:$0x14710] =	vst v63  }
0x1e1: {  	s5 =	simm.s32 $0x5280  }
0x1e2: {  	[tilespmem:s12], [sflag:$0x4] =	stream.indirect.gather [spmem:s4], $0x10, s5, s1, $0xb8;
	[tilespmem:$0x14710] =	vst v63  }
0x1e3: {  	s6 =	simm.s32 $0x5300  }
0x1e4: {  	[tilespmem:s14], [sflag:$0x5] =	stream.indirect.gather [spmem:s4], $0x10, s6, s1, $0xb8;
	[tilespmem:$0x14710] =	vst v63  }
0x1e5: {  	s5 =	simm.s32 $0x5380  }
0x1e6: {  	[tilespmem:s15], [sflag:$0x6] =	stream.indirect.gather [spmem:s4], $0x10, s5, s1, $0xb8;
	[tilespmem:$0x14710] =	vst v63  }
0x1e7: {  	s6 =	simm.s32 $0x5400  }
0x1e8: {  	[tilespmem:s13], [sflag:$0x7] =	stream.indirect.gather [spmem:s4], $0x10, s6, s1, $0xb8;
	[tilespmem:$0x14710] =	vst v63  }
0x1e9: {  	s5 =	simm.s32 $0x5480  }
0x1ea: {  	[tilespmem:s16], [sflag:$0x8] =	stream.indirect.gather [spmem:s4], $0x10, s5, s1, $0xb8;
	[tilespmem:$0x14710] =	vst v63  }
0x1eb: {  	_ =	swait.ge [sflag:s29], $0x800  }
0x1ec: {  	[sflag:s29] =	ssyncset.done $0x0  }
0x1ed: {  	s6 =	simm.s32 $0x7900;
	[sflag:s29] =	ssyncadd.s32 $0xFFFFF800  }
0x1ee: {  	[spmem:s0] =	stream.indirect.scatter.add.f32 [tilespmem:s28], [sflag:$0x9], $0x10, s6, s1, $0xb8;
	[tilespmem:$0x14710] =	vst v63  }
0x1ef: {  	_ =	swait.ge [sflag:s30], $0x800  }
0x1f0: {  	[sflag:s30] =	ssyncset.done $0x0  }
0x1f1: {  	s5 =	simm.s32 $0x7980;
	[sflag:s30] =	ssyncadd.s32 $0xFFFFF800  }
0x1f2: {  	[spmem:s0] =	stream.indirect.scatter.add.f32 [tilespmem:s9], [sflag:$0xA], $0x10, s5, s1, $0xb8;
	[tilespmem:$0x14710] =	vst v63  }
0x1f3: {  	_ =	swait.ge [sflag:s31], $0x800  }
0x1f4: {  	[sflag:s31] =	ssyncset.done $0x0  }
0x1f5: {  	s6 =	simm.s32 $0x7A00;
	[sflag:s31] =	ssyncadd.s32 $0xFFFFF800  }
0x1f6: {  	[spmem:s0] =	stream.indirect.scatter.add.f32 [tilespmem:s11], [sflag:$0xB], $0x10, s6, s1, $0xb8;
	[tilespmem:$0x14710] =	vst v63  }
0x1f7: {  	_ =	swait.ge [sflag:s2], $0x800  }
0x1f8: {  	[sflag:s2] =	ssyncset.done $0x0  }
0x1f9: {  	s5 =	simm.s32 $0x7A80;
	[sflag:s2] =	ssyncadd.s32 $0xFFFFF800  }
0x1fa: {  	[spmem:s0] =	stream.indirect.scatter.add.f32 [tilespmem:s12], [sflag:$0xC], $0x10, s5, s1, $0xb8;
	[tilespmem:$0x14710] =	vst v63  }
0x1fb: {  	_ =	swait.ge [sflag:s21], $0x800  }
0x1fc: {  	[sflag:s21] =	ssyncset.done $0x0  }
0x1fd: {  	s6 =	simm.s32 $0x7B00;
	[sflag:s21] =	ssyncadd.s32 $0xFFFFF800  }
0x1fe: {  	[spmem:s0] =	stream.indirect.scatter.add.f32 [tilespmem:s14], [sflag:$0xD], $0x10, s6, s1, $0xb8;
	[tilespmem:$0x14710] =	vst v63  }
0x1ff: {  	_ =	swait.ge [sflag:s25], $0x800  }
0x200: {  	[sflag:s25] =	ssyncset.done $0x0  }
0x201: {  	s5 =	simm.s32 $0x7B80;
	[sflag:s25] =	ssyncadd.s32 $0xFFFFF800  }
0x202: {  	[spmem:s0] =	stream.indirect.scatter.add.f32 [tilespmem:s15], [sflag:$0xE], $0x10, s5, s1, $0xb8;
	[tilespmem:$0x14710] =	vst v63  }
0x203: {  	_ =	swait.ge [sflag:s26], $0x800  }
0x204: {  	[sflag:s26] =	ssyncset.done $0x0  }
0x205: {  	s6 =	simm.s32 $0x7C00;
	[sflag:s26] =	ssyncadd.s32 $0xFFFFF800  }
0x206: {  	[spmem:s0] =	stream.indirect.scatter.add.f32 [tilespmem:s13], [sflag:$0xF], $0x10, s6, s1, $0xb8;
	[tilespmem:$0x14710] =	vst v63  }
0x207: {  	_ =	swait.ge [sflag:s19], $0x800  }
0x208: {  	[sflag:s19] =	ssyncset.done $0x0  }
0x209: {  	s5 =	simm.s32 $0x7C80;
	[sflag:s19] =	ssyncadd.s32 $0xFFFFF800  }
0x20a: {  	[spmem:s0] =	stream.indirect.scatter.add.f32 [tilespmem:s16], [sflag:$0x10], $0x10, s5, s1, $0xb8;
	[tilespmem:$0x14710] =	vst v63  }
0x20b: {  	_ =	swait.ge [sflag:s20], $0x800  }
0x20c: {  	[sflag:s20] =	ssyncset.done $0x0  }
0x20d: {  	s6 =	simm.s32 $0x5500;
	[sflag:s20] =	ssyncadd.s32 $0xFFFFF800  }
0x20e: {  	[tilespmem:s28], [sflag:$0x1] =	stream.indirect.gather [spmem:s4], $0x10, s6, s1, $0xb8;
	[tilespmem:$0x14710] =	vst v63  }
0x20f: {  	_ =	swait.ge [sflag:s18], $0x800  }
0x210: {  	[sflag:s18] =	ssyncset.done $0x0  }
0x211: {  	s5 =	simm.s32 $0x5580;
	[sflag:s18] =	ssyncadd.s32 $0xFFFFF800  }
0x212: {  	[tilespmem:s9], [sflag:$0x2] =	stream.indirect.gather [spmem:s4], $0x10, s5, s1, $0xb8;
	[tilespmem:$0x14710] =	vst v63  }
0x213: {  	_ =	swait.ge [sflag:s8], $0x800  }
0x214: {  	[sflag:s8] =	ssyncset.done $0x0  }
0x215: {  	s6 =	simm.s32 $0x5600;
	[sflag:s8] =	ssyncadd.s32 $0xFFFFF800  }
0x216: {  	[tilespmem:s11], [sflag:$0x3] =	stream.indirect.gather [spmem:s4], $0x10, s6, s1, $0xb8;
	[tilespmem:$0x14710] =	vst v63  }
0x217: {  	_ =	swait.ge [sflag:s23], $0x800  }
0x218: {  	[sflag:s23] =	ssyncset.done $0x0  }
0x219: {  	s5 =	simm.s32 $0x5680;
	[sflag:s23] =	ssyncadd.s32 $0xFFFFF800  }
0x21a: {  	[tilespmem:s12], [sflag:$0x4] =	stream.indirect.gather [spmem:s4], $0x10, s5, s1, $0xb8;
	[tilespmem:$0x14710] =	vst v63  }
0x21b: {  	_ =	swait.ge [sflag:s24], $0x800  }
0x21c: {  	[sflag:s24] =	ssyncset.done $0x0  }
0x21d: {  	s6 =	simm.s32 $0x5700;
	[sflag:s24] =	ssyncadd.s32 $0xFFFFF800  }
0x21e: {  	[tilespmem:s14], [sflag:$0x5] =	stream.indirect.gather [spmem:s4], $0x10, s6, s1, $0xb8;
	[tilespmem:$0x14710] =	vst v63  }
0x21f: {  	_ =	swait.ge [sflag:s10], $0x800  }
0x220: {  	[sflag:s10] =	ssyncset.done $0x0  }
0x221: {  	s5 =	simm.s32 $0x5780;
	[sflag:s10] =	ssyncadd.s32 $0xFFFFF800  }
0x222: {  	[tilespmem:s15], [sflag:$0x6] =	stream.indirect.gather [spmem:s4], $0x10, s5, s1, $0xb8;
	[tilespmem:$0x14710] =	vst v63  }
0x223: {  	_ =	swait.ge [sflag:s17], $0x800  }
0x224: {  	[sflag:s17] =	ssyncset.done $0x0  }
0x225: {  	s6 =	simm.s32 $0x5800;
	[sflag:s17] =	ssyncadd.s32 $0xFFFFF800  }
0x226: {  	[tilespmem:s13], [sflag:$0x7] =	stream.indirect.gather [spmem:s4], $0x10, s6, s1, $0xb8;
	[tilespmem:$0x14710] =	vst v63  }
0x227: {  	_ =	swait.ge [sflag:s22], $0x800  }
0x228: {  	[sflag:s22] =	ssyncset.done $0x0  }
0x229: {  	s3 =	simm.s32 $0x1000;
	s5 =	simm.s32 $0x5880;
	[sflag:s22] =	ssyncadd.s32 $0xFFFFF800  }
.LBB2_10:
0x22a: {  	[tilespmem:s16], [sflag:$0x8] =	stream.indirect.gather [spmem:s4], $0x10, s5, s1, $0xb8;
	[tilespmem:$0x14710] =	vst v63  }
0x22b: {  	s5 =	smov.u32 s3  }
0x22c: {  	p1 =	sne.s32 s3, $0x8000;
	s3 =	sadd.s32 $0x1000, s3;
	_ =	swait.ge [sflag:s29], $0x800  }
0x22d: {  	s5 =	sshra.s32 s5, $0x2;
	[sflag:s29] =	ssyncset.done $0x0  }
0x22e: {  	s6 =	sadd.s32 $0x7900, s5;
	[sflag:s29] =	ssyncadd.s32 $0xFFFFF800  }
0x22f: {  	[spmem:s0] =	stream.indirect.scatter.add.f32 [tilespmem:s28], [sflag:$0x9], $0x10, s6, s1, $0xb8;
	[tilespmem:$0x14710] =	vst v63  }
0x230: {  	_ =	swait.ge [sflag:s30], $0x800  }
0x231: {  	[sflag:s30] =	ssyncset.done $0x0  }
0x232: {  	s6 =	sadd.s32 $0x7980, s5;
	[sflag:s30] =	ssyncadd.s32 $0xFFFFF800  }
0x233: {  	[spmem:s0] =	stream.indirect.scatter.add.f32 [tilespmem:s9], [sflag:$0xA], $0x10, s6, s1, $0xb8;
	[tilespmem:$0x14710] =	vst v63  }
0x234: {  	_ =	swait.ge [sflag:s31], $0x800  }
0x235: {  	[sflag:s31] =	ssyncset.done $0x0  }
0x236: {  	s6 =	sadd.s32 $0x7A00, s5;
	[sflag:s31] =	ssyncadd.s32 $0xFFFFF800  }
0x237: {  	[spmem:s0] =	stream.indirect.scatter.add.f32 [tilespmem:s11], [sflag:$0xB], $0x10, s6, s1, $0xb8;
	[tilespmem:$0x14710] =	vst v63  }
0x238: {  	_ =	swait.ge [sflag:s2], $0x800  }
0x239: {  	[sflag:s2] =	ssyncset.done $0x0  }
0x23a: {  	s6 =	sadd.s32 $0x7A80, s5;
	[sflag:s2] =	ssyncadd.s32 $0xFFFFF800  }
0x23b: {  	[spmem:s0] =	stream.indirect.scatter.add.f32 [tilespmem:s12], [sflag:$0xC], $0x10, s6, s1, $0xb8;
	[tilespmem:$0x14710] =	vst v63  }
0x23c: {  	_ =	swait.ge [sflag:s21], $0x800  }
0x23d: {  	[sflag:s21] =	ssyncset.done $0x0  }
0x23e: {  	s6 =	sadd.s32 $0x7B00, s5;
	[sflag:s21] =	ssyncadd.s32 $0xFFFFF800  }
0x23f: {  	[spmem:s0] =	stream.indirect.scatter.add.f32 [tilespmem:s14], [sflag:$0xD], $0x10, s6, s1, $0xb8;
	[tilespmem:$0x14710] =	vst v63  }
0x240: {  	_ =	swait.ge [sflag:s25], $0x800  }
0x241: {  	[sflag:s25] =	ssyncset.done $0x0  }
0x242: {  	s6 =	sadd.s32 $0x7B80, s5;
	[sflag:s25] =	ssyncadd.s32 $0xFFFFF800  }
0x243: {  	[spmem:s0] =	stream.indirect.scatter.add.f32 [tilespmem:s15], [sflag:$0xE], $0x10, s6, s1, $0xb8;
	[tilespmem:$0x14710] =	vst v63  }
0x244: {  	_ =	swait.ge [sflag:s26], $0x800  }
0x245: {  	[sflag:s26] =	ssyncset.done $0x0  }
0x246: {  	s6 =	sadd.s32 $0x7C00, s5;
	[sflag:s26] =	ssyncadd.s32 $0xFFFFF800  }
0x247: {  	[spmem:s0] =	stream.indirect.scatter.add.f32 [tilespmem:s13], [sflag:$0xF], $0x10, s6, s1, $0xb8;
	[tilespmem:$0x14710] =	vst v63  }
0x248: {  	_ =	swait.ge [sflag:s19], $0x800  }
0x249: {  	[sflag:s19] =	ssyncset.done $0x0  }
0x24a: {  	s6 =	sadd.s32 $0x7C80, s5;
	[sflag:s19] =	ssyncadd.s32 $0xFFFFF800  }
0x24b: {  	[spmem:s0] =	stream.indirect.scatter.add.f32 [tilespmem:s16], [sflag:$0x10], $0x10, s6, s1, $0xb8;
	[tilespmem:$0x14710] =	vst v63  }
0x24c: {  	_ =	swait.ge [sflag:s20], $0x800  }
0x24d: {  	[sflag:s20] =	ssyncset.done $0x0  }
0x24e: {  	s6 =	sadd.s32 $0x5500, s5;
	[sflag:s20] =	ssyncadd.s32 $0xFFFFF800  }
0x24f: {  	[tilespmem:s28], [sflag:$0x1] =	stream.indirect.gather [spmem:s4], $0x10, s6, s1, $0xb8;
	[tilespmem:$0x14710] =	vst v63  }
0x250: {  	_ =	swait.ge [sflag:s18], $0x800  }
0x251: {  	[sflag:s18] =	ssyncset.done $0x0  }
0x252: {  	s6 =	sadd.s32 $0x5580, s5;
	[sflag:s18] =	ssyncadd.s32 $0xFFFFF800  }
0x253: {  	[tilespmem:s9], [sflag:$0x2] =	stream.indirect.gather [spmem:s4], $0x10, s6, s1, $0xb8;
	[tilespmem:$0x14710] =	vst v63  }
0x254: {  	_ =	swait.ge [sflag:s8], $0x800  }
0x255: {  	[sflag:s8] =	ssyncset.done $0x0  }
0x256: {  	s6 =	sadd.s32 $0x5600, s5;
	[sflag:s8] =	ssyncadd.s32 $0xFFFFF800  }
0x257: {  	[tilespmem:s11], [sflag:$0x3] =	stream.indirect.gather [spmem:s4], $0x10, s6, s1, $0xb8;
	[tilespmem:$0x14710] =	vst v63  }
0x258: {  	_ =	swait.ge [sflag:s23], $0x800  }
0x259: {  	[sflag:s23] =	ssyncset.done $0x0  }
0x25a: {  	s6 =	sadd.s32 $0x5680, s5;
	[sflag:s23] =	ssyncadd.s32 $0xFFFFF800  }
0x25b: {  	[tilespmem:s12], [sflag:$0x4] =	stream.indirect.gather [spmem:s4], $0x10, s6, s1, $0xb8;
	[tilespmem:$0x14710] =	vst v63  }
0x25c: {  	_ =	swait.ge [sflag:s24], $0x800  }
0x25d: {  	[sflag:s24] =	ssyncset.done $0x0  }
0x25e: {  	s6 =	sadd.s32 $0x5700, s5;
	[sflag:s24] =	ssyncadd.s32 $0xFFFFF800  }
0x25f: {  	[tilespmem:s14], [sflag:$0x5] =	stream.indirect.gather [spmem:s4], $0x10, s6, s1, $0xb8;
	[tilespmem:$0x14710] =	vst v63  }
0x260: {  	_ =	swait.ge [sflag:s10], $0x800  }
0x261: {  	[sflag:s10] =	ssyncset.done $0x0  }
0x262: {  	s6 =	sadd.s32 $0x5780, s5;
	[sflag:s10] =	ssyncadd.s32 $0xFFFFF800  }
0x263: {  	[tilespmem:s15], [sflag:$0x6] =	stream.indirect.gather [spmem:s4], $0x10, s6, s1, $0xb8;
	[tilespmem:$0x14710] =	vst v63  }
0x264: {  	_ =	swait.ge [sflag:s17], $0x800  }
0x265: {  	[sflag:s17] =	ssyncset.done $0x0  }
.Ltmp4:
0x266: {  	s6 =	sadd.s32 $0x5800, s5;
	[sflag:s17] =	ssyncadd.s32 $0xFFFFF800;
	(pc) =	sbr.rel @p1 .LBB2_10-.Ltmp4, $4  }
0x267: {  	[tilespmem:s13], [sflag:$0x7] =	stream.indirect.gather [spmem:s4], $0x10, s6, s1, $0xb8;
	[tilespmem:$0x14710] =	vst v63  }
0x268: {  	_ =	swait.ge [sflag:s22], $0x800  }
0x269: {  	[sflag:s22] =	ssyncset.done $0x0  }
0x26a: {  	s5 =	sadd.s32 $0x5880, s5;
	[sflag:s22] =	ssyncadd.s32 $0xFFFFF800  }
0x26b: {  	[tilespmem:s16], [sflag:$0x8] =	stream.indirect.gather [spmem:s4], $0x10, s5, s1, $0xb8;
	[tilespmem:$0x14710] =	vst v63  }
0x26c: {  	_ =	swait.ge [sflag:s29], $0x800  }
0x26d: {  	[sflag:s29] =	ssyncset.done $0x0  }
0x26e: {  	s3 =	simm.s32 $0x9D00;
	[sflag:s29] =	ssyncadd.s32 $0xFFFFF800  }
0x26f: {  	[spmem:s0] =	stream.indirect.scatter.add.f32 [tilespmem:s28], [sflag:$0x11], $0x10, s3, s1, $0xb8;
	[tilespmem:$0x14710] =	vst v63  }
0x270: {  	_ =	swait.ge [sflag:s7], $0x800  }
0x271: {  	[sflag:s7] =	ssyncset.done $0x0  }
0x272: {  	[sflag:s7] =	ssyncadd.s32 $0xFFFFF800  }
0x273: {  	_ =	swait.ge [sflag:s30], $0x800  }
0x274: {  	[sflag:s30] =	ssyncset.done $0x0  }
0x275: {  	s6 =	simm.s32 $0x9D80;
	[sflag:s30] =	ssyncadd.s32 $0xFFFFF800  }
0x276: {  	[spmem:s0] =	stream.indirect.scatter.add.f32 [tilespmem:s9], [sflag:$0x11], $0x10, s6, s1, $0xb8;
	[tilespmem:$0x14710] =	vst v63  }
0x277: {  	_ =	swait.ge [sflag:s7], $0x800  }
0x278: {  	[sflag:s7] =	ssyncset.done $0x0  }
0x279: {  	[sflag:s7] =	ssyncadd.s32 $0xFFFFF800  }
0x27a: {  	_ =	swait.ge [sflag:s31], $0x800  }
0x27b: {  	[sflag:s31] =	ssyncset.done $0x0  }
0x27c: {  	s5 =	simm.s32 $0x9E00;
	[sflag:s31] =	ssyncadd.s32 $0xFFFFF800  }
0x27d: {  	[spmem:s0] =	stream.indirect.scatter.add.f32 [tilespmem:s11], [sflag:$0x11], $0x10, s5, s1, $0xb8;
	[tilespmem:$0x14710] =	vst v63  }
0x27e: {  	_ =	swait.ge [sflag:s7], $0x800  }
0x27f: {  	[sflag:s7] =	ssyncset.done $0x0  }
0x280: {  	[sflag:s7] =	ssyncadd.s32 $0xFFFFF800  }
0x281: {  	_ =	swait.ge [sflag:s2], $0x800  }
0x282: {  	[sflag:s2] =	ssyncset.done $0x0  }
0x283: {  	s6 =	simm.s32 $0x9E80;
	[sflag:s2] =	ssyncadd.s32 $0xFFFFF800  }
0x284: {  	[spmem:s0] =	stream.indirect.scatter.add.f32 [tilespmem:s12], [sflag:$0x11], $0x10, s6, s1, $0xb8;
	[tilespmem:$0x14710] =	vst v63  }
0x285: {  	_ =	swait.ge [sflag:s7], $0x800  }
0x286: {  	[sflag:s7] =	ssyncset.done $0x0  }
0x287: {  	[sflag:s7] =	ssyncadd.s32 $0xFFFFF800  }
0x288: {  	_ =	swait.ge [sflag:s21], $0x800  }
0x289: {  	[sflag:s21] =	ssyncset.done $0x0  }
0x28a: {  	s9 =	simm.s32 $0x9F00;
	[sflag:s21] =	ssyncadd.s32 $0xFFFFF800  }
0x28b: {  	[spmem:s0] =	stream.indirect.scatter.add.f32 [tilespmem:s14], [sflag:$0x11], $0x10, s9, s1, $0xb8;
	[tilespmem:$0x14710] =	vst v63  }
0x28c: {  	_ =	swait.ge [sflag:s7], $0x800  }
0x28d: {  	[sflag:s7] =	ssyncset.done $0x0  }
0x28e: {  	[sflag:s7] =	ssyncadd.s32 $0xFFFFF800  }
0x28f: {  	_ =	swait.ge [sflag:s25], $0x800  }
0x290: {  	[sflag:s25] =	ssyncset.done $0x0  }
0x291: {  	s11 =	simm.s32 $0x9F80;
	[sflag:s25] =	ssyncadd.s32 $0xFFFFF800  }
0x292: {  	[spmem:s0] =	stream.indirect.scatter.add.f32 [tilespmem:s15], [sflag:$0x11], $0x10, s11, s1, $0xb8;
	[tilespmem:$0x14710] =	vst v63  }
0x293: {  	_ =	swait.ge [sflag:s7], $0x800  }
0x294: {  	[sflag:s7] =	ssyncset.done $0x0  }
0x295: {  	[sflag:s7] =	ssyncadd.s32 $0xFFFFF800  }
0x296: {  	_ =	swait.ge [sflag:s26], $0x800  }
0x297: {  	[sflag:s26] =	ssyncset.done $0x0  }
0x298: {  	s5 =	simm.s32 $0xA000;
	[sflag:s26] =	ssyncadd.s32 $0xFFFFF800  }
0x299: {  	[spmem:s0] =	stream.indirect.scatter.add.f32 [tilespmem:s13], [sflag:$0x11], $0x10, s5, s1, $0xb8;
	[tilespmem:$0x14710] =	vst v63  }
0x29a: {  	_ =	swait.ge [sflag:s7], $0x800  }
0x29b: {  	[sflag:s7] =	ssyncset.done $0x0  }
0x29c: {  	[sflag:s7] =	ssyncadd.s32 $0xFFFFF800  }
0x29d: {  	_ =	swait.ge [sflag:s19], $0x800  }
0x29e: {  	[sflag:s19] =	ssyncset.done $0x0  }
0x29f: {  	s6 =	simm.s32 $0xA080;
	[sflag:s19] =	ssyncadd.s32 $0xFFFFF800  }
0x2a0: {  	[spmem:s0] =	stream.indirect.scatter.add.f32 [tilespmem:s16], [sflag:$0x11], $0x10, s6, s1, $0xb8;
	[tilespmem:$0x14710] =	vst v63  }
0x2a1: {  	_ =	swait.ge [sflag:s7], $0x800  }
0x2a2: {  	[sflag:s7] =	ssyncset.done $0x0  }
0x2a3: {  	[sflag:s7] =	ssyncadd.s32 $0xFFFFF800  }
0x2a4: {  	[bflag:$0x0] =	sbarrier.arrive $0xFFFF  }
0x2a5: {  	s11 =	simm.s32 $0xCE90;
	s9 =	rddreg [dreg:$0xa]  }
0x2a6: {  	[tilespmem:s11], [sflag:$0x11] =	stream.linear.gather [spmem:s9], $0x2800, $0x38;
	[tilespmem:$0x14710] =	vst v63  }
0x2a7: {  	_ =	swait.ge [sflag:s7], $0x2800  }
0x2a8: {  	[sflag:s7] =	ssyncset.done $0x0  }
0x2a9: {  	s6 =	simm.s32 $0x0;
	[sflag:s7] =	ssyncadd.s32 $0xFFFFD800  }
0x2aa: {  	v10 =	vld [tilespmem:s6+$0xA100];
	_ =	sdelay $0x4  }
0x2ab: {  	v11 =	vshll.u32 v10, $0x4  }
0x2ac: {  	(v2sf) =	vpush v11, $0x0;
	_ =	sdelay $0x8  }
0x2ad: {  	s5 =	simm.s32 $0xA710  }
0x2ae: {  	s9 =	simm.s32 $0xCF10;
	v12 =	vld [tilespmem:s5+$0xFFFFFF80]  }
0x2af: {  	v13 =	vld [tilespmem:s9+$0xFFFFFF80]  }
0x2b0: {  	v10 =	vld [tilespmem:s6+$0xA410]  }
0x2b1: {  	(v2sf) =	vpush v11, $0x1;
	_ =	sdelay $0x1  }
0x2b2: {  	s7 =	spop (v2sf)  }
0x2b3: {  	v14 =	vld [tilespmem:s7+$0xF690]  }
0x2b4: {  	v12 =	vadd.f32 v12, v13;
	v13 =	vbroadcast v10, $0x0;
	v15 =	vld [tilespmem:s7+$0xFE90];
	_ =	sdelay $0x1  }
0x2b5: {  	v12 =	vmul.f32 v12, v13;
	_ =	sdelay $0x1  }
0x2b6: {  	v12 =	vadd.f32 v12, v14  }
0x2b7: {  	v13 =	vadd.f32 $1.000000000e+00, v15  }
0x2b8: {  	[tilespmem:s7+$0xF690] =	vst v12  }
0x2b9: {  	[tilespmem:s7+$0xFE90] =	vst v13  }
0x2ba: {  	v12 =	vld [tilespmem:s9+$0xFFFFFF90]  }
0x2bb: {  	(v2sf) =	vpush v11, $0x2;
	v13 =	vld [tilespmem:s5+$0xFFFFFF90];
	_ =	sdelay $0x1  }
0x2bc: {  	s11 =	spop (v2sf)  }
0x2bd: {  	v14 =	vld [tilespmem:s11+$0xFE90]  }
0x2be: {  	v15 =	vld [tilespmem:s11+$0xF690]  }
0x2bf: {  	v12 =	vadd.f32 v13, v12;
	v13 =	vbroadcast v10, $0x1;
	_ =	sdelay $0x1  }
0x2c0: {  	v12 =	vmul.f32 v12, v13  }
0x2c1: {  	v13 =	vadd.f32 $1.000000000e+00, v14  }
0x2c2: {  	v12 =	vadd.f32 v12, v15  }
0x2c3: {  	[tilespmem:s11+$0xFE90] =	vst v13  }
0x2c4: {  	[tilespmem:s11+$0xF690] =	vst v12  }
0x2c5: {  	v12 =	vld [tilespmem:s9+$0xFFFFFFA0]  }
0x2c6: {  	(v2sf) =	vpush v11, $0x3;
	v13 =	vld [tilespmem:s5+$0xFFFFFFA0];
	_ =	sdelay $0x1  }
0x2c7: {  	s6 =	spop (v2sf)  }
0x2c8: {  	v14 =	vld [tilespmem:s6+$0xFE90]  }
0x2c9: {  	v15 =	vld [tilespmem:s6+$0xF690]  }
0x2ca: {  	v12 =	vadd.f32 v13, v12;
	v13 =	vbroadcast v10, $0x2;
	_ =	sdelay $0x1  }
0x2cb: {  	v12 =	vmul.f32 v12, v13  }
0x2cc: {  	v13 =	vadd.f32 $1.000000000e+00, v14  }
0x2cd: {  	v12 =	vadd.f32 v12, v15  }
0x2ce: {  	[tilespmem:s6+$0xFE90] =	vst v13  }
0x2cf: {  	[tilespmem:s6+$0xF690] =	vst v12  }
0x2d0: {  	v12 =	vld [tilespmem:s9+$0xFFFFFFB0]  }
0x2d1: {  	(v2sf) =	vpush v11, $0x4;
	v13 =	vld [tilespmem:s5+$0xFFFFFFB0];
	_ =	sdelay $0x1  }
0x2d2: {  	s7 =	spop (v2sf)  }
0x2d3: {  	v14 =	vld [tilespmem:s7+$0xFE90]  }
0x2d4: {  	v15 =	vld [tilespmem:s7+$0xF690]  }
0x2d5: {  	v12 =	vadd.f32 v13, v12;
	v13 =	vbroadcast v10, $0x3;
	_ =	sdelay $0x1  }
0x2d6: {  	v12 =	vmul.f32 v12, v13  }
0x2d7: {  	v13 =	vadd.f32 $1.000000000e+00, v14  }
0x2d8: {  	v12 =	vadd.f32 v12, v15  }
0x2d9: {  	[tilespmem:s7+$0xFE90] =	vst v13  }
0x2da: {  	[tilespmem:s7+$0xF690] =	vst v12  }
0x2db: {  	v12 =	vld [tilespmem:s9+$0xFFFFFFC0]  }
0x2dc: {  	(v2sf) =	vpush v11, $0x5;
	v13 =	vld [tilespmem:s5+$0xFFFFFFC0];
	_ =	sdelay $0x1  }
0x2dd: {  	s11 =	spop (v2sf)  }
0x2de: {  	v14 =	vld [tilespmem:s11+$0xFE90]  }
0x2df: {  	v15 =	vld [tilespmem:s11+$0xF690]  }
0x2e0: {  	v12 =	vadd.f32 v13, v12;
	v13 =	vbroadcast v10, $0x4;
	_ =	sdelay $0x1  }
0x2e1: {  	v12 =	vmul.f32 v12, v13  }
0x2e2: {  	v13 =	vadd.f32 $1.000000000e+00, v14  }
0x2e3: {  	v12 =	vadd.f32 v12, v15  }
0x2e4: {  	[tilespmem:s11+$0xFE90] =	vst v13  }
0x2e5: {  	[tilespmem:s11+$0xF690] =	vst v12  }
0x2e6: {  	v12 =	vld [tilespmem:s9+$0xFFFFFFD0]  }
0x2e7: {  	(v2sf) =	vpush v11, $0x6;
	v13 =	vld [tilespmem:s5+$0xFFFFFFD0];
	_ =	sdelay $0x1  }
0x2e8: {  	s6 =	spop (v2sf)  }
0x2e9: {  	v14 =	vld [tilespmem:s6+$0xFE90]  }
0x2ea: {  	v15 =	vld [tilespmem:s6+$0xF690]  }
0x2eb: {  	v12 =	vadd.f32 v13, v12;
	v13 =	vbroadcast v10, $0x5;
	_ =	sdelay $0x1  }
0x2ec: {  	v12 =	vmul.f32 v12, v13  }
0x2ed: {  	v13 =	vadd.f32 $1.000000000e+00, v14  }
0x2ee: {  	v12 =	vadd.f32 v12, v15  }
0x2ef: {  	[tilespmem:s6+$0xFE90] =	vst v13  }
0x2f0: {  	[tilespmem:s6+$0xF690] =	vst v12  }
0x2f1: {  	v12 =	vld [tilespmem:s9+$0xFFFFFFE0]  }
0x2f2: {  	(v2sf) =	vpush v11, $0x7;
	v13 =	vld [tilespmem:s5+$0xFFFFFFE0];
	_ =	sdelay $0x1  }
0x2f3: {  	s7 =	spop (v2sf)  }
0x2f4: {  	v14 =	vld [tilespmem:s7+$0xFE90]  }
0x2f5: {  	v15 =	vld [tilespmem:s7+$0xF690]  }
0x2f6: {  	v12 =	vadd.f32 v13, v12;
	v13 =	vbroadcast v10, $0x6;
	_ =	sdelay $0x1  }
0x2f7: {  	v12 =	vmul.f32 v12, v13  }
0x2f8: {  	v13 =	vadd.f32 $1.000000000e+00, v14  }
0x2f9: {  	v12 =	vadd.f32 v12, v15  }
0x2fa: {  	[tilespmem:s7+$0xFE90] =	vst v13  }
0x2fb: {  	[tilespmem:s7+$0xF690] =	vst v12  }
0x2fc: {  	v12 =	vld [tilespmem:s9+$0xFFFFFFF0]  }
0x2fd: {  	(v2sf) =	vpush v11, $0x8;
	v13 =	vld [tilespmem:s5+$0xFFFFFFF0];
	_ =	sdelay $0x1  }
0x2fe: {  	s11 =	spop (v2sf)  }
0x2ff: {  	v14 =	vld [tilespmem:s11+$0xFE90]  }
0x300: {  	v15 =	vld [tilespmem:s11+$0xF690]  }
0x301: {  	v12 =	vadd.f32 v13, v12;
	v13 =	vbroadcast v10, $0x7;
	_ =	sdelay $0x1  }
0x302: {  	v12 =	vmul.f32 v12, v13  }
0x303: {  	v13 =	vadd.f32 $1.000000000e+00, v14  }
0x304: {  	v12 =	vadd.f32 v12, v15  }
0x305: {  	[tilespmem:s11+$0xFE90] =	vst v13  }
0x306: {  	[tilespmem:s11+$0xF690] =	vst v12  }
0x307: {  	v12 =	vld [tilespmem:s5+$0x0]  }
0x308: {  	(v2sf) =	vpush v11, $0x9;
	v13 =	vld [tilespmem:s9+$0x0];
	_ =	sdelay $0x1  }
0x309: {  	s6 =	spop (v2sf)  }
0x30a: {  	v14 =	vld [tilespmem:s6+$0xFE90]  }
0x30b: {  	v15 =	vld [tilespmem:s6+$0xF690]  }
0x30c: {  	v12 =	vadd.f32 v12, v13;
	v13 =	vbroadcast v10, $0x8;
	_ =	sdelay $0x1  }
0x30d: {  	v12 =	vmul.f32 v12, v13  }
0x30e: {  	v13 =	vadd.f32 $1.000000000e+00, v14  }
0x30f: {  	v12 =	vadd.f32 v12, v15  }
0x310: {  	[tilespmem:s6+$0xFE90] =	vst v13  }
0x311: {  	[tilespmem:s6+$0xF690] =	vst v12  }
0x312: {  	v12 =	vld [tilespmem:s9+$0x10]  }
0x313: {  	(v2sf) =	vpush v11, $0xA;
	v13 =	vld [tilespmem:s5+$0x10];
	_ =	sdelay $0x1  }
0x314: {  	s7 =	spop (v2sf)  }
0x315: {  	v14 =	vld [tilespmem:s7+$0xFE90]  }
0x316: {  	v15 =	vld [tilespmem:s7+$0xF690]  }
0x317: {  	v12 =	vadd.f32 v13, v12;
	v13 =	vbroadcast v10, $0x9;
	_ =	sdelay $0x1  }
0x318: {  	v12 =	vmul.f32 v12, v13  }
0x319: {  	v13 =	vadd.f32 $1.000000000e+00, v14  }
0x31a: {  	v12 =	vadd.f32 v12, v15  }
0x31b: {  	[tilespmem:s7+$0xFE90] =	vst v13  }
0x31c: {  	[tilespmem:s7+$0xF690] =	vst v12  }
0x31d: {  	v12 =	vld [tilespmem:s9+$0x20]  }
0x31e: {  	(v2sf) =	vpush v11, $0xB;
	v13 =	vld [tilespmem:s5+$0x20];
	_ =	sdelay $0x1  }
0x31f: {  	s11 =	spop (v2sf)  }
0x320: {  	v14 =	vld [tilespmem:s11+$0xFE90]  }
0x321: {  	v15 =	vld [tilespmem:s11+$0xF690]  }
0x322: {  	v12 =	vadd.f32 v13, v12;
	v13 =	vbroadcast v10, $0xA;
	_ =	sdelay $0x1  }
0x323: {  	v12 =	vmul.f32 v12, v13  }
0x324: {  	v13 =	vadd.f32 $1.000000000e+00, v14  }
0x325: {  	v12 =	vadd.f32 v12, v15  }
0x326: {  	[tilespmem:s11+$0xFE90] =	vst v13  }
0x327: {  	[tilespmem:s11+$0xF690] =	vst v12  }
0x328: {  	v12 =	vld [tilespmem:s9+$0x30]  }
0x329: {  	(v2sf) =	vpush v11, $0xC;
	v13 =	vld [tilespmem:s5+$0x30];
	_ =	sdelay $0x1  }
0x32a: {  	s6 =	spop (v2sf)  }
0x32b: {  	v14 =	vld [tilespmem:s6+$0xFE90]  }
0x32c: {  	v15 =	vld [tilespmem:s6+$0xF690]  }
0x32d: {  	v12 =	vadd.f32 v13, v12;
	v13 =	vbroadcast v10, $0xB;
	_ =	sdelay $0x1  }
0x32e: {  	v12 =	vmul.f32 v12, v13  }
0x32f: {  	v13 =	vadd.f32 $1.000000000e+00, v14  }
0x330: {  	v12 =	vadd.f32 v12, v15  }
0x331: {  	[tilespmem:s6+$0xFE90] =	vst v13  }
0x332: {  	[tilespmem:s6+$0xF690] =	vst v12  }
0x333: {  	v12 =	vld [tilespmem:s9+$0x40]  }
0x334: {  	(v2sf) =	vpush v11, $0xD;
	v13 =	vld [tilespmem:s5+$0x40];
	_ =	sdelay $0x1  }
0x335: {  	s7 =	spop (v2sf)  }
0x336: {  	v14 =	vld [tilespmem:s7+$0xFE90]  }
0x337: {  	v15 =	vld [tilespmem:s7+$0xF690]  }
0x338: {  	v12 =	vadd.f32 v13, v12;
	v13 =	vbroadcast v10, $0xC;
	_ =	sdelay $0x1  }
0x339: {  	v12 =	vmul.f32 v12, v13  }
0x33a: {  	v13 =	vadd.f32 $1.000000000e+00, v14  }
0x33b: {  	v12 =	vadd.f32 v12, v15  }
0x33c: {  	[tilespmem:s7+$0xFE90] =	vst v13  }
0x33d: {  	(v2sf) =	vpush v11, $0xE;
	[tilespmem:s7+$0xF690] =	vst v12  }
0x33e: {  	v12 =	vld [tilespmem:s9+$0x50]  }
0x33f: {  	v13 =	vld [tilespmem:s5+$0x50];
	_ =	sdelay $0x1  }
0x340: {  	s11 =	spop (v2sf)  }
0x341: {  	v14 =	vld [tilespmem:s11+$0xFE90]  }
0x342: {  	v15 =	vld [tilespmem:s11+$0xF690]  }
0x343: {  	v12 =	vadd.f32 v13, v12;
	v13 =	vbroadcast v10, $0xD;
	_ =	sdelay $0x1  }
0x344: {  	v12 =	vmul.f32 v12, v13  }
0x345: {  	v13 =	vadd.f32 $1.000000000e+00, v14  }
0x346: {  	v12 =	vadd.f32 v12, v15  }
0x347: {  	[tilespmem:s11+$0xFE90] =	vst v13  }
0x348: {  	(v2sf) =	vpush v11, $0xF;
	[tilespmem:s11+$0xF690] =	vst v12  }
0x349: {  	s3 =	simm.s32 $0x40;
	v12 =	vld [tilespmem:s9+$0x60]  }
0x34a: {  	s28 =	simm.s32 $0xA710;
	s6 =	simm.s32 $0xCF10;
	s7 =	spop (v2sf);
	v11 =	vld [tilespmem:s5+$0x60]  }
.LBB2_12:
0x34b: {  	p1 =	sne.s32 s3, $0x9C0;
	v13 =	vld [tilespmem:s7+$0xF690];
	s9 =	sadd.s32 $0x100, s9;
	s5 =	sadd.s32 $0x100, s5  }
0x34c: {  	s11 =	smov.u32 s3;
	s3 =	sadd.s32 $0x40, s3;
	v14 =	vld [tilespmem:s7+$0xFE90];
	_ =	sdelay $0x2  }
0x34d: {  	v11 =	vadd.f32 v11, v12;
	v12 =	vbroadcast v10, $0xE;
	_ =	sdelay $0x1  }
0x34e: {  	v11 =	vmul.f32 v11, v12;
	v12 =	vadd.f32 $1.000000000e+00, v14;
	_ =	sdelay $0x1  }
0x34f: {  	v11 =	vadd.f32 v11, v13;
	[tilespmem:s7+$0xFE90] =	vst v12;
	_ =	sdelay $0x1  }
0x350: {  	[tilespmem:s7+$0xF690] =	vst v11  }
0x351: {  	v11 =	vld [tilespmem:s6+$0x70];
	s6 =	smov.u32 s9  }
0x352: {  	v12 =	vld [tilespmem:s28+$0x70];
	s7 =	spop (v2sf);
	s28 =	smov.u32 s5  }
0x353: {  	v13 =	vld [tilespmem:s7+$0xF690]  }
0x354: {  	v14 =	vld [tilespmem:s7+$0xFE90]  }
0x355: {  	v10 =	vbroadcast v10, $0xF  }
0x356: {  	s11 =	sshra.s32 s11, $0x2  }
0x357: {  	v11 =	vadd.f32 v12, v11;
	_ =	sdelay $0x1  }
0x358: {  	v10 =	vmul.f32 v11, v10;
	v11 =	vadd.f32 $1.000000000e+00, v14;
	_ =	sdelay $0x1  }
0x359: {  	v10 =	vadd.f32 v10, v13;
	[tilespmem:s7+$0xFE90] =	vst v11;
	_ =	sdelay $0x1  }
0x35a: {  	[tilespmem:s7+$0xF690] =	vst v10  }
0x35b: {  	v10 =	vld [tilespmem:s11+$0xA100];
	_ =	sdelay $0x4  }
0x35c: {  	v11 =	vshll.u32 v10, $0x4  }
0x35d: {  	(v2sf) =	vpush v11, $0x0;
	_ =	sdelay $0x7  }
0x35e: {  	(v2sf) =	vpush v11, $0x1;
	_ =	sdelay $0x1  }
0x35f: {  	v12 =	vld [tilespmem:s5+$0xFFFFFF80]  }
0x360: {  	v13 =	vld [tilespmem:s9+$0xFFFFFF80]  }
0x361: {  	v10 =	vld [tilespmem:s11+$0xA410];
	_ =	sdelay $0x2  }
0x362: {  	s7 =	spop (v2sf)  }
0x363: {  	v12 =	vadd.f32 v12, v13;
	v13 =	vld [tilespmem:s7+$0xF690]  }
0x364: {  	v14 =	vbroadcast v10, $0x0;
	v15 =	vld [tilespmem:s7+$0xFE90];
	_ =	sdelay $0x1  }
0x365: {  	v12 =	vmul.f32 v12, v14;
	_ =	sdelay $0x1  }
0x366: {  	v12 =	vadd.f32 v12, v13  }
0x367: {  	v13 =	vadd.f32 $1.000000000e+00, v15  }
0x368: {  	[tilespmem:s7+$0xF690] =	vst v12;
	s11 =	spop (v2sf)  }
0x369: {  	[tilespmem:s7+$0xFE90] =	vst v13  }
0x36a: {  	v12 =	vld [tilespmem:s9+$0xFFFFFF90]  }
0x36b: {  	v13 =	vld [tilespmem:s5+$0xFFFFFF90];
	(v2sf) =	vpush v11, $0x2;
	_ =	sdelay $0x2  }
0x36c: {  	v14 =	vld [tilespmem:s11+$0xFE90]  }
0x36d: {  	v15 =	vld [tilespmem:s11+$0xF690]  }
0x36e: {  	v12 =	vadd.f32 v13, v12;
	v13 =	vbroadcast v10, $0x1;
	_ =	sdelay $0x1  }
0x36f: {  	v12 =	vmul.f32 v12, v13  }
0x370: {  	v13 =	vadd.f32 $1.000000000e+00, v14  }
0x371: {  	v12 =	vadd.f32 v12, v15  }
0x372: {  	[tilespmem:s11+$0xFE90] =	vst v13  }
0x373: {  	[tilespmem:s11+$0xF690] =	vst v12;
	(v2sf) =	vpush v11, $0x3  }
0x374: {  	v12 =	vld [tilespmem:s9+$0xFFFFFFA0]  }
0x375: {  	v13 =	vld [tilespmem:s5+$0xFFFFFFA0];
	_ =	sdelay $0x1  }
0x376: {  	s7 =	spop (v2sf)  }
0x377: {  	v14 =	vld [tilespmem:s7+$0xFE90]  }
0x378: {  	v15 =	vld [tilespmem:s7+$0xF690]  }
0x379: {  	v12 =	vadd.f32 v13, v12;
	v13 =	vbroadcast v10, $0x2;
	_ =	sdelay $0x1  }
0x37a: {  	v12 =	vmul.f32 v12, v13  }
0x37b: {  	v13 =	vadd.f32 $1.000000000e+00, v14  }
0x37c: {  	v12 =	vadd.f32 v12, v15  }
0x37d: {  	[tilespmem:s7+$0xFE90] =	vst v13  }
0x37e: {  	[tilespmem:s7+$0xF690] =	vst v12;
	(v2sf) =	vpush v11, $0x4  }
0x37f: {  	v12 =	vld [tilespmem:s9+$0xFFFFFFB0]  }
0x380: {  	v13 =	vld [tilespmem:s5+$0xFFFFFFB0];
	s7 =	spop (v2sf)  }
0x381: {  	v14 =	vld [tilespmem:s7+$0xFE90]  }
0x382: {  	v15 =	vld [tilespmem:s7+$0xF690];
	_ =	sdelay $0x2  }
0x383: {  	v12 =	vadd.f32 v13, v12;
	v13 =	vbroadcast v10, $0x3  }
0x384: {  	v14 =	vadd.f32 $1.000000000e+00, v14  }
0x385: {  	v12 =	vmul.f32 v12, v13  }
0x386: {  	[tilespmem:s7+$0xFE90] =	vst v14  }
0x387: {  	v12 =	vadd.f32 v12, v15;
	_ =	sdelay $0x1  }
0x388: {  	[tilespmem:s7+$0xF690] =	vst v12;
	(v2sf) =	vpush v11, $0x5  }
0x389: {  	v12 =	vld [tilespmem:s9+$0xFFFFFFC0]  }
0x38a: {  	v13 =	vld [tilespmem:s5+$0xFFFFFFC0];
	s7 =	spop (v2sf)  }
0x38b: {  	v14 =	vld [tilespmem:s7+$0xFE90]  }
0x38c: {  	v15 =	vld [tilespmem:s7+$0xF690];
	_ =	sdelay $0x2  }
0x38d: {  	v12 =	vadd.f32 v13, v12;
	v13 =	vbroadcast v10, $0x4  }
0x38e: {  	v14 =	vadd.f32 $1.000000000e+00, v14  }
0x38f: {  	v12 =	vmul.f32 v12, v13  }
0x390: {  	[tilespmem:s7+$0xFE90] =	vst v14  }
0x391: {  	v12 =	vadd.f32 v12, v15;
	_ =	sdelay $0x1  }
0x392: {  	[tilespmem:s7+$0xF690] =	vst v12;
	(v2sf) =	vpush v11, $0x6  }
0x393: {  	v12 =	vld [tilespmem:s9+$0xFFFFFFD0]  }
0x394: {  	v13 =	vld [tilespmem:s5+$0xFFFFFFD0];
	s7 =	spop (v2sf)  }
0x395: {  	v14 =	vld [tilespmem:s7+$0xFE90]  }
0x396: {  	v15 =	vld [tilespmem:s7+$0xF690];
	_ =	sdelay $0x2  }
0x397: {  	v12 =	vadd.f32 v13, v12;
	v13 =	vbroadcast v10, $0x5  }
0x398: {  	v14 =	vadd.f32 $1.000000000e+00, v14  }
0x399: {  	v12 =	vmul.f32 v12, v13  }
0x39a: {  	[tilespmem:s7+$0xFE90] =	vst v14  }
0x39b: {  	v12 =	vadd.f32 v12, v15;
	_ =	sdelay $0x1  }
0x39c: {  	[tilespmem:s7+$0xF690] =	vst v12;
	(v2sf) =	vpush v11, $0x7  }
0x39d: {  	v12 =	vld [tilespmem:s9+$0xFFFFFFE0]  }
0x39e: {  	v13 =	vld [tilespmem:s5+$0xFFFFFFE0];
	s7 =	spop (v2sf)  }
0x39f: {  	v14 =	vld [tilespmem:s7+$0xFE90]  }
0x3a0: {  	v15 =	vld [tilespmem:s7+$0xF690];
	_ =	sdelay $0x2  }
0x3a1: {  	v12 =	vadd.f32 v13, v12;
	v13 =	vbroadcast v10, $0x6  }
0x3a2: {  	v14 =	vadd.f32 $1.000000000e+00, v14  }
0x3a3: {  	v12 =	vmul.f32 v12, v13  }
0x3a4: {  	[tilespmem:s7+$0xFE90] =	vst v14  }
0x3a5: {  	v12 =	vadd.f32 v12, v15;
	_ =	sdelay $0x1  }
0x3a6: {  	[tilespmem:s7+$0xF690] =	vst v12;
	(v2sf) =	vpush v11, $0x8  }
0x3a7: {  	v12 =	vld [tilespmem:s9+$0xFFFFFFF0]  }
0x3a8: {  	v13 =	vld [tilespmem:s5+$0xFFFFFFF0];
	s7 =	spop (v2sf)  }
0x3a9: {  	v14 =	vld [tilespmem:s7+$0xF690]  }
0x3aa: {  	v15 =	vld [tilespmem:s7+$0xFE90];
	_ =	sdelay $0x2  }
0x3ab: {  	v12 =	vadd.f32 v13, v12;
	v13 =	vbroadcast v10, $0x7;
	_ =	sdelay $0x1  }
0x3ac: {  	v12 =	vmul.f32 v12, v13;
	v13 =	vadd.f32 $1.000000000e+00, v15;
	_ =	sdelay $0x1  }
0x3ad: {  	v12 =	vadd.f32 v12, v14;
	[tilespmem:s7+$0xFE90] =	vst v13;
	_ =	sdelay $0x1  }
0x3ae: {  	[tilespmem:s7+$0xF690] =	vst v12;
	(v2sf) =	vpush v11, $0x9  }
0x3af: {  	v12 =	vld [tilespmem:s5+$0x0]  }
0x3b0: {  	v13 =	vld [tilespmem:s9+$0x0];
	s7 =	spop (v2sf)  }
0x3b1: {  	v14 =	vld [tilespmem:s7+$0xF690]  }
0x3b2: {  	v15 =	vld [tilespmem:s7+$0xFE90];
	_ =	sdelay $0x2  }
0x3b3: {  	v12 =	vadd.f32 v12, v13;
	v13 =	vbroadcast v10, $0x8;
	_ =	sdelay $0x1  }
0x3b4: {  	v12 =	vmul.f32 v12, v13;
	v13 =	vadd.f32 $1.000000000e+00, v15;
	_ =	sdelay $0x1  }
0x3b5: {  	v12 =	vadd.f32 v12, v14;
	[tilespmem:s7+$0xFE90] =	vst v13;
	_ =	sdelay $0x1  }
0x3b6: {  	[tilespmem:s7+$0xF690] =	vst v12;
	(v2sf) =	vpush v11, $0xA  }
0x3b7: {  	v12 =	vld [tilespmem:s9+$0x10]  }
0x3b8: {  	v13 =	vld [tilespmem:s5+$0x10];
	s7 =	spop (v2sf)  }
0x3b9: {  	v14 =	vld [tilespmem:s7+$0xF690]  }
0x3ba: {  	v15 =	vld [tilespmem:s7+$0xFE90];
	_ =	sdelay $0x2  }
0x3bb: {  	v12 =	vadd.f32 v13, v12;
	v13 =	vbroadcast v10, $0x9;
	_ =	sdelay $0x1  }
0x3bc: {  	v12 =	vmul.f32 v12, v13;
	v13 =	vadd.f32 $1.000000000e+00, v15;
	_ =	sdelay $0x1  }
0x3bd: {  	v12 =	vadd.f32 v12, v14;
	[tilespmem:s7+$0xFE90] =	vst v13;
	_ =	sdelay $0x1  }
0x3be: {  	[tilespmem:s7+$0xF690] =	vst v12;
	(v2sf) =	vpush v11, $0xB  }
0x3bf: {  	v12 =	vld [tilespmem:s9+$0x20]  }
0x3c0: {  	v13 =	vld [tilespmem:s5+$0x20];
	s7 =	spop (v2sf)  }
0x3c1: {  	v14 =	vld [tilespmem:s7+$0xF690]  }
0x3c2: {  	v15 =	vld [tilespmem:s7+$0xFE90];
	_ =	sdelay $0x2  }
0x3c3: {  	v12 =	vadd.f32 v13, v12;
	v13 =	vbroadcast v10, $0xA;
	_ =	sdelay $0x1  }
0x3c4: {  	v12 =	vmul.f32 v12, v13;
	v13 =	vadd.f32 $1.000000000e+00, v15;
	_ =	sdelay $0x1  }
0x3c5: {  	v12 =	vadd.f32 v12, v14;
	[tilespmem:s7+$0xFE90] =	vst v13;
	_ =	sdelay $0x1  }
0x3c6: {  	[tilespmem:s7+$0xF690] =	vst v12;
	(v2sf) =	vpush v11, $0xC  }
0x3c7: {  	v12 =	vld [tilespmem:s9+$0x30]  }
0x3c8: {  	v13 =	vld [tilespmem:s5+$0x30];
	s7 =	spop (v2sf)  }
0x3c9: {  	v14 =	vld [tilespmem:s7+$0xF690]  }
0x3ca: {  	v15 =	vld [tilespmem:s7+$0xFE90];
	_ =	sdelay $0x2  }
0x3cb: {  	v12 =	vadd.f32 v13, v12;
	v13 =	vbroadcast v10, $0xB;
	_ =	sdelay $0x1  }
0x3cc: {  	v12 =	vmul.f32 v12, v13;
	v13 =	vadd.f32 $1.000000000e+00, v15;
	_ =	sdelay $0x1  }
0x3cd: {  	v12 =	vadd.f32 v12, v14;
	[tilespmem:s7+$0xFE90] =	vst v13;
	_ =	sdelay $0x1  }
0x3ce: {  	[tilespmem:s7+$0xF690] =	vst v12;
	(v2sf) =	vpush v11, $0xD  }
0x3cf: {  	v12 =	vld [tilespmem:s9+$0x40]  }
0x3d0: {  	v13 =	vld [tilespmem:s5+$0x40];
	s7 =	spop (v2sf)  }
0x3d1: {  	v14 =	vld [tilespmem:s7+$0xF690]  }
0x3d2: {  	v15 =	vld [tilespmem:s7+$0xFE90];
	_ =	sdelay $0x2  }
0x3d3: {  	v12 =	vadd.f32 v13, v12;
	v13 =	vbroadcast v10, $0xC;
	_ =	sdelay $0x1  }
0x3d4: {  	v12 =	vmul.f32 v12, v13;
	v13 =	vadd.f32 $1.000000000e+00, v15;
	_ =	sdelay $0x1  }
0x3d5: {  	v12 =	vadd.f32 v12, v14;
	[tilespmem:s7+$0xFE90] =	vst v13;
	_ =	sdelay $0x1  }
0x3d6: {  	[tilespmem:s7+$0xF690] =	vst v12;
	(v2sf) =	vpush v11, $0xE  }
0x3d7: {  	v12 =	vld [tilespmem:s9+$0x50]  }
0x3d8: {  	v13 =	vld [tilespmem:s5+$0x50];
	s7 =	spop (v2sf)  }
0x3d9: {  	v14 =	vld [tilespmem:s7+$0xF690]  }
0x3da: {  	v15 =	vld [tilespmem:s7+$0xFE90];
	_ =	sdelay $0x2  }
0x3db: {  	v12 =	vadd.f32 v13, v12;
	v13 =	vbroadcast v10, $0xD;
	_ =	sdelay $0x1  }
0x3dc: {  	v12 =	vmul.f32 v12, v13;
	v13 =	vadd.f32 $1.000000000e+00, v15;
	_ =	sdelay $0x1  }
.Ltmp5:
0x3dd: {  	v12 =	vadd.f32 v12, v14;
	[tilespmem:s7+$0xFE90] =	vst v13;
	(pc) =	sbr.rel @p1 .LBB2_12-.Ltmp5, $4  }
0x3de: {  	_ = 	snop  }
0x3df: {  	[tilespmem:s7+$0xF690] =	vst v12;
	(v2sf) =	vpush v11, $0xF  }
0x3e0: {  	v12 =	vld [tilespmem:s9+$0x60]  }
0x3e1: {  	v11 =	vld [tilespmem:s5+$0x60];
	s7 =	spop (v2sf)  }
0x3e2: {  	_ =	sdelay $0x1  }
0x3e3: {  	v13 =	vld [tilespmem:s7+$0xFE90]  }
0x3e4: {  	v14 =	vld [tilespmem:s7+$0xF690]  }
0x3e5: {  	v60 =	vbroadcast v10, $0xE;
	v11 =	vadd.f32 v11, v12;
	_ =	sdelay $0x1  }
0x3e6: {  	v11 =	vmul.f32 v11, v60  }
0x3e7: {  	v61 =	vadd.f32 $1.000000000e+00, v13  }
0x3e8: {  	v11 =	vadd.f32 v11, v14  }
0x3e9: {  	[tilespmem:s7+$0xFE90] =	vst v61  }
0x3ea: {  	[tilespmem:s7+$0xF690] =	vst v11  }
0x3eb: {  	v11 =	vld [tilespmem:s6+$0x70]  }
0x3ec: {  	v12 =	vld [tilespmem:s28+$0x70];
	_ =	sdelay $0x1  }
0x3ed: {  	s3 =	spop (v2sf)  }
0x3ee: {  	v62 =	vld [tilespmem:s3+$0xFE90]  }
0x3ef: {  	v63 =	vld [tilespmem:s3+$0xF690]  }
0x3f0: {  	v10 =	vbroadcast v10, $0xF;
	v11 =	vadd.f32 v12, v11;
	_ =	sdelay $0x1  }
0x3f1: {  	v10 =	vmul.f32 v11, v10  }
0x3f2: {  	v11 =	vadd.f32 $1.000000000e+00, v62  }
0x3f3: {  	v10 =	vadd.f32 v10, v63  }
0x3f4: {  	s9 =	simm.s32 $0x11;
	[tilespmem:s3+$0xFE90] =	vst v11  }
0x3f5: {  	s7 =	simm.s32 $0xF690;
	s28 =	rddreg [dreg:$0x3];
	s6 =	simm.s32 $0x10690;
	[tilespmem:s3+$0xF690] =	vst v10  }
0x3f6: {  	[spmem:s28] =	stream.indirect.scatter.add.f32 [tilespmem:s7], [sflag:$0x11], $0x10, s6, s1, $0xb8;
	[tilespmem:$0x14710] =	vst v63  }
0x3f7: {  	_ =	swait.ge [sflag:s9], $0x800  }
0x3f8: {  	[sflag:s9] =	ssyncset.done $0x0  }
0x3f9: {  	[sflag:s9] =	ssyncadd.s32 $0xFFFFF800  }
0x3fa: {  	s11 =	simm.s32 $0xFE90;
	s5 =	rddreg [dreg:$0x4]  }
0x3fb: {  	[spmem:s5] =	stream.indirect.scatter.add.f32 [tilespmem:s11], [sflag:$0x11], $0x10, s6, s1, $0xb8;
	[tilespmem:$0x14710] =	vst v63  }
0x3fc: {  	_ =	swait.ge [sflag:s9], $0x800  }
0x3fd: {  	[sflag:s9] =	ssyncset.done $0x0  }
0x3fe: {  	[sflag:s9] =	ssyncadd.s32 $0xFFFFF800  }
0x3ff: {  	[bflag:$0x0] =	sbarrier.arrive $0xFFFF  }
0x400: {  	s3 =	rddreg [dreg:$0x13]  }
0x401: {  	s6 =	rddreg [dreg:$0x18]  }
0x402: {  	s9 =	rddreg [dreg:$0x1a]  }
0x403: {  	[hbm:s3], [sflag:s9] =	dma.local @!p0 [spmem:s6], $0x80  }
0x404: {  	s3 =	simm.s32 @!p0 $0x11  }
0x405: {  	_ =	swait.ge @!p0 [sflag:s3], $0x80  }
0x406: {  	[sflag:s3] =	ssyncset.done @!p0 $0x0;
	s6 =	rddreg [dreg:$0x14]  }
0x407: {  	s7 =	rddreg [dreg:$0x19];
	[sflag:s3] =	ssyncadd.s32 @!p0 $0xFFFFFF80  }
0x408: {  	[hbm:s6], [sflag:s9] =	dma.local @!p0 [spmem:s7], $0x80  }
0x409: {  	_ =	swait.ge @!p0 [sflag:s3], $0x80  }
0x40a: {  	s9 =	rddreg [dreg:$0x17]  }
0x40b: {  	s11 =	rddreg [dreg:$0x15];
	s7 =	sadd.s32 $0x1, s9  }
0x40c: {  	p1 =	sne.s32 s7, s11  }
.Ltmp6:
0x40d: {  	_ = 	snop;
	(pc) =	sbr.rel @p1 .LBB2_1-.Ltmp6, $3  }
0x40e: {  	_ =	sdelay $0x1  }
0x40f: {  	[sflag:s3] =	ssyncset.done @!p0 $0x0;
	s9 =	rddreg [dreg:$0x16]  }
0x410: {  	[sflag:s3] =	ssyncadd.s32 @!p0 $0xFFFFFF80;
	s11 =	rddreg [dreg:$0xb]  }
0x411: {  	_ =	sfence.sel $0x180000  }
0x412: {  	[bflag:$0x0] =	sbarrier.arrive $0xFFFF  }
0x413: {  	_ =	strace $0x9000004A  }
0x414: {  	[bflag:$0x2] =	sbarrier.arrive $0xFFFF  }
0x415: {  	s0 =	rddreg [dreg:$0x6]  }
0x416: {  	s0 =	sadd.s32 @!p0 $0x100000, s0  }
0x417: {  	[sflag:s0] =	ssyncadd.tile.s32 @!p0 $0x1;
	_ =	shalt  }
.Lfunc_end2:
_tile_overlayer_lowered:
.L_overlay_start_2:
0x418: {  	(tag) =	ssettag $0x2  }
0x419: {  	s0 =	rddreg [dreg:$0x0];
	s2 =	stileid.u32  }
0x41a: {  	s1 =	rddreg [dreg:$0x1];
	p0 =	sne.s32 s2, $0x0  }
0x41b: {  	s3 =	rddreg [dreg:$0x2];
	[bflag:$0x3] =	sbarrier.arrive $0xFFFF;
	s2 =	simm.s32 @!p0 $0x1C11  }
0x41c: {  	[timem:s3], [sflag:s2] =	dma.local @!p0 [hbm:s0], s1  }
0x41d: {  	s0 =	simm.s32 @!p0 $0x11  }
0x41e: {  	_ =	swait.ge @!p0 [sflag:s0], s1  }
0x41f: {  	s1 =	ssub.s32 @!p0 $0x0, s1;
	[sflag:s0] =	ssyncset.done @!p0 $0x0  }
0x420: {  	[sflag:s0] =	ssyncadd.s32 @!p0 s1  }
0x421: {  	[bflag:$0x3] =	sbarrier.arrive $0xFFFF  }
0x422: {  	_ =	shalt  }

</sc_bundles>
